<compile_context>
chip_gen: v7x
topology: tpu7x:2x2x1
jax: 0.10.2.dev20260603
libtpu: 0.0.44.dev20260713+nightly
codegen_flags: <defaults>
</compile_context>

<pallas_src>
import functools

import jax
import jax.numpy as jnp
from jax import lax
from jax.experimental import pallas as pl
from jax.experimental.pallas import tpu as pltpu
from jax.experimental.pallas import tpu_sc as plsc

N_NODES = 10000
N_PAD = 10240
N_EDGES = 320000
E_PAD = 327680
INPUT_DIM = 128
HIDDEN = 256
HALF = 128
N_EXTRA = 64

NUM_SUBCORES = 16
ROWS_PER_TILE = N_PAD // NUM_SUBCORES
EDGES_PER_TILE = E_PAD // NUM_SUBCORES
KROWS = 4
NSUPER = EDGES_PER_TILE // (KROWS * 128)
IDXROWS_PER_TILE = EDGES_PER_TILE // 128
DEG_EDGES_PER_TILE = E_PAD // 32
DEG_IDXROWS = DEG_EDGES_PER_TILE // 128

TC_BLK = 1024
TC_GRID = N_PAD // TC_BLK


ROW_BLK = 1000


def _stage1_body(x_ref, pos_ref, ws_ref, wg_ref, bs_ref, bg_ref,
                 wenc_ref, benc_ref, h2_ref):
    wenc_s = wenc_ref[0:HIDDEN, :]
    wenc_g = wenc_ref[HIDDEN:2 * HIDDEN, :]
    w2 = wenc_ref[2 * HIDDEN:2 * HIDDEN + N_EXTRA, :]
    w1 = (jnp.dot(ws_ref[...], wenc_s, preferred_element_type=jnp.float32)
          + jnp.dot(wg_ref[...], wenc_g, preferred_element_type=jnp.float32))
    b0 = (jnp.dot(bs_ref[...], wenc_s, preferred_element_type=jnp.float32)
          + jnp.dot(bg_ref[...], wenc_g, preferred_element_type=jnp.float32)
          + benc_ref[...])
    h = (jnp.dot(x_ref[...], w1, preferred_element_type=jnp.float32)
         + jnp.dot(pos_ref[...], w2, preferred_element_type=jnp.float32)
         + b0)
    h2_ref[0] = h[:, :HALF]
    h2_ref[1] = h[:, HALF:]


def _stage1(x, pos, ws, wg, bs2, bg2, wenc, benc2):
    return pl.pallas_call(
        _stage1_body,
        grid=(N_NODES // ROW_BLK,),
        in_specs=[
            pl.BlockSpec((ROW_BLK, INPUT_DIM), lambda i: (i, 0)),
            pl.BlockSpec((ROW_BLK, N_EXTRA), lambda i: (i, 0)),
            pl.BlockSpec((INPUT_DIM, HIDDEN), lambda i: (0, 0)),
            pl.BlockSpec((INPUT_DIM, HIDDEN), lambda i: (0, 0)),
            pl.BlockSpec((1, HIDDEN), lambda i: (0, 0)),
            pl.BlockSpec((1, HIDDEN), lambda i: (0, 0)),
            pl.BlockSpec((2 * HIDDEN + N_EXTRA, HIDDEN), lambda i: (0, 0)),
            pl.BlockSpec((1, HIDDEN), lambda i: (0, 0)),
        ],
        out_specs=pl.BlockSpec((2, ROW_BLK, HALF), lambda i: (0, i, 0)),
        out_shape=jax.ShapeDtypeStruct((2, N_PAD, HALF), jnp.float32),
        compiler_params=pltpu.CompilerParams(
            dimension_semantics=("arbitrary",)),
    )(x, pos, ws, wg, bs2, bg2, wenc, benc2)


EROW = 32
NBUF = 5
IDXR = 16
NSUPER = EDGES_PER_TILE // (IDXR * EROW)
ROWS32_PER_TILE = EDGES_PER_TILE // EROW


def _sc_body(h2, src2, dst2,
             g2,
             src_v, dst_v, rows_v, gsh,
             sem0, sem1, sem2, sem3, sem4, semA, semB):
    c = lax.axis_index("c")
    s = lax.axis_index("s")
    r0 = s * ROWS_PER_TILE
    sems = [sem0, sem1, sem2, sem3, sem4]
    isems = [semA, semB]

    def zrow(i, carry):
        for k in range(HALF // 16):
            rows_v[0, i, pl.ds(k * 16, 16)] = jnp.zeros((16,), jnp.float32)
            rows_v[1, i, pl.ds(k * 16, 16)] = jnp.zeros((16,), jnp.float32)
        return carry

    lax.fori_loop(0, EROW, zrow, 0)
    nz = ROWS_PER_TILE // EROW
    for t in range(nz):
        pltpu.async_copy(rows_v.at[t % 2],
                         gsh.at[pl.ds(r0 + t * EROW, EROW)], isems[t % 2])
    for t in range(nz):
        pltpu.make_async_copy(rows_v.at[t % 2],
                              gsh.at[pl.ds(r0 + t * EROW, EROW)],
                              isems[t % 2]).wait()

    plsc.subcore_barrier()

    idx0 = s * ROWS32_PER_TILE

    def proc(slot, sb):
        for j in range(NBUF):
            pltpu.async_copy(h2.at[c].at[src_v.at[slot, j]],
                             rows_v.at[j], sems[j])
        for j in range(IDXR):
            b = j % NBUF
            pltpu.make_async_copy(h2.at[c].at[src_v.at[slot, j]],
                                  rows_v.at[b], sems[b]).wait()
            pltpu.sync_copy(rows_v.at[b], gsh.at[dst_v.at[slot, j]], add=True)
            if j + NBUF < IDXR:
                pltpu.async_copy(h2.at[c].at[src_v.at[slot, j + NBUF]],
                                 rows_v.at[b], sems[b])

    def load_idx(slot, sb, sem):
        r = idx0 + sb * IDXR
        pltpu.async_copy(src2.at[pl.ds(r, IDXR)], src_v.at[slot], sem)
        pltpu.async_copy(dst2.at[pl.ds(r, IDXR)], dst_v.at[slot], sem)

    def wait_idx(slot, sb, sem):
        r = idx0 + sb * IDXR
        pltpu.make_async_copy(src2.at[pl.ds(r, IDXR)], src_v.at[slot], sem).wait()
        pltpu.make_async_copy(dst2.at[pl.ds(r, IDXR)], dst_v.at[slot], sem).wait()

    load_idx(0, 0, semA)

    def pair(i, carry):
        sb = 2 * i
        wait_idx(0, sb, semA)
        load_idx(1, sb + 1, semB)
        proc(0, sb)
        wait_idx(1, sb + 1, semB)

        @pl.when(i + 1 < NSUPER // 2)
        def _():
            load_idx(0, sb + 2, semA)

        proc(1, sb + 1)
        return carry

    lax.fori_loop(0, NSUPER // 2, pair, 0)

    plsc.subcore_barrier()

    pltpu.sync_copy(gsh.at[pl.ds(r0, ROWS_PER_TILE)],
                    g2.at[c].at[pl.ds(r0, ROWS_PER_TILE)])


@functools.lru_cache(maxsize=1)
def _make_sc_call():
    mesh = plsc.VectorSubcoreMesh(core_axis_name="c", subcore_axis_name="s",
                                  num_cores=2, num_subcores=NUM_SUBCORES)
    return pl.kernel(
        _sc_body,
        out_type=jax.ShapeDtypeStruct((2, N_PAD, HALF), jnp.float32),
        mesh=mesh,
        scratch_types=[
            pltpu.VMEM((2, IDXR, EROW), jnp.int32),
            pltpu.VMEM((2, IDXR, EROW), jnp.int32),
            pltpu.VMEM((NBUF, EROW, HALF), jnp.float32),
            pltpu.VMEM_SHARED((N_PAD, HALF), jnp.float32),
            pltpu.SemaphoreType.DMA,
            pltpu.SemaphoreType.DMA,
            pltpu.SemaphoreType.DMA,
            pltpu.SemaphoreType.DMA,
            pltpu.SemaphoreType.DMA,
            pltpu.SemaphoreType.DMA,
            pltpu.SemaphoreType.DMA,
        ],
    )


DEG_IDXROWS = E_PAD // EROW // 32


def _deg_body(dst2, degout, dst_v, deg_v):
    c = lax.axis_index("c")
    s = lax.axis_index("s")
    wid = c * NUM_SUBCORES + s

    def zrow(i, carry):
        deg_v[pl.ds(i * 16, 16)] = jnp.zeros((16,), jnp.float32)
        return carry

    lax.fori_loop(0, N_PAD // 16, zrow, 0)

    pltpu.sync_copy(dst2.at[pl.ds(wid * DEG_IDXROWS, DEG_IDXROWS)], dst_v)

    ones = jnp.ones((16,), jnp.float32)

    def accum(i, carry):
        for k in range(EROW // 16):
            idx = dst_v[i, pl.ds(k * 16, 16)]
            plsc.addupdate_scatter(deg_v, [idx], ones)
        return carry

    lax.fori_loop(0, DEG_IDXROWS, accum, 0)

    pltpu.sync_copy(deg_v, degout.at[wid])


@functools.lru_cache(maxsize=1)
def _make_deg_call():
    mesh = plsc.VectorSubcoreMesh(core_axis_name="c", subcore_axis_name="s",
                                  num_cores=2, num_subcores=NUM_SUBCORES)
    return pl.kernel(
        _deg_body,
        out_type=jax.ShapeDtypeStruct((32, N_PAD), jnp.float32),
        mesh=mesh,
        compiler_params=pltpu.CompilerParams(needs_layout_passes=False),
        scratch_types=[
            pltpu.VMEM((DEG_IDXROWS, EROW), jnp.int32),
            pltpu.VMEM((N_PAD,), jnp.float32),
        ],
    )


def _stage2_body(g2_ref, h2_ref, deg_ref, wmsg_ref, bmsg_ref, out_ref):
    gcat = jnp.concatenate([g2_ref[0], g2_ref[1]], axis=-1)
    hcat = jnp.concatenate([h2_ref[0], h2_ref[1]], axis=-1)
    deg = jnp.sum(deg_ref[...], axis=0)[:, None]
    agg = (jnp.dot(gcat, wmsg_ref[...], preferred_element_type=jnp.float32)
           + deg * bmsg_ref[...])
    out_ref[...] = jnp.maximum(agg + hcat, 0.0)


def _stage2(g2, h2, degp, wmsg, bmsg2):
    return pl.pallas_call(
        _stage2_body,
        grid=(TC_GRID,),
        in_specs=[
            pl.BlockSpec((2, TC_BLK, HALF), lambda i: (0, i, 0)),
            pl.BlockSpec((2, TC_BLK, HALF), lambda i: (0, i, 0)),
            pl.BlockSpec((32, TC_BLK), lambda i: (0, i)),
            pl.BlockSpec((HIDDEN, HIDDEN), lambda i: (0, 0)),
            pl.BlockSpec((1, HIDDEN), lambda i: (0, 0)),
        ],
        out_specs=pl.BlockSpec((TC_BLK, HIDDEN), lambda i: (i, 0)),
        out_shape=jax.ShapeDtypeStruct((N_PAD, HIDDEN), jnp.float32),
        compiler_params=pltpu.CompilerParams(
            dimension_semantics=("parallel",)),
    )(g2, h2, degp, wmsg, bmsg2)


def kernel(x, edge_index, pos, Wg, bg, Ws, bs, Wenc, benc, Wmsg, bmsg):
    n = x.shape[0]
    ei = edge_index.astype(jnp.int32)
    src = jnp.concatenate(
        [ei[0], jnp.zeros((E_PAD - N_EDGES,), jnp.int32)]
    ).reshape(E_PAD // EROW, EROW)
    dst = jnp.concatenate(
        [ei[1], jnp.full((E_PAD - N_EDGES,), N_PAD - 1, jnp.int32)]
    ).reshape(E_PAD // EROW, EROW)
    h2 = _stage1(x, pos, Ws, Wg, bs.reshape(1, -1), bg.reshape(1, -1),
                 Wenc, benc.reshape(1, -1))

    degp = _make_deg_call()(dst)
    g2 = _make_sc_call()(h2, src, dst)

    out = _stage2(g2, h2, degp, Wmsg, bmsg.reshape(1, -1))
    return out[:n]

# --- scband reference (transcript-rebuilt; emitter-appended) ---
"""Pipeline reference for scband-bp-encoder-17119739642033 (READ-ONLY COPY).

The authoritative reference and input builder live on the scoring server;
editing this copy changes nothing except your own understanding.
"""

import jax, jax.numpy as jnp
import numpy as np

N_NODES = 10000
N_EDGES = 320000
INPUT_DIM = 128
HIDDEN_DIM = 256
N_EXTRA = 64

def setup_inputs(seed: int = 0) -> dict:
    key = jax.random.key(seed)
    ks = jax.random.split(key, 12)
    x = jax.random.normal(ks[0], (N_NODES, INPUT_DIM), dtype=jnp.float32)
    edge_index = jax.random.randint(ks[1], (2, N_EDGES), 0, N_NODES, dtype=jnp.int64)
    pos = jax.random.normal(ks[2], (N_NODES, N_EXTRA), dtype=jnp.float32)
    s = 1.0 / np.sqrt(INPUT_DIM)
    Wg = jax.random.uniform(ks[3], (INPUT_DIM, HIDDEN_DIM), minval=-s, maxval=s, dtype=jnp.float32)
    bg = jax.random.uniform(ks[4], (HIDDEN_DIM,), minval=-s, maxval=s, dtype=jnp.float32)
    Ws = jax.random.uniform(ks[5], (INPUT_DIM, HIDDEN_DIM), minval=-s, maxval=s, dtype=jnp.float32)
    bs = jax.random.uniform(ks[6], (HIDDEN_DIM,), minval=-s, maxval=s, dtype=jnp.float32)
    enc_in = HIDDEN_DIM * 2 + N_EXTRA
    se = 1.0 / np.sqrt(enc_in)
    Wenc = jax.random.uniform(ks[7], (enc_in, HIDDEN_DIM), minval=-se, maxval=se, dtype=jnp.float32)
    benc = jax.random.uniform(ks[8], (HIDDEN_DIM,), minval=-se, maxval=se, dtype=jnp.float32)
    sh = 1.0 / np.sqrt(HIDDEN_DIM)
    Wmsg = jax.random.uniform(ks[9], (HIDDEN_DIM, HIDDEN_DIM), minval=-sh, maxval=sh, dtype=jnp.float32)
    bmsg = jax.random.uniform(ks[10], (HIDDEN_DIM,), minval=-sh, maxval=sh, dtype=jnp.float32)
    return {"x": x, "edge_index": edge_index, "pos": pos, "Wg": Wg, "bg": bg, "Ws": Ws, "bs": bs, "Wenc": Wenc, "benc": benc, "Wmsg": Wmsg, "bmsg": bmsg}

def reference(x, edge_index, pos, Wg, bg, Ws, bs, Wenc, benc, Wmsg, bmsg):
    # lot geometry / semantic encoders
    h_g = x @ Wg + bg
    h_s = x @ Ws + bs
    # concat semantic, geometry and N-dim positional/block feature (hidden*2 + N)
    h = jnp.concatenate([h_s, h_g, pos], axis=-1)
    h = h @ Wenc + benc
    # pyg_nn.GeneralConv(hidden, hidden): out = sum_{j->i} lin_msg(h_j) + h_i (lin_self=Identity when in==out)
    src = edge_index[0]
    dst = edge_index[1]
    msg = h[src] @ Wmsg + bmsg
    agg = jax.ops.segment_sum(msg, dst, num_segments=h.shape[0])
    out = jax.nn.relu(agg + h)
    return out

if __name__ == "__main__":
    import jax
    _d = setup_inputs()
    print(jax.jit(kernel)(*tuple(_d.values())))

</pallas_src>

<mosaic_0001>
#map = affine_map<(d0, d1) -> (0, 0)>
module attributes {stable_mosaic.version = 14 : i64} {
  func.func @_deg_body(%arg0: i32, %arg1: i32, %arg2: memref<10240x32xi32, #tpu.memory_space<hbm>>, %arg3: memref<32x10240xf32, #tpu.memory_space<hbm>>, %arg4: memref<320x32xi32, #tpu.memory_space<vmem>>, %arg5: memref<10240xf32, #tpu.memory_space<vmem>>) attributes {dimension_semantics = [#tpu.dimension_semantics<core_parallel>, #tpu.dimension_semantics<subcore_parallel>], iteration_bounds = array<i64: 2, 16>, scalar_prefetch = 0 : i64, scratch_operands = 2 : i64, tpu.core_type = #tpu.core_type<sc_vector_subcore>, window_params = [{transform_indices = #map}, {transform_indices = #map}]} {
    %mul3A = arith.constant 16 : i32
    %mul3A_0 = arith.muli %arg0, %mul3A : i32
    %add3A = arith.addi %mul3A_0, %arg1 : i32
    %scan3A = arith.constant 0 : i32
    %scan3A_1 = arith.constant 0 : i32
    %scan3A_2 = arith.constant 640 : i32
    %scan3A_3 = arith.addi %scan3A_1, %scan3A_2 : i32
    %scan3A_4 = arith.constant 1 : i32
    scf.for %scan3A_15 = %scan3A_1 to %scan3A_3 step %scan3A_4  : i32 {
      %broadcast_in_dim3A_16 = arith.constant 0.000000e+00 : f32
      %broadcast_in_dim3A_17 = vector.broadcast %broadcast_in_dim3A_16 : f32 to vector<16xf32>
      %mul3A_18 = arith.constant 16 : i32
      %mul3A_19 = arith.muli %scan3A_15, %mul3A_18 : i32
      %swap3A = arith.index_cast %mul3A_19 : i32 to index
      %swap3A_20 = tpu.vector_load %arg5[%swap3A] {strides = array<i32>} : memref<10240xf32, #tpu.memory_space<vmem>>, vector<16xf32>,
      tpu.vector_store %arg5[%swap3A], %broadcast_in_dim3A_17 {strides = array<i32>} : memref<10240xf32, #tpu.memory_space<vmem>>, vector<16xf32>,
    }
    %scan3A_5 = arith.constant 640 : i32
    %mul3A_6 = arith.constant 320 : i32
    %mul3A_7 = arith.muli %add3A, %mul3A_6 : i32
    "tpu.region"() ({
      %run_scoped3A = tpu.sem_alloc : memref<!tpu.dma_semaphore, #tpu.memory_space<semaphore_mem>>
      %dma_start3A = arith.constant 0 : i32
      %dma_start3A_15 = tpu.memref_slice %arg2[%mul3A_7, %dma_start3A] : memref<10240x32xi32, #tpu.memory_space<hbm>> -> memref<320x32xi32, #tpu.memory_space<hbm>>
      %dma_start3A_16 = arith.constant 0 : i32
      %dma_start3A_17 = tpu.memref_slice %arg2[%mul3A_7, %dma_start3A_16] : memref<10240x32xi32, #tpu.memory_space<hbm>> -> memref<320x32xi32, #tpu.memory_space<hbm>>
      tpu.enqueue_dma source(%dma_start3A_17 : memref<320x32xi32, #tpu.memory_space<hbm>>) target(%arg4 : memref<320x32xi32, #tpu.memory_space<vmem>>) target_semaphore(%run_scoped3A : memref<!tpu.dma_semaphore, #tpu.memory_space<semaphore_mem>>)
      %dma_wait3A = arith.constant 0 : i32
      %dma_wait3A_18 = tpu.memref_slice %arg2[%mul3A_7, %dma_wait3A] : memref<10240x32xi32, #tpu.memory_space<hbm>> -> memref<320x32xi32, #tpu.memory_space<hbm>>
      %dma_wait3A_19 = arith.constant 0 : i32
      %dma_wait3A_20 = tpu.memref_slice %arg2[%mul3A_7, %dma_wait3A_19] : memref<10240x32xi32, #tpu.memory_space<hbm>> -> memref<320x32xi32, #tpu.memory_space<hbm>>
      tpu.wait_dma2 semaphore(%run_scoped3A : memref<!tpu.dma_semaphore, #tpu.memory_space<semaphore_mem>>) src(%dma_wait3A_20 : memref<320x32xi32, #tpu.memory_space<hbm>>) dst(%arg4 : memref<320x32xi32, #tpu.memory_space<vmem>>)
      tpu.yield
    }) : () -> ()
    %broadcast_in_dim3A = arith.constant 1.000000e+00 : f32
    %broadcast_in_dim3A_8 = vector.broadcast %broadcast_in_dim3A : f32 to vector<16xf32>
    %scan3A_9 = arith.constant 0 : i32
    %scan3A_10 = arith.constant 0 : i32
    %scan3A_11 = arith.constant 320 : i32
    %scan3A_12 = arith.addi %scan3A_10, %scan3A_11 : i32
    %scan3A_13 = arith.constant 1 : i32
    scf.for %scan3A_15 = %scan3A_10 to %scan3A_12 step %scan3A_13  : i32 {
      %get3A = arith.index_cast %scan3A_15 : i32 to index
      %get3A_16 = arith.constant 0 : index
      %get3A_17 = tpu.vector_load %arg4[%get3A, %get3A_16] {strides = array<i32>} : memref<320x32xi32, #tpu.memory_space<vmem>>, vector<16xi32>,
      tpu.vector_store_idx %arg5[%get3A_17], %broadcast_in_dim3A_8 {add = true} : memref<10240xf32, #tpu.memory_space<vmem>>[vector<16xi32>], vector<16xf32>,
      %get3A_18 = arith.index_cast %scan3A_15 : i32 to index
      %get3A_19 = arith.constant 16 : index
      %get3A_20 = tpu.vector_load %arg4[%get3A_18, %get3A_19] {strides = array<i32>} : memref<320x32xi32, #tpu.memory_space<vmem>>, vector<16xi32>,
      tpu.vector_store_idx %arg5[%get3A_20], %broadcast_in_dim3A_8 {add = true} : memref<10240xf32, #tpu.memory_space<vmem>>[vector<16xi32>], vector<16xf32>,
    }
    %scan3A_14 = arith.constant 320 : i32
    "tpu.region"() ({
      %run_scoped3A = tpu.sem_alloc : memref<!tpu.dma_semaphore, #tpu.memory_space<semaphore_mem>>
      %dma_start3A = arith.constant 0 : i32
      %dma_start3A_15 = tpu.memref_slice %arg3[%add3A, %dma_start3A] : memref<32x10240xf32, #tpu.memory_space<hbm>> -> memref<1x10240xf32, #tpu.memory_space<hbm>>
      %dma_start3A_16 = tpu.memref_squeeze %dma_start3A_15 : memref<1x10240xf32, #tpu.memory_space<hbm>> -> memref<10240xf32, #tpu.memory_space<hbm>>
      %dma_start3A_17 = arith.constant 0 : i32
      %dma_start3A_18 = tpu.memref_slice %arg3[%add3A, %dma_start3A_17] : memref<32x10240xf32, #tpu.memory_space<hbm>> -> memref<1x10240xf32, #tpu.memory_space<hbm>>
      %dma_start3A_19 = tpu.memref_squeeze %dma_start3A_18 : memref<1x10240xf32, #tpu.memory_space<hbm>> -> memref<10240xf32, #tpu.memory_space<hbm>>
      tpu.enqueue_dma source(%arg5 : memref<10240xf32, #tpu.memory_space<vmem>>) target(%dma_start3A_19 : memref<10240xf32, #tpu.memory_space<hbm>>) target_semaphore(%run_scoped3A : memref<!tpu.dma_semaphore, #tpu.memory_space<semaphore_mem>>)
      %dma_wait3A = arith.constant 0 : i32
      %dma_wait3A_20 = tpu.memref_slice %arg3[%add3A, %dma_wait3A] : memref<32x10240xf32, #tpu.memory_space<hbm>> -> memref<1x10240xf32, #tpu.memory_space<hbm>>
      %dma_wait3A_21 = tpu.memref_squeeze %dma_wait3A_20 : memref<1x10240xf32, #tpu.memory_space<hbm>> -> memref<10240xf32, #tpu.memory_space<hbm>>
      %dma_wait3A_22 = arith.constant 0 : i32
      %dma_wait3A_23 = tpu.memref_slice %arg3[%add3A, %dma_wait3A_22] : memref<32x10240xf32, #tpu.memory_space<hbm>> -> memref<1x10240xf32, #tpu.memory_space<hbm>>
      %dma_wait3A_24 = tpu.memref_squeeze %dma_wait3A_23 : memref<1x10240xf32, #tpu.memory_space<hbm>> -> memref<10240xf32, #tpu.memory_space<hbm>>
      tpu.wait_dma2 semaphore(%run_scoped3A : memref<!tpu.dma_semaphore, #tpu.memory_space<semaphore_mem>>) src(%arg5 : memref<10240xf32, #tpu.memory_space<vmem>>) dst(%dma_wait3A_24 : memref<10240xf32, #tpu.memory_space<hbm>>)
      tpu.yield
    }) : () -> ()
    return
  }
}

#map = affine_map<(d0, d1) -> (0, 0, 0)>
#map1 = affine_map<(d0, d1) -> (0, 0)>
module attributes {stable_mosaic.version = 14 : i64} {
  func.func @_sc_body(%arg0: i32, %arg1: i32, %arg2: memref<2x10240x128xf32, #tpu.memory_space<hbm>>, %arg3: memref<10240x32xi32, #tpu.memory_space<hbm>>, %arg4: memref<10240x32xi32, #tpu.memory_space<hbm>>, %arg5: memref<2x10240x128xf32, #tpu.memory_space<hbm>>, %arg6: memref<2x16x32xi32, #tpu.memory_space<vmem>>, %arg7: memref<2x16x32xi32, #tpu.memory_space<vmem>>, %arg8: memref<5x32x128xf32, #tpu.memory_space<vmem>>, %arg9: memref<10240x128xf32, #tpu.memory_space<vmem_shared>>, %arg10: memref<!tpu.dma_semaphore, #tpu.memory_space<semaphore_mem>>, %arg11: memref<!tpu.dma_semaphore, #tpu.memory_space<semaphore_mem>>, %arg12: memref<!tpu.dma_semaphore, #tpu.memory_space<semaphore_mem>>, %arg13: memref<!tpu.dma_semaphore, #tpu.memory_space<semaphore_mem>>, %arg14: memref<!tpu.dma_semaphore, #tpu.memory_space<semaphore_mem>>, %arg15: memref<!tpu.dma_semaphore, #tpu.memory_space<semaphore_mem>>, %arg16: memref<!tpu.dma_semaphore, #tpu.memory_space<semaphore_mem>>) attributes {dimension_semantics = [#tpu.dimension_semantics<core_parallel>, #tpu.dimension_semantics<subcore_parallel>], iteration_bounds = array<i64: 2, 16>, scalar_prefetch = 0 : i64, scratch_operands = 11 : i64, tpu.core_type = #tpu.core_type<sc_vector_subcore>, window_params = [{transform_indices = #map}, {transform_indices = #map1}, {transform_indices = #map1}, {transform_indices = #map}]} {
    %mul3A = arith.constant 640 : i32
    %mul3A_0 = arith.muli %arg1, %mul3A : i32
    %scan3A = arith.constant 0 : i32
    %scan3A_1 = arith.constant 0 : i32
    %scan3A_2 = arith.constant 32 : i32
    %scan3A_3 = arith.addi %scan3A_1, %scan3A_2 : i32
    %scan3A_4 = arith.constant 1 : i32
    scf.for %scan3A_640 = %scan3A_1 to %scan3A_3 step %scan3A_4  : i32 {
      %broadcast_in_dim3A = arith.constant 0.000000e+00 : f32
      %broadcast_in_dim3A_641 = vector.broadcast %broadcast_in_dim3A : f32 to vector<16xf32>
      %swap3A = arith.constant 0 : i32
      %swap3A_642 = arith.index_cast %swap3A : i32 to index
      %swap3A_643 = arith.index_cast %scan3A_640 : i32 to index
      %swap3A_644 = arith.constant 0 : index
      %swap3A_645 = tpu.vector_load %arg8[%swap3A_642, %swap3A_643, %swap3A_644] {strides = array<i32>} : memref<5x32x128xf32, #tpu.memory_space<vmem>>, vector<1x1x16xf32>,
      %swap3A_646 = vector.shape_cast %swap3A_645 : vector<1x1x16xf32> to vector<16xf32>
      %swap3A_647 = vector.shape_cast %broadcast_in_dim3A_641 : vector<16xf32> to vector<1x1x16xf32>
      tpu.vector_store %arg8[%swap3A_642, %swap3A_643, %swap3A_644], %swap3A_647 {strides = array<i32>} : memref<5x32x128xf32, #tpu.memory_space<vmem>>, vector<1x1x16xf32>,
      %broadcast_in_dim3A_648 = arith.constant 0.000000e+00 : f32
      %broadcast_in_dim3A_649 = vector.broadcast %broadcast_in_dim3A_648 : f32 to vector<16xf32>
      %swap3A_650 = arith.constant 1 : i32
      %swap3A_651 = arith.index_cast %swap3A_650 : i32 to index
      %swap3A_652 = arith.index_cast %scan3A_640 : i32 to index
      %swap3A_653 = arith.constant 0 : index
      %swap3A_654 = tpu.vector_load %arg8[%swap3A_651, %swap3A_652, %swap3A_653] {strides = array<i32>} : memref<5x32x128xf32, #tpu.memory_space<vmem>>, vector<1x1x16xf32>,
      %swap3A_655 = vector.shape_cast %swap3A_654 : vector<1x1x16xf32> to vector<16xf32>
      %swap3A_656 = vector.shape_cast %broadcast_in_dim3A_649 : vector<16xf32> to vector<1x1x16xf32>
      tpu.vector_store %arg8[%swap3A_651, %swap3A_652, %swap3A_653], %swap3A_656 {strides = array<i32>} : memref<5x32x128xf32, #tpu.memory_space<vmem>>, vector<1x1x16xf32>,
      %broadcast_in_dim3A_657 = arith.constant 0.000000e+00 : f32
      %broadcast_in_dim3A_658 = vector.broadcast %broadcast_in_dim3A_657 : f32 to vector<16xf32>
      %swap3A_659 = arith.constant 0 : i32
      %swap3A_660 = arith.index_cast %swap3A_659 : i32 to index
      %swap3A_661 = arith.index_cast %scan3A_640 : i32 to index
      %swap3A_662 = arith.constant 16 : index
      %swap3A_663 = tpu.vector_load %arg8[%swap3A_660, %swap3A_661, %swap3A_662] {strides = array<i32>} : memref<5x32x128xf32, #tpu.memory_space<vmem>>, vector<1x1x16xf32>,
      %swap3A_664 = vector.shape_cast %swap3A_663 : vector<1x1x16xf32> to vector<16xf32>
      %swap3A_665 = vector.shape_cast %broadcast_in_dim3A_658 : vector<16xf32> to vector<1x1x16xf32>
      tpu.vector_store %arg8[%swap3A_660, %swap3A_661, %swap3A_662], %swap3A_665 {strides = array<i32>} : memref<5x32x128xf32, #tpu.memory_space<vmem>>, vector<1x1x16xf32>,
      %broadcast_in_dim3A_666 = arith.constant 0.000000e+00 : f32
      %broadcast_in_dim3A_667 = vector.broadcast %broadcast_in_dim3A_666 : f32 to vector<16xf32>
      %swap3A_668 = arith.constant 1 : i32
      %swap3A_669 = arith.index_cast %swap3A_668 : i32 to index
      %swap3A_670 = arith.index_cast %scan3A_640 : i32 to index
      %swap3A_671 = arith.constant 16 : index
      %swap3A_672 = tpu.vector_load %arg8[%swap3A_669, %swap3A_670, %swap3A_671] {strides = array<i32>} : memref<5x32x128xf32, #tpu.memory_space<vmem>>, vector<1x1x16xf32>,
      %swap3A_673 = vector.shape_cast %swap3A_672 : vector<1x1x16xf32> to vector<16xf32>
      %swap3A_674 = vector.shape_cast %broadcast_in_dim3A_667 : vector<16xf32> to vector<1x1x16xf32>
      tpu.vector_store %arg8[%swap3A_669, %swap3A_670, %swap3A_671], %swap3A_674 {strides = array<i32>} : memref<5x32x128xf32, #tpu.memory_space<vmem>>, vector<1x1x16xf32>,
      %broadcast_in_dim3A_675 = arith.constant 0.000000e+00 : f32
      %broadcast_in_dim3A_676 = vector.broadcast %broadcast_in_dim3A_675 : f32 to vector<16xf32>
      %swap3A_677 = arith.constant 0 : i32
      %swap3A_678 = arith.index_cast %swap3A_677 : i32 to index
      %swap3A_679 = arith.index_cast %scan3A_640 : i32 to index
      %swap3A_680 = arith.constant 32 : index
      %swap3A_681 = tpu.vector_load %arg8[%swap3A_678, %swap3A_679, %swap3A_680] {strides = array<i32>} : memref<5x32x128xf32, #tpu.memory_space<vmem>>, vector<1x1x16xf32>,
      %swap3A_682 = vector.shape_cast %swap3A_681 : vector<1x1x16xf32> to vector<16xf32>
      %swap3A_683 = vector.shape_cast %broadcast_in_dim3A_676 : vector<16xf32> to vector<1x1x16xf32>
      tpu.vector_store %arg8[%swap3A_678, %swap3A_679, %swap3A_680], %swap3A_683 {strides = array<i32>} : memref<5x32x128xf32, #tpu.memory_space<vmem>>, vector<1x1x16xf32>,
      %broadcast_in_dim3A_684 = arith.constant 0.000000e+00 : f32
      %broadcast_in_dim3A_685 = vector.broadcast %broadcast_in_dim3A_684 : f32 to vector<16xf32>
      %swap3A_686 = arith.constant 1 : i32
      %swap3A_687 = arith.index_cast %swap3A_686 : i32 to index
      %swap3A_688 = arith.index_cast %scan3A_640 : i32 to index
      %swap3A_689 = arith.constant 32 : index
      %swap3A_690 = tpu.vector_load %arg8[%swap3A_687, %swap3A_688, %swap3A_689] {strides = array<i32>} : memref<5x32x128xf32, #tpu.memory_space<vmem>>, vector<1x1x16xf32>,
      %swap3A_691 = vector.shape_cast %swap3A_690 : vector<1x1x16xf32> to vector<16xf32>
      %swap3A_692 = vector.shape_cast %broadcast_in_dim3A_685 : vector<16xf32> to vector<1x1x16xf32>
      tpu.vector_store %arg8[%swap3A_687, %swap3A_688, %swap3A_689], %swap3A_692 {strides = array<i32>} : memref<5x32x128xf32, #tpu.memory_space<vmem>>, vector<1x1x16xf32>,
      %broadcast_in_dim3A_693 = arith.constant 0.000000e+00 : f32
      %broadcast_in_dim3A_694 = vector.broadcast %broadcast_in_dim3A_693 : f32 to vector<16xf32>
      %swap3A_695 = arith.constant 0 : i32
      %swap3A_696 = arith.index_cast %swap3A_695 : i32 to index
      %swap3A_697 = arith.index_cast %scan3A_640 : i32 to index
      %swap3A_698 = arith.constant 48 : index
      %swap3A_699 = tpu.vector_load %arg8[%swap3A_696, %swap3A_697, %swap3A_698] {strides = array<i32>} : memref<5x32x128xf32, #tpu.memory_space<vmem>>, vector<1x1x16xf32>,
      %swap3A_700 = vector.shape_cast %swap3A_699 : vector<1x1x16xf32> to vector<16xf32>
      %swap3A_701 = vector.shape_cast %broadcast_in_dim3A_694 : vector<16xf32> to vector<1x1x16xf32>
      tpu.vector_store %arg8[%swap3A_696, %swap3A_697, %swap3A_698], %swap3A_701 {strides = array<i32>} : memref<5x32x128xf32, #tpu.memory_space<vmem>>, vector<1x1x16xf32>,
      %broadcast_in_dim3A_702 = arith.constant 0.000000e+00 : f32
      %broadcast_in_dim3A_703 = vector.broadcast %broadcast_in_dim3A_702 : f32 to vector<16xf32>
      %swap3A_704 = arith.constant 1 : i32
      %swap3A_705 = arith.index_cast %swap3A_704 : i32 to index
      %swap3A_706 = arith.index_cast %scan3A_640 : i32 to index
      %swap3A_707 = arith.constant 48 : index
      %swap3A_708 = tpu.vector_load %arg8[%swap3A_705, %swap3A_706, %swap3A_707] {strides = array<i32>} : memref<5x32x128xf32, #tpu.memory_space<vmem>>, vector<1x1x16xf32>,
      %swap3A_709 = vector.shape_cast %swap3A_708 : vector<1x1x16xf32> to vector<16xf32>
      %swap3A_710 = vector.shape_cast %broadcast_in_dim3A_703 : vector<16xf32> to vector<1x1x16xf32>
      tpu.vector_store %arg8[%swap3A_705, %swap3A_706, %swap3A_707], %swap3A_710 {strides = array<i32>} : memref<5x32x128xf32, #tpu.memory_space<vmem>>, vector<1x1x16xf32>,
      %broadcast_in_dim3A_711 = arith.constant 0.000000e+00 : f32
      %broadcast_in_dim3A_712 = vector.broadcast %broadcast_in_dim3A_711 : f32 to vector<16xf32>
      %swap3A_713 = arith.constant 0 : i32
      %swap3A_714 = arith.index_cast %swap3A_713 : i32 to index
      %swap3A_715 = arith.index_cast %scan3A_640 : i32 to index
      %swap3A_716 = arith.constant 64 : index
      %swap3A_717 = tpu.vector_load %arg8[%swap3A_714, %swap3A_715, %swap3A_716] {strides = array<i32>} : memref<5x32x128xf32, #tpu.memory_space<vmem>>, vector<1x1x16xf32>,
      %swap3A_718 = vector.shape_cast %swap3A_717 : vector<1x1x16xf32> to vector<16xf32>
      %swap3A_719 = vector.shape_cast %broadcast_in_dim3A_712 : vector<16xf32> to vector<1x1x16xf32>
      tpu.vector_store %arg8[%swap3A_714, %swap3A_715, %swap3A_716], %swap3A_719 {strides = array<i32>} : memref<5x32x128xf32, #tpu.memory_space<vmem>>, vector<1x1x16xf32>,
      %broadcast_in_dim3A_720 = arith.constant 0.000000e+00 : f32
      %broadcast_in_dim3A_721 = vector.broadcast %broadcast_in_dim3A_720 : f32 to vector<16xf32>
      %swap3A_722 = arith.constant 1 : i32
      %swap3A_723 = arith.index_cast %swap3A_722 : i32 to index
      %swap3A_724 = arith.index_cast %scan3A_640 : i32 to index
      %swap3A_725 = arith.constant 64 : index
      %swap3A_726 = tpu.vector_load %arg8[%swap3A_723, %swap3A_724, %swap3A_725] {strides = array<i32>} : memref<5x32x128xf32, #tpu.memory_space<vmem>>, vector<1x1x16xf32>,
      %swap3A_727 = vector.shape_cast %swap3A_726 : vector<1x1x16xf32> to vector<16xf32>
      %swap3A_728 = vector.shape_cast %broadcast_in_dim3A_721 : vector<16xf32> to vector<1x1x16xf32>
      tpu.vector_store %arg8[%swap3A_723, %swap3A_724, %swap3A_725], %swap3A_728 {strides = array<i32>} : memref<5x32x128xf32, #tpu.memory_space<vmem>>, vector<1x1x16xf32>,
      %broadcast_in_dim3A_729 = arith.constant 0.000000e+00 : f32
      %broadcast_in_dim3A_730 = vector.broadcast %broadcast_in_dim3A_729 : f32 to vector<16xf32>
      %swap3A_731 = arith.constant 0 : i32
      %swap3A_732 = arith.index_cast %swap3A_731 : i32 to index
      %swap3A_733 = arith.index_cast %scan3A_640 : i32 to index
      %swap3A_734 = arith.constant 80 : index
      %swap3A_735 = tpu.vector_load %arg8[%swap3A_732, %swap3A_733, %swap3A_734] {strides = array<i32>} : memref<5x32x128xf32, #tpu.memory_space<vmem>>, vector<1x1x16xf32>,
      %swap3A_736 = vector.shape_cast %swap3A_735 : vector<1x1x16xf32> to vector<16xf32>
      %swap3A_737 = vector.shape_cast %broadcast_in_dim3A_730 : vector<16xf32> to vector<1x1x16xf32>
      tpu.vector_store %arg8[%swap3A_732, %swap3A_733, %swap3A_734], %swap3A_737 {strides = array<i32>} : memref<5x32x128xf32, #tpu.memory_space<vmem>>, vector<1x1x16xf32>,
      %broadcast_in_dim3A_738 = arith.constant 0.000000e+00 : f32
      %broadcast_in_dim3A_739 = vector.broadcast %broadcast_in_dim3A_738 : f32 to vector<16xf32>
      %swap3A_740 = arith.constant 1 : i32
      %swap3A_741 = arith.index_cast %swap3A_740 : i32 to index
      %swap3A_742 = arith.index_cast %scan3A_640 : i32 to index
      %swap3A_743 = arith.constant 80 : index
      %swap3A_744 = tpu.vector_load %arg8[%swap3A_741, %swap3A_742, %swap3A_743] {strides = array<i32>} : memref<5x32x128xf32, #tpu.memory_space<vmem>>, vector<1x1x16xf32>,
      %swap3A_745 = vector.shape_cast %swap3A_744 : vector<1x1x16xf32> to vector<16xf32>
      %swap3A_746 = vector.shape_cast %broadcast_in_dim3A_739 : vector<16xf32> to vector<1x1x16xf32>
      tpu.vector_store %arg8[%swap3A_741, %swap3A_742, %swap3A_743], %swap3A_746 {strides = array<i32>} : memref<5x32x128xf32, #tpu.memory_space<vmem>>, vector<1x1x16xf32>,
      %broadcast_in_dim3A_747 = arith.constant 0.000000e+00 : f32
      %broadcast_in_dim3A_748 = vector.broadcast %broadcast_in_dim3A_747 : f32 to vector<16xf32>
      %swap3A_749 = arith.constant 0 : i32
      %swap3A_750 = arith.index_cast %swap3A_749 : i32 to index
      %swap3A_751 = arith.index_cast %scan3A_640 : i32 to index
      %swap3A_752 = arith.constant 96 : index
      %swap3A_753 = tpu.vector_load %arg8[%swap3A_750, %swap3A_751, %swap3A_752] {strides = array<i32>} : memref<5x32x128xf32, #tpu.memory_space<vmem>>, vector<1x1x16xf32>,
      %swap3A_754 = vector.shape_cast %swap3A_753 : vector<1x1x16xf32> to vector<16xf32>
      %swap3A_755 = vector.shape_cast %broadcast_in_dim3A_748 : vector<16xf32> to vector<1x1x16xf32>
      tpu.vector_store %arg8[%swap3A_750, %swap3A_751, %swap3A_752], %swap3A_755 {strides = array<i32>} : memref<5x32x128xf32, #tpu.memory_space<vmem>>, vector<1x1x16xf32>,
      %broadcast_in_dim3A_756 = arith.constant 0.000000e+00 : f32
      %broadcast_in_dim3A_757 = vector.broadcast %broadcast_in_dim3A_756 : f32 to vector<16xf32>
      %swap3A_758 = arith.constant 1 : i32
      %swap3A_759 = arith.index_cast %swap3A_758 : i32 to index
      %swap3A_760 = arith.index_cast %scan3A_640 : i32 to index
      %swap3A_761 = arith.constant 96 : index
      %swap3A_762 = tpu.vector_load %arg8[%swap3A_759, %swap3A_760, %swap3A_761] {strides = array<i32>} : memref<5x32x128xf32, #tpu.memory_space<vmem>>, vector<1x1x16xf32>,
      %swap3A_763 = vector.shape_cast %swap3A_762 : vector<1x1x16xf32> to vector<16xf32>
      %swap3A_764 = vector.shape_cast %broadcast_in_dim3A_757 : vector<16xf32> to vector<1x1x16xf32>
      tpu.vector_store %arg8[%swap3A_759, %swap3A_760, %swap3A_761], %swap3A_764 {strides = array<i32>} : memref<5x32x128xf32, #tpu.memory_space<vmem>>, vector<1x1x16xf32>,
      %broadcast_in_dim3A_765 = arith.constant 0.000000e+00 : f32
      %broadcast_in_dim3A_766 = vector.broadcast %broadcast_in_dim3A_765 : f32 to vector<16xf32>
      %swap3A_767 = arith.constant 0 : i32
      %swap3A_768 = arith.index_cast %swap3A_767 : i32 to index
      %swap3A_769 = arith.index_cast %scan3A_640 : i32 to index
      %swap3A_770 = arith.constant 112 : index
      %swap3A_771 = tpu.vector_load %arg8[%swap3A_768, %swap3A_769, %swap3A_770] {strides = array<i32>} : memref<5x32x128xf32, #tpu.memory_space<vmem>>, vector<1x1x16xf32>,
      %swap3A_772 = vector.shape_cast %swap3A_771 : vector<1x1x16xf32> to vector<16xf32>
      %swap3A_773 = vector.shape_cast %broadcast_in_dim3A_766 : vector<16xf32> to vector<1x1x16xf32>
      tpu.vector_store %arg8[%swap3A_768, %swap3A_769, %swap3A_770], %swap3A_773 {strides = array<i32>} : memref<5x32x128xf32, #tpu.memory_space<vmem>>, vector<1x1x16xf32>,
      %broadcast_in_dim3A_774 = arith.constant 0.000000e+00 : f32
      %broadcast_in_dim3A_775 = vector.broadcast %broadcast_in_dim3A_774 : f32 to vector<16xf32>
      %swap3A_776 = arith.constant 1 : i32
      %swap3A_777 = arith.index_cast %swap3A_776 : i32 to index
      %swap3A_778 = arith.index_cast %scan3A_640 : i32 to index
      %swap3A_779 = arith.constant 112 : index
      %swap3A_780 = tpu.vector_load %arg8[%swap3A_777, %swap3A_778, %swap3A_779] {strides = array<i32>} : memref<5x32x128xf32, #tpu.memory_space<vmem>>, vector<1x1x16xf32>,
      %swap3A_781 = vector.shape_cast %swap3A_780 : vector<1x1x16xf32> to vector<16xf32>
      %swap3A_782 = vector.shape_cast %broadcast_in_dim3A_775 : vector<16xf32> to vector<1x1x16xf32>
      tpu.vector_store %arg8[%swap3A_777, %swap3A_778, %swap3A_779], %swap3A_782 {strides = array<i32>} : memref<5x32x128xf32, #tpu.memory_space<vmem>>, vector<1x1x16xf32>,
    }
    %scan3A_5 = arith.constant 32 : i32
    %add3A = arith.constant 0 : i32
    %add3A_6 = arith.addi %mul3A_0, %add3A : i32
    %dma_start3A = arith.constant 0 : i32
    %dma_start3A_7 = arith.constant 0 : i32
    %dma_start3A_8 = arith.constant 0 : i32
    %dma_start3A_9 = tpu.memref_slice %arg8[%dma_start3A, %dma_start3A_7, %dma_start3A_8] : memref<5x32x128xf32, #tpu.memory_space<vmem>> -> memref<1x32x128xf32, #tpu.memory_space<vmem>>
    %dma_start3A_10 = tpu.memref_squeeze %dma_start3A_9 : memref<1x32x128xf32, #tpu.memory_space<vmem>> -> memref<32x128xf32, #tpu.memory_space<vmem>>
    %dma_start3A_11 = arith.constant 0 : i32
    %dma_start3A_12 = tpu.memref_slice %arg9[%add3A_6, %dma_start3A_11] : memref<10240x128xf32, #tpu.memory_space<vmem_shared>> -> memref<32x128xf32, #tpu.memory_space<vmem_shared>>
    %dma_start3A_13 = arith.constant 0 : i32
    %dma_start3A_14 = tpu.memref_slice %arg9[%add3A_6, %dma_start3A_13] : memref<10240x128xf32, #tpu.memory_space<vmem_shared>> -> memref<32x128xf32, #tpu.memory_space<vmem_shared>>
    %dma_start3A_15 = arith.constant 0 : i32
    %dma_start3A_16 = arith.constant 0 : i32
    %dma_start3A_17 = tpu.memref_slice %arg8[%dma_start3A, %dma_start3A_15, %dma_start3A_16] : memref<5x32x128xf32, #tpu.memory_space<vmem>> -> memref<1x32x128xf32, #tpu.memory_space<vmem>>
    %dma_start3A_18 = tpu.memref_squeeze %dma_start3A_17 : memref<1x32x128xf32, #tpu.memory_space<vmem>> -> memref<32x128xf32, #tpu.memory_space<vmem>>
    tpu.enqueue_dma source(%dma_start3A_18 : memref<32x128xf32, #tpu.memory_space<vmem>>) target(%dma_start3A_14 : memref<32x128xf32, #tpu.memory_space<vmem_shared>>) target_semaphore(%arg15 : memref<!tpu.dma_semaphore, #tpu.memory_space<semaphore_mem>>)
    %add3A_19 = arith.constant 32 : i32
    %add3A_20 = arith.addi %mul3A_0, %add3A_19 : i32
    %dma_start3A_21 = arith.constant 1 : i32
    %dma_start3A_22 = arith.constant 0 : i32
    %dma_start3A_23 = arith.constant 0 : i32
    %dma_start3A_24 = tpu.memref_slice %arg8[%dma_start3A_21, %dma_start3A_22, %dma_start3A_23] : memref<5x32x128xf32, #tpu.memory_space<vmem>> -> memref<1x32x128xf32, #tpu.memory_space<vmem>>
    %dma_start3A_25 = tpu.memref_squeeze %dma_start3A_24 : memref<1x32x128xf32, #tpu.memory_space<vmem>> -> memref<32x128xf32, #tpu.memory_space<vmem>>
    %dma_start3A_26 = arith.constant 0 : i32
    %dma_start3A_27 = tpu.memref_slice %arg9[%add3A_20, %dma_start3A_26] : memref<10240x128xf32, #tpu.memory_space<vmem_shared>> -> memref<32x128xf32, #tpu.memory_space<vmem_shared>>
    %dma_start3A_28 = arith.constant 0 : i32
    %dma_start3A_29 = tpu.memref_slice %arg9[%add3A_20, %dma_start3A_28] : memref<10240x128xf32, #tpu.memory_space<vmem_shared>> -> memref<32x128xf32, #tpu.memory_space<vmem_shared>>
    %dma_start3A_30 = arith.constant 0 : i32
    %dma_start3A_31 = arith.constant 0 : i32
    %dma_start3A_32 = tpu.memref_slice %arg8[%dma_start3A_21, %dma_start3A_30, %dma_start3A_31] : memref<5x32x128xf32, #tpu.memory_space<vmem>> -> memref<1x32x128xf32, #tpu.memory_space<vmem>>
    %dma_start3A_33 = tpu.memref_squeeze %dma_start3A_32 : memref<1x32x128xf32, #tpu.memory_space<vmem>> -> memref<32x128xf32, #tpu.memory_space<vmem>>
    tpu.enqueue_dma source(%dma_start3A_33 : memref<32x128xf32, #tpu.memory_space<vmem>>) target(%dma_start3A_29 : memref<32x128xf32, #tpu.memory_space<vmem_shared>>) target_semaphore(%arg16 : memref<!tpu.dma_semaphore, #tpu.memory_space<semaphore_mem>>)
    %add3A_34 = arith.constant 64 : i32
    %add3A_35 = arith.addi %mul3A_0, %add3A_34 : i32
    %dma_start3A_36 = arith.constant 0 : i32
    %dma_start3A_37 = arith.constant 0 : i32
    %dma_start3A_38 = arith.constant 0 : i32
    %dma_start3A_39 = tpu.memref_slice %arg8[%dma_start3A_36, %dma_start3A_37, %dma_start3A_38] : memref<5x32x128xf32, #tpu.memory_space<vmem>> -> memref<1x32x128xf32, #tpu.memory_space<vmem>>
    %dma_start3A_40 = tpu.memref_squeeze %dma_start3A_39 : memref<1x32x128xf32, #tpu.memory_space<vmem>> -> memref<32x128xf32, #tpu.memory_space<vmem>>
    %dma_start3A_41 = arith.constant 0 : i32
    %dma_start3A_42 = tpu.memref_slice %arg9[%add3A_35, %dma_start3A_41] : memref<10240x128xf32, #tpu.memory_space<vmem_shared>> -> memref<32x128xf32, #tpu.memory_space<vmem_shared>>
    %dma_start3A_43 = arith.constant 0 : i32
    %dma_start3A_44 = tpu.memref_slice %arg9[%add3A_35, %dma_start3A_43] : memref<10240x128xf32, #tpu.memory_space<vmem_shared>> -> memref<32x128xf32, #tpu.memory_space<vmem_shared>>
    %dma_start3A_45 = arith.constant 0 : i32
    %dma_start3A_46 = arith.constant 0 : i32
    %dma_start3A_47 = tpu.memref_slice %arg8[%dma_start3A_36, %dma_start3A_45, %dma_start3A_46] : memref<5x32x128xf32, #tpu.memory_space<vmem>> -> memref<1x32x128xf32, #tpu.memory_space<vmem>>
    %dma_start3A_48 = tpu.memref_squeeze %dma_start3A_47 : memref<1x32x128xf32, #tpu.memory_space<vmem>> -> memref<32x128xf32, #tpu.memory_space<vmem>>
    tpu.enqueue_dma source(%dma_start3A_48 : memref<32x128xf32, #tpu.memory_space<vmem>>) target(%dma_start3A_44 : memref<32x128xf32, #tpu.memory_space<vmem_shared>>) target_semaphore(%arg15 : memref<!tpu.dma_semaphore, #tpu.memory_space<semaphore_mem>>)
    %add3A_49 = arith.constant 96 : i32
    %add3A_50 = arith.addi %mul3A_0, %add3A_49 : i32
    %dma_start3A_51 = arith.constant 1 : i32
    %dma_start3A_52 = arith.constant 0 : i32
    %dma_start3A_53 = arith.constant 0 : i32
    %dma_start3A_54 = tpu.memref_slice %arg8[%dma_start3A_51, %dma_start3A_52, %dma_start3A_53] : memref<5x32x128xf32, #tpu.memory_space<vmem>> -> memref<1x32x128xf32, #tpu.memory_space<vmem>>
    %dma_start3A_55 = tpu.memref_squeeze %dma_start3A_54 : memref<1x32x128xf32, #tpu.memory_space<vmem>> -> memref<32x128xf32, #tpu.memory_space<vmem>>
    %dma_start3A_56 = arith.constant 0 : i32
    %dma_start3A_57 = tpu.memref_slice %arg9[%add3A_50, %dma_start3A_56] : memref<10240x128xf32, #tpu.memory_space<vmem_shared>> -> memref<32x128xf32, #tpu.memory_space<vmem_shared>>
    %dma_start3A_58 = arith.constant 0 : i32
    %dma_start3A_59 = tpu.memref_slice %arg9[%add3A_50, %dma_start3A_58] : memref<10240x128xf32, #tpu.memory_space<vmem_shared>> -> memref<32x128xf32, #tpu.memory_space<vmem_shared>>
    %dma_start3A_60 = arith.constant 0 : i32
    %dma_start3A_61 = arith.constant 0 : i32
    %dma_start3A_62 = tpu.memref_slice %arg8[%dma_start3A_51, %dma_start3A_60, %dma_start3A_61] : memref<5x32x128xf32, #tpu.memory_space<vmem>> -> memref<1x32x128xf32, #tpu.memory_space<vmem>>
    %dma_start3A_63 = tpu.memref_squeeze %dma_start3A_62 : memref<1x32x128xf32, #tpu.memory_space<vmem>> -> memref<32x128xf32, #tpu.memory_space<vmem>>
    tpu.enqueue_dma source(%dma_start3A_63 : memref<32x128xf32, #tpu.memory_space<vmem>>) target(%dma_start3A_59 : memref<32x128xf32, #tpu.memory_space<vmem_shared>>) target_semaphore(%arg16 : memref<!tpu.dma_semaphore, #tpu.memory_space<semaphore_mem>>)
    %add3A_64 = arith.constant 128 : i32
    %add3A_65 = arith.addi %mul3A_0, %add3A_64 : i32
    %dma_start3A_66 = arith.constant 0 : i32
    %dma_start3A_67 = arith.constant 0 : i32
    %dma_start3A_68 = arith.constant 0 : i32
    %dma_start3A_69 = tpu.memref_slice %arg8[%dma_start3A_66, %dma_start3A_67, %dma_start3A_68] : memref<5x32x128xf32, #tpu.memory_space<vmem>> -> memref<1x32x128xf32, #tpu.memory_space<vmem>>
    %dma_start3A_70 = tpu.memref_squeeze %dma_start3A_69 : memref<1x32x128xf32, #tpu.memory_space<vmem>> -> memref<32x128xf32, #tpu.memory_space<vmem>>
    %dma_start3A_71 = arith.constant 0 : i32
    %dma_start3A_72 = tpu.memref_slice %arg9[%add3A_65, %dma_start3A_71] : memref<10240x128xf32, #tpu.memory_space<vmem_shared>> -> memref<32x128xf32, #tpu.memory_space<vmem_shared>>
    %dma_start3A_73 = arith.constant 0 : i32
    %dma_start3A_74 = tpu.memref_slice %arg9[%add3A_65, %dma_start3A_73] : memref<10240x128xf32, #tpu.memory_space<vmem_shared>> -> memref<32x128xf32, #tpu.memory_space<vmem_shared>>
    %dma_start3A_75 = arith.constant 0 : i32
    %dma_start3A_76 = arith.constant 0 : i32
    %dma_start3A_77 = tpu.memref_slice %arg8[%dma_start3A_66, %dma_start3A_75, %dma_start3A_76] : memref<5x32x128xf32, #tpu.memory_space<vmem>> -> memref<1x32x128xf32, #tpu.memory_space<vmem>>
    %dma_start3A_78 = tpu.memref_squeeze %dma_start3A_77 : memref<1x32x128xf32, #tpu.memory_space<vmem>> -> memref<32x128xf32, #tpu.memory_space<vmem>>
    tpu.enqueue_dma source(%dma_start3A_78 : memref<32x128xf32, #tpu.memory_space<vmem>>) target(%dma_start3A_74 : memref<32x128xf32, #tpu.memory_space<vmem_shared>>) target_semaphore(%arg15 : memref<!tpu.dma_semaphore, #tpu.memory_space<semaphore_mem>>)
    %add3A_79 = arith.constant 160 : i32
    %add3A_80 = arith.addi %mul3A_0, %add3A_79 : i32
    %dma_start3A_81 = arith.constant 1 : i32
    %dma_start3A_82 = arith.constant 0 : i32
    %dma_start3A_83 = arith.constant 0 : i32
    %dma_start3A_84 = tpu.memref_slice %arg8[%dma_start3A_81, %dma_start3A_82, %dma_start3A_83] : memref<5x32x128xf32, #tpu.memory_space<vmem>> -> memref<1x32x128xf32, #tpu.memory_space<vmem>>
    %dma_start3A_85 = tpu.memref_squeeze %dma_start3A_84 : memref<1x32x128xf32, #tpu.memory_space<vmem>> -> memref<32x128xf32, #tpu.memory_space<vmem>>
    %dma_start3A_86 = arith.constant 0 : i32
    %dma_start3A_87 = tpu.memref_slice %arg9[%add3A_80, %dma_start3A_86] : memref<10240x128xf32, #tpu.memory_space<vmem_shared>> -> memref<32x128xf32, #tpu.memory_space<vmem_shared>>
    %dma_start3A_88 = arith.constant 0 : i32
    %dma_start3A_89 = tpu.memref_slice %arg9[%add3A_80, %dma_start3A_88] : memref<10240x128xf32, #tpu.memory_space<vmem_shared>> -> memref<32x128xf32, #tpu.memory_space<vmem_shared>>
    %dma_start3A_90 = arith.constant 0 : i32
    %dma_start3A_91 = arith.constant 0 : i32
    %dma_start3A_92 = tpu.memref_slice %arg8[%dma_start3A_81, %dma_start3A_90, %dma_start3A_91] : memref<5x32x128xf32, #tpu.memory_space<vmem>> -> memref<1x32x128xf32, #tpu.memory_space<vmem>>
    %dma_start3A_93 = tpu.memref_squeeze %dma_start3A_92 : memref<1x32x128xf32, #tpu.memory_space<vmem>> -> memref<32x128xf32, #tpu.memory_space<vmem>>
    tpu.enqueue_dma source(%dma_start3A_93 : memref<32x128xf32, #tpu.memory_space<vmem>>) target(%dma_start3A_89 : memref<32x128xf32, #tpu.memory_space<vmem_shared>>) target_semaphore(%arg16 : memref<!tpu.dma_semaphore, #tpu.memory_space<semaphore_mem>>)
    %add3A_94 = arith.constant 192 : i32
    %add3A_95 = arith.addi %mul3A_0, %add3A_94 : i32
    %dma_start3A_96 = arith.constant 0 : i32
    %dma_start3A_97 = arith.constant 0 : i32
    %dma_start3A_98 = arith.constant 0 : i32
    %dma_start3A_99 = tpu.memref_slice %arg8[%dma_start3A_96, %dma_start3A_97, %dma_start3A_98] : memref<5x32x128xf32, #tpu.memory_space<vmem>> -> memref<1x32x128xf32, #tpu.memory_space<vmem>>
    %dma_start3A_100 = tpu.memref_squeeze %dma_start3A_99 : memref<1x32x128xf32, #tpu.memory_space<vmem>> -> memref<32x128xf32, #tpu.memory_space<vmem>>
    %dma_start3A_101 = arith.constant 0 : i32
    %dma_start3A_102 = tpu.memref_slice %arg9[%add3A_95, %dma_start3A_101] : memref<10240x128xf32, #tpu.memory_space<vmem_shared>> -> memref<32x128xf32, #tpu.memory_space<vmem_shared>>
    %dma_start3A_103 = arith.constant 0 : i32
    %dma_start3A_104 = tpu.memref_slice %arg9[%add3A_95, %dma_start3A_103] : memref<10240x128xf32, #tpu.memory_space<vmem_shared>> -> memref<32x128xf32, #tpu.memory_space<vmem_shared>>
    %dma_start3A_105 = arith.constant 0 : i32
    %dma_start3A_106 = arith.constant 0 : i32
    %dma_start3A_107 = tpu.memref_slice %arg8[%dma_start3A_96, %dma_start3A_105, %dma_start3A_106] : memref<5x32x128xf32, #tpu.memory_space<vmem>> -> memref<1x32x128xf32, #tpu.memory_space<vmem>>
    %dma_start3A_108 = tpu.memref_squeeze %dma_start3A_107 : memref<1x32x128xf32, #tpu.memory_space<vmem>> -> memref<32x128xf32, #tpu.memory_space<vmem>>
    tpu.enqueue_dma source(%dma_start3A_108 : memref<32x128xf32, #tpu.memory_space<vmem>>) target(%dma_start3A_104 : memref<32x128xf32, #tpu.memory_space<vmem_shared>>) target_semaphore(%arg15 : memref<!tpu.dma_semaphore, #tpu.memory_space<semaphore_mem>>)
    %add3A_109 = arith.constant 224 : i32
    %add3A_110 = arith.addi %mul3A_0, %add3A_109 : i32
    %dma_start3A_111 = arith.constant 1 : i32
    %dma_start3A_112 = arith.constant 0 : i32
    %dma_start3A_113 = arith.constant 0 : i32
    %dma_start3A_114 = tpu.memref_slice %arg8[%dma_start3A_111, %dma_start3A_112, %dma_start3A_113] : memref<5x32x128xf32, #tpu.memory_space<vmem>> -> memref<1x32x128xf32, #tpu.memory_space<vmem>>
    %dma_start3A_115 = tpu.memref_squeeze %dma_start3A_114 : memref<1x32x128xf32, #tpu.memory_space<vmem>> -> memref<32x128xf32, #tpu.memory_space<vmem>>
    %dma_start3A_116 = arith.constant 0 : i32
    %dma_start3A_117 = tpu.memref_slice %arg9[%add3A_110, %dma_start3A_116] : memref<10240x128xf32, #tpu.memory_space<vmem_shared>> -> memref<32x128xf32, #tpu.memory_space<vmem_shared>>
    %dma_start3A_118 = arith.constant 0 : i32
    %dma_start3A_119 = tpu.memref_slice %arg9[%add3A_110, %dma_start3A_118] : memref<10240x128xf32, #tpu.memory_space<vmem_shared>> -> memref<32x128xf32, #tpu.memory_space<vmem_shared>>
    %dma_start3A_120 = arith.constant 0 : i32
    %dma_start3A_121 = arith.constant 0 : i32
    %dma_start3A_122 = tpu.memref_slice %arg8[%dma_start3A_111, %dma_start3A_120, %dma_start3A_121] : memref<5x32x128xf32, #tpu.memory_space<vmem>> -> memref<1x32x128xf32, #tpu.memory_space<vmem>>
    %dma_start3A_123 = tpu.memref_squeeze %dma_start3A_122 : memref<1x32x128xf32, #tpu.memory_space<vmem>> -> memref<32x128xf32, #tpu.memory_space<vmem>>
    tpu.enqueue_dma source(%dma_start3A_123 : memref<32x128xf32, #tpu.memory_space<vmem>>) target(%dma_start3A_119 : memref<32x128xf32, #tpu.memory_space<vmem_shared>>) target_semaphore(%arg16 : memref<!tpu.dma_semaphore, #tpu.memory_space<semaphore_mem>>)
    %add3A_124 = arith.constant 256 : i32
    %add3A_125 = arith.addi %mul3A_0, %add3A_124 : i32
    %dma_start3A_126 = arith.constant 0 : i32
    %dma_start3A_127 = arith.constant 0 : i32
    %dma_start3A_128 = arith.constant 0 : i32
    %dma_start3A_129 = tpu.memref_slice %arg8[%dma_start3A_126, %dma_start3A_127, %dma_start3A_128] : memref<5x32x128xf32, #tpu.memory_space<vmem>> -> memref<1x32x128xf32, #tpu.memory_space<vmem>>
    %dma_start3A_130 = tpu.memref_squeeze %dma_start3A_129 : memref<1x32x128xf32, #tpu.memory_space<vmem>> -> memref<32x128xf32, #tpu.memory_space<vmem>>
    %dma_start3A_131 = arith.constant 0 : i32
    %dma_start3A_132 = tpu.memref_slice %arg9[%add3A_125, %dma_start3A_131] : memref<10240x128xf32, #tpu.memory_space<vmem_shared>> -> memref<32x128xf32, #tpu.memory_space<vmem_shared>>
    %dma_start3A_133 = arith.constant 0 : i32
    %dma_start3A_134 = tpu.memref_slice %arg9[%add3A_125, %dma_start3A_133] : memref<10240x128xf32, #tpu.memory_space<vmem_shared>> -> memref<32x128xf32, #tpu.memory_space<vmem_shared>>
    %dma_start3A_135 = arith.constant 0 : i32
    %dma_start3A_136 = arith.constant 0 : i32
    %dma_start3A_137 = tpu.memref_slice %arg8[%dma_start3A_126, %dma_start3A_135, %dma_start3A_136] : memref<5x32x128xf32, #tpu.memory_space<vmem>> -> memref<1x32x128xf32, #tpu.memory_space<vmem>>
    %dma_start3A_138 = tpu.memref_squeeze %dma_start3A_137 : memref<1x32x128xf32, #tpu.memory_space<vmem>> -> memref<32x128xf32, #tpu.memory_space<vmem>>
    tpu.enqueue_dma source(%dma_start3A_138 : memref<32x128xf32, #tpu.memory_space<vmem>>) target(%dma_start3A_134 : memref<32x128xf32, #tpu.memory_space<vmem_shared>>) target_semaphore(%arg15 : memref<!tpu.dma_semaphore, #tpu.memory_space<semaphore_mem>>)
    %add3A_139 = arith.constant 288 : i32
    %add3A_140 = arith.addi %mul3A_0, %add3A_139 : i32
    %dma_start3A_141 = arith.constant 1 : i32
    %dma_start3A_142 = arith.constant 0 : i32
    %dma_start3A_143 = arith.constant 0 : i32
    %dma_start3A_144 = tpu.memref_slice %arg8[%dma_start3A_141, %dma_start3A_142, %dma_start3A_143] : memref<5x32x128xf32, #tpu.memory_space<vmem>> -> memref<1x32x128xf32, #tpu.memory_space<vmem>>
    %dma_start3A_145 = tpu.memref_squeeze %dma_start3A_144 : memref<1x32x128xf32, #tpu.memory_space<vmem>> -> memref<32x128xf32, #tpu.memory_space<vmem>>
    %dma_start3A_146 = arith.constant 0 : i32
    %dma_start3A_147 = tpu.memref_slice %arg9[%add3A_140, %dma_start3A_146] : memref<10240x128xf32, #tpu.memory_space<vmem_shared>> -> memref<32x128xf32, #tpu.memory_space<vmem_shared>>
    %dma_start3A_148 = arith.constant 0 : i32
    %dma_start3A_149 = tpu.memref_slice %arg9[%add3A_140, %dma_start3A_148] : memref<10240x128xf32, #tpu.memory_space<vmem_shared>> -> memref<32x128xf32, #tpu.memory_space<vmem_shared>>
    %dma_start3A_150 = arith.constant 0 : i32
    %dma_start3A_151 = arith.constant 0 : i32
    %dma_start3A_152 = tpu.memref_slice %arg8[%dma_start3A_141, %dma_start3A_150, %dma_start3A_151] : memref<5x32x128xf32, #tpu.memory_space<vmem>> -> memref<1x32x128xf32, #tpu.memory_space<vmem>>
    %dma_start3A_153 = tpu.memref_squeeze %dma_start3A_152 : memref<1x32x128xf32, #tpu.memory_space<vmem>> -> memref<32x128xf32, #tpu.memory_space<vmem>>
    tpu.enqueue_dma source(%dma_start3A_153 : memref<32x128xf32, #tpu.memory_space<vmem>>) target(%dma_start3A_149 : memref<32x128xf32, #tpu.memory_space<vmem_shared>>) target_semaphore(%arg16 : memref<!tpu.dma_semaphore, #tpu.memory_space<semaphore_mem>>)
    %add3A_154 = arith.constant 320 : i32
    %add3A_155 = arith.addi %mul3A_0, %add3A_154 : i32
    %dma_start3A_156 = arith.constant 0 : i32
    %dma_start3A_157 = arith.constant 0 : i32
    %dma_start3A_158 = arith.constant 0 : i32
    %dma_start3A_159 = tpu.memref_slice %arg8[%dma_start3A_156, %dma_start3A_157, %dma_start3A_158] : memref<5x32x128xf32, #tpu.memory_space<vmem>> -> memref<1x32x128xf32, #tpu.memory_space<vmem>>
    %dma_start3A_160 = tpu.memref_squeeze %dma_start3A_159 : memref<1x32x128xf32, #tpu.memory_space<vmem>> -> memref<32x128xf32, #tpu.memory_space<vmem>>
    %dma_start3A_161 = arith.constant 0 : i32
    %dma_start3A_162 = tpu.memref_slice %arg9[%add3A_155, %dma_start3A_161] : memref<10240x128xf32, #tpu.memory_space<vmem_shared>> -> memref<32x128xf32, #tpu.memory_space<vmem_shared>>
    %dma_start3A_163 = arith.constant 0 : i32
    %dma_start3A_164 = tpu.memref_slice %arg9[%add3A_155, %dma_start3A_163] : memref<10240x128xf32, #tpu.memory_space<vmem_shared>> -> memref<32x128xf32, #tpu.memory_space<vmem_shared>>
    %dma_start3A_165 = arith.constant 0 : i32
    %dma_start3A_166 = arith.constant 0 : i32
    %dma_start3A_167 = tpu.memref_slice %arg8[%dma_start3A_156, %dma_start3A_165, %dma_start3A_166] : memref<5x32x128xf32, #tpu.memory_space<vmem>> -> memref<1x32x128xf32, #tpu.memory_space<vmem>>
    %dma_start3A_168 = tpu.memref_squeeze %dma_start3A_167 : memref<1x32x128xf32, #tpu.memory_space<vmem>> -> memref<32x128xf32, #tpu.memory_space<vmem>>
    tpu.enqueue_dma source(%dma_start3A_168 : memref<32x128xf32, #tpu.memory_space<vmem>>) target(%dma_start3A_164 : memref<32x128xf32, #tpu.memory_space<vmem_shared>>) target_semaphore(%arg15 : memref<!tpu.dma_semaphore, #tpu.memory_space<semaphore_mem>>)
    %add3A_169 = arith.constant 352 : i32
    %add3A_170 = arith.addi %mul3A_0, %add3A_169 : i32
    %dma_start3A_171 = arith.constant 1 : i32
    %dma_start3A_172 = arith.constant 0 : i32
    %dma_start3A_173 = arith.constant 0 : i32
    %dma_start3A_174 = tpu.memref_slice %arg8[%dma_start3A_171, %dma_start3A_172, %dma_start3A_173] : memref<5x32x128xf32, #tpu.memory_space<vmem>> -> memref<1x32x128xf32, #tpu.memory_space<vmem>>
    %dma_start3A_175 = tpu.memref_squeeze %dma_start3A_174 : memref<1x32x128xf32, #tpu.memory_space<vmem>> -> memref<32x128xf32, #tpu.memory_space<vmem>>
    %dma_start3A_176 = arith.constant 0 : i32
    %dma_start3A_177 = tpu.memref_slice %arg9[%add3A_170, %dma_start3A_176] : memref<10240x128xf32, #tpu.memory_space<vmem_shared>> -> memref<32x128xf32, #tpu.memory_space<vmem_shared>>
    %dma_start3A_178 = arith.constant 0 : i32
    %dma_start3A_179 = tpu.memref_slice %arg9[%add3A_170, %dma_start3A_178] : memref<10240x128xf32, #tpu.memory_space<vmem_shared>> -> memref<32x128xf32, #tpu.memory_space<vmem_shared>>
    %dma_start3A_180 = arith.constant 0 : i32
    %dma_start3A_181 = arith.constant 0 : i32
    %dma_start3A_182 = tpu.memref_slice %arg8[%dma_start3A_171, %dma_start3A_180, %dma_start3A_181] : memref<5x32x128xf32, #tpu.memory_space<vmem>> -> memref<1x32x128xf32, #tpu.memory_space<vmem>>
    %dma_start3A_183 = tpu.memref_squeeze %dma_start3A_182 : memref<1x32x128xf32, #tpu.memory_space<vmem>> -> memref<32x128xf32, #tpu.memory_space<vmem>>
    tpu.enqueue_dma source(%dma_start3A_183 : memref<32x128xf32, #tpu.memory_space<vmem>>) target(%dma_start3A_179 : memref<32x128xf32, #tpu.memory_space<vmem_shared>>) target_semaphore(%arg16 : memref<!tpu.dma_semaphore, #tpu.memory_space<semaphore_mem>>)
    %add3A_184 = arith.constant 384 : i32
    %add3A_185 = arith.addi %mul3A_0, %add3A_184 : i32
    %dma_start3A_186 = arith.constant 0 : i32
    %dma_start3A_187 = arith.constant 0 : i32
    %dma_start3A_188 = arith.constant 0 : i32
    %dma_start3A_189 = tpu.memref_slice %arg8[%dma_start3A_186, %dma_start3A_187, %dma_start3A_188] : memref<5x32x128xf32, #tpu.memory_space<vmem>> -> memref<1x32x128xf32, #tpu.memory_space<vmem>>
    %dma_start3A_190 = tpu.memref_squeeze %dma_start3A_189 : memref<1x32x128xf32, #tpu.memory_space<vmem>> -> memref<32x128xf32, #tpu.memory_space<vmem>>
    %dma_start3A_191 = arith.constant 0 : i32
    %dma_start3A_192 = tpu.memref_slice %arg9[%add3A_185, %dma_start3A_191] : memref<10240x128xf32, #tpu.memory_space<vmem_shared>> -> memref<32x128xf32, #tpu.memory_space<vmem_shared>>
    %dma_start3A_193 = arith.constant 0 : i32
    %dma_start3A_194 = tpu.memref_slice %arg9[%add3A_185, %dma_start3A_193] : memref<10240x128xf32, #tpu.memory_space<vmem_shared>> -> memref<32x128xf32, #tpu.memory_space<vmem_shared>>
    %dma_start3A_195 = arith.constant 0 : i32
    %dma_start3A_196 = arith.constant 0 : i32
    %dma_start3A_197 = tpu.memref_slice %arg8[%dma_start3A_186, %dma_start3A_195, %dma_start3A_196] : memref<5x32x128xf32, #tpu.memory_space<vmem>> -> memref<1x32x128xf32, #tpu.memory_space<vmem>>
    %dma_start3A_198 = tpu.memref_squeeze %dma_start3A_197 : memref<1x32x128xf32, #tpu.memory_space<vmem>> -> memref<32x128xf32, #tpu.memory_space<vmem>>
    tpu.enqueue_dma source(%dma_start3A_198 : memref<32x128xf32, #tpu.memory_space<vmem>>) target(%dma_start3A_194 : memref<32x128xf32, #tpu.memory_space<vmem_shared>>) target_semaphore(%arg15 : memref<!tpu.dma_semaphore, #tpu.memory_space<semaphore_mem>>)
    %add3A_199 = arith.constant 416 : i32
    %add3A_200 = arith.addi %mul3A_0, %add3A_199 : i32
    %dma_start3A_201 = arith.constant 1 : i32
    %dma_start3A_202 = arith.constant 0 : i32
    %dma_start3A_203 = arith.constant 0 : i32
    %dma_start3A_204 = tpu.memref_slice %arg8[%dma_start3A_201, %dma_start3A_202, %dma_start3A_203] : memref<5x32x128xf32, #tpu.memory_space<vmem>> -> memref<1x32x128xf32, #tpu.memory_space<vmem>>
    %dma_start3A_205 = tpu.memref_squeeze %dma_start3A_204 : memref<1x32x128xf32, #tpu.memory_space<vmem>> -> memref<32x128xf32, #tpu.memory_space<vmem>>
    %dma_start3A_206 = arith.constant 0 : i32
    %dma_start3A_207 = tpu.memref_slice %arg9[%add3A_200, %dma_start3A_206] : memref<10240x128xf32, #tpu.memory_space<vmem_shared>> -> memref<32x128xf32, #tpu.memory_space<vmem_shared>>
    %dma_start3A_208 = arith.constant 0 : i32
    %dma_start3A_209 = tpu.memref_slice %arg9[%add3A_200, %dma_start3A_208] : memref<10240x128xf32, #tpu.memory_space<vmem_shared>> -> memref<32x128xf32, #tpu.memory_space<vmem_shared>>
    %dma_start3A_210 = arith.constant 0 : i32
    %dma_start3A_211 = arith.constant 0 : i32
    %dma_start3A_212 = tpu.memref_slice %arg8[%dma_start3A_201, %dma_start3A_210, %dma_start3A_211] : memref<5x32x128xf32, #tpu.memory_space<vmem>> -> memref<1x32x128xf32, #tpu.memory_space<vmem>>
    %dma_start3A_213 = tpu.memref_squeeze %dma_start3A_212 : memref<1x32x128xf32, #tpu.memory_space<vmem>> -> memref<32x128xf32, #tpu.memory_space<vmem>>
    tpu.enqueue_dma source(%dma_start3A_213 : memref<32x128xf32, #tpu.memory_space<vmem>>) target(%dma_start3A_209 : memref<32x128xf32, #tpu.memory_space<vmem_shared>>) target_semaphore(%arg16 : memref<!tpu.dma_semaphore, #tpu.memory_space<semaphore_mem>>)
    %add3A_214 = arith.constant 448 : i32
    %add3A_215 = arith.addi %mul3A_0, %add3A_214 : i32
    %dma_start3A_216 = arith.constant 0 : i32
    %dma_start3A_217 = arith.constant 0 : i32
    %dma_start3A_218 = arith.constant 0 : i32
    %dma_start3A_219 = tpu.memref_slice %arg8[%dma_start3A_216, %dma_start3A_217, %dma_start3A_218] : memref<5x32x128xf32, #tpu.memory_space<vmem>> -> memref<1x32x128xf32, #tpu.memory_space<vmem>>
    %dma_start3A_220 = tpu.memref_squeeze %dma_start3A_219 : memref<1x32x128xf32, #tpu.memory_space<vmem>> -> memref<32x128xf32, #tpu.memory_space<vmem>>
    %dma_start3A_221 = arith.constant 0 : i32
    %dma_start3A_222 = tpu.memref_slice %arg9[%add3A_215, %dma_start3A_221] : memref<10240x128xf32, #tpu.memory_space<vmem_shared>> -> memref<32x128xf32, #tpu.memory_space<vmem_shared>>
    %dma_start3A_223 = arith.constant 0 : i32
    %dma_start3A_224 = tpu.memref_slice %arg9[%add3A_215, %dma_start3A_223] : memref<10240x128xf32, #tpu.memory_space<vmem_shared>> -> memref<32x128xf32, #tpu.memory_space<vmem_shared>>
    %dma_start3A_225 = arith.constant 0 : i32
    %dma_start3A_226 = arith.constant 0 : i32
    %dma_start3A_227 = tpu.memref_slice %arg8[%dma_start3A_216, %dma_start3A_225, %dma_start3A_226] : memref<5x32x128xf32, #tpu.memory_space<vmem>> -> memref<1x32x128xf32, #tpu.memory_space<vmem>>
    %dma_start3A_228 = tpu.memref_squeeze %dma_start3A_227 : memref<1x32x128xf32, #tpu.memory_space<vmem>> -> memref<32x128xf32, #tpu.memory_space<vmem>>
    tpu.enqueue_dma source(%dma_start3A_228 : memref<32x128xf32, #tpu.memory_space<vmem>>) target(%dma_start3A_224 : memref<32x128xf32, #tpu.memory_space<vmem_shared>>) target_semaphore(%arg15 : memref<!tpu.dma_semaphore, #tpu.memory_space<semaphore_mem>>)
    %add3A_229 = arith.constant 480 : i32
    %add3A_230 = arith.addi %mul3A_0, %add3A_229 : i32
    %dma_start3A_231 = arith.constant 1 : i32
    %dma_start3A_232 = arith.constant 0 : i32
    %dma_start3A_233 = arith.constant 0 : i32
    %dma_start3A_234 = tpu.memref_slice %arg8[%dma_start3A_231, %dma_start3A_232, %dma_start3A_233] : memref<5x32x128xf32, #tpu.memory_space<vmem>> -> memref<1x32x128xf32, #tpu.memory_space<vmem>>
    %dma_start3A_235 = tpu.memref_squeeze %dma_start3A_234 : memref<1x32x128xf32, #tpu.memory_space<vmem>> -> memref<32x128xf32, #tpu.memory_space<vmem>>
    %dma_start3A_236 = arith.constant 0 : i32
    %dma_start3A_237 = tpu.memref_slice %arg9[%add3A_230, %dma_start3A_236] : memref<10240x128xf32, #tpu.memory_space<vmem_shared>> -> memref<32x128xf32, #tpu.memory_space<vmem_shared>>
    %dma_start3A_238 = arith.constant 0 : i32
    %dma_start3A_239 = tpu.memref_slice %arg9[%add3A_230, %dma_start3A_238] : memref<10240x128xf32, #tpu.memory_space<vmem_shared>> -> memref<32x128xf32, #tpu.memory_space<vmem_shared>>
    %dma_start3A_240 = arith.constant 0 : i32
    %dma_start3A_241 = arith.constant 0 : i32
    %dma_start3A_242 = tpu.memref_slice %arg8[%dma_start3A_231, %dma_start3A_240, %dma_start3A_241] : memref<5x32x128xf32, #tpu.memory_space<vmem>> -> memref<1x32x128xf32, #tpu.memory_space<vmem>>
    %dma_start3A_243 = tpu.memref_squeeze %dma_start3A_242 : memref<1x32x128xf32, #tpu.memory_space<vmem>> -> memref<32x128xf32, #tpu.memory_space<vmem>>
    tpu.enqueue_dma source(%dma_start3A_243 : memref<32x128xf32, #tpu.memory_space<vmem>>) target(%dma_start3A_239 : memref<32x128xf32, #tpu.memory_space<vmem_shared>>) target_semaphore(%arg16 : memref<!tpu.dma_semaphore, #tpu.memory_space<semaphore_mem>>)
    %add3A_244 = arith.constant 512 : i32
    %add3A_245 = arith.addi %mul3A_0, %add3A_244 : i32
    %dma_start3A_246 = arith.constant 0 : i32
    %dma_start3A_247 = arith.constant 0 : i32
    %dma_start3A_248 = arith.constant 0 : i32
    %dma_start3A_249 = tpu.memref_slice %arg8[%dma_start3A_246, %dma_start3A_247, %dma_start3A_248] : memref<5x32x128xf32, #tpu.memory_space<vmem>> -> memref<1x32x128xf32, #tpu.memory_space<vmem>>
    %dma_start3A_250 = tpu.memref_squeeze %dma_start3A_249 : memref<1x32x128xf32, #tpu.memory_space<vmem>> -> memref<32x128xf32, #tpu.memory_space<vmem>>
    %dma_start3A_251 = arith.constant 0 : i32
    %dma_start3A_252 = tpu.memref_slice %arg9[%add3A_245, %dma_start3A_251] : memref<10240x128xf32, #tpu.memory_space<vmem_shared>> -> memref<32x128xf32, #tpu.memory_space<vmem_shared>>
    %dma_start3A_253 = arith.constant 0 : i32
    %dma_start3A_254 = tpu.memref_slice %arg9[%add3A_245, %dma_start3A_253] : memref<10240x128xf32, #tpu.memory_space<vmem_shared>> -> memref<32x128xf32, #tpu.memory_space<vmem_shared>>
    %dma_start3A_255 = arith.constant 0 : i32
    %dma_start3A_256 = arith.constant 0 : i32
    %dma_start3A_257 = tpu.memref_slice %arg8[%dma_start3A_246, %dma_start3A_255, %dma_start3A_256] : memref<5x32x128xf32, #tpu.memory_space<vmem>> -> memref<1x32x128xf32, #tpu.memory_space<vmem>>
    %dma_start3A_258 = tpu.memref_squeeze %dma_start3A_257 : memref<1x32x128xf32, #tpu.memory_space<vmem>> -> memref<32x128xf32, #tpu.memory_space<vmem>>
    tpu.enqueue_dma source(%dma_start3A_258 : memref<32x128xf32, #tpu.memory_space<vmem>>) target(%dma_start3A_254 : memref<32x128xf32, #tpu.memory_space<vmem_shared>>) target_semaphore(%arg15 : memref<!tpu.dma_semaphore, #tpu.memory_space<semaphore_mem>>)
    %add3A_259 = arith.constant 544 : i32
    %add3A_260 = arith.addi %mul3A_0, %add3A_259 : i32
    %dma_start3A_261 = arith.constant 1 : i32
    %dma_start3A_262 = arith.constant 0 : i32
    %dma_start3A_263 = arith.constant 0 : i32
    %dma_start3A_264 = tpu.memref_slice %arg8[%dma_start3A_261, %dma_start3A_262, %dma_start3A_263] : memref<5x32x128xf32, #tpu.memory_space<vmem>> -> memref<1x32x128xf32, #tpu.memory_space<vmem>>
    %dma_start3A_265 = tpu.memref_squeeze %dma_start3A_264 : memref<1x32x128xf32, #tpu.memory_space<vmem>> -> memref<32x128xf32, #tpu.memory_space<vmem>>
    %dma_start3A_266 = arith.constant 0 : i32
    %dma_start3A_267 = tpu.memref_slice %arg9[%add3A_260, %dma_start3A_266] : memref<10240x128xf32, #tpu.memory_space<vmem_shared>> -> memref<32x128xf32, #tpu.memory_space<vmem_shared>>
    %dma_start3A_268 = arith.constant 0 : i32
    %dma_start3A_269 = tpu.memref_slice %arg9[%add3A_260, %dma_start3A_268] : memref<10240x128xf32, #tpu.memory_space<vmem_shared>> -> memref<32x128xf32, #tpu.memory_space<vmem_shared>>
    %dma_start3A_270 = arith.constant 0 : i32
    %dma_start3A_271 = arith.constant 0 : i32
    %dma_start3A_272 = tpu.memref_slice %arg8[%dma_start3A_261, %dma_start3A_270, %dma_start3A_271] : memref<5x32x128xf32, #tpu.memory_space<vmem>> -> memref<1x32x128xf32, #tpu.memory_space<vmem>>
    %dma_start3A_273 = tpu.memref_squeeze %dma_start3A_272 : memref<1x32x128xf32, #tpu.memory_space<vmem>> -> memref<32x128xf32, #tpu.memory_space<vmem>>
    tpu.enqueue_dma source(%dma_start3A_273 : memref<32x128xf32, #tpu.memory_space<vmem>>) target(%dma_start3A_269 : memref<32x128xf32, #tpu.memory_space<vmem_shared>>) target_semaphore(%arg16 : memref<!tpu.dma_semaphore, #tpu.memory_space<semaphore_mem>>)
    %add3A_274 = arith.constant 576 : i32
    %add3A_275 = arith.addi %mul3A_0, %add3A_274 : i32
    %dma_start3A_276 = arith.constant 0 : i32
    %dma_start3A_277 = arith.constant 0 : i32
    %dma_start3A_278 = arith.constant 0 : i32
    %dma_start3A_279 = tpu.memref_slice %arg8[%dma_start3A_276, %dma_start3A_277, %dma_start3A_278] : memref<5x32x128xf32, #tpu.memory_space<vmem>> -> memref<1x32x128xf32, #tpu.memory_space<vmem>>
    %dma_start3A_280 = tpu.memref_squeeze %dma_start3A_279 : memref<1x32x128xf32, #tpu.memory_space<vmem>> -> memref<32x128xf32, #tpu.memory_space<vmem>>
    %dma_start3A_281 = arith.constant 0 : i32
    %dma_start3A_282 = tpu.memref_slice %arg9[%add3A_275, %dma_start3A_281] : memref<10240x128xf32, #tpu.memory_space<vmem_shared>> -> memref<32x128xf32, #tpu.memory_space<vmem_shared>>
    %dma_start3A_283 = arith.constant 0 : i32
    %dma_start3A_284 = tpu.memref_slice %arg9[%add3A_275, %dma_start3A_283] : memref<10240x128xf32, #tpu.memory_space<vmem_shared>> -> memref<32x128xf32, #tpu.memory_space<vmem_shared>>
    %dma_start3A_285 = arith.constant 0 : i32
    %dma_start3A_286 = arith.constant 0 : i32
    %dma_start3A_287 = tpu.memref_slice %arg8[%dma_start3A_276, %dma_start3A_285, %dma_start3A_286] : memref<5x32x128xf32, #tpu.memory_space<vmem>> -> memref<1x32x128xf32, #tpu.memory_space<vmem>>
    %dma_start3A_288 = tpu.memref_squeeze %dma_start3A_287 : memref<1x32x128xf32, #tpu.memory_space<vmem>> -> memref<32x128xf32, #tpu.memory_space<vmem>>
    tpu.enqueue_dma source(%dma_start3A_288 : memref<32x128xf32, #tpu.memory_space<vmem>>) target(%dma_start3A_284 : memref<32x128xf32, #tpu.memory_space<vmem_shared>>) target_semaphore(%arg15 : memref<!tpu.dma_semaphore, #tpu.memory_space<semaphore_mem>>)
    %add3A_289 = arith.constant 608 : i32
    %add3A_290 = arith.addi %mul3A_0, %add3A_289 : i32
    %dma_start3A_291 = arith.constant 1 : i32
    %dma_start3A_292 = arith.constant 0 : i32
    %dma_start3A_293 = arith.constant 0 : i32
    %dma_start3A_294 = tpu.memref_slice %arg8[%dma_start3A_291, %dma_start3A_292, %dma_start3A_293] : memref<5x32x128xf32, #tpu.memory_space<vmem>> -> memref<1x32x128xf32, #tpu.memory_space<vmem>>
    %dma_start3A_295 = tpu.memref_squeeze %dma_start3A_294 : memref<1x32x128xf32, #tpu.memory_space<vmem>> -> memref<32x128xf32, #tpu.memory_space<vmem>>
    %dma_start3A_296 = arith.constant 0 : i32
    %dma_start3A_297 = tpu.memref_slice %arg9[%add3A_290, %dma_start3A_296] : memref<10240x128xf32, #tpu.memory_space<vmem_shared>> -> memref<32x128xf32, #tpu.memory_space<vmem_shared>>
    %dma_start3A_298 = arith.constant 0 : i32
    %dma_start3A_299 = tpu.memref_slice %arg9[%add3A_290, %dma_start3A_298] : memref<10240x128xf32, #tpu.memory_space<vmem_shared>> -> memref<32x128xf32, #tpu.memory_space<vmem_shared>>
    %dma_start3A_300 = arith.constant 0 : i32
    %dma_start3A_301 = arith.constant 0 : i32
    %dma_start3A_302 = tpu.memref_slice %arg8[%dma_start3A_291, %dma_start3A_300, %dma_start3A_301] : memref<5x32x128xf32, #tpu.memory_space<vmem>> -> memref<1x32x128xf32, #tpu.memory_space<vmem>>
    %dma_start3A_303 = tpu.memref_squeeze %dma_start3A_302 : memref<1x32x128xf32, #tpu.memory_space<vmem>> -> memref<32x128xf32, #tpu.memory_space<vmem>>
    tpu.enqueue_dma source(%dma_start3A_303 : memref<32x128xf32, #tpu.memory_space<vmem>>) target(%dma_start3A_299 : memref<32x128xf32, #tpu.memory_space<vmem_shared>>) target_semaphore(%arg16 : memref<!tpu.dma_semaphore, #tpu.memory_space<semaphore_mem>>)
    %add3A_304 = arith.constant 0 : i32
    %add3A_305 = arith.addi %mul3A_0, %add3A_304 : i32
    %dma_wait3A = arith.constant 0 : i32
    %dma_wait3A_306 = arith.constant 0 : i32
    %dma_wait3A_307 = arith.constant 0 : i32
    %dma_wait3A_308 = tpu.memref_slice %arg8[%dma_wait3A, %dma_wait3A_306, %dma_wait3A_307] : memref<5x32x128xf32, #tpu.memory_space<vmem>> -> memref<1x32x128xf32, #tpu.memory_space<vmem>>
    %dma_wait3A_309 = tpu.memref_squeeze %dma_wait3A_308 : memref<1x32x128xf32, #tpu.memory_space<vmem>> -> memref<32x128xf32, #tpu.memory_space<vmem>>
    %dma_wait3A_310 = arith.constant 0 : i32
    %dma_wait3A_311 = tpu.memref_slice %arg9[%add3A_305, %dma_wait3A_310] : memref<10240x128xf32, #tpu.memory_space<vmem_shared>> -> memref<32x128xf32, #tpu.memory_space<vmem_shared>>
    %dma_wait3A_312 = arith.constant 0 : i32
    %dma_wait3A_313 = tpu.memref_slice %arg9[%add3A_305, %dma_wait3A_312] : memref<10240x128xf32, #tpu.memory_space<vmem_shared>> -> memref<32x128xf32, #tpu.memory_space<vmem_shared>>
    %dma_wait3A_314 = arith.constant 0 : i32
    %dma_wait3A_315 = arith.constant 0 : i32
    %dma_wait3A_316 = tpu.memref_slice %arg8[%dma_wait3A, %dma_wait3A_314, %dma_wait3A_315] : memref<5x32x128xf32, #tpu.memory_space<vmem>> -> memref<1x32x128xf32, #tpu.memory_space<vmem>>
    %dma_wait3A_317 = tpu.memref_squeeze %dma_wait3A_316 : memref<1x32x128xf32, #tpu.memory_space<vmem>> -> memref<32x128xf32, #tpu.memory_space<vmem>>
    tpu.wait_dma2 semaphore(%arg15 : memref<!tpu.dma_semaphore, #tpu.memory_space<semaphore_mem>>) src(%dma_wait3A_317 : memref<32x128xf32, #tpu.memory_space<vmem>>) dst(%dma_wait3A_313 : memref<32x128xf32, #tpu.memory_space<vmem_shared>>)
    %add3A_318 = arith.constant 32 : i32
    %add3A_319 = arith.addi %mul3A_0, %add3A_318 : i32
    %dma_wait3A_320 = arith.constant 1 : i32
    %dma_wait3A_321 = arith.constant 0 : i32
    %dma_wait3A_322 = arith.constant 0 : i32
    %dma_wait3A_323 = tpu.memref_slice %arg8[%dma_wait3A_320, %dma_wait3A_321, %dma_wait3A_322] : memref<5x32x128xf32, #tpu.memory_space<vmem>> -> memref<1x32x128xf32, #tpu.memory_space<vmem>>
    %dma_wait3A_324 = tpu.memref_squeeze %dma_wait3A_323 : memref<1x32x128xf32, #tpu.memory_space<vmem>> -> memref<32x128xf32, #tpu.memory_space<vmem>>
    %dma_wait3A_325 = arith.constant 0 : i32
    %dma_wait3A_326 = tpu.memref_slice %arg9[%add3A_319, %dma_wait3A_325] : memref<10240x128xf32, #tpu.memory_space<vmem_shared>> -> memref<32x128xf32, #tpu.memory_space<vmem_shared>>
    %dma_wait3A_327 = arith.constant 0 : i32
    %dma_wait3A_328 = tpu.memref_slice %arg9[%add3A_319, %dma_wait3A_327] : memref<10240x128xf32, #tpu.memory_space<vmem_shared>> -> memref<32x128xf32, #tpu.memory_space<vmem_shared>>
    %dma_wait3A_329 = arith.constant 0 : i32
    %dma_wait3A_330 = arith.constant 0 : i32
    %dma_wait3A_331 = tpu.memref_slice %arg8[%dma_wait3A_320, %dma_wait3A_329, %dma_wait3A_330] : memref<5x32x128xf32, #tpu.memory_space<vmem>> -> memref<1x32x128xf32, #tpu.memory_space<vmem>>
    %dma_wait3A_332 = tpu.memref_squeeze %dma_wait3A_331 : memref<1x32x128xf32, #tpu.memory_space<vmem>> -> memref<32x128xf32, #tpu.memory_space<vmem>>
    tpu.wait_dma2 semaphore(%arg16 : memref<!tpu.dma_semaphore, #tpu.memory_space<semaphore_mem>>) src(%dma_wait3A_332 : memref<32x128xf32, #tpu.memory_space<vmem>>) dst(%dma_wait3A_328 : memref<32x128xf32, #tpu.memory_space<vmem_shared>>)
    %add3A_333 = arith.constant 64 : i32
    %add3A_334 = arith.addi %mul3A_0, %add3A_333 : i32
    %dma_wait3A_335 = arith.constant 0 : i32
    %dma_wait3A_336 = arith.constant 0 : i32
    %dma_wait3A_337 = arith.constant 0 : i32
    %dma_wait3A_338 = tpu.memref_slice %arg8[%dma_wait3A_335, %dma_wait3A_336, %dma_wait3A_337] : memref<5x32x128xf32, #tpu.memory_space<vmem>> -> memref<1x32x128xf32, #tpu.memory_space<vmem>>
    %dma_wait3A_339 = tpu.memref_squeeze %dma_wait3A_338 : memref<1x32x128xf32, #tpu.memory_space<vmem>> -> memref<32x128xf32, #tpu.memory_space<vmem>>
    %dma_wait3A_340 = arith.constant 0 : i32
    %dma_wait3A_341 = tpu.memref_slice %arg9[%add3A_334, %dma_wait3A_340] : memref<10240x128xf32, #tpu.memory_space<vmem_shared>> -> memref<32x128xf32, #tpu.memory_space<vmem_shared>>
    %dma_wait3A_342 = arith.constant 0 : i32
    %dma_wait3A_343 = tpu.memref_slice %arg9[%add3A_334, %dma_wait3A_342] : memref<10240x128xf32, #tpu.memory_space<vmem_shared>> -> memref<32x128xf32, #tpu.memory_space<vmem_shared>>
    %dma_wait3A_344 = arith.constant 0 : i32
    %dma_wait3A_345 = arith.constant 0 : i32
    %dma_wait3A_346 = tpu.memref_slice %arg8[%dma_wait3A_335, %dma_wait3A_344, %dma_wait3A_345] : memref<5x32x128xf32, #tpu.memory_space<vmem>> -> memref<1x32x128xf32, #tpu.memory_space<vmem>>
    %dma_wait3A_347 = tpu.memref_squeeze %dma_wait3A_346 : memref<1x32x128xf32, #tpu.memory_space<vmem>> -> memref<32x128xf32, #tpu.memory_space<vmem>>
    tpu.wait_dma2 semaphore(%arg15 : memref<!tpu.dma_semaphore, #tpu.memory_space<semaphore_mem>>) src(%dma_wait3A_347 : memref<32x128xf32, #tpu.memory_space<vmem>>) dst(%dma_wait3A_343 : memref<32x128xf32, #tpu.memory_space<vmem_shared>>)
    %add3A_348 = arith.constant 96 : i32
    %add3A_349 = arith.addi %mul3A_0, %add3A_348 : i32
    %dma_wait3A_350 = arith.constant 1 : i32
    %dma_wait3A_351 = arith.constant 0 : i32
    %dma_wait3A_352 = arith.constant 0 : i32
    %dma_wait3A_353 = tpu.memref_slice %arg8[%dma_wait3A_350, %dma_wait3A_351, %dma_wait3A_352] : memref<5x32x128xf32, #tpu.memory_space<vmem>> -> memref<1x32x128xf32, #tpu.memory_space<vmem>>
    %dma_wait3A_354 = tpu.memref_squeeze %dma_wait3A_353 : memref<1x32x128xf32, #tpu.memory_space<vmem>> -> memref<32x128xf32, #tpu.memory_space<vmem>>
    %dma_wait3A_355 = arith.constant 0 : i32
    %dma_wait3A_356 = tpu.memref_slice %arg9[%add3A_349, %dma_wait3A_355] : memref<10240x128xf32, #tpu.memory_space<vmem_shared>> -> memref<32x128xf32, #tpu.memory_space<vmem_shared>>
    %dma_wait3A_357 = arith.constant 0 : i32
    %dma_wait3A_358 = tpu.memref_slice %arg9[%add3A_349, %dma_wait3A_357] : memref<10240x128xf32, #tpu.memory_space<vmem_shared>> -> memref<32x128xf32, #tpu.memory_space<vmem_shared>>
    %dma_wait3A_359 = arith.constant 0 : i32
    %dma_wait3A_360 = arith.constant 0 : i32
    %dma_wait3A_361 = tpu.memref_slice %arg8[%dma_wait3A_350, %dma_wait3A_359, %dma_wait3A_360] : memref<5x32x128xf32, #tpu.memory_space<vmem>> -> memref<1x32x128xf32, #tpu.memory_space<vmem>>
    %dma_wait3A_362 = tpu.memref_squeeze %dma_wait3A_361 : memref<1x32x128xf32, #tpu.memory_space<vmem>> -> memref<32x128xf32, #tpu.memory_space<vmem>>
    tpu.wait_dma2 semaphore(%arg16 : memref<!tpu.dma_semaphore, #tpu.memory_space<semaphore_mem>>) src(%dma_wait3A_362 : memref<32x128xf32, #tpu.memory_space<vmem>>) dst(%dma_wait3A_358 : memref<32x128xf32, #tpu.memory_space<vmem_shared>>)
    %add3A_363 = arith.constant 128 : i32
    %add3A_364 = arith.addi %mul3A_0, %add3A_363 : i32
    %dma_wait3A_365 = arith.constant 0 : i32
    %dma_wait3A_366 = arith.constant 0 : i32
    %dma_wait3A_367 = arith.constant 0 : i32
    %dma_wait3A_368 = tpu.memref_slice %arg8[%dma_wait3A_365, %dma_wait3A_366, %dma_wait3A_367] : memref<5x32x128xf32, #tpu.memory_space<vmem>> -> memref<1x32x128xf32, #tpu.memory_space<vmem>>
    %dma_wait3A_369 = tpu.memref_squeeze %dma_wait3A_368 : memref<1x32x128xf32, #tpu.memory_space<vmem>> -> memref<32x128xf32, #tpu.memory_space<vmem>>
    %dma_wait3A_370 = arith.constant 0 : i32
    %dma_wait3A_371 = tpu.memref_slice %arg9[%add3A_364, %dma_wait3A_370] : memref<10240x128xf32, #tpu.memory_space<vmem_shared>> -> memref<32x128xf32, #tpu.memory_space<vmem_shared>>
    %dma_wait3A_372 = arith.constant 0 : i32
    %dma_wait3A_373 = tpu.memref_slice %arg9[%add3A_364, %dma_wait3A_372] : memref<10240x128xf32, #tpu.memory_space<vmem_shared>> -> memref<32x128xf32, #tpu.memory_space<vmem_shared>>
    %dma_wait3A_374 = arith.constant 0 : i32
    %dma_wait3A_375 = arith.constant 0 : i32
    %dma_wait3A_376 = tpu.memref_slice %arg8[%dma_wait3A_365, %dma_wait3A_374, %dma_wait3A_375] : memref<5x32x128xf32, #tpu.memory_space<vmem>> -> memref<1x32x128xf32, #tpu.memory_space<vmem>>
    %dma_wait3A_377 = tpu.memref_squeeze %dma_wait3A_376 : memref<1x32x128xf32, #tpu.memory_space<vmem>> -> memref<32x128xf32, #tpu.memory_space<vmem>>
    tpu.wait_dma2 semaphore(%arg15 : memref<!tpu.dma_semaphore, #tpu.memory_space<semaphore_mem>>) src(%dma_wait3A_377 : memref<32x128xf32, #tpu.memory_space<vmem>>) dst(%dma_wait3A_373 : memref<32x128xf32, #tpu.memory_space<vmem_shared>>)
    %add3A_378 = arith.constant 160 : i32
    %add3A_379 = arith.addi %mul3A_0, %add3A_378 : i32
    %dma_wait3A_380 = arith.constant 1 : i32
    %dma_wait3A_381 = arith.constant 0 : i32
    %dma_wait3A_382 = arith.constant 0 : i32
    %dma_wait3A_383 = tpu.memref_slice %arg8[%dma_wait3A_380, %dma_wait3A_381, %dma_wait3A_382] : memref<5x32x128xf32, #tpu.memory_space<vmem>> -> memref<1x32x128xf32, #tpu.memory_space<vmem>>
    %dma_wait3A_384 = tpu.memref_squeeze %dma_wait3A_383 : memref<1x32x128xf32, #tpu.memory_space<vmem>> -> memref<32x128xf32, #tpu.memory_space<vmem>>
    %dma_wait3A_385 = arith.constant 0 : i32
    %dma_wait3A_386 = tpu.memref_slice %arg9[%add3A_379, %dma_wait3A_385] : memref<10240x128xf32, #tpu.memory_space<vmem_shared>> -> memref<32x128xf32, #tpu.memory_space<vmem_shared>>
    %dma_wait3A_387 = arith.constant 0 : i32
    %dma_wait3A_388 = tpu.memref_slice %arg9[%add3A_379, %dma_wait3A_387] : memref<10240x128xf32, #tpu.memory_space<vmem_shared>> -> memref<32x128xf32, #tpu.memory_space<vmem_shared>>
    %dma_wait3A_389 = arith.constant 0 : i32
    %dma_wait3A_390 = arith.constant 0 : i32
    %dma_wait3A_391 = tpu.memref_slice %arg8[%dma_wait3A_380, %dma_wait3A_389, %dma_wait3A_390] : memref<5x32x128xf32, #tpu.memory_space<vmem>> -> memref<1x32x128xf32, #tpu.memory_space<vmem>>
    %dma_wait3A_392 = tpu.memref_squeeze %dma_wait3A_391 : memref<1x32x128xf32, #tpu.memory_space<vmem>> -> memref<32x128xf32, #tpu.memory_space<vmem>>
    tpu.wait_dma2 semaphore(%arg16 : memref<!tpu.dma_semaphore, #tpu.memory_space<semaphore_mem>>) src(%dma_wait3A_392 : memref<32x128xf32, #tpu.memory_space<vmem>>) dst(%dma_wait3A_388 : memref<32x128xf32, #tpu.memory_space<vmem_shared>>)
    %add3A_393 = arith.constant 192 : i32
    %add3A_394 = arith.addi %mul3A_0, %add3A_393 : i32
    %dma_wait3A_395 = arith.constant 0 : i32
    %dma_wait3A_396 = arith.constant 0 : i32
    %dma_wait3A_397 = arith.constant 0 : i32
    %dma_wait3A_398 = tpu.memref_slice %arg8[%dma_wait3A_395, %dma_wait3A_396, %dma_wait3A_397] : memref<5x32x128xf32, #tpu.memory_space<vmem>> -> memref<1x32x128xf32, #tpu.memory_space<vmem>>
    %dma_wait3A_399 = tpu.memref_squeeze %dma_wait3A_398 : memref<1x32x128xf32, #tpu.memory_space<vmem>> -> memref<32x128xf32, #tpu.memory_space<vmem>>
    %dma_wait3A_400 = arith.constant 0 : i32
    %dma_wait3A_401 = tpu.memref_slice %arg9[%add3A_394, %dma_wait3A_400] : memref<10240x128xf32, #tpu.memory_space<vmem_shared>> -> memref<32x128xf32, #tpu.memory_space<vmem_shared>>
    %dma_wait3A_402 = arith.constant 0 : i32
    %dma_wait3A_403 = tpu.memref_slice %arg9[%add3A_394, %dma_wait3A_402] : memref<10240x128xf32, #tpu.memory_space<vmem_shared>> -> memref<32x128xf32, #tpu.memory_space<vmem_shared>>
    %dma_wait3A_404 = arith.constant 0 : i32
    %dma_wait3A_405 = arith.constant 0 : i32
    %dma_wait3A_406 = tpu.memref_slice %arg8[%dma_wait3A_395, %dma_wait3A_404, %dma_wait3A_405] : memref<5x32x128xf32, #tpu.memory_space<vmem>> -> memref<1x32x128xf32, #tpu.memory_space<vmem>>
    %dma_wait3A_407 = tpu.memref_squeeze %dma_wait3A_406 : memref<1x32x128xf32, #tpu.memory_space<vmem>> -> memref<32x128xf32, #tpu.memory_space<vmem>>
    tpu.wait_dma2 semaphore(%arg15 : memref<!tpu.dma_semaphore, #tpu.memory_space<semaphore_mem>>) src(%dma_wait3A_407 : memref<32x128xf32, #tpu.memory_space<vmem>>) dst(%dma_wait3A_403 : memref<32x128xf32, #tpu.memory_space<vmem_shared>>)
    %add3A_408 = arith.constant 224 : i32
    %add3A_409 = arith.addi %mul3A_0, %add3A_408 : i32
    %dma_wait3A_410 = arith.constant 1 : i32
    %dma_wait3A_411 = arith.constant 0 : i32
    %dma_wait3A_412 = arith.constant 0 : i32
    %dma_wait3A_413 = tpu.memref_slice %arg8[%dma_wait3A_410, %dma_wait3A_411, %dma_wait3A_412] : memref<5x32x128xf32, #tpu.memory_space<vmem>> -> memref<1x32x128xf32, #tpu.memory_space<vmem>>
    %dma_wait3A_414 = tpu.memref_squeeze %dma_wait3A_413 : memref<1x32x128xf32, #tpu.memory_space<vmem>> -> memref<32x128xf32, #tpu.memory_space<vmem>>
    %dma_wait3A_415 = arith.constant 0 : i32
    %dma_wait3A_416 = tpu.memref_slice %arg9[%add3A_409, %dma_wait3A_415] : memref<10240x128xf32, #tpu.memory_space<vmem_shared>> -> memref<32x128xf32, #tpu.memory_space<vmem_shared>>
    %dma_wait3A_417 = arith.constant 0 : i32
    %dma_wait3A_418 = tpu.memref_slice %arg9[%add3A_409, %dma_wait3A_417] : memref<10240x128xf32, #tpu.memory_space<vmem_shared>> -> memref<32x128xf32, #tpu.memory_space<vmem_shared>>
    %dma_wait3A_419 = arith.constant 0 : i32
    %dma_wait3A_420 = arith.constant 0 : i32
    %dma_wait3A_421 = tpu.memref_slice %arg8[%dma_wait3A_410, %dma_wait3A_419, %dma_wait3A_420] : memref<5x32x128xf32, #tpu.memory_space<vmem>> -> memref<1x32x128xf32, #tpu.memory_space<vmem>>
    %dma_wait3A_422 = tpu.memref_squeeze %dma_wait3A_421 : memref<1x32x128xf32, #tpu.memory_space<vmem>> -> memref<32x128xf32, #tpu.memory_space<vmem>>
    tpu.wait_dma2 semaphore(%arg16 : memref<!tpu.dma_semaphore, #tpu.memory_space<semaphore_mem>>) src(%dma_wait3A_422 : memref<32x128xf32, #tpu.memory_space<vmem>>) dst(%dma_wait3A_418 : memref<32x128xf32, #tpu.memory_space<vmem_shared>>)
    %add3A_423 = arith.constant 256 : i32
    %add3A_424 = arith.addi %mul3A_0, %add3A_423 : i32
    %dma_wait3A_425 = arith.constant 0 : i32
    %dma_wait3A_426 = arith.constant 0 : i32
    %dma_wait3A_427 = arith.constant 0 : i32
    %dma_wait3A_428 = tpu.memref_slice %arg8[%dma_wait3A_425, %dma_wait3A_426, %dma_wait3A_427] : memref<5x32x128xf32, #tpu.memory_space<vmem>> -> memref<1x32x128xf32, #tpu.memory_space<vmem>>
    %dma_wait3A_429 = tpu.memref_squeeze %dma_wait3A_428 : memref<1x32x128xf32, #tpu.memory_space<vmem>> -> memref<32x128xf32, #tpu.memory_space<vmem>>
    %dma_wait3A_430 = arith.constant 0 : i32
    %dma_wait3A_431 = tpu.memref_slice %arg9[%add3A_424, %dma_wait3A_430] : memref<10240x128xf32, #tpu.memory_space<vmem_shared>> -> memref<32x128xf32, #tpu.memory_space<vmem_shared>>
    %dma_wait3A_432 = arith.constant 0 : i32
    %dma_wait3A_433 = tpu.memref_slice %arg9[%add3A_424, %dma_wait3A_432] : memref<10240x128xf32, #tpu.memory_space<vmem_shared>> -> memref<32x128xf32, #tpu.memory_space<vmem_shared>>
    %dma_wait3A_434 = arith.constant 0 : i32
    %dma_wait3A_435 = arith.constant 0 : i32
    %dma_wait3A_436 = tpu.memref_slice %arg8[%dma_wait3A_425, %dma_wait3A_434, %dma_wait3A_435] : memref<5x32x128xf32, #tpu.memory_space<vmem>> -> memref<1x32x128xf32, #tpu.memory_space<vmem>>
    %dma_wait3A_437 = tpu.memref_squeeze %dma_wait3A_436 : memref<1x32x128xf32, #tpu.memory_space<vmem>> -> memref<32x128xf32, #tpu.memory_space<vmem>>
    tpu.wait_dma2 semaphore(%arg15 : memref<!tpu.dma_semaphore, #tpu.memory_space<semaphore_mem>>) src(%dma_wait3A_437 : memref<32x128xf32, #tpu.memory_space<vmem>>) dst(%dma_wait3A_433 : memref<32x128xf32, #tpu.memory_space<vmem_shared>>)
    %add3A_438 = arith.constant 288 : i32
    %add3A_439 = arith.addi %mul3A_0, %add3A_438 : i32
    %dma_wait3A_440 = arith.constant 1 : i32
    %dma_wait3A_441 = arith.constant 0 : i32
    %dma_wait3A_442 = arith.constant 0 : i32
    %dma_wait3A_443 = tpu.memref_slice %arg8[%dma_wait3A_440, %dma_wait3A_441, %dma_wait3A_442] : memref<5x32x128xf32, #tpu.memory_space<vmem>> -> memref<1x32x128xf32, #tpu.memory_space<vmem>>
    %dma_wait3A_444 = tpu.memref_squeeze %dma_wait3A_443 : memref<1x32x128xf32, #tpu.memory_space<vmem>> -> memref<32x128xf32, #tpu.memory_space<vmem>>
    %dma_wait3A_445 = arith.constant 0 : i32
    %dma_wait3A_446 = tpu.memref_slice %arg9[%add3A_439, %dma_wait3A_445] : memref<10240x128xf32, #tpu.memory_space<vmem_shared>> -> memref<32x128xf32, #tpu.memory_space<vmem_shared>>
    %dma_wait3A_447 = arith.constant 0 : i32
    %dma_wait3A_448 = tpu.memref_slice %arg9[%add3A_439, %dma_wait3A_447] : memref<10240x128xf32, #tpu.memory_space<vmem_shared>> -> memref<32x128xf32, #tpu.memory_space<vmem_shared>>
    %dma_wait3A_449 = arith.constant 0 : i32
    %dma_wait3A_450 = arith.constant 0 : i32
    %dma_wait3A_451 = tpu.memref_slice %arg8[%dma_wait3A_440, %dma_wait3A_449, %dma_wait3A_450] : memref<5x32x128xf32, #tpu.memory_space<vmem>> -> memref<1x32x128xf32, #tpu.memory_space<vmem>>
    %dma_wait3A_452 = tpu.memref_squeeze %dma_wait3A_451 : memref<1x32x128xf32, #tpu.memory_space<vmem>> -> memref<32x128xf32, #tpu.memory_space<vmem>>
    tpu.wait_dma2 semaphore(%arg16 : memref<!tpu.dma_semaphore, #tpu.memory_space<semaphore_mem>>) src(%dma_wait3A_452 : memref<32x128xf32, #tpu.memory_space<vmem>>) dst(%dma_wait3A_448 : memref<32x128xf32, #tpu.memory_space<vmem_shared>>)
    %add3A_453 = arith.constant 320 : i32
    %add3A_454 = arith.addi %mul3A_0, %add3A_453 : i32
    %dma_wait3A_455 = arith.constant 0 : i32
    %dma_wait3A_456 = arith.constant 0 : i32
    %dma_wait3A_457 = arith.constant 0 : i32
    %dma_wait3A_458 = tpu.memref_slice %arg8[%dma_wait3A_455, %dma_wait3A_456, %dma_wait3A_457] : memref<5x32x128xf32, #tpu.memory_space<vmem>> -> memref<1x32x128xf32, #tpu.memory_space<vmem>>
    %dma_wait3A_459 = tpu.memref_squeeze %dma_wait3A_458 : memref<1x32x128xf32, #tpu.memory_space<vmem>> -> memref<32x128xf32, #tpu.memory_space<vmem>>
    %dma_wait3A_460 = arith.constant 0 : i32
    %dma_wait3A_461 = tpu.memref_slice %arg9[%add3A_454, %dma_wait3A_460] : memref<10240x128xf32, #tpu.memory_space<vmem_shared>> -> memref<32x128xf32, #tpu.memory_space<vmem_shared>>
    %dma_wait3A_462 = arith.constant 0 : i32
    %dma_wait3A_463 = tpu.memref_slice %arg9[%add3A_454, %dma_wait3A_462] : memref<10240x128xf32, #tpu.memory_space<vmem_shared>> -> memref<32x128xf32, #tpu.memory_space<vmem_shared>>
    %dma_wait3A_464 = arith.constant 0 : i32
    %dma_wait3A_465 = arith.constant 0 : i32
    %dma_wait3A_466 = tpu.memref_slice %arg8[%dma_wait3A_455, %dma_wait3A_464, %dma_wait3A_465] : memref<5x32x128xf32, #tpu.memory_space<vmem>> -> memref<1x32x128xf32, #tpu.memory_space<vmem>>
    %dma_wait3A_467 = tpu.memref_squeeze %dma_wait3A_466 : memref<1x32x128xf32, #tpu.memory_space<vmem>> -> memref<32x128xf32, #tpu.memory_space<vmem>>
    tpu.wait_dma2 semaphore(%arg15 : memref<!tpu.dma_semaphore, #tpu.memory_space<semaphore_mem>>) src(%dma_wait3A_467 : memref<32x128xf32, #tpu.memory_space<vmem>>) dst(%dma_wait3A_463 : memref<32x128xf32, #tpu.memory_space<vmem_shared>>)
    %add3A_468 = arith.constant 352 : i32
    %add3A_469 = arith.addi %mul3A_0, %add3A_468 : i32
    %dma_wait3A_470 = arith.constant 1 : i32
    %dma_wait3A_471 = arith.constant 0 : i32
    %dma_wait3A_472 = arith.constant 0 : i32
    %dma_wait3A_473 = tpu.memref_slice %arg8[%dma_wait3A_470, %dma_wait3A_471, %dma_wait3A_472] : memref<5x32x128xf32, #tpu.memory_space<vmem>> -> memref<1x32x128xf32, #tpu.memory_space<vmem>>
    %dma_wait3A_474 = tpu.memref_squeeze %dma_wait3A_473 : memref<1x32x128xf32, #tpu.memory_space<vmem>> -> memref<32x128xf32, #tpu.memory_space<vmem>>
    %dma_wait3A_475 = arith.constant 0 : i32
    %dma_wait3A_476 = tpu.memref_slice %arg9[%add3A_469, %dma_wait3A_475] : memref<10240x128xf32, #tpu.memory_space<vmem_shared>> -> memref<32x128xf32, #tpu.memory_space<vmem_shared>>
    %dma_wait3A_477 = arith.constant 0 : i32
    %dma_wait3A_478 = tpu.memref_slice %arg9[%add3A_469, %dma_wait3A_477] : memref<10240x128xf32, #tpu.memory_space<vmem_shared>> -> memref<32x128xf32, #tpu.memory_space<vmem_shared>>
    %dma_wait3A_479 = arith.constant 0 : i32
    %dma_wait3A_480 = arith.constant 0 : i32
    %dma_wait3A_481 = tpu.memref_slice %arg8[%dma_wait3A_470, %dma_wait3A_479, %dma_wait3A_480] : memref<5x32x128xf32, #tpu.memory_space<vmem>> -> memref<1x32x128xf32, #tpu.memory_space<vmem>>
    %dma_wait3A_482 = tpu.memref_squeeze %dma_wait3A_481 : memref<1x32x128xf32, #tpu.memory_space<vmem>> -> memref<32x128xf32, #tpu.memory_space<vmem>>
    tpu.wait_dma2 semaphore(%arg16 : memref<!tpu.dma_semaphore, #tpu.memory_space<semaphore_mem>>) src(%dma_wait3A_482 : memref<32x128xf32, #tpu.memory_space<vmem>>) dst(%dma_wait3A_478 : memref<32x128xf32, #tpu.memory_space<vmem_shared>>)
    %add3A_483 = arith.constant 384 : i32
    %add3A_484 = arith.addi %mul3A_0, %add3A_483 : i32
    %dma_wait3A_485 = arith.constant 0 : i32
    %dma_wait3A_486 = arith.constant 0 : i32
    %dma_wait3A_487 = arith.constant 0 : i32
    %dma_wait3A_488 = tpu.memref_slice %arg8[%dma_wait3A_485, %dma_wait3A_486, %dma_wait3A_487] : memref<5x32x128xf32, #tpu.memory_space<vmem>> -> memref<1x32x128xf32, #tpu.memory_space<vmem>>
    %dma_wait3A_489 = tpu.memref_squeeze %dma_wait3A_488 : memref<1x32x128xf32, #tpu.memory_space<vmem>> -> memref<32x128xf32, #tpu.memory_space<vmem>>
    %dma_wait3A_490 = arith.constant 0 : i32
    %dma_wait3A_491 = tpu.memref_slice %arg9[%add3A_484, %dma_wait3A_490] : memref<10240x128xf32, #tpu.memory_space<vmem_shared>> -> memref<32x128xf32, #tpu.memory_space<vmem_shared>>
    %dma_wait3A_492 = arith.constant 0 : i32
    %dma_wait3A_493 = tpu.memref_slice %arg9[%add3A_484, %dma_wait3A_492] : memref<10240x128xf32, #tpu.memory_space<vmem_shared>> -> memref<32x128xf32, #tpu.memory_space<vmem_shared>>
    %dma_wait3A_494 = arith.constant 0 : i32
    %dma_wait3A_495 = arith.constant 0 : i32
    %dma_wait3A_496 = tpu.memref_slice %arg8[%dma_wait3A_485, %dma_wait3A_494, %dma_wait3A_495] : memref<5x32x128xf32, #tpu.memory_space<vmem>> -> memref<1x32x128xf32, #tpu.memory_space<vmem>>
    %dma_wait3A_497 = tpu.memref_squeeze %dma_wait3A_496 : memref<1x32x128xf32, #tpu.memory_space<vmem>> -> memref<32x128xf32, #tpu.memory_space<vmem>>
    tpu.wait_dma2 semaphore(%arg15 : memref<!tpu.dma_semaphore, #tpu.memory_space<semaphore_mem>>) src(%dma_wait3A_497 : memref<32x128xf32, #tpu.memory_space<vmem>>) dst(%dma_wait3A_493 : memref<32x128xf32, #tpu.memory_space<vmem_shared>>)
    %add3A_498 = arith.constant 416 : i32
    %add3A_499 = arith.addi %mul3A_0, %add3A_498 : i32
    %dma_wait3A_500 = arith.constant 1 : i32
    %dma_wait3A_501 = arith.constant 0 : i32
    %dma_wait3A_502 = arith.constant 0 : i32
    %dma_wait3A_503 = tpu.memref_slice %arg8[%dma_wait3A_500, %dma_wait3A_501, %dma_wait3A_502] : memref<5x32x128xf32, #tpu.memory_space<vmem>> -> memref<1x32x128xf32, #tpu.memory_space<vmem>>
    %dma_wait3A_504 = tpu.memref_squeeze %dma_wait3A_503 : memref<1x32x128xf32, #tpu.memory_space<vmem>> -> memref<32x128xf32, #tpu.memory_space<vmem>>
    %dma_wait3A_505 = arith.constant 0 : i32
    %dma_wait3A_506 = tpu.memref_slice %arg9[%add3A_499, %dma_wait3A_505] : memref<10240x128xf32, #tpu.memory_space<vmem_shared>> -> memref<32x128xf32, #tpu.memory_space<vmem_shared>>
    %dma_wait3A_507 = arith.constant 0 : i32
    %dma_wait3A_508 = tpu.memref_slice %arg9[%add3A_499, %dma_wait3A_507] : memref<10240x128xf32, #tpu.memory_space<vmem_shared>> -> memref<32x128xf32, #tpu.memory_space<vmem_shared>>
    %dma_wait3A_509 = arith.constant 0 : i32
    %dma_wait3A_510 = arith.constant 0 : i32
    %dma_wait3A_511 = tpu.memref_slice %arg8[%dma_wait3A_500, %dma_wait3A_509, %dma_wait3A_510] : memref<5x32x128xf32, #tpu.memory_space<vmem>> -> memref<1x32x128xf32, #tpu.memory_space<vmem>>
    %dma_wait3A_512 = tpu.memref_squeeze %dma_wait3A_511 : memref<1x32x128xf32, #tpu.memory_space<vmem>> -> memref<32x128xf32, #tpu.memory_space<vmem>>
    tpu.wait_dma2 semaphore(%arg16 : memref<!tpu.dma_semaphore, #tpu.memory_space<semaphore_mem>>) src(%dma_wait3A_512 : memref<32x128xf32, #tpu.memory_space<vmem>>) dst(%dma_wait3A_508 : memref<32x128xf32, #tpu.memory_space<vmem_shared>>)
    %add3A_513 = arith.constant 448 : i32
    %add3A_514 = arith.addi %mul3A_0, %add3A_513 : i32
    %dma_wait3A_515 = arith.constant 0 : i32
    %dma_wait3A_516 = arith.constant 0 : i32
    %dma_wait3A_517 = arith.constant 0 : i32
    %dma_wait3A_518 = tpu.memref_slice %arg8[%dma_wait3A_515, %dma_wait3A_516, %dma_wait3A_517] : memref<5x32x128xf32, #tpu.memory_space<vmem>> -> memref<1x32x128xf32, #tpu.memory_space<vmem>>
    %dma_wait3A_519 = tpu.memref_squeeze %dma_wait3A_518 : memref<1x32x128xf32, #tpu.memory_space<vmem>> -> memref<32x128xf32, #tpu.memory_space<vmem>>
    %dma_wait3A_520 = arith.constant 0 : i32
    %dma_wait3A_521 = tpu.memref_slice %arg9[%add3A_514, %dma_wait3A_520] : memref<10240x128xf32, #tpu.memory_space<vmem_shared>> -> memref<32x128xf32, #tpu.memory_space<vmem_shared>>
    %dma_wait3A_522 = arith.constant 0 : i32
    %dma_wait3A_523 = tpu.memref_slice %arg9[%add3A_514, %dma_wait3A_522] : memref<10240x128xf32, #tpu.memory_space<vmem_shared>> -> memref<32x128xf32, #tpu.memory_space<vmem_shared>>
    %dma_wait3A_524 = arith.constant 0 : i32
    %dma_wait3A_525 = arith.constant 0 : i32
    %dma_wait3A_526 = tpu.memref_slice %arg8[%dma_wait3A_515, %dma_wait3A_524, %dma_wait3A_525] : memref<5x32x128xf32, #tpu.memory_space<vmem>> -> memref<1x32x128xf32, #tpu.memory_space<vmem>>
    %dma_wait3A_527 = tpu.memref_squeeze %dma_wait3A_526 : memref<1x32x128xf32, #tpu.memory_space<vmem>> -> memref<32x128xf32, #tpu.memory_space<vmem>>
    tpu.wait_dma2 semaphore(%arg15 : memref<!tpu.dma_semaphore, #tpu.memory_space<semaphore_mem>>) src(%dma_wait3A_527 : memref<32x128xf32, #tpu.memory_space<vmem>>) dst(%dma_wait3A_523 : memref<32x128xf32, #tpu.memory_space<vmem_shared>>)
    %add3A_528 = arith.constant 480 : i32
    %add3A_529 = arith.addi %mul3A_0, %add3A_528 : i32
    %dma_wait3A_530 = arith.constant 1 : i32
    %dma_wait3A_531 = arith.constant 0 : i32
    %dma_wait3A_532 = arith.constant 0 : i32
    %dma_wait3A_533 = tpu.memref_slice %arg8[%dma_wait3A_530, %dma_wait3A_531, %dma_wait3A_532] : memref<5x32x128xf32, #tpu.memory_space<vmem>> -> memref<1x32x128xf32, #tpu.memory_space<vmem>>
    %dma_wait3A_534 = tpu.memref_squeeze %dma_wait3A_533 : memref<1x32x128xf32, #tpu.memory_space<vmem>> -> memref<32x128xf32, #tpu.memory_space<vmem>>
    %dma_wait3A_535 = arith.constant 0 : i32
    %dma_wait3A_536 = tpu.memref_slice %arg9[%add3A_529, %dma_wait3A_535] : memref<10240x128xf32, #tpu.memory_space<vmem_shared>> -> memref<32x128xf32, #tpu.memory_space<vmem_shared>>
    %dma_wait3A_537 = arith.constant 0 : i32
    %dma_wait3A_538 = tpu.memref_slice %arg9[%add3A_529, %dma_wait3A_537] : memref<10240x128xf32, #tpu.memory_space<vmem_shared>> -> memref<32x128xf32, #tpu.memory_space<vmem_shared>>
    %dma_wait3A_539 = arith.constant 0 : i32
    %dma_wait3A_540 = arith.constant 0 : i32
    %dma_wait3A_541 = tpu.memref_slice %arg8[%dma_wait3A_530, %dma_wait3A_539, %dma_wait3A_540] : memref<5x32x128xf32, #tpu.memory_space<vmem>> -> memref<1x32x128xf32, #tpu.memory_space<vmem>>
    %dma_wait3A_542 = tpu.memref_squeeze %dma_wait3A_541 : memref<1x32x128xf32, #tpu.memory_space<vmem>> -> memref<32x128xf32, #tpu.memory_space<vmem>>
    tpu.wait_dma2 semaphore(%arg16 : memref<!tpu.dma_semaphore, #tpu.memory_space<semaphore_mem>>) src(%dma_wait3A_542 : memref<32x128xf32, #tpu.memory_space<vmem>>) dst(%dma_wait3A_538 : memref<32x128xf32, #tpu.memory_space<vmem_shared>>)
    %add3A_543 = arith.constant 512 : i32
    %add3A_544 = arith.addi %mul3A_0, %add3A_543 : i32
    %dma_wait3A_545 = arith.constant 0 : i32
    %dma_wait3A_546 = arith.constant 0 : i32
    %dma_wait3A_547 = arith.constant 0 : i32
    %dma_wait3A_548 = tpu.memref_slice %arg8[%dma_wait3A_545, %dma_wait3A_546, %dma_wait3A_547] : memref<5x32x128xf32, #tpu.memory_space<vmem>> -> memref<1x32x128xf32, #tpu.memory_space<vmem>>
    %dma_wait3A_549 = tpu.memref_squeeze %dma_wait3A_548 : memref<1x32x128xf32, #tpu.memory_space<vmem>> -> memref<32x128xf32, #tpu.memory_space<vmem>>
    %dma_wait3A_550 = arith.constant 0 : i32
    %dma_wait3A_551 = tpu.memref_slice %arg9[%add3A_544, %dma_wait3A_550] : memref<10240x128xf32, #tpu.memory_space<vmem_shared>> -> memref<32x128xf32, #tpu.memory_space<vmem_shared>>
    %dma_wait3A_552 = arith.constant 0 : i32
    %dma_wait3A_553 = tpu.memref_slice %arg9[%add3A_544, %dma_wait3A_552] : memref<10240x128xf32, #tpu.memory_space<vmem_shared>> -> memref<32x128xf32, #tpu.memory_space<vmem_shared>>
    %dma_wait3A_554 = arith.constant 0 : i32
    %dma_wait3A_555 = arith.constant 0 : i32
    %dma_wait3A_556 = tpu.memref_slice %arg8[%dma_wait3A_545, %dma_wait3A_554, %dma_wait3A_555] : memref<5x32x128xf32, #tpu.memory_space<vmem>> -> memref<1x32x128xf32, #tpu.memory_space<vmem>>
    %dma_wait3A_557 = tpu.memref_squeeze %dma_wait3A_556 : memref<1x32x128xf32, #tpu.memory_space<vmem>> -> memref<32x128xf32, #tpu.memory_space<vmem>>
    tpu.wait_dma2 semaphore(%arg15 : memref<!tpu.dma_semaphore, #tpu.memory_space<semaphore_mem>>) src(%dma_wait3A_557 : memref<32x128xf32, #tpu.memory_space<vmem>>) dst(%dma_wait3A_553 : memref<32x128xf32, #tpu.memory_space<vmem_shared>>)
    %add3A_558 = arith.constant 544 : i32
    %add3A_559 = arith.addi %mul3A_0, %add3A_558 : i32
    %dma_wait3A_560 = arith.constant 1 : i32
    %dma_wait3A_561 = arith.constant 0 : i32
    %dma_wait3A_562 = arith.constant 0 : i32
    %dma_wait3A_563 = tpu.memref_slice %arg8[%dma_wait3A_560, %dma_wait3A_561, %dma_wait3A_562] : memref<5x32x128xf32, #tpu.memory_space<vmem>> -> memref<1x32x128xf32, #tpu.memory_space<vmem>>
    %dma_wait3A_564 = tpu.memref_squeeze %dma_wait3A_563 : memref<1x32x128xf32, #tpu.memory_space<vmem>> -> memref<32x128xf32, #tpu.memory_space<vmem>>
    %dma_wait3A_565 = arith.constant 0 : i32
    %dma_wait3A_566 = tpu.memref_slice %arg9[%add3A_559, %dma_wait3A_565] : memref<10240x128xf32, #tpu.memory_space<vmem_shared>> -> memref<32x128xf32, #tpu.memory_space<vmem_shared>>
    %dma_wait3A_567 = arith.constant 0 : i32
    %dma_wait3A_568 = tpu.memref_slice %arg9[%add3A_559, %dma_wait3A_567] : memref<10240x128xf32, #tpu.memory_space<vmem_shared>> -> memref<32x128xf32, #tpu.memory_space<vmem_shared>>
    %dma_wait3A_569 = arith.constant 0 : i32
    %dma_wait3A_570 = arith.constant 0 : i32
    %dma_wait3A_571 = tpu.memref_slice %arg8[%dma_wait3A_560, %dma_wait3A_569, %dma_wait3A_570] : memref<5x32x128xf32, #tpu.memory_space<vmem>> -> memref<1x32x128xf32, #tpu.memory_space<vmem>>
    %dma_wait3A_572 = tpu.memref_squeeze %dma_wait3A_571 : memref<1x32x128xf32, #tpu.memory_space<vmem>> -> memref<32x128xf32, #tpu.memory_space<vmem>>
    tpu.wait_dma2 semaphore(%arg16 : memref<!tpu.dma_semaphore, #tpu.memory_space<semaphore_mem>>) src(%dma_wait3A_572 : memref<32x128xf32, #tpu.memory_space<vmem>>) dst(%dma_wait3A_568 : memref<32x128xf32, #tpu.memory_space<vmem_shared>>)
    %add3A_573 = arith.constant 576 : i32
    %add3A_574 = arith.addi %mul3A_0, %add3A_573 : i32
    %dma_wait3A_575 = arith.constant 0 : i32
    %dma_wait3A_576 = arith.constant 0 : i32
    %dma_wait3A_577 = arith.constant 0 : i32
    %dma_wait3A_578 = tpu.memref_slice %arg8[%dma_wait3A_575, %dma_wait3A_576, %dma_wait3A_577] : memref<5x32x128xf32, #tpu.memory_space<vmem>> -> memref<1x32x128xf32, #tpu.memory_space<vmem>>
    %dma_wait3A_579 = tpu.memref_squeeze %dma_wait3A_578 : memref<1x32x128xf32, #tpu.memory_space<vmem>> -> memref<32x128xf32, #tpu.memory_space<vmem>>
    %dma_wait3A_580 = arith.constant 0 : i32
    %dma_wait3A_581 = tpu.memref_slice %arg9[%add3A_574, %dma_wait3A_580] : memref<10240x128xf32, #tpu.memory_space<vmem_shared>> -> memref<32x128xf32, #tpu.memory_space<vmem_shared>>
    %dma_wait3A_582 = arith.constant 0 : i32
    %dma_wait3A_583 = tpu.memref_slice %arg9[%add3A_574, %dma_wait3A_582] : memref<10240x128xf32, #tpu.memory_space<vmem_shared>> -> memref<32x128xf32, #tpu.memory_space<vmem_shared>>
    %dma_wait3A_584 = arith.constant 0 : i32
    %dma_wait3A_585 = arith.constant 0 : i32
    %dma_wait3A_586 = tpu.memref_slice %arg8[%dma_wait3A_575, %dma_wait3A_584, %dma_wait3A_585] : memref<5x32x128xf32, #tpu.memory_space<vmem>> -> memref<1x32x128xf32, #tpu.memory_space<vmem>>
    %dma_wait3A_587 = tpu.memref_squeeze %dma_wait3A_586 : memref<1x32x128xf32, #tpu.memory_space<vmem>> -> memref<32x128xf32, #tpu.memory_space<vmem>>
    tpu.wait_dma2 semaphore(%arg15 : memref<!tpu.dma_semaphore, #tpu.memory_space<semaphore_mem>>) src(%dma_wait3A_587 : memref<32x128xf32, #tpu.memory_space<vmem>>) dst(%dma_wait3A_583 : memref<32x128xf32, #tpu.memory_space<vmem_shared>>)
    %add3A_588 = arith.constant 608 : i32
    %add3A_589 = arith.addi %mul3A_0, %add3A_588 : i32
    %dma_wait3A_590 = arith.constant 1 : i32
    %dma_wait3A_591 = arith.constant 0 : i32
    %dma_wait3A_592 = arith.constant 0 : i32
    %dma_wait3A_593 = tpu.memref_slice %arg8[%dma_wait3A_590, %dma_wait3A_591, %dma_wait3A_592] : memref<5x32x128xf32, #tpu.memory_space<vmem>> -> memref<1x32x128xf32, #tpu.memory_space<vmem>>
    %dma_wait3A_594 = tpu.memref_squeeze %dma_wait3A_593 : memref<1x32x128xf32, #tpu.memory_space<vmem>> -> memref<32x128xf32, #tpu.memory_space<vmem>>
    %dma_wait3A_595 = arith.constant 0 : i32
    %dma_wait3A_596 = tpu.memref_slice %arg9[%add3A_589, %dma_wait3A_595] : memref<10240x128xf32, #tpu.memory_space<vmem_shared>> -> memref<32x128xf32, #tpu.memory_space<vmem_shared>>
    %dma_wait3A_597 = arith.constant 0 : i32
    %dma_wait3A_598 = tpu.memref_slice %arg9[%add3A_589, %dma_wait3A_597] : memref<10240x128xf32, #tpu.memory_space<vmem_shared>> -> memref<32x128xf32, #tpu.memory_space<vmem_shared>>
    %dma_wait3A_599 = arith.constant 0 : i32
    %dma_wait3A_600 = arith.constant 0 : i32
    %dma_wait3A_601 = tpu.memref_slice %arg8[%dma_wait3A_590, %dma_wait3A_599, %dma_wait3A_600] : memref<5x32x128xf32, #tpu.memory_space<vmem>> -> memref<1x32x128xf32, #tpu.memory_space<vmem>>
    %dma_wait3A_602 = tpu.memref_squeeze %dma_wait3A_601 : memref<1x32x128xf32, #tpu.memory_space<vmem>> -> memref<32x128xf32, #tpu.memory_space<vmem>>
    tpu.wait_dma2 semaphore(%arg16 : memref<!tpu.dma_semaphore, #tpu.memory_space<semaphore_mem>>) src(%dma_wait3A_602 : memref<32x128xf32, #tpu.memory_space<vmem>>) dst(%dma_wait3A_598 : memref<32x128xf32, #tpu.memory_space<vmem_shared>>)
    %barrier3A = arith.constant 0 : index
    tpu.barrier barrier_id(%barrier3A)
    %mul3A_603 = arith.constant 640 : i32
    %mul3A_604 = arith.muli %arg1, %mul3A_603 : i32
    %add3A_605 = arith.constant 0 : i32
    %add3A_606 = arith.addi %mul3A_604, %add3A_605 : i32
    %dma_start3A_607 = arith.constant 0 : i32
    %dma_start3A_608 = arith.constant 0 : i32
    %dma_start3A_609 = arith.constant 0 : i32
    %dma_start3A_610 = tpu.memref_slice %arg6[%dma_start3A_607, %dma_start3A_608, %dma_start3A_609] : memref<2x16x32xi32, #tpu.memory_space<vmem>> -> memref<1x16x32xi32, #tpu.memory_space<vmem>>
    %dma_start3A_611 = tpu.memref_squeeze %dma_start3A_610 : memref<1x16x32xi32, #tpu.memory_space<vmem>> -> memref<16x32xi32, #tpu.memory_space<vmem>>
    %dma_start3A_612 = arith.constant 0 : i32
    %dma_start3A_613 = tpu.memref_slice %arg3[%add3A_606, %dma_start3A_612] : memref<10240x32xi32, #tpu.memory_space<hbm>> -> memref<16x32xi32, #tpu.memory_space<hbm>>
    %dma_start3A_614 = arith.constant 0 : i32
    %dma_start3A_615 = arith.constant 0 : i32
    %dma_start3A_616 = tpu.memref_slice %arg6[%dma_start3A_607, %dma_start3A_614, %dma_start3A_615] : memref<2x16x32xi32, #tpu.memory_space<vmem>> -> memref<1x16x32xi32, #tpu.memory_space<vmem>>
    %dma_start3A_617 = tpu.memref_squeeze %dma_start3A_616 : memref<1x16x32xi32, #tpu.memory_space<vmem>> -> memref<16x32xi32, #tpu.memory_space<vmem>>
    %dma_start3A_618 = arith.constant 0 : i32
    %dma_start3A_619 = tpu.memref_slice %arg3[%add3A_606, %dma_start3A_618] : memref<10240x32xi32, #tpu.memory_space<hbm>> -> memref<16x32xi32, #tpu.memory_space<hbm>>
    tpu.enqueue_dma source(%dma_start3A_619 : memref<16x32xi32, #tpu.memory_space<hbm>>) target(%dma_start3A_617 : memref<16x32xi32, #tpu.memory_space<vmem>>) target_semaphore(%arg15 : memref<!tpu.dma_semaphore, #tpu.memory_space<semaphore_mem>>)
    %dma_start3A_620 = arith.constant 0 : i32
    %dma_start3A_621 = arith.constant 0 : i32
    %dma_start3A_622 = arith.constant 0 : i32
    %dma_start3A_623 = tpu.memref_slice %arg7[%dma_start3A_620, %dma_start3A_621, %dma_start3A_622] : memref<2x16x32xi32, #tpu.memory_space<vmem>> -> memref<1x16x32xi32, #tpu.memory_space<vmem>>
    %dma_start3A_624 = tpu.memref_squeeze %dma_start3A_623 : memref<1x16x32xi32, #tpu.memory_space<vmem>> -> memref<16x32xi32, #tpu.memory_space<vmem>>
    %dma_start3A_625 = arith.constant 0 : i32
    %dma_start3A_626 = tpu.memref_slice %arg4[%add3A_606, %dma_start3A_625] : memref<10240x32xi32, #tpu.memory_space<hbm>> -> memref<16x32xi32, #tpu.memory_space<hbm>>
    %dma_start3A_627 = arith.constant 0 : i32
    %dma_start3A_628 = arith.constant 0 : i32
    %dma_start3A_629 = tpu.memref_slice %arg7[%dma_start3A_620, %dma_start3A_627, %dma_start3A_628] : memref<2x16x32xi32, #tpu.memory_space<vmem>> -> memref<1x16x32xi32, #tpu.memory_space<vmem>>
    %dma_start3A_630 = tpu.memref_squeeze %dma_start3A_629 : memref<1x16x32xi32, #tpu.memory_space<vmem>> -> memref<16x32xi32, #tpu.memory_space<vmem>>
    %dma_start3A_631 = arith.constant 0 : i32
    %dma_start3A_632 = tpu.memref_slice %arg4[%add3A_606, %dma_start3A_631] : memref<10240x32xi32, #tpu.memory_space<hbm>> -> memref<16x32xi32, #tpu.memory_space<hbm>>
    tpu.enqueue_dma source(%dma_start3A_632 : memref<16x32xi32, #tpu.memory_space<hbm>>) target(%dma_start3A_630 : memref<16x32xi32, #tpu.memory_space<vmem>>) target_semaphore(%arg15 : memref<!tpu.dma_semaphore, #tpu.memory_space<semaphore_mem>>)
    %scan3A_633 = arith.constant 0 : i32
    %scan3A_634 = arith.constant 0 : i32
    %scan3A_635 = arith.constant 20 : i32
    %scan3A_636 = arith.addi %scan3A_634, %scan3A_635 : i32
    %scan3A_637 = arith.constant 1 : i32
    scf.for %scan3A_640 = %scan3A_634 to %scan3A_636 step %scan3A_637  : i32 {
      %mul3A_641 = arith.constant 2 : i32
      %mul3A_642 = arith.muli %mul3A_641, %scan3A_640 : i32
      %mul3A_643 = arith.constant 16 : i32
      %mul3A_644 = arith.muli %mul3A_642, %mul3A_643 : i32
      %add3A_645 = arith.addi %mul3A_604, %mul3A_644 : i32
      %dma_wait3A_646 = arith.constant 0 : i32
      %dma_wait3A_647 = arith.constant 0 : i32
      %dma_wait3A_648 = arith.constant 0 : i32
      %dma_wait3A_649 = tpu.memref_slice %arg6[%dma_wait3A_646, %dma_wait3A_647, %dma_wait3A_648] : memref<2x16x32xi32, #tpu.memory_space<vmem>> -> memref<1x16x32xi32, #tpu.memory_space<vmem>>
      %dma_wait3A_650 = tpu.memref_squeeze %dma_wait3A_649 : memref<1x16x32xi32, #tpu.memory_space<vmem>> -> memref<16x32xi32, #tpu.memory_space<vmem>>
      %dma_wait3A_651 = arith.constant 0 : i32
      %dma_wait3A_652 = tpu.memref_slice %arg3[%add3A_645, %dma_wait3A_651] : memref<10240x32xi32, #tpu.memory_space<hbm>> -> memref<16x32xi32, #tpu.memory_space<hbm>>
      %dma_wait3A_653 = arith.constant 0 : i32
      %dma_wait3A_654 = arith.constant 0 : i32
      %dma_wait3A_655 = tpu.memref_slice %arg6[%dma_wait3A_646, %dma_wait3A_653, %dma_wait3A_654] : memref<2x16x32xi32, #tpu.memory_space<vmem>> -> memref<1x16x32xi32, #tpu.memory_space<vmem>>
      %dma_wait3A_656 = tpu.memref_squeeze %dma_wait3A_655 : memref<1x16x32xi32, #tpu.memory_space<vmem>> -> memref<16x32xi32, #tpu.memory_space<vmem>>
      %dma_wait3A_657 = arith.constant 0 : i32
      %dma_wait3A_658 = tpu.memref_slice %arg3[%add3A_645, %dma_wait3A_657] : memref<10240x32xi32, #tpu.memory_space<hbm>> -> memref<16x32xi32, #tpu.memory_space<hbm>>
      tpu.wait_dma2 semaphore(%arg15 : memref<!tpu.dma_semaphore, #tpu.memory_space<semaphore_mem>>) src(%dma_wait3A_658 : memref<16x32xi32, #tpu.memory_space<hbm>>) dst(%dma_wait3A_656 : memref<16x32xi32, #tpu.memory_space<vmem>>)
      %dma_wait3A_659 = arith.constant 0 : i32
      %dma_wait3A_660 = arith.constant 0 : i32
      %dma_wait3A_661 = arith.constant 0 : i32
      %dma_wait3A_662 = tpu.memref_slice %arg7[%dma_wait3A_659, %dma_wait3A_660, %dma_wait3A_661] : memref<2x16x32xi32, #tpu.memory_space<vmem>> -> memref<1x16x32xi32, #tpu.memory_space<vmem>>
      %dma_wait3A_663 = tpu.memref_squeeze %dma_wait3A_662 : memref<1x16x32xi32, #tpu.memory_space<vmem>> -> memref<16x32xi32, #tpu.memory_space<vmem>>
      %dma_wait3A_664 = arith.constant 0 : i32
      %dma_wait3A_665 = tpu.memref_slice %arg4[%add3A_645, %dma_wait3A_664] : memref<10240x32xi32, #tpu.memory_space<hbm>> -> memref<16x32xi32, #tpu.memory_space<hbm>>
      %dma_wait3A_666 = arith.constant 0 : i32
      %dma_wait3A_667 = arith.constant 0 : i32
      %dma_wait3A_668 = tpu.memref_slice %arg7[%dma_wait3A_659, %dma_wait3A_666, %dma_wait3A_667] : memref<2x16x32xi32, #tpu.memory_space<vmem>> -> memref<1x16x32xi32, #tpu.memory_space<vmem>>
      %dma_wait3A_669 = tpu.memref_squeeze %dma_wait3A_668 : memref<1x16x32xi32, #tpu.memory_space<vmem>> -> memref<16x32xi32, #tpu.memory_space<vmem>>
      %dma_wait3A_670 = arith.constant 0 : i32
      %dma_wait3A_671 = tpu.memref_slice %arg4[%add3A_645, %dma_wait3A_670] : memref<10240x32xi32, #tpu.memory_space<hbm>> -> memref<16x32xi32, #tpu.memory_space<hbm>>
      tpu.wait_dma2 semaphore(%arg15 : memref<!tpu.dma_semaphore, #tpu.memory_space<semaphore_mem>>) src(%dma_wait3A_671 : memref<16x32xi32, #tpu.memory_space<hbm>>) dst(%dma_wait3A_669 : memref<16x32xi32, #tpu.memory_space<vmem>>)
      %add3A_672 = arith.constant 1 : i32
      %add3A_673 = arith.addi %mul3A_642, %add3A_672 : i32
      %mul3A_674 = arith.constant 16 : i32
      %mul3A_675 = arith.muli %add3A_673, %mul3A_674 : i32
      %add3A_676 = arith.addi %mul3A_604, %mul3A_675 : i32
      %dma_start3A_677 = arith.constant 1 : i32
      %dma_start3A_678 = arith.constant 0 : i32
      %dma_start3A_679 = arith.constant 0 : i32
      %dma_start3A_680 = tpu.memref_slice %arg6[%dma_start3A_677, %dma_start3A_678, %dma_start3A_679] : memref<2x16x32xi32, #tpu.memory_space<vmem>> -> memref<1x16x32xi32, #tpu.memory_space<vmem>>
      %dma_start3A_681 = tpu.memref_squeeze %dma_start3A_680 : memref<1x16x32xi32, #tpu.memory_space<vmem>> -> memref<16x32xi32, #tpu.memory_space<vmem>>
      %dma_start3A_682 = arith.constant 0 : i32
      %dma_start3A_683 = tpu.memref_slice %arg3[%add3A_676, %dma_start3A_682] : memref<10240x32xi32, #tpu.memory_space<hbm>> -> memref<16x32xi32, #tpu.memory_space<hbm>>
      %dma_start3A_684 = arith.constant 0 : i32
      %dma_start3A_685 = arith.constant 0 : i32
      %dma_start3A_686 = tpu.memref_slice %arg6[%dma_start3A_677, %dma_start3A_684, %dma_start3A_685] : memref<2x16x32xi32, #tpu.memory_space<vmem>> -> memref<1x16x32xi32, #tpu.memory_space<vmem>>
      %dma_start3A_687 = tpu.memref_squeeze %dma_start3A_686 : memref<1x16x32xi32, #tpu.memory_space<vmem>> -> memref<16x32xi32, #tpu.memory_space<vmem>>
      %dma_start3A_688 = arith.constant 0 : i32
      %dma_start3A_689 = tpu.memref_slice %arg3[%add3A_676, %dma_start3A_688] : memref<10240x32xi32, #tpu.memory_space<hbm>> -> memref<16x32xi32, #tpu.memory_space<hbm>>
      tpu.enqueue_dma source(%dma_start3A_689 : memref<16x32xi32, #tpu.memory_space<hbm>>) target(%dma_start3A_687 : memref<16x32xi32, #tpu.memory_space<vmem>>) target_semaphore(%arg16 : memref<!tpu.dma_semaphore, #tpu.memory_space<semaphore_mem>>)
      %dma_start3A_690 = arith.constant 1 : i32
      %dma_start3A_691 = arith.constant 0 : i32
      %dma_start3A_692 = arith.constant 0 : i32
      %dma_start3A_693 = tpu.memref_slice %arg7[%dma_start3A_690, %dma_start3A_691, %dma_start3A_692] : memref<2x16x32xi32, #tpu.memory_space<vmem>> -> memref<1x16x32xi32, #tpu.memory_space<vmem>>
      %dma_start3A_694 = tpu.memref_squeeze %dma_start3A_693 : memref<1x16x32xi32, #tpu.memory_space<vmem>> -> memref<16x32xi32, #tpu.memory_space<vmem>>
      %dma_start3A_695 = arith.constant 0 : i32
      %dma_start3A_696 = tpu.memref_slice %arg4[%add3A_676, %dma_start3A_695] : memref<10240x32xi32, #tpu.memory_space<hbm>> -> memref<16x32xi32, #tpu.memory_space<hbm>>
      %dma_start3A_697 = arith.constant 0 : i32
      %dma_start3A_698 = arith.constant 0 : i32
      %dma_start3A_699 = tpu.memref_slice %arg7[%dma_start3A_690, %dma_start3A_697, %dma_start3A_698] : memref<2x16x32xi32, #tpu.memory_space<vmem>> -> memref<1x16x32xi32, #tpu.memory_space<vmem>>
      %dma_start3A_700 = tpu.memref_squeeze %dma_start3A_699 : memref<1x16x32xi32, #tpu.memory_space<vmem>> -> memref<16x32xi32, #tpu.memory_space<vmem>>
      %dma_start3A_701 = arith.constant 0 : i32
      %dma_start3A_702 = tpu.memref_slice %arg4[%add3A_676, %dma_start3A_701] : memref<10240x32xi32, #tpu.memory_space<hbm>> -> memref<16x32xi32, #tpu.memory_space<hbm>>
      tpu.enqueue_dma source(%dma_start3A_702 : memref<16x32xi32, #tpu.memory_space<hbm>>) target(%dma_start3A_700 : memref<16x32xi32, #tpu.memory_space<vmem>>) target_semaphore(%arg16 : memref<!tpu.dma_semaphore, #tpu.memory_space<semaphore_mem>>)
      %dma_start3A_703 = arith.constant 0 : i32
      %dma_start3A_704 = arith.constant 0 : i32
      %dma_start3A_705 = arith.constant 0 : i32
      %dma_start3A_706 = arith.constant 0 : i32
      %dma_start3A_707 = arith.constant 0 : i32
      %dma_start3A_708 = tpu.memref_slice %arg8[%dma_start3A_705, %dma_start3A_706, %dma_start3A_707] : memref<5x32x128xf32, #tpu.memory_space<vmem>> -> memref<1x32x128xf32, #tpu.memory_space<vmem>>
      %dma_start3A_709 = tpu.memref_squeeze %dma_start3A_708 : memref<1x32x128xf32, #tpu.memory_space<vmem>> -> memref<32x128xf32, #tpu.memory_space<vmem>>
      %dma_start3A_710 = arith.constant 0 : i32
      %dma_start3A_711 = tpu.memref_slice %arg6[%dma_start3A_703, %dma_start3A_704, %dma_start3A_710] : memref<2x16x32xi32, #tpu.memory_space<vmem>> -> memref<1x1x32xi32, #tpu.memory_space<vmem>>
      %dma_start3A_712 = tpu.memref_squeeze %dma_start3A_711 : memref<1x1x32xi32, #tpu.memory_space<vmem>> -> memref<32xi32, #tpu.memory_space<vmem>>
      %dma_start3A_713 = arith.constant 0 : i32
      %dma_start3A_714 = arith.constant 0 : i32
      %dma_start3A_715 = tpu.memref_slice %arg2[%arg0, %dma_start3A_713, %dma_start3A_714] : memref<2x10240x128xf32, #tpu.memory_space<hbm>> -> memref<1x10240x128xf32, #tpu.memory_space<hbm>>
      %dma_start3A_716 = tpu.memref_squeeze %dma_start3A_715 : memref<1x10240x128xf32, #tpu.memory_space<hbm>> -> memref<10240x128xf32, #tpu.memory_space<hbm>>
      %dma_start3A_717 = arith.constant 0 : i32
      %dma_start3A_718 = arith.constant 0 : i32
      %dma_start3A_719 = tpu.memref_slice %dma_start3A_716[%dma_start3A_717, %dma_start3A_718] : memref<10240x128xf32, #tpu.memory_space<hbm>> -> memref<10240x128xf32, #tpu.memory_space<hbm>>
      tpu.enqueue_indirect_dma source(%dma_start3A_719 : memref<10240x128xf32, #tpu.memory_space<hbm>>) target(%dma_start3A_709 : memref<32x128xf32, #tpu.memory_space<vmem>>) offsets(%dma_start3A_712 : memref<32xi32, #tpu.memory_space<vmem>>) semaphore(%arg10 : memref<!tpu.dma_semaphore, #tpu.memory_space<semaphore_mem>>)
      %dma_start3A_720 = arith.constant 0 : i32
      %dma_start3A_721 = arith.constant 1 : i32
      %dma_start3A_722 = arith.constant 1 : i32
      %dma_start3A_723 = arith.constant 0 : i32
      %dma_start3A_724 = arith.constant 0 : i32
      %dma_start3A_725 = tpu.memref_slice %arg8[%dma_start3A_722, %dma_start3A_723, %dma_start3A_724] : memref<5x32x128xf32, #tpu.memory_space<vmem>> -> memref<1x32x128xf32, #tpu.memory_space<vmem>>
      %dma_start3A_726 = tpu.memref_squeeze %dma_start3A_725 : memref<1x32x128xf32, #tpu.memory_space<vmem>> -> memref<32x128xf32, #tpu.memory_space<vmem>>
      %dma_start3A_727 = arith.constant 0 : i32
      %dma_start3A_728 = tpu.memref_slice %arg6[%dma_start3A_720, %dma_start3A_721, %dma_start3A_727] : memref<2x16x32xi32, #tpu.memory_space<vmem>> -> memref<1x1x32xi32, #tpu.memory_space<vmem>>
      %dma_start3A_729 = tpu.memref_squeeze %dma_start3A_728 : memref<1x1x32xi32, #tpu.memory_space<vmem>> -> memref<32xi32, #tpu.memory_space<vmem>>
      %dma_start3A_730 = arith.constant 0 : i32
      %dma_start3A_731 = arith.constant 0 : i32
      %dma_start3A_732 = tpu.memref_slice %arg2[%arg0, %dma_start3A_730, %dma_start3A_731] : memref<2x10240x128xf32, #tpu.memory_space<hbm>> -> memref<1x10240x128xf32, #tpu.memory_space<hbm>>
      %dma_start3A_733 = tpu.memref_squeeze %dma_start3A_732 : memref<1x10240x128xf32, #tpu.memory_space<hbm>> -> memref<10240x128xf32, #tpu.memory_space<hbm>>
      %dma_start3A_734 = arith.constant 0 : i32
      %dma_start3A_735 = arith.constant 0 : i32
      %dma_start3A_736 = tpu.memref_slice %dma_start3A_733[%dma_start3A_734, %dma_start3A_735] : memref<10240x128xf32, #tpu.memory_space<hbm>> -> memref<10240x128xf32, #tpu.memory_space<hbm>>
      tpu.enqueue_indirect_dma source(%dma_start3A_736 : memref<10240x128xf32, #tpu.memory_space<hbm>>) target(%dma_start3A_726 : memref<32x128xf32, #tpu.memory_space<vmem>>) offsets(%dma_start3A_729 : memref<32xi32, #tpu.memory_space<vmem>>) semaphore(%arg11 : memref<!tpu.dma_semaphore, #tpu.memory_space<semaphore_mem>>)
      %dma_start3A_737 = arith.constant 0 : i32
      %dma_start3A_738 = arith.constant 2 : i32
      %dma_start3A_739 = arith.constant 2 : i32
      %dma_start3A_740 = arith.constant 0 : i32
      %dma_start3A_741 = arith.constant 0 : i32
      %dma_start3A_742 = tpu.memref_slice %arg8[%dma_start3A_739, %dma_start3A_740, %dma_start3A_741] : memref<5x32x128xf32, #tpu.memory_space<vmem>> -> memref<1x32x128xf32, #tpu.memory_space<vmem>>
      %dma_start3A_743 = tpu.memref_squeeze %dma_start3A_742 : memref<1x32x128xf32, #tpu.memory_space<vmem>> -> memref<32x128xf32, #tpu.memory_space<vmem>>
      %dma_start3A_744 = arith.constant 0 : i32
      %dma_start3A_745 = tpu.memref_slice %arg6[%dma_start3A_737, %dma_start3A_738, %dma_start3A_744] : memref<2x16x32xi32, #tpu.memory_space<vmem>> -> memref<1x1x32xi32, #tpu.memory_space<vmem>>
      %dma_start3A_746 = tpu.memref_squeeze %dma_start3A_745 : memref<1x1x32xi32, #tpu.memory_space<vmem>> -> memref<32xi32, #tpu.memory_space<vmem>>
      %dma_start3A_747 = arith.constant 0 : i32
      %dma_start3A_748 = arith.constant 0 : i32
      %dma_start3A_749 = tpu.memref_slice %arg2[%arg0, %dma_start3A_747, %dma_start3A_748] : memref<2x10240x128xf32, #tpu.memory_space<hbm>> -> memref<1x10240x128xf32, #tpu.memory_space<hbm>>
      %dma_start3A_750 = tpu.memref_squeeze %dma_start3A_749 : memref<1x10240x128xf32, #tpu.memory_space<hbm>> -> memref<10240x128xf32, #tpu.memory_space<hbm>>
      %dma_start3A_751 = arith.constant 0 : i32
      %dma_start3A_752 = arith.constant 0 : i32
      %dma_start3A_753 = tpu.memref_slice %dma_start3A_750[%dma_start3A_751, %dma_start3A_752] : memref<10240x128xf32, #tpu.memory_space<hbm>> -> memref<10240x128xf32, #tpu.memory_space<hbm>>
      tpu.enqueue_indirect_dma source(%dma_start3A_753 : memref<10240x128xf32, #tpu.memory_space<hbm>>) target(%dma_start3A_743 : memref<32x128xf32, #tpu.memory_space<vmem>>) offsets(%dma_start3A_746 : memref<32xi32, #tpu.memory_space<vmem>>) semaphore(%arg12 : memref<!tpu.dma_semaphore, #tpu.memory_space<semaphore_mem>>)
      %dma_start3A_754 = arith.constant 0 : i32
      %dma_start3A_755 = arith.constant 3 : i32
      %dma_start3A_756 = arith.constant 3 : i32
      %dma_start3A_757 = arith.constant 0 : i32
      %dma_start3A_758 = arith.constant 0 : i32
      %dma_start3A_759 = tpu.memref_slice %arg8[%dma_start3A_756, %dma_start3A_757, %dma_start3A_758] : memref<5x32x128xf32, #tpu.memory_space<vmem>> -> memref<1x32x128xf32, #tpu.memory_space<vmem>>
      %dma_start3A_760 = tpu.memref_squeeze %dma_start3A_759 : memref<1x32x128xf32, #tpu.memory_space<vmem>> -> memref<32x128xf32, #tpu.memory_space<vmem>>
      %dma_start3A_761 = arith.constant 0 : i32
      %dma_start3A_762 = tpu.memref_slice %arg6[%dma_start3A_754, %dma_start3A_755, %dma_start3A_761] : memref<2x16x32xi32, #tpu.memory_space<vmem>> -> memref<1x1x32xi32, #tpu.memory_space<vmem>>
      %dma_start3A_763 = tpu.memref_squeeze %dma_start3A_762 : memref<1x1x32xi32, #tpu.memory_space<vmem>> -> memref<32xi32, #tpu.memory_space<vmem>>
      %dma_start3A_764 = arith.constant 0 : i32
      %dma_start3A_765 = arith.constant 0 : i32
      %dma_start3A_766 = tpu.memref_slice %arg2[%arg0, %dma_start3A_764, %dma_start3A_765] : memref<2x10240x128xf32, #tpu.memory_space<hbm>> -> memref<1x10240x128xf32, #tpu.memory_space<hbm>>
      %dma_start3A_767 = tpu.memref_squeeze %dma_start3A_766 : memref<1x10240x128xf32, #tpu.memory_space<hbm>> -> memref<10240x128xf32, #tpu.memory_space<hbm>>
      %dma_start3A_768 = arith.constant 0 : i32
      %dma_start3A_769 = arith.constant 0 : i32
      %dma_start3A_770 = tpu.memref_slice %dma_start3A_767[%dma_start3A_768, %dma_start3A_769] : memref<10240x128xf32, #tpu.memory_space<hbm>> -> memref<10240x128xf32, #tpu.memory_space<hbm>>
      tpu.enqueue_indirect_dma source(%dma_start3A_770 : memref<10240x128xf32, #tpu.memory_space<hbm>>) target(%dma_start3A_760 : memref<32x128xf32, #tpu.memory_space<vmem>>) offsets(%dma_start3A_763 : memref<32xi32, #tpu.memory_space<vmem>>) semaphore(%arg13 : memref<!tpu.dma_semaphore, #tpu.memory_space<semaphore_mem>>)
      %dma_start3A_771 = arith.constant 0 : i32
      %dma_start3A_772 = arith.constant 4 : i32
      %dma_start3A_773 = arith.constant 4 : i32
      %dma_start3A_774 = arith.constant 0 : i32
      %dma_start3A_775 = arith.constant 0 : i32
      %dma_start3A_776 = tpu.memref_slice %arg8[%dma_start3A_773, %dma_start3A_774, %dma_start3A_775] : memref<5x32x128xf32, #tpu.memory_space<vmem>> -> memref<1x32x128xf32, #tpu.memory_space<vmem>>
      %dma_start3A_777 = tpu.memref_squeeze %dma_start3A_776 : memref<1x32x128xf32, #tpu.memory_space<vmem>> -> memref<32x128xf32, #tpu.memory_space<vmem>>
      %dma_start3A_778 = arith.constant 0 : i32
      %dma_start3A_779 = tpu.memref_slice %arg6[%dma_start3A_771, %dma_start3A_772, %dma_start3A_778] : memref<2x16x32xi32, #tpu.memory_space<vmem>> -> memref<1x1x32xi32, #tpu.memory_space<vmem>>
      %dma_start3A_780 = tpu.memref_squeeze %dma_start3A_779 : memref<1x1x32xi32, #tpu.memory_space<vmem>> -> memref<32xi32, #tpu.memory_space<vmem>>
      %dma_start3A_781 = arith.constant 0 : i32
      %dma_start3A_782 = arith.constant 0 : i32
      %dma_start3A_783 = tpu.memref_slice %arg2[%arg0, %dma_start3A_781, %dma_start3A_782] : memref<2x10240x128xf32, #tpu.memory_space<hbm>> -> memref<1x10240x128xf32, #tpu.memory_space<hbm>>
      %dma_start3A_784 = tpu.memref_squeeze %dma_start3A_783 : memref<1x10240x128xf32, #tpu.memory_space<hbm>> -> memref<10240x128xf32, #tpu.memory_space<hbm>>
      %dma_start3A_785 = arith.constant 0 : i32
      %dma_start3A_786 = arith.constant 0 : i32
      %dma_start3A_787 = tpu.memref_slice %dma_start3A_784[%dma_start3A_785, %dma_start3A_786] : memref<10240x128xf32, #tpu.memory_space<hbm>> -> memref<10240x128xf32, #tpu.memory_space<hbm>>
      tpu.enqueue_indirect_dma source(%dma_start3A_787 : memref<10240x128xf32, #tpu.memory_space<hbm>>) target(%dma_start3A_777 : memref<32x128xf32, #tpu.memory_space<vmem>>) offsets(%dma_start3A_780 : memref<32xi32, #tpu.memory_space<vmem>>) semaphore(%arg14 : memref<!tpu.dma_semaphore, #tpu.memory_space<semaphore_mem>>)
      %dma_wait3A_788 = arith.constant 0 : i32
      %dma_wait3A_789 = arith.constant 0 : i32
      %dma_wait3A_790 = arith.constant 0 : i32
      %dma_wait3A_791 = arith.constant 0 : i32
      %dma_wait3A_792 = arith.constant 0 : i32
      %dma_wait3A_793 = tpu.memref_slice %arg8[%dma_wait3A_790, %dma_wait3A_791, %dma_wait3A_792] : memref<5x32x128xf32, #tpu.memory_space<vmem>> -> memref<1x32x128xf32, #tpu.memory_space<vmem>>
      %dma_wait3A_794 = tpu.memref_squeeze %dma_wait3A_793 : memref<1x32x128xf32, #tpu.memory_space<vmem>> -> memref<32x128xf32, #tpu.memory_space<vmem>>
      %dma_wait3A_795 = arith.constant 0 : i32
      %dma_wait3A_796 = tpu.memref_slice %arg6[%dma_wait3A_788, %dma_wait3A_789, %dma_wait3A_795] : memref<2x16x32xi32, #tpu.memory_space<vmem>> -> memref<1x1x32xi32, #tpu.memory_space<vmem>>
      %dma_wait3A_797 = tpu.memref_squeeze %dma_wait3A_796 : memref<1x1x32xi32, #tpu.memory_space<vmem>> -> memref<32xi32, #tpu.memory_space<vmem>>
      %dma_wait3A_798 = arith.constant 0 : i32
      %dma_wait3A_799 = arith.constant 0 : i32
      %dma_wait3A_800 = tpu.memref_slice %arg2[%arg0, %dma_wait3A_798, %dma_wait3A_799] : memref<2x10240x128xf32, #tpu.memory_space<hbm>> -> memref<1x10240x128xf32, #tpu.memory_space<hbm>>
      %dma_wait3A_801 = tpu.memref_squeeze %dma_wait3A_800 : memref<1x10240x128xf32, #tpu.memory_space<hbm>> -> memref<10240x128xf32, #tpu.memory_space<hbm>>
      %dma_wait3A_802 = arith.constant 0 : i32
      %dma_wait3A_803 = arith.constant 0 : i32
      %dma_wait3A_804 = tpu.memref_slice %dma_wait3A_801[%dma_wait3A_802, %dma_wait3A_803] : memref<10240x128xf32, #tpu.memory_space<hbm>> -> memref<10240x128xf32, #tpu.memory_space<hbm>>
      tpu.wait_indirect_dma semaphore(%arg10 : memref<!tpu.dma_semaphore, #tpu.memory_space<semaphore_mem>>) src(%dma_wait3A_804 : memref<10240x128xf32, #tpu.memory_space<hbm>>) dst(%dma_wait3A_794 : memref<32x128xf32, #tpu.memory_space<vmem>>)
      %run_scoped3A = arith.constant 0 : i32
      %run_scoped3A_805 = arith.constant 0 : i32
      %run_scoped3A_806 = arith.constant 0 : i32
      "tpu.region"() ({
        %run_scoped3A_1923 = tpu.sem_alloc : memref<!tpu.dma_semaphore, #tpu.memory_space<semaphore_mem>>
        %dma_start3A_1924 = arith.constant 0 : i32
        %dma_start3A_1925 = arith.constant 0 : i32
        %dma_start3A_1926 = tpu.memref_slice %arg8[%run_scoped3A, %dma_start3A_1924, %dma_start3A_1925] : memref<5x32x128xf32, #tpu.memory_space<vmem>> -> memref<1x32x128xf32, #tpu.memory_space<vmem>>
        %dma_start3A_1927 = tpu.memref_squeeze %dma_start3A_1926 : memref<1x32x128xf32, #tpu.memory_space<vmem>> -> memref<32x128xf32, #tpu.memory_space<vmem>>
        %dma_start3A_1928 = arith.constant 0 : i32
        %dma_start3A_1929 = tpu.memref_slice %arg7[%run_scoped3A_805, %run_scoped3A_806, %dma_start3A_1928] : memref<2x16x32xi32, #tpu.memory_space<vmem>> -> memref<1x1x32xi32, #tpu.memory_space<vmem>>
        %dma_start3A_1930 = tpu.memref_squeeze %dma_start3A_1929 : memref<1x1x32xi32, #tpu.memory_space<vmem>> -> memref<32xi32, #tpu.memory_space<vmem>>
        %dma_start3A_1931 = arith.constant 0 : i32
        %dma_start3A_1932 = arith.constant 0 : i32
        %dma_start3A_1933 = tpu.memref_slice %arg9[%dma_start3A_1931, %dma_start3A_1932] : memref<10240x128xf32, #tpu.memory_space<vmem_shared>> -> memref<10240x128xf32, #tpu.memory_space<vmem_shared>>
        tpu.enqueue_indirect_dma source(%dma_start3A_1927 : memref<32x128xf32, #tpu.memory_space<vmem>>) target(%dma_start3A_1933 : memref<10240x128xf32, #tpu.memory_space<vmem_shared>>) offsets(%dma_start3A_1930 : memref<32xi32, #tpu.memory_space<vmem>>) semaphore(%run_scoped3A_1923 : memref<!tpu.dma_semaphore, #tpu.memory_space<semaphore_mem>>) {add = true}
        %dma_wait3A_1934 = arith.constant 0 : i32
        %dma_wait3A_1935 = arith.constant 0 : i32
        %dma_wait3A_1936 = tpu.memref_slice %arg8[%run_scoped3A, %dma_wait3A_1934, %dma_wait3A_1935] : memref<5x32x128xf32, #tpu.memory_space<vmem>> -> memref<1x32x128xf32, #tpu.memory_space<vmem>>
        %dma_wait3A_1937 = tpu.memref_squeeze %dma_wait3A_1936 : memref<1x32x128xf32, #tpu.memory_space<vmem>> -> memref<32x128xf32, #tpu.memory_space<vmem>>
        %dma_wait3A_1938 = arith.constant 0 : i32
        %dma_wait3A_1939 = tpu.memref_slice %arg7[%run_scoped3A_805, %run_scoped3A_806, %dma_wait3A_1938] : memref<2x16x32xi32, #tpu.memory_space<vmem>> -> memref<1x1x32xi32, #tpu.memory_space<vmem>>
        %dma_wait3A_1940 = tpu.memref_squeeze %dma_wait3A_1939 : memref<1x1x32xi32, #tpu.memory_space<vmem>> -> memref<32xi32, #tpu.memory_space<vmem>>
        %dma_wait3A_1941 = arith.constant 0 : i32
        %dma_wait3A_1942 = arith.constant 0 : i32
        %dma_wait3A_1943 = tpu.memref_slice %arg9[%dma_wait3A_1941, %dma_wait3A_1942] : memref<10240x128xf32, #tpu.memory_space<vmem_shared>> -> memref<10240x128xf32, #tpu.memory_space<vmem_shared>>
        tpu.wait_indirect_dma semaphore(%run_scoped3A_1923 : memref<!tpu.dma_semaphore, #tpu.memory_space<semaphore_mem>>) src(%dma_wait3A_1937 : memref<32x128xf32, #tpu.memory_space<vmem>>) dst(%dma_wait3A_1943 : memref<10240x128xf32, #tpu.memory_space<vmem_shared>>)
        tpu.yield
      }) : () -> ()
      %dma_start3A_807 = arith.constant 0 : i32
      %dma_start3A_808 = arith.constant 5 : i32
      %dma_start3A_809 = arith.constant 0 : i32
      %dma_start3A_810 = arith.constant 0 : i32
      %dma_start3A_811 = arith.constant 0 : i32
      %dma_start3A_812 = tpu.memref_slice %arg8[%dma_start3A_809, %dma_start3A_810, %dma_start3A_811] : memref<5x32x128xf32, #tpu.memory_space<vmem>> -> memref<1x32x128xf32, #tpu.memory_space<vmem>>
      %dma_start3A_813 = tpu.memref_squeeze %dma_start3A_812 : memref<1x32x128xf32, #tpu.memory_space<vmem>> -> memref<32x128xf32, #tpu.memory_space<vmem>>
      %dma_start3A_814 = arith.constant 0 : i32
      %dma_start3A_815 = tpu.memref_slice %arg6[%dma_start3A_807, %dma_start3A_808, %dma_start3A_814] : memref<2x16x32xi32, #tpu.memory_space<vmem>> -> memref<1x1x32xi32, #tpu.memory_space<vmem>>
      %dma_start3A_816 = tpu.memref_squeeze %dma_start3A_815 : memref<1x1x32xi32, #tpu.memory_space<vmem>> -> memref<32xi32, #tpu.memory_space<vmem>>
      %dma_start3A_817 = arith.constant 0 : i32
      %dma_start3A_818 = arith.constant 0 : i32
      %dma_start3A_819 = tpu.memref_slice %arg2[%arg0, %dma_start3A_817, %dma_start3A_818] : memref<2x10240x128xf32, #tpu.memory_space<hbm>> -> memref<1x10240x128xf32, #tpu.memory_space<hbm>>
      %dma_start3A_820 = tpu.memref_squeeze %dma_start3A_819 : memref<1x10240x128xf32, #tpu.memory_space<hbm>> -> memref<10240x128xf32, #tpu.memory_space<hbm>>
      %dma_start3A_821 = arith.constant 0 : i32
      %dma_start3A_822 = arith.constant 0 : i32
      %dma_start3A_823 = tpu.memref_slice %dma_start3A_820[%dma_start3A_821, %dma_start3A_822] : memref<10240x128xf32, #tpu.memory_space<hbm>> -> memref<10240x128xf32, #tpu.memory_space<hbm>>
      tpu.enqueue_indirect_dma source(%dma_start3A_823 : memref<10240x128xf32, #tpu.memory_space<hbm>>) target(%dma_start3A_813 : memref<32x128xf32, #tpu.memory_space<vmem>>) offsets(%dma_start3A_816 : memref<32xi32, #tpu.memory_space<vmem>>) semaphore(%arg10 : memref<!tpu.dma_semaphore, #tpu.memory_space<semaphore_mem>>)
      %dma_wait3A_824 = arith.constant 0 : i32
      %dma_wait3A_825 = arith.constant 1 : i32
      %dma_wait3A_826 = arith.constant 1 : i32
      %dma_wait3A_827 = arith.constant 0 : i32
      %dma_wait3A_828 = arith.constant 0 : i32
      %dma_wait3A_829 = tpu.memref_slice %arg8[%dma_wait3A_826, %dma_wait3A_827, %dma_wait3A_828] : memref<5x32x128xf32, #tpu.memory_space<vmem>> -> memref<1x32x128xf32, #tpu.memory_space<vmem>>
      %dma_wait3A_830 = tpu.memref_squeeze %dma_wait3A_829 : memref<1x32x128xf32, #tpu.memory_space<vmem>> -> memref<32x128xf32, #tpu.memory_space<vmem>>
      %dma_wait3A_831 = arith.constant 0 : i32
      %dma_wait3A_832 = tpu.memref_slice %arg6[%dma_wait3A_824, %dma_wait3A_825, %dma_wait3A_831] : memref<2x16x32xi32, #tpu.memory_space<vmem>> -> memref<1x1x32xi32, #tpu.memory_space<vmem>>
      %dma_wait3A_833 = tpu.memref_squeeze %dma_wait3A_832 : memref<1x1x32xi32, #tpu.memory_space<vmem>> -> memref<32xi32, #tpu.memory_space<vmem>>
      %dma_wait3A_834 = arith.constant 0 : i32
      %dma_wait3A_835 = arith.constant 0 : i32
      %dma_wait3A_836 = tpu.memref_slice %arg2[%arg0, %dma_wait3A_834, %dma_wait3A_835] : memref<2x10240x128xf32, #tpu.memory_space<hbm>> -> memref<1x10240x128xf32, #tpu.memory_space<hbm>>
      %dma_wait3A_837 = tpu.memref_squeeze %dma_wait3A_836 : memref<1x10240x128xf32, #tpu.memory_space<hbm>> -> memref<10240x128xf32, #tpu.memory_space<hbm>>
      %dma_wait3A_838 = arith.constant 0 : i32
      %dma_wait3A_839 = arith.constant 0 : i32
      %dma_wait3A_840 = tpu.memref_slice %dma_wait3A_837[%dma_wait3A_838, %dma_wait3A_839] : memref<10240x128xf32, #tpu.memory_space<hbm>> -> memref<10240x128xf32, #tpu.memory_space<hbm>>
      tpu.wait_indirect_dma semaphore(%arg11 : memref<!tpu.dma_semaphore, #tpu.memory_space<semaphore_mem>>) src(%dma_wait3A_840 : memref<10240x128xf32, #tpu.memory_space<hbm>>) dst(%dma_wait3A_830 : memref<32x128xf32, #tpu.memory_space<vmem>>)
      %run_scoped3A_841 = arith.constant 1 : i32
      %run_scoped3A_842 = arith.constant 0 : i32
      %run_scoped3A_843 = arith.constant 1 : i32
      "tpu.region"() ({
        %run_scoped3A_1923 = tpu.sem_alloc : memref<!tpu.dma_semaphore, #tpu.memory_space<semaphore_mem>>
        %dma_start3A_1924 = arith.constant 0 : i32
        %dma_start3A_1925 = arith.constant 0 : i32
        %dma_start3A_1926 = tpu.memref_slice %arg8[%run_scoped3A_841, %dma_start3A_1924, %dma_start3A_1925] : memref<5x32x128xf32, #tpu.memory_space<vmem>> -> memref<1x32x128xf32, #tpu.memory_space<vmem>>
        %dma_start3A_1927 = tpu.memref_squeeze %dma_start3A_1926 : memref<1x32x128xf32, #tpu.memory_space<vmem>> -> memref<32x128xf32, #tpu.memory_space<vmem>>
        %dma_start3A_1928 = arith.constant 0 : i32
        %dma_start3A_1929 = tpu.memref_slice %arg7[%run_scoped3A_842, %run_scoped3A_843, %dma_start3A_1928] : memref<2x16x32xi32, #tpu.memory_space<vmem>> -> memref<1x1x32xi32, #tpu.memory_space<vmem>>
        %dma_start3A_1930 = tpu.memref_squeeze %dma_start3A_1929 : memref<1x1x32xi32, #tpu.memory_space<vmem>> -> memref<32xi32, #tpu.memory_space<vmem>>
        %dma_start3A_1931 = arith.constant 0 : i32
        %dma_start3A_1932 = arith.constant 0 : i32
        %dma_start3A_1933 = tpu.memref_slice %arg9[%dma_start3A_1931, %dma_start3A_1932] : memref<10240x128xf32, #tpu.memory_space<vmem_shared>> -> memref<10240x128xf32, #tpu.memory_space<vmem_shared>>
        tpu.enqueue_indirect_dma source(%dma_start3A_1927 : memref<32x128xf32, #tpu.memory_space<vmem>>) target(%dma_start3A_1933 : memref<10240x128xf32, #tpu.memory_space<vmem_shared>>) offsets(%dma_start3A_1930 : memref<32xi32, #tpu.memory_space<vmem>>) semaphore(%run_scoped3A_1923 : memref<!tpu.dma_semaphore, #tpu.memory_space<semaphore_mem>>) {add = true}
        %dma_wait3A_1934 = arith.constant 0 : i32
        %dma_wait3A_1935 = arith.constant 0 : i32
        %dma_wait3A_1936 = tpu.memref_slice %arg8[%run_scoped3A_841, %dma_wait3A_1934, %dma_wait3A_1935] : memref<5x32x128xf32, #tpu.memory_space<vmem>> -> memref<1x32x128xf32, #tpu.memory_space<vmem>>
        %dma_wait3A_1937 = tpu.memref_squeeze %dma_wait3A_1936 : memref<1x32x128xf32, #tpu.memory_space<vmem>> -> memref<32x128xf32, #tpu.memory_space<vmem>>
        %dma_wait3A_1938 = arith.constant 0 : i32
        %dma_wait3A_1939 = tpu.memref_slice %arg7[%run_scoped3A_842, %run_scoped3A_843, %dma_wait3A_1938] : memref<2x16x32xi32, #tpu.memory_space<vmem>> -> memref<1x1x32xi32, #tpu.memory_space<vmem>>
        %dma_wait3A_1940 = tpu.memref_squeeze %dma_wait3A_1939 : memref<1x1x32xi32, #tpu.memory_space<vmem>> -> memref<32xi32, #tpu.memory_space<vmem>>
        %dma_wait3A_1941 = arith.constant 0 : i32
        %dma_wait3A_1942 = arith.constant 0 : i32
        %dma_wait3A_1943 = tpu.memref_slice %arg9[%dma_wait3A_1941, %dma_wait3A_1942] : memref<10240x128xf32, #tpu.memory_space<vmem_shared>> -> memref<10240x128xf32, #tpu.memory_space<vmem_shared>>
        tpu.wait_indirect_dma semaphore(%run_scoped3A_1923 : memref<!tpu.dma_semaphore, #tpu.memory_space<semaphore_mem>>) src(%dma_wait3A_1937 : memref<32x128xf32, #tpu.memory_space<vmem>>) dst(%dma_wait3A_1943 : memref<10240x128xf32, #tpu.memory_space<vmem_shared>>)
        tpu.yield
      }) : () -> ()
      %dma_start3A_844 = arith.constant 0 : i32
      %dma_start3A_845 = arith.constant 6 : i32
      %dma_start3A_846 = arith.constant 1 : i32
      %dma_start3A_847 = arith.constant 0 : i32
      %dma_start3A_848 = arith.constant 0 : i32
      %dma_start3A_849 = tpu.memref_slice %arg8[%dma_start3A_846, %dma_start3A_847, %dma_start3A_848] : memref<5x32x128xf32, #tpu.memory_space<vmem>> -> memref<1x32x128xf32, #tpu.memory_space<vmem>>
      %dma_start3A_850 = tpu.memref_squeeze %dma_start3A_849 : memref<1x32x128xf32, #tpu.memory_space<vmem>> -> memref<32x128xf32, #tpu.memory_space<vmem>>
      %dma_start3A_851 = arith.constant 0 : i32
      %dma_start3A_852 = tpu.memref_slice %arg6[%dma_start3A_844, %dma_start3A_845, %dma_start3A_851] : memref<2x16x32xi32, #tpu.memory_space<vmem>> -> memref<1x1x32xi32, #tpu.memory_space<vmem>>
      %dma_start3A_853 = tpu.memref_squeeze %dma_start3A_852 : memref<1x1x32xi32, #tpu.memory_space<vmem>> -> memref<32xi32, #tpu.memory_space<vmem>>
      %dma_start3A_854 = arith.constant 0 : i32
      %dma_start3A_855 = arith.constant 0 : i32
      %dma_start3A_856 = tpu.memref_slice %arg2[%arg0, %dma_start3A_854, %dma_start3A_855] : memref<2x10240x128xf32, #tpu.memory_space<hbm>> -> memref<1x10240x128xf32, #tpu.memory_space<hbm>>
      %dma_start3A_857 = tpu.memref_squeeze %dma_start3A_856 : memref<1x10240x128xf32, #tpu.memory_space<hbm>> -> memref<10240x128xf32, #tpu.memory_space<hbm>>
      %dma_start3A_858 = arith.constant 0 : i32
      %dma_start3A_859 = arith.constant 0 : i32
      %dma_start3A_860 = tpu.memref_slice %dma_start3A_857[%dma_start3A_858, %dma_start3A_859] : memref<10240x128xf32, #tpu.memory_space<hbm>> -> memref<10240x128xf32, #tpu.memory_space<hbm>>
      tpu.enqueue_indirect_dma source(%dma_start3A_860 : memref<10240x128xf32, #tpu.memory_space<hbm>>) target(%dma_start3A_850 : memref<32x128xf32, #tpu.memory_space<vmem>>) offsets(%dma_start3A_853 : memref<32xi32, #tpu.memory_space<vmem>>) semaphore(%arg11 : memref<!tpu.dma_semaphore, #tpu.memory_space<semaphore_mem>>)
      %dma_wait3A_861 = arith.constant 0 : i32
      %dma_wait3A_862 = arith.constant 2 : i32
      %dma_wait3A_863 = arith.constant 2 : i32
      %dma_wait3A_864 = arith.constant 0 : i32
      %dma_wait3A_865 = arith.constant 0 : i32
      %dma_wait3A_866 = tpu.memref_slice %arg8[%dma_wait3A_863, %dma_wait3A_864, %dma_wait3A_865] : memref<5x32x128xf32, #tpu.memory_space<vmem>> -> memref<1x32x128xf32, #tpu.memory_space<vmem>>
      %dma_wait3A_867 = tpu.memref_squeeze %dma_wait3A_866 : memref<1x32x128xf32, #tpu.memory_space<vmem>> -> memref<32x128xf32, #tpu.memory_space<vmem>>
      %dma_wait3A_868 = arith.constant 0 : i32
      %dma_wait3A_869 = tpu.memref_slice %arg6[%dma_wait3A_861, %dma_wait3A_862, %dma_wait3A_868] : memref<2x16x32xi32, #tpu.memory_space<vmem>> -> memref<1x1x32xi32, #tpu.memory_space<vmem>>
      %dma_wait3A_870 = tpu.memref_squeeze %dma_wait3A_869 : memref<1x1x32xi32, #tpu.memory_space<vmem>> -> memref<32xi32, #tpu.memory_space<vmem>>
      %dma_wait3A_871 = arith.constant 0 : i32
      %dma_wait3A_872 = arith.constant 0 : i32
      %dma_wait3A_873 = tpu.memref_slice %arg2[%arg0, %dma_wait3A_871, %dma_wait3A_872] : memref<2x10240x128xf32, #tpu.memory_space<hbm>> -> memref<1x10240x128xf32, #tpu.memory_space<hbm>>
      %dma_wait3A_874 = tpu.memref_squeeze %dma_wait3A_873 : memref<1x10240x128xf32, #tpu.memory_space<hbm>> -> memref<10240x128xf32, #tpu.memory_space<hbm>>
      %dma_wait3A_875 = arith.constant 0 : i32
      %dma_wait3A_876 = arith.constant 0 : i32
      %dma_wait3A_877 = tpu.memref_slice %dma_wait3A_874[%dma_wait3A_875, %dma_wait3A_876] : memref<10240x128xf32, #tpu.memory_space<hbm>> -> memref<10240x128xf32, #tpu.memory_space<hbm>>
      tpu.wait_indirect_dma semaphore(%arg12 : memref<!tpu.dma_semaphore, #tpu.memory_space<semaphore_mem>>) src(%dma_wait3A_877 : memref<10240x128xf32, #tpu.memory_space<hbm>>) dst(%dma_wait3A_867 : memref<32x128xf32, #tpu.memory_space<vmem>>)
      %run_scoped3A_878 = arith.constant 2 : i32
      %run_scoped3A_879 = arith.constant 0 : i32
      %run_scoped3A_880 = arith.constant 2 : i32
      "tpu.region"() ({
        %run_scoped3A_1923 = tpu.sem_alloc : memref<!tpu.dma_semaphore, #tpu.memory_space<semaphore_mem>>
        %dma_start3A_1924 = arith.constant 0 : i32
        %dma_start3A_1925 = arith.constant 0 : i32
        %dma_start3A_1926 = tpu.memref_slice %arg8[%run_scoped3A_878, %dma_start3A_1924, %dma_start3A_1925] : memref<5x32x128xf32, #tpu.memory_space<vmem>> -> memref<1x32x128xf32, #tpu.memory_space<vmem>>
        %dma_start3A_1927 = tpu.memref_squeeze %dma_start3A_1926 : memref<1x32x128xf32, #tpu.memory_space<vmem>> -> memref<32x128xf32, #tpu.memory_space<vmem>>
        %dma_start3A_1928 = arith.constant 0 : i32
        %dma_start3A_1929 = tpu.memref_slice %arg7[%run_scoped3A_879, %run_scoped3A_880, %dma_start3A_1928] : memref<2x16x32xi32, #tpu.memory_space<vmem>> -> memref<1x1x32xi32, #tpu.memory_space<vmem>>
        %dma_start3A_1930 = tpu.memref_squeeze %dma_start3A_1929 : memref<1x1x32xi32, #tpu.memory_space<vmem>> -> memref<32xi32, #tpu.memory_space<vmem>>
        %dma_start3A_1931 = arith.constant 0 : i32
        %dma_start3A_1932 = arith.constant 0 : i32
        %dma_start3A_1933 = tpu.memref_slice %arg9[%dma_start3A_1931, %dma_start3A_1932] : memref<10240x128xf32, #tpu.memory_space<vmem_shared>> -> memref<10240x128xf32, #tpu.memory_space<vmem_shared>>
        tpu.enqueue_indirect_dma source(%dma_start3A_1927 : memref<32x128xf32, #tpu.memory_space<vmem>>) target(%dma_start3A_1933 : memref<10240x128xf32, #tpu.memory_space<vmem_shared>>) offsets(%dma_start3A_1930 : memref<32xi32, #tpu.memory_space<vmem>>) semaphore(%run_scoped3A_1923 : memref<!tpu.dma_semaphore, #tpu.memory_space<semaphore_mem>>) {add = true}
        %dma_wait3A_1934 = arith.constant 0 : i32
        %dma_wait3A_1935 = arith.constant 0 : i32
        %dma_wait3A_1936 = tpu.memref_slice %arg8[%run_scoped3A_878, %dma_wait3A_1934, %dma_wait3A_1935] : memref<5x32x128xf32, #tpu.memory_space<vmem>> -> memref<1x32x128xf32, #tpu.memory_space<vmem>>
        %dma_wait3A_1937 = tpu.memref_squeeze %dma_wait3A_1936 : memref<1x32x128xf32, #tpu.memory_space<vmem>> -> memref<32x128xf32, #tpu.memory_space<vmem>>
        %dma_wait3A_1938 = arith.constant 0 : i32
        %dma_wait3A_1939 = tpu.memref_slice %arg7[%run_scoped3A_879, %run_scoped3A_880, %dma_wait3A_1938] : memref<2x16x32xi32, #tpu.memory_space<vmem>> -> memref<1x1x32xi32, #tpu.memory_space<vmem>>
        %dma_wait3A_1940 = tpu.memref_squeeze %dma_wait3A_1939 : memref<1x1x32xi32, #tpu.memory_space<vmem>> -> memref<32xi32, #tpu.memory_space<vmem>>
        %dma_wait3A_1941 = arith.constant 0 : i32
        %dma_wait3A_1942 = arith.constant 0 : i32
        %dma_wait3A_1943 = tpu.memref_slice %arg9[%dma_wait3A_1941, %dma_wait3A_1942] : memref<10240x128xf32, #tpu.memory_space<vmem_shared>> -> memref<10240x128xf32, #tpu.memory_space<vmem_shared>>
        tpu.wait_indirect_dma semaphore(%run_scoped3A_1923 : memref<!tpu.dma_semaphore, #tpu.memory_space<semaphore_mem>>) src(%dma_wait3A_1937 : memref<32x128xf32, #tpu.memory_space<vmem>>) dst(%dma_wait3A_1943 : memref<10240x128xf32, #tpu.memory_space<vmem_shared>>)
        tpu.yield
      }) : () -> ()
      %dma_start3A_881 = arith.constant 0 : i32
      %dma_start3A_882 = arith.constant 7 : i32
      %dma_start3A_883 = arith.constant 2 : i32
      %dma_start3A_884 = arith.constant 0 : i32
      %dma_start3A_885 = arith.constant 0 : i32
      %dma_start3A_886 = tpu.memref_slice %arg8[%dma_start3A_883, %dma_start3A_884, %dma_start3A_885] : memref<5x32x128xf32, #tpu.memory_space<vmem>> -> memref<1x32x128xf32, #tpu.memory_space<vmem>>
      %dma_start3A_887 = tpu.memref_squeeze %dma_start3A_886 : memref<1x32x128xf32, #tpu.memory_space<vmem>> -> memref<32x128xf32, #tpu.memory_space<vmem>>
      %dma_start3A_888 = arith.constant 0 : i32
      %dma_start3A_889 = tpu.memref_slice %arg6[%dma_start3A_881, %dma_start3A_882, %dma_start3A_888] : memref<2x16x32xi32, #tpu.memory_space<vmem>> -> memref<1x1x32xi32, #tpu.memory_space<vmem>>
      %dma_start3A_890 = tpu.memref_squeeze %dma_start3A_889 : memref<1x1x32xi32, #tpu.memory_space<vmem>> -> memref<32xi32, #tpu.memory_space<vmem>>
      %dma_start3A_891 = arith.constant 0 : i32
      %dma_start3A_892 = arith.constant 0 : i32
      %dma_start3A_893 = tpu.memref_slice %arg2[%arg0, %dma_start3A_891, %dma_start3A_892] : memref<2x10240x128xf32, #tpu.memory_space<hbm>> -> memref<1x10240x128xf32, #tpu.memory_space<hbm>>
      %dma_start3A_894 = tpu.memref_squeeze %dma_start3A_893 : memref<1x10240x128xf32, #tpu.memory_space<hbm>> -> memref<10240x128xf32, #tpu.memory_space<hbm>>
      %dma_start3A_895 = arith.constant 0 : i32
      %dma_start3A_896 = arith.constant 0 : i32
      %dma_start3A_897 = tpu.memref_slice %dma_start3A_894[%dma_start3A_895, %dma_start3A_896] : memref<10240x128xf32, #tpu.memory_space<hbm>> -> memref<10240x128xf32, #tpu.memory_space<hbm>>
      tpu.enqueue_indirect_dma source(%dma_start3A_897 : memref<10240x128xf32, #tpu.memory_space<hbm>>) target(%dma_start3A_887 : memref<32x128xf32, #tpu.memory_space<vmem>>) offsets(%dma_start3A_890 : memref<32xi32, #tpu.memory_space<vmem>>) semaphore(%arg12 : memref<!tpu.dma_semaphore, #tpu.memory_space<semaphore_mem>>)
      %dma_wait3A_898 = arith.constant 0 : i32
      %dma_wait3A_899 = arith.constant 3 : i32
      %dma_wait3A_900 = arith.constant 3 : i32
      %dma_wait3A_901 = arith.constant 0 : i32
      %dma_wait3A_902 = arith.constant 0 : i32
      %dma_wait3A_903 = tpu.memref_slice %arg8[%dma_wait3A_900, %dma_wait3A_901, %dma_wait3A_902] : memref<5x32x128xf32, #tpu.memory_space<vmem>> -> memref<1x32x128xf32, #tpu.memory_space<vmem>>
      %dma_wait3A_904 = tpu.memref_squeeze %dma_wait3A_903 : memref<1x32x128xf32, #tpu.memory_space<vmem>> -> memref<32x128xf32, #tpu.memory_space<vmem>>
      %dma_wait3A_905 = arith.constant 0 : i32
      %dma_wait3A_906 = tpu.memref_slice %arg6[%dma_wait3A_898, %dma_wait3A_899, %dma_wait3A_905] : memref<2x16x32xi32, #tpu.memory_space<vmem>> -> memref<1x1x32xi32, #tpu.memory_space<vmem>>
      %dma_wait3A_907 = tpu.memref_squeeze %dma_wait3A_906 : memref<1x1x32xi32, #tpu.memory_space<vmem>> -> memref<32xi32, #tpu.memory_space<vmem>>
      %dma_wait3A_908 = arith.constant 0 : i32
      %dma_wait3A_909 = arith.constant 0 : i32
      %dma_wait3A_910 = tpu.memref_slice %arg2[%arg0, %dma_wait3A_908, %dma_wait3A_909] : memref<2x10240x128xf32, #tpu.memory_space<hbm>> -> memref<1x10240x128xf32, #tpu.memory_space<hbm>>
      %dma_wait3A_911 = tpu.memref_squeeze %dma_wait3A_910 : memref<1x10240x128xf32, #tpu.memory_space<hbm>> -> memref<10240x128xf32, #tpu.memory_space<hbm>>
      %dma_wait3A_912 = arith.constant 0 : i32
      %dma_wait3A_913 = arith.constant 0 : i32
      %dma_wait3A_914 = tpu.memref_slice %dma_wait3A_911[%dma_wait3A_912, %dma_wait3A_913] : memref<10240x128xf32, #tpu.memory_space<hbm>> -> memref<10240x128xf32, #tpu.memory_space<hbm>>
      tpu.wait_indirect_dma semaphore(%arg13 : memref<!tpu.dma_semaphore, #tpu.memory_space<semaphore_mem>>) src(%dma_wait3A_914 : memref<10240x128xf32, #tpu.memory_space<hbm>>) dst(%dma_wait3A_904 : memref<32x128xf32, #tpu.memory_space<vmem>>)
      %run_scoped3A_915 = arith.constant 3 : i32
      %run_scoped3A_916 = arith.constant 0 : i32
      %run_scoped3A_917 = arith.constant 3 : i32
      "tpu.region"() ({
        %run_scoped3A_1923 = tpu.sem_alloc : memref<!tpu.dma_semaphore, #tpu.memory_space<semaphore_mem>>
        %dma_start3A_1924 = arith.constant 0 : i32
        %dma_start3A_1925 = arith.constant 0 : i32
        %dma_start3A_1926 = tpu.memref_slice %arg8[%run_scoped3A_915, %dma_start3A_1924, %dma_start3A_1925] : memref<5x32x128xf32, #tpu.memory_space<vmem>> -> memref<1x32x128xf32, #tpu.memory_space<vmem>>
        %dma_start3A_1927 = tpu.memref_squeeze %dma_start3A_1926 : memref<1x32x128xf32, #tpu.memory_space<vmem>> -> memref<32x128xf32, #tpu.memory_space<vmem>>
        %dma_start3A_1928 = arith.constant 0 : i32
        %dma_start3A_1929 = tpu.memref_slice %arg7[%run_scoped3A_916, %run_scoped3A_917, %dma_start3A_1928] : memref<2x16x32xi32, #tpu.memory_space<vmem>> -> memref<1x1x32xi32, #tpu.memory_space<vmem>>
        %dma_start3A_1930 = tpu.memref_squeeze %dma_start3A_1929 : memref<1x1x32xi32, #tpu.memory_space<vmem>> -> memref<32xi32, #tpu.memory_space<vmem>>
        %dma_start3A_1931 = arith.constant 0 : i32
        %dma_start3A_1932 = arith.constant 0 : i32
        %dma_start3A_1933 = tpu.memref_slice %arg9[%dma_start3A_1931, %dma_start3A_1932] : memref<10240x128xf32, #tpu.memory_space<vmem_shared>> -> memref<10240x128xf32, #tpu.memory_space<vmem_shared>>
        tpu.enqueue_indirect_dma source(%dma_start3A_1927 : memref<32x128xf32, #tpu.memory_space<vmem>>) target(%dma_start3A_1933 : memref<10240x128xf32, #tpu.memory_space<vmem_shared>>) offsets(%dma_start3A_1930 : memref<32xi32, #tpu.memory_space<vmem>>) semaphore(%run_scoped3A_1923 : memref<!tpu.dma_semaphore, #tpu.memory_space<semaphore_mem>>) {add = true}
        %dma_wait3A_1934 = arith.constant 0 : i32
        %dma_wait3A_1935 = arith.constant 0 : i32
        %dma_wait3A_1936 = tpu.memref_slice %arg8[%run_scoped3A_915, %dma_wait3A_1934, %dma_wait3A_1935] : memref<5x32x128xf32, #tpu.memory_space<vmem>> -> memref<1x32x128xf32, #tpu.memory_space<vmem>>
        %dma_wait3A_1937 = tpu.memref_squeeze %dma_wait3A_1936 : memref<1x32x128xf32, #tpu.memory_space<vmem>> -> memref<32x128xf32, #tpu.memory_space<vmem>>
        %dma_wait3A_1938 = arith.constant 0 : i32
        %dma_wait3A_1939 = tpu.memref_slice %arg7[%run_scoped3A_916, %run_scoped3A_917, %dma_wait3A_1938] : memref<2x16x32xi32, #tpu.memory_space<vmem>> -> memref<1x1x32xi32, #tpu.memory_space<vmem>>
        %dma_wait3A_1940 = tpu.memref_squeeze %dma_wait3A_1939 : memref<1x1x32xi32, #tpu.memory_space<vmem>> -> memref<32xi32, #tpu.memory_space<vmem>>
        %dma_wait3A_1941 = arith.constant 0 : i32
        %dma_wait3A_1942 = arith.constant 0 : i32
        %dma_wait3A_1943 = tpu.memref_slice %arg9[%dma_wait3A_1941, %dma_wait3A_1942] : memref<10240x128xf32, #tpu.memory_space<vmem_shared>> -> memref<10240x128xf32, #tpu.memory_space<vmem_shared>>
        tpu.wait_indirect_dma semaphore(%run_scoped3A_1923 : memref<!tpu.dma_semaphore, #tpu.memory_space<semaphore_mem>>) src(%dma_wait3A_1937 : memref<32x128xf32, #tpu.memory_space<vmem>>) dst(%dma_wait3A_1943 : memref<10240x128xf32, #tpu.memory_space<vmem_shared>>)
        tpu.yield
      }) : () -> ()
      %dma_start3A_918 = arith.constant 0 : i32
      %dma_start3A_919 = arith.constant 8 : i32
      %dma_start3A_920 = arith.constant 3 : i32
      %dma_start3A_921 = arith.constant 0 : i32
      %dma_start3A_922 = arith.constant 0 : i32
      %dma_start3A_923 = tpu.memref_slice %arg8[%dma_start3A_920, %dma_start3A_921, %dma_start3A_922] : memref<5x32x128xf32, #tpu.memory_space<vmem>> -> memref<1x32x128xf32, #tpu.memory_space<vmem>>
      %dma_start3A_924 = tpu.memref_squeeze %dma_start3A_923 : memref<1x32x128xf32, #tpu.memory_space<vmem>> -> memref<32x128xf32, #tpu.memory_space<vmem>>
      %dma_start3A_925 = arith.constant 0 : i32
      %dma_start3A_926 = tpu.memref_slice %arg6[%dma_start3A_918, %dma_start3A_919, %dma_start3A_925] : memref<2x16x32xi32, #tpu.memory_space<vmem>> -> memref<1x1x32xi32, #tpu.memory_space<vmem>>
      %dma_start3A_927 = tpu.memref_squeeze %dma_start3A_926 : memref<1x1x32xi32, #tpu.memory_space<vmem>> -> memref<32xi32, #tpu.memory_space<vmem>>
      %dma_start3A_928 = arith.constant 0 : i32
      %dma_start3A_929 = arith.constant 0 : i32
      %dma_start3A_930 = tpu.memref_slice %arg2[%arg0, %dma_start3A_928, %dma_start3A_929] : memref<2x10240x128xf32, #tpu.memory_space<hbm>> -> memref<1x10240x128xf32, #tpu.memory_space<hbm>>
      %dma_start3A_931 = tpu.memref_squeeze %dma_start3A_930 : memref<1x10240x128xf32, #tpu.memory_space<hbm>> -> memref<10240x128xf32, #tpu.memory_space<hbm>>
      %dma_start3A_932 = arith.constant 0 : i32
      %dma_start3A_933 = arith.constant 0 : i32
      %dma_start3A_934 = tpu.memref_slice %dma_start3A_931[%dma_start3A_932, %dma_start3A_933] : memref<10240x128xf32, #tpu.memory_space<hbm>> -> memref<10240x128xf32, #tpu.memory_space<hbm>>
      tpu.enqueue_indirect_dma source(%dma_start3A_934 : memref<10240x128xf32, #tpu.memory_space<hbm>>) target(%dma_start3A_924 : memref<32x128xf32, #tpu.memory_space<vmem>>) offsets(%dma_start3A_927 : memref<32xi32, #tpu.memory_space<vmem>>) semaphore(%arg13 : memref<!tpu.dma_semaphore, #tpu.memory_space<semaphore_mem>>)
      %dma_wait3A_935 = arith.constant 0 : i32
      %dma_wait3A_936 = arith.constant 4 : i32
      %dma_wait3A_937 = arith.constant 4 : i32
      %dma_wait3A_938 = arith.constant 0 : i32
      %dma_wait3A_939 = arith.constant 0 : i32
      %dma_wait3A_940 = tpu.memref_slice %arg8[%dma_wait3A_937, %dma_wait3A_938, %dma_wait3A_939] : memref<5x32x128xf32, #tpu.memory_space<vmem>> -> memref<1x32x128xf32, #tpu.memory_space<vmem>>
      %dma_wait3A_941 = tpu.memref_squeeze %dma_wait3A_940 : memref<1x32x128xf32, #tpu.memory_space<vmem>> -> memref<32x128xf32, #tpu.memory_space<vmem>>
      %dma_wait3A_942 = arith.constant 0 : i32
      %dma_wait3A_943 = tpu.memref_slice %arg6[%dma_wait3A_935, %dma_wait3A_936, %dma_wait3A_942] : memref<2x16x32xi32, #tpu.memory_space<vmem>> -> memref<1x1x32xi32, #tpu.memory_space<vmem>>
      %dma_wait3A_944 = tpu.memref_squeeze %dma_wait3A_943 : memref<1x1x32xi32, #tpu.memory_space<vmem>> -> memref<32xi32, #tpu.memory_space<vmem>>
      %dma_wait3A_945 = arith.constant 0 : i32
      %dma_wait3A_946 = arith.constant 0 : i32
      %dma_wait3A_947 = tpu.memref_slice %arg2[%arg0, %dma_wait3A_945, %dma_wait3A_946] : memref<2x10240x128xf32, #tpu.memory_space<hbm>> -> memref<1x10240x128xf32, #tpu.memory_space<hbm>>
      %dma_wait3A_948 = tpu.memref_squeeze %dma_wait3A_947 : memref<1x10240x128xf32, #tpu.memory_space<hbm>> -> memref<10240x128xf32, #tpu.memory_space<hbm>>
      %dma_wait3A_949 = arith.constant 0 : i32
      %dma_wait3A_950 = arith.constant 0 : i32
      %dma_wait3A_951 = tpu.memref_slice %dma_wait3A_948[%dma_wait3A_949, %dma_wait3A_950] : memref<10240x128xf32, #tpu.memory_space<hbm>> -> memref<10240x128xf32, #tpu.memory_space<hbm>>
      tpu.wait_indirect_dma semaphore(%arg14 : memref<!tpu.dma_semaphore, #tpu.memory_space<semaphore_mem>>) src(%dma_wait3A_951 : memref<10240x128xf32, #tpu.memory_space<hbm>>) dst(%dma_wait3A_941 : memref<32x128xf32, #tpu.memory_space<vmem>>)
      %run_scoped3A_952 = arith.constant 4 : i32
      %run_scoped3A_953 = arith.constant 0 : i32
      %run_scoped3A_954 = arith.constant 4 : i32
      "tpu.region"() ({
        %run_scoped3A_1923 = tpu.sem_alloc : memref<!tpu.dma_semaphore, #tpu.memory_space<semaphore_mem>>
        %dma_start3A_1924 = arith.constant 0 : i32
        %dma_start3A_1925 = arith.constant 0 : i32
        %dma_start3A_1926 = tpu.memref_slice %arg8[%run_scoped3A_952, %dma_start3A_1924, %dma_start3A_1925] : memref<5x32x128xf32, #tpu.memory_space<vmem>> -> memref<1x32x128xf32, #tpu.memory_space<vmem>>
        %dma_start3A_1927 = tpu.memref_squeeze %dma_start3A_1926 : memref<1x32x128xf32, #tpu.memory_space<vmem>> -> memref<32x128xf32, #tpu.memory_space<vmem>>
        %dma_start3A_1928 = arith.constant 0 : i32
        %dma_start3A_1929 = tpu.memref_slice %arg7[%run_scoped3A_953, %run_scoped3A_954, %dma_start3A_1928] : memref<2x16x32xi32, #tpu.memory_space<vmem>> -> memref<1x1x32xi32, #tpu.memory_space<vmem>>
        %dma_start3A_1930 = tpu.memref_squeeze %dma_start3A_1929 : memref<1x1x32xi32, #tpu.memory_space<vmem>> -> memref<32xi32, #tpu.memory_space<vmem>>
        %dma_start3A_1931 = arith.constant 0 : i32
        %dma_start3A_1932 = arith.constant 0 : i32
        %dma_start3A_1933 = tpu.memref_slice %arg9[%dma_start3A_1931, %dma_start3A_1932] : memref<10240x128xf32, #tpu.memory_space<vmem_shared>> -> memref<10240x128xf32, #tpu.memory_space<vmem_shared>>
        tpu.enqueue_indirect_dma source(%dma_start3A_1927 : memref<32x128xf32, #tpu.memory_space<vmem>>) target(%dma_start3A_1933 : memref<10240x128xf32, #tpu.memory_space<vmem_shared>>) offsets(%dma_start3A_1930 : memref<32xi32, #tpu.memory_space<vmem>>) semaphore(%run_scoped3A_1923 : memref<!tpu.dma_semaphore, #tpu.memory_space<semaphore_mem>>) {add = true}
        %dma_wait3A_1934 = arith.constant 0 : i32
        %dma_wait3A_1935 = arith.constant 0 : i32
        %dma_wait3A_1936 = tpu.memref_slice %arg8[%run_scoped3A_952, %dma_wait3A_1934, %dma_wait3A_1935] : memref<5x32x128xf32, #tpu.memory_space<vmem>> -> memref<1x32x128xf32, #tpu.memory_space<vmem>>
        %dma_wait3A_1937 = tpu.memref_squeeze %dma_wait3A_1936 : memref<1x32x128xf32, #tpu.memory_space<vmem>> -> memref<32x128xf32, #tpu.memory_space<vmem>>
        %dma_wait3A_1938 = arith.constant 0 : i32
        %dma_wait3A_1939 = tpu.memref_slice %arg7[%run_scoped3A_953, %run_scoped3A_954, %dma_wait3A_1938] : memref<2x16x32xi32, #tpu.memory_space<vmem>> -> memref<1x1x32xi32, #tpu.memory_space<vmem>>
        %dma_wait3A_1940 = tpu.memref_squeeze %dma_wait3A_1939 : memref<1x1x32xi32, #tpu.memory_space<vmem>> -> memref<32xi32, #tpu.memory_space<vmem>>
        %dma_wait3A_1941 = arith.constant 0 : i32
        %dma_wait3A_1942 = arith.constant 0 : i32
        %dma_wait3A_1943 = tpu.memref_slice %arg9[%dma_wait3A_1941, %dma_wait3A_1942] : memref<10240x128xf32, #tpu.memory_space<vmem_shared>> -> memref<10240x128xf32, #tpu.memory_space<vmem_shared>>
        tpu.wait_indirect_dma semaphore(%run_scoped3A_1923 : memref<!tpu.dma_semaphore, #tpu.memory_space<semaphore_mem>>) src(%dma_wait3A_1937 : memref<32x128xf32, #tpu.memory_space<vmem>>) dst(%dma_wait3A_1943 : memref<10240x128xf32, #tpu.memory_space<vmem_shared>>)
        tpu.yield
      }) : () -> ()
      %dma_start3A_955 = arith.constant 0 : i32
      %dma_start3A_956 = arith.constant 9 : i32
      %dma_start3A_957 = arith.constant 4 : i32
      %dma_start3A_958 = arith.constant 0 : i32
      %dma_start3A_959 = arith.constant 0 : i32
      %dma_start3A_960 = tpu.memref_slice %arg8[%dma_start3A_957, %dma_start3A_958, %dma_start3A_959] : memref<5x32x128xf32, #tpu.memory_space<vmem>> -> memref<1x32x128xf32, #tpu.memory_space<vmem>>
      %dma_start3A_961 = tpu.memref_squeeze %dma_start3A_960 : memref<1x32x128xf32, #tpu.memory_space<vmem>> -> memref<32x128xf32, #tpu.memory_space<vmem>>
      %dma_start3A_962 = arith.constant 0 : i32
      %dma_start3A_963 = tpu.memref_slice %arg6[%dma_start3A_955, %dma_start3A_956, %dma_start3A_962] : memref<2x16x32xi32, #tpu.memory_space<vmem>> -> memref<1x1x32xi32, #tpu.memory_space<vmem>>
      %dma_start3A_964 = tpu.memref_squeeze %dma_start3A_963 : memref<1x1x32xi32, #tpu.memory_space<vmem>> -> memref<32xi32, #tpu.memory_space<vmem>>
      %dma_start3A_965 = arith.constant 0 : i32
      %dma_start3A_966 = arith.constant 0 : i32
      %dma_start3A_967 = tpu.memref_slice %arg2[%arg0, %dma_start3A_965, %dma_start3A_966] : memref<2x10240x128xf32, #tpu.memory_space<hbm>> -> memref<1x10240x128xf32, #tpu.memory_space<hbm>>
      %dma_start3A_968 = tpu.memref_squeeze %dma_start3A_967 : memref<1x10240x128xf32, #tpu.memory_space<hbm>> -> memref<10240x128xf32, #tpu.memory_space<hbm>>
      %dma_start3A_969 = arith.constant 0 : i32
      %dma_start3A_970 = arith.constant 0 : i32
      %dma_start3A_971 = tpu.memref_slice %dma_start3A_968[%dma_start3A_969, %dma_start3A_970] : memref<10240x128xf32, #tpu.memory_space<hbm>> -> memref<10240x128xf32, #tpu.memory_space<hbm>>
      tpu.enqueue_indirect_dma source(%dma_start3A_971 : memref<10240x128xf32, #tpu.memory_space<hbm>>) target(%dma_start3A_961 : memref<32x128xf32, #tpu.memory_space<vmem>>) offsets(%dma_start3A_964 : memref<32xi32, #tpu.memory_space<vmem>>) semaphore(%arg14 : memref<!tpu.dma_semaphore, #tpu.memory_space<semaphore_mem>>)
      %dma_wait3A_972 = arith.constant 0 : i32
      %dma_wait3A_973 = arith.constant 5 : i32
      %dma_wait3A_974 = arith.constant 0 : i32
      %dma_wait3A_975 = arith.constant 0 : i32
      %dma_wait3A_976 = arith.constant 0 : i32
      %dma_wait3A_977 = tpu.memref_slice %arg8[%dma_wait3A_974, %dma_wait3A_975, %dma_wait3A_976] : memref<5x32x128xf32, #tpu.memory_space<vmem>> -> memref<1x32x128xf32, #tpu.memory_space<vmem>>
      %dma_wait3A_978 = tpu.memref_squeeze %dma_wait3A_977 : memref<1x32x128xf32, #tpu.memory_space<vmem>> -> memref<32x128xf32, #tpu.memory_space<vmem>>
      %dma_wait3A_979 = arith.constant 0 : i32
      %dma_wait3A_980 = tpu.memref_slice %arg6[%dma_wait3A_972, %dma_wait3A_973, %dma_wait3A_979] : memref<2x16x32xi32, #tpu.memory_space<vmem>> -> memref<1x1x32xi32, #tpu.memory_space<vmem>>
      %dma_wait3A_981 = tpu.memref_squeeze %dma_wait3A_980 : memref<1x1x32xi32, #tpu.memory_space<vmem>> -> memref<32xi32, #tpu.memory_space<vmem>>
      %dma_wait3A_982 = arith.constant 0 : i32
      %dma_wait3A_983 = arith.constant 0 : i32
      %dma_wait3A_984 = tpu.memref_slice %arg2[%arg0, %dma_wait3A_982, %dma_wait3A_983] : memref<2x10240x128xf32, #tpu.memory_space<hbm>> -> memref<1x10240x128xf32, #tpu.memory_space<hbm>>
      %dma_wait3A_985 = tpu.memref_squeeze %dma_wait3A_984 : memref<1x10240x128xf32, #tpu.memory_space<hbm>> -> memref<10240x128xf32, #tpu.memory_space<hbm>>
      %dma_wait3A_986 = arith.constant 0 : i32
      %dma_wait3A_987 = arith.constant 0 : i32
      %dma_wait3A_988 = tpu.memref_slice %dma_wait3A_985[%dma_wait3A_986, %dma_wait3A_987] : memref<10240x128xf32, #tpu.memory_space<hbm>> -> memref<10240x128xf32, #tpu.memory_space<hbm>>
      tpu.wait_indirect_dma semaphore(%arg10 : memref<!tpu.dma_semaphore, #tpu.memory_space<semaphore_mem>>) src(%dma_wait3A_988 : memref<10240x128xf32, #tpu.memory_space<hbm>>) dst(%dma_wait3A_978 : memref<32x128xf32, #tpu.memory_space<vmem>>)
      %run_scoped3A_989 = arith.constant 0 : i32
      %run_scoped3A_990 = arith.constant 0 : i32
      %run_scoped3A_991 = arith.constant 5 : i32
      "tpu.region"() ({
        %run_scoped3A_1923 = tpu.sem_alloc : memref<!tpu.dma_semaphore, #tpu.memory_space<semaphore_mem>>
        %dma_start3A_1924 = arith.constant 0 : i32
        %dma_start3A_1925 = arith.constant 0 : i32
        %dma_start3A_1926 = tpu.memref_slice %arg8[%run_scoped3A_989, %dma_start3A_1924, %dma_start3A_1925] : memref<5x32x128xf32, #tpu.memory_space<vmem>> -> memref<1x32x128xf32, #tpu.memory_space<vmem>>
        %dma_start3A_1927 = tpu.memref_squeeze %dma_start3A_1926 : memref<1x32x128xf32, #tpu.memory_space<vmem>> -> memref<32x128xf32, #tpu.memory_space<vmem>>
        %dma_start3A_1928 = arith.constant 0 : i32
        %dma_start3A_1929 = tpu.memref_slice %arg7[%run_scoped3A_990, %run_scoped3A_991, %dma_start3A_1928] : memref<2x16x32xi32, #tpu.memory_space<vmem>> -> memref<1x1x32xi32, #tpu.memory_space<vmem>>
        %dma_start3A_1930 = tpu.memref_squeeze %dma_start3A_1929 : memref<1x1x32xi32, #tpu.memory_space<vmem>> -> memref<32xi32, #tpu.memory_space<vmem>>
        %dma_start3A_1931 = arith.constant 0 : i32
        %dma_start3A_1932 = arith.constant 0 : i32
        %dma_start3A_1933 = tpu.memref_slice %arg9[%dma_start3A_1931, %dma_start3A_1932] : memref<10240x128xf32, #tpu.memory_space<vmem_shared>> -> memref<10240x128xf32, #tpu.memory_space<vmem_shared>>
        tpu.enqueue_indirect_dma source(%dma_start3A_1927 : memref<32x128xf32, #tpu.memory_space<vmem>>) target(%dma_start3A_1933 : memref<10240x128xf32, #tpu.memory_space<vmem_shared>>) offsets(%dma_start3A_1930 : memref<32xi32, #tpu.memory_space<vmem>>) semaphore(%run_scoped3A_1923 : memref<!tpu.dma_semaphore, #tpu.memory_space<semaphore_mem>>) {add = true}
        %dma_wait3A_1934 = arith.constant 0 : i32
        %dma_wait3A_1935 = arith.constant 0 : i32
        %dma_wait3A_1936 = tpu.memref_slice %arg8[%run_scoped3A_989, %dma_wait3A_1934, %dma_wait3A_1935] : memref<5x32x128xf32, #tpu.memory_space<vmem>> -> memref<1x32x128xf32, #tpu.memory_space<vmem>>
        %dma_wait3A_1937 = tpu.memref_squeeze %dma_wait3A_1936 : memref<1x32x128xf32, #tpu.memory_space<vmem>> -> memref<32x128xf32, #tpu.memory_space<vmem>>
        %dma_wait3A_1938 = arith.constant 0 : i32
        %dma_wait3A_1939 = tpu.memref_slice %arg7[%run_scoped3A_990, %run_scoped3A_991, %dma_wait3A_1938] : memref<2x16x32xi32, #tpu.memory_space<vmem>> -> memref<1x1x32xi32, #tpu.memory_space<vmem>>
        %dma_wait3A_1940 = tpu.memref_squeeze %dma_wait3A_1939 : memref<1x1x32xi32, #tpu.memory_space<vmem>> -> memref<32xi32, #tpu.memory_space<vmem>>
        %dma_wait3A_1941 = arith.constant 0 : i32
        %dma_wait3A_1942 = arith.constant 0 : i32
        %dma_wait3A_1943 = tpu.memref_slice %arg9[%dma_wait3A_1941, %dma_wait3A_1942] : memref<10240x128xf32, #tpu.memory_space<vmem_shared>> -> memref<10240x128xf32, #tpu.memory_space<vmem_shared>>
        tpu.wait_indirect_dma semaphore(%run_scoped3A_1923 : memref<!tpu.dma_semaphore, #tpu.memory_space<semaphore_mem>>) src(%dma_wait3A_1937 : memref<32x128xf32, #tpu.memory_space<vmem>>) dst(%dma_wait3A_1943 : memref<10240x128xf32, #tpu.memory_space<vmem_shared>>)
        tpu.yield
      }) : () -> ()
      %dma_start3A_992 = arith.constant 0 : i32
      %dma_start3A_993 = arith.constant 10 : i32
      %dma_start3A_994 = arith.constant 0 : i32
      %dma_start3A_995 = arith.constant 0 : i32
      %dma_start3A_996 = arith.constant 0 : i32
      %dma_start3A_997 = tpu.memref_slice %arg8[%dma_start3A_994, %dma_start3A_995, %dma_start3A_996] : memref<5x32x128xf32, #tpu.memory_space<vmem>> -> memref<1x32x128xf32, #tpu.memory_space<vmem>>
      %dma_start3A_998 = tpu.memref_squeeze %dma_start3A_997 : memref<1x32x128xf32, #tpu.memory_space<vmem>> -> memref<32x128xf32, #tpu.memory_space<vmem>>
      %dma_start3A_999 = arith.constant 0 : i32
      %dma_start3A_1000 = tpu.memref_slice %arg6[%dma_start3A_992, %dma_start3A_993, %dma_start3A_999] : memref<2x16x32xi32, #tpu.memory_space<vmem>> -> memref<1x1x32xi32, #tpu.memory_space<vmem>>
      %dma_start3A_1001 = tpu.memref_squeeze %dma_start3A_1000 : memref<1x1x32xi32, #tpu.memory_space<vmem>> -> memref<32xi32, #tpu.memory_space<vmem>>
      %dma_start3A_1002 = arith.constant 0 : i32
      %dma_start3A_1003 = arith.constant 0 : i32
      %dma_start3A_1004 = tpu.memref_slice %arg2[%arg0, %dma_start3A_1002, %dma_start3A_1003] : memref<2x10240x128xf32, #tpu.memory_space<hbm>> -> memref<1x10240x128xf32, #tpu.memory_space<hbm>>
      %dma_start3A_1005 = tpu.memref_squeeze %dma_start3A_1004 : memref<1x10240x128xf32, #tpu.memory_space<hbm>> -> memref<10240x128xf32, #tpu.memory_space<hbm>>
      %dma_start3A_1006 = arith.constant 0 : i32
      %dma_start3A_1007 = arith.constant 0 : i32
      %dma_start3A_1008 = tpu.memref_slice %dma_start3A_1005[%dma_start3A_1006, %dma_start3A_1007] : memref<10240x128xf32, #tpu.memory_space<hbm>> -> memref<10240x128xf32, #tpu.memory_space<hbm>>
      tpu.enqueue_indirect_dma source(%dma_start3A_1008 : memref<10240x128xf32, #tpu.memory_space<hbm>>) target(%dma_start3A_998 : memref<32x128xf32, #tpu.memory_space<vmem>>) offsets(%dma_start3A_1001 : memref<32xi32, #tpu.memory_space<vmem>>) semaphore(%arg10 : memref<!tpu.dma_semaphore, #tpu.memory_space<semaphore_mem>>)
      %dma_wait3A_1009 = arith.constant 0 : i32
      %dma_wait3A_1010 = arith.constant 6 : i32
      %dma_wait3A_1011 = arith.constant 1 : i32
      %dma_wait3A_1012 = arith.constant 0 : i32
      %dma_wait3A_1013 = arith.constant 0 : i32
      %dma_wait3A_1014 = tpu.memref_slice %arg8[%dma_wait3A_1011, %dma_wait3A_1012, %dma_wait3A_1013] : memref<5x32x128xf32, #tpu.memory_space<vmem>> -> memref<1x32x128xf32, #tpu.memory_space<vmem>>
      %dma_wait3A_1015 = tpu.memref_squeeze %dma_wait3A_1014 : memref<1x32x128xf32, #tpu.memory_space<vmem>> -> memref<32x128xf32, #tpu.memory_space<vmem>>
      %dma_wait3A_1016 = arith.constant 0 : i32
      %dma_wait3A_1017 = tpu.memref_slice %arg6[%dma_wait3A_1009, %dma_wait3A_1010, %dma_wait3A_1016] : memref<2x16x32xi32, #tpu.memory_space<vmem>> -> memref<1x1x32xi32, #tpu.memory_space<vmem>>
      %dma_wait3A_1018 = tpu.memref_squeeze %dma_wait3A_1017 : memref<1x1x32xi32, #tpu.memory_space<vmem>> -> memref<32xi32, #tpu.memory_space<vmem>>
      %dma_wait3A_1019 = arith.constant 0 : i32
      %dma_wait3A_1020 = arith.constant 0 : i32
      %dma_wait3A_1021 = tpu.memref_slice %arg2[%arg0, %dma_wait3A_1019, %dma_wait3A_1020] : memref<2x10240x128xf32, #tpu.memory_space<hbm>> -> memref<1x10240x128xf32, #tpu.memory_space<hbm>>
      %dma_wait3A_1022 = tpu.memref_squeeze %dma_wait3A_1021 : memref<1x10240x128xf32, #tpu.memory_space<hbm>> -> memref<10240x128xf32, #tpu.memory_space<hbm>>
      %dma_wait3A_1023 = arith.constant 0 : i32
      %dma_wait3A_1024 = arith.constant 0 : i32
      %dma_wait3A_1025 = tpu.memref_slice %dma_wait3A_1022[%dma_wait3A_1023, %dma_wait3A_1024] : memref<10240x128xf32, #tpu.memory_space<hbm>> -> memref<10240x128xf32, #tpu.memory_space<hbm>>
      tpu.wait_indirect_dma semaphore(%arg11 : memref<!tpu.dma_semaphore, #tpu.memory_space<semaphore_mem>>) src(%dma_wait3A_1025 : memref<10240x128xf32, #tpu.memory_space<hbm>>) dst(%dma_wait3A_1015 : memref<32x128xf32, #tpu.memory_space<vmem>>)
      %run_scoped3A_1026 = arith.constant 1 : i32
      %run_scoped3A_1027 = arith.constant 0 : i32
      %run_scoped3A_1028 = arith.constant 6 : i32
      "tpu.region"() ({
        %run_scoped3A_1923 = tpu.sem_alloc : memref<!tpu.dma_semaphore, #tpu.memory_space<semaphore_mem>>
        %dma_start3A_1924 = arith.constant 0 : i32
        %dma_start3A_1925 = arith.constant 0 : i32
        %dma_start3A_1926 = tpu.memref_slice %arg8[%run_scoped3A_1026, %dma_start3A_1924, %dma_start3A_1925] : memref<5x32x128xf32, #tpu.memory_space<vmem>> -> memref<1x32x128xf32, #tpu.memory_space<vmem>>
        %dma_start3A_1927 = tpu.memref_squeeze %dma_start3A_1926 : memref<1x32x128xf32, #tpu.memory_space<vmem>> -> memref<32x128xf32, #tpu.memory_space<vmem>>
        %dma_start3A_1928 = arith.constant 0 : i32
        %dma_start3A_1929 = tpu.memref_slice %arg7[%run_scoped3A_1027, %run_scoped3A_1028, %dma_start3A_1928] : memref<2x16x32xi32, #tpu.memory_space<vmem>> -> memref<1x1x32xi32, #tpu.memory_space<vmem>>
        %dma_start3A_1930 = tpu.memref_squeeze %dma_start3A_1929 : memref<1x1x32xi32, #tpu.memory_space<vmem>> -> memref<32xi32, #tpu.memory_space<vmem>>
        %dma_start3A_1931 = arith.constant 0 : i32
        %dma_start3A_1932 = arith.constant 0 : i32
        %dma_start3A_1933 = tpu.memref_slice %arg9[%dma_start3A_1931, %dma_start3A_1932] : memref<10240x128xf32, #tpu.memory_space<vmem_shared>> -> memref<10240x128xf32, #tpu.memory_space<vmem_shared>>
        tpu.enqueue_indirect_dma source(%dma_start3A_1927 : memref<32x128xf32, #tpu.memory_space<vmem>>) target(%dma_start3A_1933 : memref<10240x128xf32, #tpu.memory_space<vmem_shared>>) offsets(%dma_start3A_1930 : memref<32xi32, #tpu.memory_space<vmem>>) semaphore(%run_scoped3A_1923 : memref<!tpu.dma_semaphore, #tpu.memory_space<semaphore_mem>>) {add = true}
        %dma_wait3A_1934 = arith.constant 0 : i32
        %dma_wait3A_1935 = arith.constant 0 : i32
        %dma_wait3A_1936 = tpu.memref_slice %arg8[%run_scoped3A_1026, %dma_wait3A_1934, %dma_wait3A_1935] : memref<5x32x128xf32, #tpu.memory_space<vmem>> -> memref<1x32x128xf32, #tpu.memory_space<vmem>>
        %dma_wait3A_1937 = tpu.memref_squeeze %dma_wait3A_1936 : memref<1x32x128xf32, #tpu.memory_space<vmem>> -> memref<32x128xf32, #tpu.memory_space<vmem>>
        %dma_wait3A_1938 = arith.constant 0 : i32
        %dma_wait3A_1939 = tpu.memref_slice %arg7[%run_scoped3A_1027, %run_scoped3A_1028, %dma_wait3A_1938] : memref<2x16x32xi32, #tpu.memory_space<vmem>> -> memref<1x1x32xi32, #tpu.memory_space<vmem>>
        %dma_wait3A_1940 = tpu.memref_squeeze %dma_wait3A_1939 : memref<1x1x32xi32, #tpu.memory_space<vmem>> -> memref<32xi32, #tpu.memory_space<vmem>>
        %dma_wait3A_1941 = arith.constant 0 : i32
        %dma_wait3A_1942 = arith.constant 0 : i32
        %dma_wait3A_1943 = tpu.memref_slice %arg9[%dma_wait3A_1941, %dma_wait3A_1942] : memref<10240x128xf32, #tpu.memory_space<vmem_shared>> -> memref<10240x128xf32, #tpu.memory_space<vmem_shared>>
        tpu.wait_indirect_dma semaphore(%run_scoped3A_1923 : memref<!tpu.dma_semaphore, #tpu.memory_space<semaphore_mem>>) src(%dma_wait3A_1937 : memref<32x128xf32, #tpu.memory_space<vmem>>) dst(%dma_wait3A_1943 : memref<10240x128xf32, #tpu.memory_space<vmem_shared>>)
        tpu.yield
      }) : () -> ()
      %dma_start3A_1029 = arith.constant 0 : i32
      %dma_start3A_1030 = arith.constant 11 : i32
      %dma_start3A_1031 = arith.constant 1 : i32
      %dma_start3A_1032 = arith.constant 0 : i32
      %dma_start3A_1033 = arith.constant 0 : i32
      %dma_start3A_1034 = tpu.memref_slice %arg8[%dma_start3A_1031, %dma_start3A_1032, %dma_start3A_1033] : memref<5x32x128xf32, #tpu.memory_space<vmem>> -> memref<1x32x128xf32, #tpu.memory_space<vmem>>
      %dma_start3A_1035 = tpu.memref_squeeze %dma_start3A_1034 : memref<1x32x128xf32, #tpu.memory_space<vmem>> -> memref<32x128xf32, #tpu.memory_space<vmem>>
      %dma_start3A_1036 = arith.constant 0 : i32
      %dma_start3A_1037 = tpu.memref_slice %arg6[%dma_start3A_1029, %dma_start3A_1030, %dma_start3A_1036] : memref<2x16x32xi32, #tpu.memory_space<vmem>> -> memref<1x1x32xi32, #tpu.memory_space<vmem>>
      %dma_start3A_1038 = tpu.memref_squeeze %dma_start3A_1037 : memref<1x1x32xi32, #tpu.memory_space<vmem>> -> memref<32xi32, #tpu.memory_space<vmem>>
      %dma_start3A_1039 = arith.constant 0 : i32
      %dma_start3A_1040 = arith.constant 0 : i32
      %dma_start3A_1041 = tpu.memref_slice %arg2[%arg0, %dma_start3A_1039, %dma_start3A_1040] : memref<2x10240x128xf32, #tpu.memory_space<hbm>> -> memref<1x10240x128xf32, #tpu.memory_space<hbm>>
      %dma_start3A_1042 = tpu.memref_squeeze %dma_start3A_1041 : memref<1x10240x128xf32, #tpu.memory_space<hbm>> -> memref<10240x128xf32, #tpu.memory_space<hbm>>
      %dma_start3A_1043 = arith.constant 0 : i32
      %dma_start3A_1044 = arith.constant 0 : i32
      %dma_start3A_1045 = tpu.memref_slice %dma_start3A_1042[%dma_start3A_1043, %dma_start3A_1044] : memref<10240x128xf32, #tpu.memory_space<hbm>> -> memref<10240x128xf32, #tpu.memory_space<hbm>>
      tpu.enqueue_indirect_dma source(%dma_start3A_1045 : memref<10240x128xf32, #tpu.memory_space<hbm>>) target(%dma_start3A_1035 : memref<32x128xf32, #tpu.memory_space<vmem>>) offsets(%dma_start3A_1038 : memref<32xi32, #tpu.memory_space<vmem>>) semaphore(%arg11 : memref<!tpu.dma_semaphore, #tpu.memory_space<semaphore_mem>>)
      %dma_wait3A_1046 = arith.constant 0 : i32
      %dma_wait3A_1047 = arith.constant 7 : i32
      %dma_wait3A_1048 = arith.constant 2 : i32
      %dma_wait3A_1049 = arith.constant 0 : i32
      %dma_wait3A_1050 = arith.constant 0 : i32
      %dma_wait3A_1051 = tpu.memref_slice %arg8[%dma_wait3A_1048, %dma_wait3A_1049, %dma_wait3A_1050] : memref<5x32x128xf32, #tpu.memory_space<vmem>> -> memref<1x32x128xf32, #tpu.memory_space<vmem>>
      %dma_wait3A_1052 = tpu.memref_squeeze %dma_wait3A_1051 : memref<1x32x128xf32, #tpu.memory_space<vmem>> -> memref<32x128xf32, #tpu.memory_space<vmem>>
      %dma_wait3A_1053 = arith.constant 0 : i32
      %dma_wait3A_1054 = tpu.memref_slice %arg6[%dma_wait3A_1046, %dma_wait3A_1047, %dma_wait3A_1053] : memref<2x16x32xi32, #tpu.memory_space<vmem>> -> memref<1x1x32xi32, #tpu.memory_space<vmem>>
      %dma_wait3A_1055 = tpu.memref_squeeze %dma_wait3A_1054 : memref<1x1x32xi32, #tpu.memory_space<vmem>> -> memref<32xi32, #tpu.memory_space<vmem>>
      %dma_wait3A_1056 = arith.constant 0 : i32
      %dma_wait3A_1057 = arith.constant 0 : i32
      %dma_wait3A_1058 = tpu.memref_slice %arg2[%arg0, %dma_wait3A_1056, %dma_wait3A_1057] : memref<2x10240x128xf32, #tpu.memory_space<hbm>> -> memref<1x10240x128xf32, #tpu.memory_space<hbm>>
      %dma_wait3A_1059 = tpu.memref_squeeze %dma_wait3A_1058 : memref<1x10240x128xf32, #tpu.memory_space<hbm>> -> memref<10240x128xf32, #tpu.memory_space<hbm>>
      %dma_wait3A_1060 = arith.constant 0 : i32
      %dma_wait3A_1061 = arith.constant 0 : i32
      %dma_wait3A_1062 = tpu.memref_slice %dma_wait3A_1059[%dma_wait3A_1060, %dma_wait3A_1061] : memref<10240x128xf32, #tpu.memory_space<hbm>> -> memref<10240x128xf32, #tpu.memory_space<hbm>>
      tpu.wait_indirect_dma semaphore(%arg12 : memref<!tpu.dma_semaphore, #tpu.memory_space<semaphore_mem>>) src(%dma_wait3A_1062 : memref<10240x128xf32, #tpu.memory_space<hbm>>) dst(%dma_wait3A_1052 : memref<32x128xf32, #tpu.memory_space<vmem>>)
      %run_scoped3A_1063 = arith.constant 2 : i32
      %run_scoped3A_1064 = arith.constant 0 : i32
      %run_scoped3A_1065 = arith.constant 7 : i32
      "tpu.region"() ({
        %run_scoped3A_1923 = tpu.sem_alloc : memref<!tpu.dma_semaphore, #tpu.memory_space<semaphore_mem>>
        %dma_start3A_1924 = arith.constant 0 : i32
        %dma_start3A_1925 = arith.constant 0 : i32
        %dma_start3A_1926 = tpu.memref_slice %arg8[%run_scoped3A_1063, %dma_start3A_1924, %dma_start3A_1925] : memref<5x32x128xf32, #tpu.memory_space<vmem>> -> memref<1x32x128xf32, #tpu.memory_space<vmem>>
        %dma_start3A_1927 = tpu.memref_squeeze %dma_start3A_1926 : memref<1x32x128xf32, #tpu.memory_space<vmem>> -> memref<32x128xf32, #tpu.memory_space<vmem>>
        %dma_start3A_1928 = arith.constant 0 : i32
        %dma_start3A_1929 = tpu.memref_slice %arg7[%run_scoped3A_1064, %run_scoped3A_1065, %dma_start3A_1928] : memref<2x16x32xi32, #tpu.memory_space<vmem>> -> memref<1x1x32xi32, #tpu.memory_space<vmem>>
        %dma_start3A_1930 = tpu.memref_squeeze %dma_start3A_1929 : memref<1x1x32xi32, #tpu.memory_space<vmem>> -> memref<32xi32, #tpu.memory_space<vmem>>
        %dma_start3A_1931 = arith.constant 0 : i32
        %dma_start3A_1932 = arith.constant 0 : i32
        %dma_start3A_1933 = tpu.memref_slice %arg9[%dma_start3A_1931, %dma_start3A_1932] : memref<10240x128xf32, #tpu.memory_space<vmem_shared>> -> memref<10240x128xf32, #tpu.memory_space<vmem_shared>>
        tpu.enqueue_indirect_dma source(%dma_start3A_1927 : memref<32x128xf32, #tpu.memory_space<vmem>>) target(%dma_start3A_1933 : memref<10240x128xf32, #tpu.memory_space<vmem_shared>>) offsets(%dma_start3A_1930 : memref<32xi32, #tpu.memory_space<vmem>>) semaphore(%run_scoped3A_1923 : memref<!tpu.dma_semaphore, #tpu.memory_space<semaphore_mem>>) {add = true}
        %dma_wait3A_1934 = arith.constant 0 : i32
        %dma_wait3A_1935 = arith.constant 0 : i32
        %dma_wait3A_1936 = tpu.memref_slice %arg8[%run_scoped3A_1063, %dma_wait3A_1934, %dma_wait3A_1935] : memref<5x32x128xf32, #tpu.memory_space<vmem>> -> memref<1x32x128xf32, #tpu.memory_space<vmem>>
        %dma_wait3A_1937 = tpu.memref_squeeze %dma_wait3A_1936 : memref<1x32x128xf32, #tpu.memory_space<vmem>> -> memref<32x128xf32, #tpu.memory_space<vmem>>
        %dma_wait3A_1938 = arith.constant 0 : i32
        %dma_wait3A_1939 = tpu.memref_slice %arg7[%run_scoped3A_1064, %run_scoped3A_1065, %dma_wait3A_1938] : memref<2x16x32xi32, #tpu.memory_space<vmem>> -> memref<1x1x32xi32, #tpu.memory_space<vmem>>
        %dma_wait3A_1940 = tpu.memref_squeeze %dma_wait3A_1939 : memref<1x1x32xi32, #tpu.memory_space<vmem>> -> memref<32xi32, #tpu.memory_space<vmem>>
        %dma_wait3A_1941 = arith.constant 0 : i32
        %dma_wait3A_1942 = arith.constant 0 : i32
        %dma_wait3A_1943 = tpu.memref_slice %arg9[%dma_wait3A_1941, %dma_wait3A_1942] : memref<10240x128xf32, #tpu.memory_space<vmem_shared>> -> memref<10240x128xf32, #tpu.memory_space<vmem_shared>>
        tpu.wait_indirect_dma semaphore(%run_scoped3A_1923 : memref<!tpu.dma_semaphore, #tpu.memory_space<semaphore_mem>>) src(%dma_wait3A_1937 : memref<32x128xf32, #tpu.memory_space<vmem>>) dst(%dma_wait3A_1943 : memref<10240x128xf32, #tpu.memory_space<vmem_shared>>)
        tpu.yield
      }) : () -> ()
      %dma_start3A_1066 = arith.constant 0 : i32
      %dma_start3A_1067 = arith.constant 12 : i32
      %dma_start3A_1068 = arith.constant 2 : i32
      %dma_start3A_1069 = arith.constant 0 : i32
      %dma_start3A_1070 = arith.constant 0 : i32
      %dma_start3A_1071 = tpu.memref_slice %arg8[%dma_start3A_1068, %dma_start3A_1069, %dma_start3A_1070] : memref<5x32x128xf32, #tpu.memory_space<vmem>> -> memref<1x32x128xf32, #tpu.memory_space<vmem>>
      %dma_start3A_1072 = tpu.memref_squeeze %dma_start3A_1071 : memref<1x32x128xf32, #tpu.memory_space<vmem>> -> memref<32x128xf32, #tpu.memory_space<vmem>>
      %dma_start3A_1073 = arith.constant 0 : i32
      %dma_start3A_1074 = tpu.memref_slice %arg6[%dma_start3A_1066, %dma_start3A_1067, %dma_start3A_1073] : memref<2x16x32xi32, #tpu.memory_space<vmem>> -> memref<1x1x32xi32, #tpu.memory_space<vmem>>
      %dma_start3A_1075 = tpu.memref_squeeze %dma_start3A_1074 : memref<1x1x32xi32, #tpu.memory_space<vmem>> -> memref<32xi32, #tpu.memory_space<vmem>>
      %dma_start3A_1076 = arith.constant 0 : i32
      %dma_start3A_1077 = arith.constant 0 : i32
      %dma_start3A_1078 = tpu.memref_slice %arg2[%arg0, %dma_start3A_1076, %dma_start3A_1077] : memref<2x10240x128xf32, #tpu.memory_space<hbm>> -> memref<1x10240x128xf32, #tpu.memory_space<hbm>>
      %dma_start3A_1079 = tpu.memref_squeeze %dma_start3A_1078 : memref<1x10240x128xf32, #tpu.memory_space<hbm>> -> memref<10240x128xf32, #tpu.memory_space<hbm>>
      %dma_start3A_1080 = arith.constant 0 : i32
      %dma_start3A_1081 = arith.constant 0 : i32
      %dma_start3A_1082 = tpu.memref_slice %dma_start3A_1079[%dma_start3A_1080, %dma_start3A_1081] : memref<10240x128xf32, #tpu.memory_space<hbm>> -> memref<10240x128xf32, #tpu.memory_space<hbm>>
      tpu.enqueue_indirect_dma source(%dma_start3A_1082 : memref<10240x128xf32, #tpu.memory_space<hbm>>) target(%dma_start3A_1072 : memref<32x128xf32, #tpu.memory_space<vmem>>) offsets(%dma_start3A_1075 : memref<32xi32, #tpu.memory_space<vmem>>) semaphore(%arg12 : memref<!tpu.dma_semaphore, #tpu.memory_space<semaphore_mem>>)
      %dma_wait3A_1083 = arith.constant 0 : i32
      %dma_wait3A_1084 = arith.constant 8 : i32
      %dma_wait3A_1085 = arith.constant 3 : i32
      %dma_wait3A_1086 = arith.constant 0 : i32
      %dma_wait3A_1087 = arith.constant 0 : i32
      %dma_wait3A_1088 = tpu.memref_slice %arg8[%dma_wait3A_1085, %dma_wait3A_1086, %dma_wait3A_1087] : memref<5x32x128xf32, #tpu.memory_space<vmem>> -> memref<1x32x128xf32, #tpu.memory_space<vmem>>
      %dma_wait3A_1089 = tpu.memref_squeeze %dma_wait3A_1088 : memref<1x32x128xf32, #tpu.memory_space<vmem>> -> memref<32x128xf32, #tpu.memory_space<vmem>>
      %dma_wait3A_1090 = arith.constant 0 : i32
      %dma_wait3A_1091 = tpu.memref_slice %arg6[%dma_wait3A_1083, %dma_wait3A_1084, %dma_wait3A_1090] : memref<2x16x32xi32, #tpu.memory_space<vmem>> -> memref<1x1x32xi32, #tpu.memory_space<vmem>>
      %dma_wait3A_1092 = tpu.memref_squeeze %dma_wait3A_1091 : memref<1x1x32xi32, #tpu.memory_space<vmem>> -> memref<32xi32, #tpu.memory_space<vmem>>
      %dma_wait3A_1093 = arith.constant 0 : i32
      %dma_wait3A_1094 = arith.constant 0 : i32
      %dma_wait3A_1095 = tpu.memref_slice %arg2[%arg0, %dma_wait3A_1093, %dma_wait3A_1094] : memref<2x10240x128xf32, #tpu.memory_space<hbm>> -> memref<1x10240x128xf32, #tpu.memory_space<hbm>>
      %dma_wait3A_1096 = tpu.memref_squeeze %dma_wait3A_1095 : memref<1x10240x128xf32, #tpu.memory_space<hbm>> -> memref<10240x128xf32, #tpu.memory_space<hbm>>
      %dma_wait3A_1097 = arith.constant 0 : i32
      %dma_wait3A_1098 = arith.constant 0 : i32
      %dma_wait3A_1099 = tpu.memref_slice %dma_wait3A_1096[%dma_wait3A_1097, %dma_wait3A_1098] : memref<10240x128xf32, #tpu.memory_space<hbm>> -> memref<10240x128xf32, #tpu.memory_space<hbm>>
      tpu.wait_indirect_dma semaphore(%arg13 : memref<!tpu.dma_semaphore, #tpu.memory_space<semaphore_mem>>) src(%dma_wait3A_1099 : memref<10240x128xf32, #tpu.memory_space<hbm>>) dst(%dma_wait3A_1089 : memref<32x128xf32, #tpu.memory_space<vmem>>)
      %run_scoped3A_1100 = arith.constant 3 : i32
      %run_scoped3A_1101 = arith.constant 0 : i32
      %run_scoped3A_1102 = arith.constant 8 : i32
      "tpu.region"() ({
        %run_scoped3A_1923 = tpu.sem_alloc : memref<!tpu.dma_semaphore, #tpu.memory_space<semaphore_mem>>
        %dma_start3A_1924 = arith.constant 0 : i32
        %dma_start3A_1925 = arith.constant 0 : i32
        %dma_start3A_1926 = tpu.memref_slice %arg8[%run_scoped3A_1100, %dma_start3A_1924, %dma_start3A_1925] : memref<5x32x128xf32, #tpu.memory_space<vmem>> -> memref<1x32x128xf32, #tpu.memory_space<vmem>>
        %dma_start3A_1927 = tpu.memref_squeeze %dma_start3A_1926 : memref<1x32x128xf32, #tpu.memory_space<vmem>> -> memref<32x128xf32, #tpu.memory_space<vmem>>
        %dma_start3A_1928 = arith.constant 0 : i32
        %dma_start3A_1929 = tpu.memref_slice %arg7[%run_scoped3A_1101, %run_scoped3A_1102, %dma_start3A_1928] : memref<2x16x32xi32, #tpu.memory_space<vmem>> -> memref<1x1x32xi32, #tpu.memory_space<vmem>>
        %dma_start3A_1930 = tpu.memref_squeeze %dma_start3A_1929 : memref<1x1x32xi32, #tpu.memory_space<vmem>> -> memref<32xi32, #tpu.memory_space<vmem>>
        %dma_start3A_1931 = arith.constant 0 : i32
        %dma_start3A_1932 = arith.constant 0 : i32
        %dma_start3A_1933 = tpu.memref_slice %arg9[%dma_start3A_1931, %dma_start3A_1932] : memref<10240x128xf32, #tpu.memory_space<vmem_shared>> -> memref<10240x128xf32, #tpu.memory_space<vmem_shared>>
        tpu.enqueue_indirect_dma source(%dma_start3A_1927 : memref<32x128xf32, #tpu.memory_space<vmem>>) target(%dma_start3A_1933 : memref<10240x128xf32, #tpu.memory_space<vmem_shared>>) offsets(%dma_start3A_1930 : memref<32xi32, #tpu.memory_space<vmem>>) semaphore(%run_scoped3A_1923 : memref<!tpu.dma_semaphore, #tpu.memory_space<semaphore_mem>>) {add = true}
        %dma_wait3A_1934 = arith.constant 0 : i32
        %dma_wait3A_1935 = arith.constant 0 : i32
        %dma_wait3A_1936 = tpu.memref_slice %arg8[%run_scoped3A_1100, %dma_wait3A_1934, %dma_wait3A_1935] : memref<5x32x128xf32, #tpu.memory_space<vmem>> -> memref<1x32x128xf32, #tpu.memory_space<vmem>>
        %dma_wait3A_1937 = tpu.memref_squeeze %dma_wait3A_1936 : memref<1x32x128xf32, #tpu.memory_space<vmem>> -> memref<32x128xf32, #tpu.memory_space<vmem>>
        %dma_wait3A_1938 = arith.constant 0 : i32
        %dma_wait3A_1939 = tpu.memref_slice %arg7[%run_scoped3A_1101, %run_scoped3A_1102, %dma_wait3A_1938] : memref<2x16x32xi32, #tpu.memory_space<vmem>> -> memref<1x1x32xi32, #tpu.memory_space<vmem>>
        %dma_wait3A_1940 = tpu.memref_squeeze %dma_wait3A_1939 : memref<1x1x32xi32, #tpu.memory_space<vmem>> -> memref<32xi32, #tpu.memory_space<vmem>>
        %dma_wait3A_1941 = arith.constant 0 : i32
        %dma_wait3A_1942 = arith.constant 0 : i32
        %dma_wait3A_1943 = tpu.memref_slice %arg9[%dma_wait3A_1941, %dma_wait3A_1942] : memref<10240x128xf32, #tpu.memory_space<vmem_shared>> -> memref<10240x128xf32, #tpu.memory_space<vmem_shared>>
        tpu.wait_indirect_dma semaphore(%run_scoped3A_1923 : memref<!tpu.dma_semaphore, #tpu.memory_space<semaphore_mem>>) src(%dma_wait3A_1937 : memref<32x128xf32, #tpu.memory_space<vmem>>) dst(%dma_wait3A_1943 : memref<10240x128xf32, #tpu.memory_space<vmem_shared>>)
        tpu.yield
      }) : () -> ()
      %dma_start3A_1103 = arith.constant 0 : i32
      %dma_start3A_1104 = arith.constant 13 : i32
      %dma_start3A_1105 = arith.constant 3 : i32
      %dma_start3A_1106 = arith.constant 0 : i32
      %dma_start3A_1107 = arith.constant 0 : i32
      %dma_start3A_1108 = tpu.memref_slice %arg8[%dma_start3A_1105, %dma_start3A_1106, %dma_start3A_1107] : memref<5x32x128xf32, #tpu.memory_space<vmem>> -> memref<1x32x128xf32, #tpu.memory_space<vmem>>
      %dma_start3A_1109 = tpu.memref_squeeze %dma_start3A_1108 : memref<1x32x128xf32, #tpu.memory_space<vmem>> -> memref<32x128xf32, #tpu.memory_space<vmem>>
      %dma_start3A_1110 = arith.constant 0 : i32
      %dma_start3A_1111 = tpu.memref_slice %arg6[%dma_start3A_1103, %dma_start3A_1104, %dma_start3A_1110] : memref<2x16x32xi32, #tpu.memory_space<vmem>> -> memref<1x1x32xi32, #tpu.memory_space<vmem>>
      %dma_start3A_1112 = tpu.memref_squeeze %dma_start3A_1111 : memref<1x1x32xi32, #tpu.memory_space<vmem>> -> memref<32xi32, #tpu.memory_space<vmem>>
      %dma_start3A_1113 = arith.constant 0 : i32
      %dma_start3A_1114 = arith.constant 0 : i32
      %dma_start3A_1115 = tpu.memref_slice %arg2[%arg0, %dma_start3A_1113, %dma_start3A_1114] : memref<2x10240x128xf32, #tpu.memory_space<hbm>> -> memref<1x10240x128xf32, #tpu.memory_space<hbm>>
      %dma_start3A_1116 = tpu.memref_squeeze %dma_start3A_1115 : memref<1x10240x128xf32, #tpu.memory_space<hbm>> -> memref<10240x128xf32, #tpu.memory_space<hbm>>
      %dma_start3A_1117 = arith.constant 0 : i32
      %dma_start3A_1118 = arith.constant 0 : i32
      %dma_start3A_1119 = tpu.memref_slice %dma_start3A_1116[%dma_start3A_1117, %dma_start3A_1118] : memref<10240x128xf32, #tpu.memory_space<hbm>> -> memref<10240x128xf32, #tpu.memory_space<hbm>>
      tpu.enqueue_indirect_dma source(%dma_start3A_1119 : memref<10240x128xf32, #tpu.memory_space<hbm>>) target(%dma_start3A_1109 : memref<32x128xf32, #tpu.memory_space<vmem>>) offsets(%dma_start3A_1112 : memref<32xi32, #tpu.memory_space<vmem>>) semaphore(%arg13 : memref<!tpu.dma_semaphore, #tpu.memory_space<semaphore_mem>>)
      %dma_wait3A_1120 = arith.constant 0 : i32
      %dma_wait3A_1121 = arith.constant 9 : i32
      %dma_wait3A_1122 = arith.constant 4 : i32
      %dma_wait3A_1123 = arith.constant 0 : i32
      %dma_wait3A_1124 = arith.constant 0 : i32
      %dma_wait3A_1125 = tpu.memref_slice %arg8[%dma_wait3A_1122, %dma_wait3A_1123, %dma_wait3A_1124] : memref<5x32x128xf32, #tpu.memory_space<vmem>> -> memref<1x32x128xf32, #tpu.memory_space<vmem>>
      %dma_wait3A_1126 = tpu.memref_squeeze %dma_wait3A_1125 : memref<1x32x128xf32, #tpu.memory_space<vmem>> -> memref<32x128xf32, #tpu.memory_space<vmem>>
      %dma_wait3A_1127 = arith.constant 0 : i32
      %dma_wait3A_1128 = tpu.memref_slice %arg6[%dma_wait3A_1120, %dma_wait3A_1121, %dma_wait3A_1127] : memref<2x16x32xi32, #tpu.memory_space<vmem>> -> memref<1x1x32xi32, #tpu.memory_space<vmem>>
      %dma_wait3A_1129 = tpu.memref_squeeze %dma_wait3A_1128 : memref<1x1x32xi32, #tpu.memory_space<vmem>> -> memref<32xi32, #tpu.memory_space<vmem>>
      %dma_wait3A_1130 = arith.constant 0 : i32
      %dma_wait3A_1131 = arith.constant 0 : i32
      %dma_wait3A_1132 = tpu.memref_slice %arg2[%arg0, %dma_wait3A_1130, %dma_wait3A_1131] : memref<2x10240x128xf32, #tpu.memory_space<hbm>> -> memref<1x10240x128xf32, #tpu.memory_space<hbm>>
      %dma_wait3A_1133 = tpu.memref_squeeze %dma_wait3A_1132 : memref<1x10240x128xf32, #tpu.memory_space<hbm>> -> memref<10240x128xf32, #tpu.memory_space<hbm>>
      %dma_wait3A_1134 = arith.constant 0 : i32
      %dma_wait3A_1135 = arith.constant 0 : i32
      %dma_wait3A_1136 = tpu.memref_slice %dma_wait3A_1133[%dma_wait3A_1134, %dma_wait3A_1135] : memref<10240x128xf32, #tpu.memory_space<hbm>> -> memref<10240x128xf32, #tpu.memory_space<hbm>>
      tpu.wait_indirect_dma semaphore(%arg14 : memref<!tpu.dma_semaphore, #tpu.memory_space<semaphore_mem>>) src(%dma_wait3A_1136 : memref<10240x128xf32, #tpu.memory_space<hbm>>) dst(%dma_wait3A_1126 : memref<32x128xf32, #tpu.memory_space<vmem>>)
      %run_scoped3A_1137 = arith.constant 4 : i32
      %run_scoped3A_1138 = arith.constant 0 : i32
      %run_scoped3A_1139 = arith.constant 9 : i32
      "tpu.region"() ({
        %run_scoped3A_1923 = tpu.sem_alloc : memref<!tpu.dma_semaphore, #tpu.memory_space<semaphore_mem>>
        %dma_start3A_1924 = arith.constant 0 : i32
        %dma_start3A_1925 = arith.constant 0 : i32
        %dma_start3A_1926 = tpu.memref_slice %arg8[%run_scoped3A_1137, %dma_start3A_1924, %dma_start3A_1925] : memref<5x32x128xf32, #tpu.memory_space<vmem>> -> memref<1x32x128xf32, #tpu.memory_space<vmem>>
        %dma_start3A_1927 = tpu.memref_squeeze %dma_start3A_1926 : memref<1x32x128xf32, #tpu.memory_space<vmem>> -> memref<32x128xf32, #tpu.memory_space<vmem>>
        %dma_start3A_1928 = arith.constant 0 : i32
        %dma_start3A_1929 = tpu.memref_slice %arg7[%run_scoped3A_1138, %run_scoped3A_1139, %dma_start3A_1928] : memref<2x16x32xi32, #tpu.memory_space<vmem>> -> memref<1x1x32xi32, #tpu.memory_space<vmem>>
        %dma_start3A_1930 = tpu.memref_squeeze %dma_start3A_1929 : memref<1x1x32xi32, #tpu.memory_space<vmem>> -> memref<32xi32, #tpu.memory_space<vmem>>
        %dma_start3A_1931 = arith.constant 0 : i32
        %dma_start3A_1932 = arith.constant 0 : i32
        %dma_start3A_1933 = tpu.memref_slice %arg9[%dma_start3A_1931, %dma_start3A_1932] : memref<10240x128xf32, #tpu.memory_space<vmem_shared>> -> memref<10240x128xf32, #tpu.memory_space<vmem_shared>>
        tpu.enqueue_indirect_dma source(%dma_start3A_1927 : memref<32x128xf32, #tpu.memory_space<vmem>>) target(%dma_start3A_1933 : memref<10240x128xf32, #tpu.memory_space<vmem_shared>>) offsets(%dma_start3A_1930 : memref<32xi32, #tpu.memory_space<vmem>>) semaphore(%run_scoped3A_1923 : memref<!tpu.dma_semaphore, #tpu.memory_space<semaphore_mem>>) {add = true}
        %dma_wait3A_1934 = arith.constant 0 : i32
        %dma_wait3A_1935 = arith.constant 0 : i32
        %dma_wait3A_1936 = tpu.memref_slice %arg8[%run_scoped3A_1137, %dma_wait3A_1934, %dma_wait3A_1935] : memref<5x32x128xf32, #tpu.memory_space<vmem>> -> memref<1x32x128xf32, #tpu.memory_space<vmem>>
        %dma_wait3A_1937 = tpu.memref_squeeze %dma_wait3A_1936 : memref<1x32x128xf32, #tpu.memory_space<vmem>> -> memref<32x128xf32, #tpu.memory_space<vmem>>
        %dma_wait3A_1938 = arith.constant 0 : i32
        %dma_wait3A_1939 = tpu.memref_slice %arg7[%run_scoped3A_1138, %run_scoped3A_1139, %dma_wait3A_1938] : memref<2x16x32xi32, #tpu.memory_space<vmem>> -> memref<1x1x32xi32, #tpu.memory_space<vmem>>
        %dma_wait3A_1940 = tpu.memref_squeeze %dma_wait3A_1939 : memref<1x1x32xi32, #tpu.memory_space<vmem>> -> memref<32xi32, #tpu.memory_space<vmem>>
        %dma_wait3A_1941 = arith.constant 0 : i32
        %dma_wait3A_1942 = arith.constant 0 : i32
        %dma_wait3A_1943 = tpu.memref_slice %arg9[%dma_wait3A_1941, %dma_wait3A_1942] : memref<10240x128xf32, #tpu.memory_space<vmem_shared>> -> memref<10240x128xf32, #tpu.memory_space<vmem_shared>>
        tpu.wait_indirect_dma semaphore(%run_scoped3A_1923 : memref<!tpu.dma_semaphore, #tpu.memory_space<semaphore_mem>>) src(%dma_wait3A_1937 : memref<32x128xf32, #tpu.memory_space<vmem>>) dst(%dma_wait3A_1943 : memref<10240x128xf32, #tpu.memory_space<vmem_shared>>)
        tpu.yield
      }) : () -> ()
      %dma_start3A_1140 = arith.constant 0 : i32
      %dma_start3A_1141 = arith.constant 14 : i32
      %dma_start3A_1142 = arith.constant 4 : i32
      %dma_start3A_1143 = arith.constant 0 : i32
      %dma_start3A_1144 = arith.constant 0 : i32
      %dma_start3A_1145 = tpu.memref_slice %arg8[%dma_start3A_1142, %dma_start3A_1143, %dma_start3A_1144] : memref<5x32x128xf32, #tpu.memory_space<vmem>> -> memref<1x32x128xf32, #tpu.memory_space<vmem>>
      %dma_start3A_1146 = tpu.memref_squeeze %dma_start3A_1145 : memref<1x32x128xf32, #tpu.memory_space<vmem>> -> memref<32x128xf32, #tpu.memory_space<vmem>>
      %dma_start3A_1147 = arith.constant 0 : i32
      %dma_start3A_1148 = tpu.memref_slice %arg6[%dma_start3A_1140, %dma_start3A_1141, %dma_start3A_1147] : memref<2x16x32xi32, #tpu.memory_space<vmem>> -> memref<1x1x32xi32, #tpu.memory_space<vmem>>
      %dma_start3A_1149 = tpu.memref_squeeze %dma_start3A_1148 : memref<1x1x32xi32, #tpu.memory_space<vmem>> -> memref<32xi32, #tpu.memory_space<vmem>>
      %dma_start3A_1150 = arith.constant 0 : i32
      %dma_start3A_1151 = arith.constant 0 : i32
      %dma_start3A_1152 = tpu.memref_slice %arg2[%arg0, %dma_start3A_1150, %dma_start3A_1151] : memref<2x10240x128xf32, #tpu.memory_space<hbm>> -> memref<1x10240x128xf32, #tpu.memory_space<hbm>>
      %dma_start3A_1153 = tpu.memref_squeeze %dma_start3A_1152 : memref<1x10240x128xf32, #tpu.memory_space<hbm>> -> memref<10240x128xf32, #tpu.memory_space<hbm>>
      %dma_start3A_1154 = arith.constant 0 : i32
      %dma_start3A_1155 = arith.constant 0 : i32
      %dma_start3A_1156 = tpu.memref_slice %dma_start3A_1153[%dma_start3A_1154, %dma_start3A_1155] : memref<10240x128xf32, #tpu.memory_space<hbm>> -> memref<10240x128xf32, #tpu.memory_space<hbm>>
      tpu.enqueue_indirect_dma source(%dma_start3A_1156 : memref<10240x128xf32, #tpu.memory_space<hbm>>) target(%dma_start3A_1146 : memref<32x128xf32, #tpu.memory_space<vmem>>) offsets(%dma_start3A_1149 : memref<32xi32, #tpu.memory_space<vmem>>) semaphore(%arg14 : memref<!tpu.dma_semaphore, #tpu.memory_space<semaphore_mem>>)
      %dma_wait3A_1157 = arith.constant 0 : i32
      %dma_wait3A_1158 = arith.constant 10 : i32
      %dma_wait3A_1159 = arith.constant 0 : i32
      %dma_wait3A_1160 = arith.constant 0 : i32
      %dma_wait3A_1161 = arith.constant 0 : i32
      %dma_wait3A_1162 = tpu.memref_slice %arg8[%dma_wait3A_1159, %dma_wait3A_1160, %dma_wait3A_1161] : memref<5x32x128xf32, #tpu.memory_space<vmem>> -> memref<1x32x128xf32, #tpu.memory_space<vmem>>
      %dma_wait3A_1163 = tpu.memref_squeeze %dma_wait3A_1162 : memref<1x32x128xf32, #tpu.memory_space<vmem>> -> memref<32x128xf32, #tpu.memory_space<vmem>>
      %dma_wait3A_1164 = arith.constant 0 : i32
      %dma_wait3A_1165 = tpu.memref_slice %arg6[%dma_wait3A_1157, %dma_wait3A_1158, %dma_wait3A_1164] : memref<2x16x32xi32, #tpu.memory_space<vmem>> -> memref<1x1x32xi32, #tpu.memory_space<vmem>>
      %dma_wait3A_1166 = tpu.memref_squeeze %dma_wait3A_1165 : memref<1x1x32xi32, #tpu.memory_space<vmem>> -> memref<32xi32, #tpu.memory_space<vmem>>
      %dma_wait3A_1167 = arith.constant 0 : i32
      %dma_wait3A_1168 = arith.constant 0 : i32
      %dma_wait3A_1169 = tpu.memref_slice %arg2[%arg0, %dma_wait3A_1167, %dma_wait3A_1168] : memref<2x10240x128xf32, #tpu.memory_space<hbm>> -> memref<1x10240x128xf32, #tpu.memory_space<hbm>>
      %dma_wait3A_1170 = tpu.memref_squeeze %dma_wait3A_1169 : memref<1x10240x128xf32, #tpu.memory_space<hbm>> -> memref<10240x128xf32, #tpu.memory_space<hbm>>
      %dma_wait3A_1171 = arith.constant 0 : i32
      %dma_wait3A_1172 = arith.constant 0 : i32
      %dma_wait3A_1173 = tpu.memref_slice %dma_wait3A_1170[%dma_wait3A_1171, %dma_wait3A_1172] : memref<10240x128xf32, #tpu.memory_space<hbm>> -> memref<10240x128xf32, #tpu.memory_space<hbm>>
      tpu.wait_indirect_dma semaphore(%arg10 : memref<!tpu.dma_semaphore, #tpu.memory_space<semaphore_mem>>) src(%dma_wait3A_1173 : memref<10240x128xf32, #tpu.memory_space<hbm>>) dst(%dma_wait3A_1163 : memref<32x128xf32, #tpu.memory_space<vmem>>)
      %run_scoped3A_1174 = arith.constant 0 : i32
      %run_scoped3A_1175 = arith.constant 0 : i32
      %run_scoped3A_1176 = arith.constant 10 : i32
      "tpu.region"() ({
        %run_scoped3A_1923 = tpu.sem_alloc : memref<!tpu.dma_semaphore, #tpu.memory_space<semaphore_mem>>
        %dma_start3A_1924 = arith.constant 0 : i32
        %dma_start3A_1925 = arith.constant 0 : i32
        %dma_start3A_1926 = tpu.memref_slice %arg8[%run_scoped3A_1174, %dma_start3A_1924, %dma_start3A_1925] : memref<5x32x128xf32, #tpu.memory_space<vmem>> -> memref<1x32x128xf32, #tpu.memory_space<vmem>>
        %dma_start3A_1927 = tpu.memref_squeeze %dma_start3A_1926 : memref<1x32x128xf32, #tpu.memory_space<vmem>> -> memref<32x128xf32, #tpu.memory_space<vmem>>
        %dma_start3A_1928 = arith.constant 0 : i32
        %dma_start3A_1929 = tpu.memref_slice %arg7[%run_scoped3A_1175, %run_scoped3A_1176, %dma_start3A_1928] : memref<2x16x32xi32, #tpu.memory_space<vmem>> -> memref<1x1x32xi32, #tpu.memory_space<vmem>>
        %dma_start3A_1930 = tpu.memref_squeeze %dma_start3A_1929 : memref<1x1x32xi32, #tpu.memory_space<vmem>> -> memref<32xi32, #tpu.memory_space<vmem>>
        %dma_start3A_1931 = arith.constant 0 : i32
        %dma_start3A_1932 = arith.constant 0 : i32
        %dma_start3A_1933 = tpu.memref_slice %arg9[%dma_start3A_1931, %dma_start3A_1932] : memref<10240x128xf32, #tpu.memory_space<vmem_shared>> -> memref<10240x128xf32, #tpu.memory_space<vmem_shared>>
        tpu.enqueue_indirect_dma source(%dma_start3A_1927 : memref<32x128xf32, #tpu.memory_space<vmem>>) target(%dma_start3A_1933 : memref<10240x128xf32, #tpu.memory_space<vmem_shared>>) offsets(%dma_start3A_1930 : memref<32xi32, #tpu.memory_space<vmem>>) semaphore(%run_scoped3A_1923 : memref<!tpu.dma_semaphore, #tpu.memory_space<semaphore_mem>>) {add = true}
        %dma_wait3A_1934 = arith.constant 0 : i32
        %dma_wait3A_1935 = arith.constant 0 : i32
        %dma_wait3A_1936 = tpu.memref_slice %arg8[%run_scoped3A_1174, %dma_wait3A_1934, %dma_wait3A_1935] : memref<5x32x128xf32, #tpu.memory_space<vmem>> -> memref<1x32x128xf32, #tpu.memory_space<vmem>>
        %dma_wait3A_1937 = tpu.memref_squeeze %dma_wait3A_1936 : memref<1x32x128xf32, #tpu.memory_space<vmem>> -> memref<32x128xf32, #tpu.memory_space<vmem>>
        %dma_wait3A_1938 = arith.constant 0 : i32
        %dma_wait3A_1939 = tpu.memref_slice %arg7[%run_scoped3A_1175, %run_scoped3A_1176, %dma_wait3A_1938] : memref<2x16x32xi32, #tpu.memory_space<vmem>> -> memref<1x1x32xi32, #tpu.memory_space<vmem>>
        %dma_wait3A_1940 = tpu.memref_squeeze %dma_wait3A_1939 : memref<1x1x32xi32, #tpu.memory_space<vmem>> -> memref<32xi32, #tpu.memory_space<vmem>>
        %dma_wait3A_1941 = arith.constant 0 : i32
        %dma_wait3A_1942 = arith.constant 0 : i32
        %dma_wait3A_1943 = tpu.memref_slice %arg9[%dma_wait3A_1941, %dma_wait3A_1942] : memref<10240x128xf32, #tpu.memory_space<vmem_shared>> -> memref<10240x128xf32, #tpu.memory_space<vmem_shared>>
        tpu.wait_indirect_dma semaphore(%run_scoped3A_1923 : memref<!tpu.dma_semaphore, #tpu.memory_space<semaphore_mem>>) src(%dma_wait3A_1937 : memref<32x128xf32, #tpu.memory_space<vmem>>) dst(%dma_wait3A_1943 : memref<10240x128xf32, #tpu.memory_space<vmem_shared>>)
        tpu.yield
      }) : () -> ()
      %dma_start3A_1177 = arith.constant 0 : i32
      %dma_start3A_1178 = arith.constant 15 : i32
      %dma_start3A_1179 = arith.constant 0 : i32
      %dma_start3A_1180 = arith.constant 0 : i32
      %dma_start3A_1181 = arith.constant 0 : i32
      %dma_start3A_1182 = tpu.memref_slice %arg8[%dma_start3A_1179, %dma_start3A_1180, %dma_start3A_1181] : memref<5x32x128xf32, #tpu.memory_space<vmem>> -> memref<1x32x128xf32, #tpu.memory_space<vmem>>
      %dma_start3A_1183 = tpu.memref_squeeze %dma_start3A_1182 : memref<1x32x128xf32, #tpu.memory_space<vmem>> -> memref<32x128xf32, #tpu.memory_space<vmem>>
      %dma_start3A_1184 = arith.constant 0 : i32
      %dma_start3A_1185 = tpu.memref_slice %arg6[%dma_start3A_1177, %dma_start3A_1178, %dma_start3A_1184] : memref<2x16x32xi32, #tpu.memory_space<vmem>> -> memref<1x1x32xi32, #tpu.memory_space<vmem>>
      %dma_start3A_1186 = tpu.memref_squeeze %dma_start3A_1185 : memref<1x1x32xi32, #tpu.memory_space<vmem>> -> memref<32xi32, #tpu.memory_space<vmem>>
      %dma_start3A_1187 = arith.constant 0 : i32
      %dma_start3A_1188 = arith.constant 0 : i32
      %dma_start3A_1189 = tpu.memref_slice %arg2[%arg0, %dma_start3A_1187, %dma_start3A_1188] : memref<2x10240x128xf32, #tpu.memory_space<hbm>> -> memref<1x10240x128xf32, #tpu.memory_space<hbm>>
      %dma_start3A_1190 = tpu.memref_squeeze %dma_start3A_1189 : memref<1x10240x128xf32, #tpu.memory_space<hbm>> -> memref<10240x128xf32, #tpu.memory_space<hbm>>
      %dma_start3A_1191 = arith.constant 0 : i32
      %dma_start3A_1192 = arith.constant 0 : i32
      %dma_start3A_1193 = tpu.memref_slice %dma_start3A_1190[%dma_start3A_1191, %dma_start3A_1192] : memref<10240x128xf32, #tpu.memory_space<hbm>> -> memref<10240x128xf32, #tpu.memory_space<hbm>>
      tpu.enqueue_indirect_dma source(%dma_start3A_1193 : memref<10240x128xf32, #tpu.memory_space<hbm>>) target(%dma_start3A_1183 : memref<32x128xf32, #tpu.memory_space<vmem>>) offsets(%dma_start3A_1186 : memref<32xi32, #tpu.memory_space<vmem>>) semaphore(%arg10 : memref<!tpu.dma_semaphore, #tpu.memory_space<semaphore_mem>>)
      %dma_wait3A_1194 = arith.constant 0 : i32
      %dma_wait3A_1195 = arith.constant 11 : i32
      %dma_wait3A_1196 = arith.constant 1 : i32
      %dma_wait3A_1197 = arith.constant 0 : i32
      %dma_wait3A_1198 = arith.constant 0 : i32
      %dma_wait3A_1199 = tpu.memref_slice %arg8[%dma_wait3A_1196, %dma_wait3A_1197, %dma_wait3A_1198] : memref<5x32x128xf32, #tpu.memory_space<vmem>> -> memref<1x32x128xf32, #tpu.memory_space<vmem>>
      %dma_wait3A_1200 = tpu.memref_squeeze %dma_wait3A_1199 : memref<1x32x128xf32, #tpu.memory_space<vmem>> -> memref<32x128xf32, #tpu.memory_space<vmem>>
      %dma_wait3A_1201 = arith.constant 0 : i32
      %dma_wait3A_1202 = tpu.memref_slice %arg6[%dma_wait3A_1194, %dma_wait3A_1195, %dma_wait3A_1201] : memref<2x16x32xi32, #tpu.memory_space<vmem>> -> memref<1x1x32xi32, #tpu.memory_space<vmem>>
      %dma_wait3A_1203 = tpu.memref_squeeze %dma_wait3A_1202 : memref<1x1x32xi32, #tpu.memory_space<vmem>> -> memref<32xi32, #tpu.memory_space<vmem>>
      %dma_wait3A_1204 = arith.constant 0 : i32
      %dma_wait3A_1205 = arith.constant 0 : i32
      %dma_wait3A_1206 = tpu.memref_slice %arg2[%arg0, %dma_wait3A_1204, %dma_wait3A_1205] : memref<2x10240x128xf32, #tpu.memory_space<hbm>> -> memref<1x10240x128xf32, #tpu.memory_space<hbm>>
      %dma_wait3A_1207 = tpu.memref_squeeze %dma_wait3A_1206 : memref<1x10240x128xf32, #tpu.memory_space<hbm>> -> memref<10240x128xf32, #tpu.memory_space<hbm>>
      %dma_wait3A_1208 = arith.constant 0 : i32
      %dma_wait3A_1209 = arith.constant 0 : i32
      %dma_wait3A_1210 = tpu.memref_slice %dma_wait3A_1207[%dma_wait3A_1208, %dma_wait3A_1209] : memref<10240x128xf32, #tpu.memory_space<hbm>> -> memref<10240x128xf32, #tpu.memory_space<hbm>>
      tpu.wait_indirect_dma semaphore(%arg11 : memref<!tpu.dma_semaphore, #tpu.memory_space<semaphore_mem>>) src(%dma_wait3A_1210 : memref<10240x128xf32, #tpu.memory_space<hbm>>) dst(%dma_wait3A_1200 : memref<32x128xf32, #tpu.memory_space<vmem>>)
      %run_scoped3A_1211 = arith.constant 1 : i32
      %run_scoped3A_1212 = arith.constant 0 : i32
      %run_scoped3A_1213 = arith.constant 11 : i32
      "tpu.region"() ({
        %run_scoped3A_1923 = tpu.sem_alloc : memref<!tpu.dma_semaphore, #tpu.memory_space<semaphore_mem>>
        %dma_start3A_1924 = arith.constant 0 : i32
        %dma_start3A_1925 = arith.constant 0 : i32
        %dma_start3A_1926 = tpu.memref_slice %arg8[%run_scoped3A_1211, %dma_start3A_1924, %dma_start3A_1925] : memref<5x32x128xf32, #tpu.memory_space<vmem>> -> memref<1x32x128xf32, #tpu.memory_space<vmem>>
        %dma_start3A_1927 = tpu.memref_squeeze %dma_start3A_1926 : memref<1x32x128xf32, #tpu.memory_space<vmem>> -> memref<32x128xf32, #tpu.memory_space<vmem>>
        %dma_start3A_1928 = arith.constant 0 : i32
        %dma_start3A_1929 = tpu.memref_slice %arg7[%run_scoped3A_1212, %run_scoped3A_1213, %dma_start3A_1928] : memref<2x16x32xi32, #tpu.memory_space<vmem>> -> memref<1x1x32xi32, #tpu.memory_space<vmem>>
        %dma_start3A_1930 = tpu.memref_squeeze %dma_start3A_1929 : memref<1x1x32xi32, #tpu.memory_space<vmem>> -> memref<32xi32, #tpu.memory_space<vmem>>
        %dma_start3A_1931 = arith.constant 0 : i32
        %dma_start3A_1932 = arith.constant 0 : i32
        %dma_start3A_1933 = tpu.memref_slice %arg9[%dma_start3A_1931, %dma_start3A_1932] : memref<10240x128xf32, #tpu.memory_space<vmem_shared>> -> memref<10240x128xf32, #tpu.memory_space<vmem_shared>>
        tpu.enqueue_indirect_dma source(%dma_start3A_1927 : memref<32x128xf32, #tpu.memory_space<vmem>>) target(%dma_start3A_1933 : memref<10240x128xf32, #tpu.memory_space<vmem_shared>>) offsets(%dma_start3A_1930 : memref<32xi32, #tpu.memory_space<vmem>>) semaphore(%run_scoped3A_1923 : memref<!tpu.dma_semaphore, #tpu.memory_space<semaphore_mem>>) {add = true}
        %dma_wait3A_1934 = arith.constant 0 : i32
        %dma_wait3A_1935 = arith.constant 0 : i32
        %dma_wait3A_1936 = tpu.memref_slice %arg8[%run_scoped3A_1211, %dma_wait3A_1934, %dma_wait3A_1935] : memref<5x32x128xf32, #tpu.memory_space<vmem>> -> memref<1x32x128xf32, #tpu.memory_space<vmem>>
        %dma_wait3A_1937 = tpu.memref_squeeze %dma_wait3A_1936 : memref<1x32x128xf32, #tpu.memory_space<vmem>> -> memref<32x128xf32, #tpu.memory_space<vmem>>
        %dma_wait3A_1938 = arith.constant 0 : i32
        %dma_wait3A_1939 = tpu.memref_slice %arg7[%run_scoped3A_1212, %run_scoped3A_1213, %dma_wait3A_1938] : memref<2x16x32xi32, #tpu.memory_space<vmem>> -> memref<1x1x32xi32, #tpu.memory_space<vmem>>
        %dma_wait3A_1940 = tpu.memref_squeeze %dma_wait3A_1939 : memref<1x1x32xi32, #tpu.memory_space<vmem>> -> memref<32xi32, #tpu.memory_space<vmem>>
        %dma_wait3A_1941 = arith.constant 0 : i32
        %dma_wait3A_1942 = arith.constant 0 : i32
        %dma_wait3A_1943 = tpu.memref_slice %arg9[%dma_wait3A_1941, %dma_wait3A_1942] : memref<10240x128xf32, #tpu.memory_space<vmem_shared>> -> memref<10240x128xf32, #tpu.memory_space<vmem_shared>>
        tpu.wait_indirect_dma semaphore(%run_scoped3A_1923 : memref<!tpu.dma_semaphore, #tpu.memory_space<semaphore_mem>>) src(%dma_wait3A_1937 : memref<32x128xf32, #tpu.memory_space<vmem>>) dst(%dma_wait3A_1943 : memref<10240x128xf32, #tpu.memory_space<vmem_shared>>)
        tpu.yield
      }) : () -> ()
      %dma_wait3A_1214 = arith.constant 0 : i32
      %dma_wait3A_1215 = arith.constant 12 : i32
      %dma_wait3A_1216 = arith.constant 2 : i32
      %dma_wait3A_1217 = arith.constant 0 : i32
      %dma_wait3A_1218 = arith.constant 0 : i32
      %dma_wait3A_1219 = tpu.memref_slice %arg8[%dma_wait3A_1216, %dma_wait3A_1217, %dma_wait3A_1218] : memref<5x32x128xf32, #tpu.memory_space<vmem>> -> memref<1x32x128xf32, #tpu.memory_space<vmem>>
      %dma_wait3A_1220 = tpu.memref_squeeze %dma_wait3A_1219 : memref<1x32x128xf32, #tpu.memory_space<vmem>> -> memref<32x128xf32, #tpu.memory_space<vmem>>
      %dma_wait3A_1221 = arith.constant 0 : i32
      %dma_wait3A_1222 = tpu.memref_slice %arg6[%dma_wait3A_1214, %dma_wait3A_1215, %dma_wait3A_1221] : memref<2x16x32xi32, #tpu.memory_space<vmem>> -> memref<1x1x32xi32, #tpu.memory_space<vmem>>
      %dma_wait3A_1223 = tpu.memref_squeeze %dma_wait3A_1222 : memref<1x1x32xi32, #tpu.memory_space<vmem>> -> memref<32xi32, #tpu.memory_space<vmem>>
      %dma_wait3A_1224 = arith.constant 0 : i32
      %dma_wait3A_1225 = arith.constant 0 : i32
      %dma_wait3A_1226 = tpu.memref_slice %arg2[%arg0, %dma_wait3A_1224, %dma_wait3A_1225] : memref<2x10240x128xf32, #tpu.memory_space<hbm>> -> memref<1x10240x128xf32, #tpu.memory_space<hbm>>
      %dma_wait3A_1227 = tpu.memref_squeeze %dma_wait3A_1226 : memref<1x10240x128xf32, #tpu.memory_space<hbm>> -> memref<10240x128xf32, #tpu.memory_space<hbm>>
      %dma_wait3A_1228 = arith.constant 0 : i32
      %dma_wait3A_1229 = arith.constant 0 : i32
      %dma_wait3A_1230 = tpu.memref_slice %dma_wait3A_1227[%dma_wait3A_1228, %dma_wait3A_1229] : memref<10240x128xf32, #tpu.memory_space<hbm>> -> memref<10240x128xf32, #tpu.memory_space<hbm>>
      tpu.wait_indirect_dma semaphore(%arg12 : memref<!tpu.dma_semaphore, #tpu.memory_space<semaphore_mem>>) src(%dma_wait3A_1230 : memref<10240x128xf32, #tpu.memory_space<hbm>>) dst(%dma_wait3A_1220 : memref<32x128xf32, #tpu.memory_space<vmem>>)
      %run_scoped3A_1231 = arith.constant 2 : i32
      %run_scoped3A_1232 = arith.constant 0 : i32
      %run_scoped3A_1233 = arith.constant 12 : i32
      "tpu.region"() ({
        %run_scoped3A_1923 = tpu.sem_alloc : memref<!tpu.dma_semaphore, #tpu.memory_space<semaphore_mem>>
        %dma_start3A_1924 = arith.constant 0 : i32
        %dma_start3A_1925 = arith.constant 0 : i32
        %dma_start3A_1926 = tpu.memref_slice %arg8[%run_scoped3A_1231, %dma_start3A_1924, %dma_start3A_1925] : memref<5x32x128xf32, #tpu.memory_space<vmem>> -> memref<1x32x128xf32, #tpu.memory_space<vmem>>
        %dma_start3A_1927 = tpu.memref_squeeze %dma_start3A_1926 : memref<1x32x128xf32, #tpu.memory_space<vmem>> -> memref<32x128xf32, #tpu.memory_space<vmem>>
        %dma_start3A_1928 = arith.constant 0 : i32
        %dma_start3A_1929 = tpu.memref_slice %arg7[%run_scoped3A_1232, %run_scoped3A_1233, %dma_start3A_1928] : memref<2x16x32xi32, #tpu.memory_space<vmem>> -> memref<1x1x32xi32, #tpu.memory_space<vmem>>
        %dma_start3A_1930 = tpu.memref_squeeze %dma_start3A_1929 : memref<1x1x32xi32, #tpu.memory_space<vmem>> -> memref<32xi32, #tpu.memory_space<vmem>>
        %dma_start3A_1931 = arith.constant 0 : i32
        %dma_start3A_1932 = arith.constant 0 : i32
        %dma_start3A_1933 = tpu.memref_slice %arg9[%dma_start3A_1931, %dma_start3A_1932] : memref<10240x128xf32, #tpu.memory_space<vmem_shared>> -> memref<10240x128xf32, #tpu.memory_space<vmem_shared>>
        tpu.enqueue_indirect_dma source(%dma_start3A_1927 : memref<32x128xf32, #tpu.memory_space<vmem>>) target(%dma_start3A_1933 : memref<10240x128xf32, #tpu.memory_space<vmem_shared>>) offsets(%dma_start3A_1930 : memref<32xi32, #tpu.memory_space<vmem>>) semaphore(%run_scoped3A_1923 : memref<!tpu.dma_semaphore, #tpu.memory_space<semaphore_mem>>) {add = true}
        %dma_wait3A_1934 = arith.constant 0 : i32
        %dma_wait3A_1935 = arith.constant 0 : i32
        %dma_wait3A_1936 = tpu.memref_slice %arg8[%run_scoped3A_1231, %dma_wait3A_1934, %dma_wait3A_1935] : memref<5x32x128xf32, #tpu.memory_space<vmem>> -> memref<1x32x128xf32, #tpu.memory_space<vmem>>
        %dma_wait3A_1937 = tpu.memref_squeeze %dma_wait3A_1936 : memref<1x32x128xf32, #tpu.memory_space<vmem>> -> memref<32x128xf32, #tpu.memory_space<vmem>>
        %dma_wait3A_1938 = arith.constant 0 : i32
        %dma_wait3A_1939 = tpu.memref_slice %arg7[%run_scoped3A_1232, %run_scoped3A_1233, %dma_wait3A_1938] : memref<2x16x32xi32, #tpu.memory_space<vmem>> -> memref<1x1x32xi32, #tpu.memory_space<vmem>>
        %dma_wait3A_1940 = tpu.memref_squeeze %dma_wait3A_1939 : memref<1x1x32xi32, #tpu.memory_space<vmem>> -> memref<32xi32, #tpu.memory_space<vmem>>
        %dma_wait3A_1941 = arith.constant 0 : i32
        %dma_wait3A_1942 = arith.constant 0 : i32
        %dma_wait3A_1943 = tpu.memref_slice %arg9[%dma_wait3A_1941, %dma_wait3A_1942] : memref<10240x128xf32, #tpu.memory_space<vmem_shared>> -> memref<10240x128xf32, #tpu.memory_space<vmem_shared>>
        tpu.wait_indirect_dma semaphore(%run_scoped3A_1923 : memref<!tpu.dma_semaphore, #tpu.memory_space<semaphore_mem>>) src(%dma_wait3A_1937 : memref<32x128xf32, #tpu.memory_space<vmem>>) dst(%dma_wait3A_1943 : memref<10240x128xf32, #tpu.memory_space<vmem_shared>>)
        tpu.yield
      }) : () -> ()
      %dma_wait3A_1234 = arith.constant 0 : i32
      %dma_wait3A_1235 = arith.constant 13 : i32
      %dma_wait3A_1236 = arith.constant 3 : i32
      %dma_wait3A_1237 = arith.constant 0 : i32
      %dma_wait3A_1238 = arith.constant 0 : i32
      %dma_wait3A_1239 = tpu.memref_slice %arg8[%dma_wait3A_1236, %dma_wait3A_1237, %dma_wait3A_1238] : memref<5x32x128xf32, #tpu.memory_space<vmem>> -> memref<1x32x128xf32, #tpu.memory_space<vmem>>
      %dma_wait3A_1240 = tpu.memref_squeeze %dma_wait3A_1239 : memref<1x32x128xf32, #tpu.memory_space<vmem>> -> memref<32x128xf32, #tpu.memory_space<vmem>>
      %dma_wait3A_1241 = arith.constant 0 : i32
      %dma_wait3A_1242 = tpu.memref_slice %arg6[%dma_wait3A_1234, %dma_wait3A_1235, %dma_wait3A_1241] : memref<2x16x32xi32, #tpu.memory_space<vmem>> -> memref<1x1x32xi32, #tpu.memory_space<vmem>>
      %dma_wait3A_1243 = tpu.memref_squeeze %dma_wait3A_1242 : memref<1x1x32xi32, #tpu.memory_space<vmem>> -> memref<32xi32, #tpu.memory_space<vmem>>
      %dma_wait3A_1244 = arith.constant 0 : i32
      %dma_wait3A_1245 = arith.constant 0 : i32
      %dma_wait3A_1246 = tpu.memref_slice %arg2[%arg0, %dma_wait3A_1244, %dma_wait3A_1245] : memref<2x10240x128xf32, #tpu.memory_space<hbm>> -> memref<1x10240x128xf32, #tpu.memory_space<hbm>>
      %dma_wait3A_1247 = tpu.memref_squeeze %dma_wait3A_1246 : memref<1x10240x128xf32, #tpu.memory_space<hbm>> -> memref<10240x128xf32, #tpu.memory_space<hbm>>
      %dma_wait3A_1248 = arith.constant 0 : i32
      %dma_wait3A_1249 = arith.constant 0 : i32
      %dma_wait3A_1250 = tpu.memref_slice %dma_wait3A_1247[%dma_wait3A_1248, %dma_wait3A_1249] : memref<10240x128xf32, #tpu.memory_space<hbm>> -> memref<10240x128xf32, #tpu.memory_space<hbm>>
      tpu.wait_indirect_dma semaphore(%arg13 : memref<!tpu.dma_semaphore, #tpu.memory_space<semaphore_mem>>) src(%dma_wait3A_1250 : memref<10240x128xf32, #tpu.memory_space<hbm>>) dst(%dma_wait3A_1240 : memref<32x128xf32, #tpu.memory_space<vmem>>)
      %run_scoped3A_1251 = arith.constant 3 : i32
      %run_scoped3A_1252 = arith.constant 0 : i32
      %run_scoped3A_1253 = arith.constant 13 : i32
      "tpu.region"() ({
        %run_scoped3A_1923 = tpu.sem_alloc : memref<!tpu.dma_semaphore, #tpu.memory_space<semaphore_mem>>
        %dma_start3A_1924 = arith.constant 0 : i32
        %dma_start3A_1925 = arith.constant 0 : i32
        %dma_start3A_1926 = tpu.memref_slice %arg8[%run_scoped3A_1251, %dma_start3A_1924, %dma_start3A_1925] : memref<5x32x128xf32, #tpu.memory_space<vmem>> -> memref<1x32x128xf32, #tpu.memory_space<vmem>>
        %dma_start3A_1927 = tpu.memref_squeeze %dma_start3A_1926 : memref<1x32x128xf32, #tpu.memory_space<vmem>> -> memref<32x128xf32, #tpu.memory_space<vmem>>
        %dma_start3A_1928 = arith.constant 0 : i32
        %dma_start3A_1929 = tpu.memref_slice %arg7[%run_scoped3A_1252, %run_scoped3A_1253, %dma_start3A_1928] : memref<2x16x32xi32, #tpu.memory_space<vmem>> -> memref<1x1x32xi32, #tpu.memory_space<vmem>>
        %dma_start3A_1930 = tpu.memref_squeeze %dma_start3A_1929 : memref<1x1x32xi32, #tpu.memory_space<vmem>> -> memref<32xi32, #tpu.memory_space<vmem>>
        %dma_start3A_1931 = arith.constant 0 : i32
        %dma_start3A_1932 = arith.constant 0 : i32
        %dma_start3A_1933 = tpu.memref_slice %arg9[%dma_start3A_1931, %dma_start3A_1932] : memref<10240x128xf32, #tpu.memory_space<vmem_shared>> -> memref<10240x128xf32, #tpu.memory_space<vmem_shared>>
        tpu.enqueue_indirect_dma source(%dma_start3A_1927 : memref<32x128xf32, #tpu.memory_space<vmem>>) target(%dma_start3A_1933 : memref<10240x128xf32, #tpu.memory_space<vmem_shared>>) offsets(%dma_start3A_1930 : memref<32xi32, #tpu.memory_space<vmem>>) semaphore(%run_scoped3A_1923 : memref<!tpu.dma_semaphore, #tpu.memory_space<semaphore_mem>>) {add = true}
        %dma_wait3A_1934 = arith.constant 0 : i32
        %dma_wait3A_1935 = arith.constant 0 : i32
        %dma_wait3A_1936 = tpu.memref_slice %arg8[%run_scoped3A_1251, %dma_wait3A_1934, %dma_wait3A_1935] : memref<5x32x128xf32, #tpu.memory_space<vmem>> -> memref<1x32x128xf32, #tpu.memory_space<vmem>>
        %dma_wait3A_1937 = tpu.memref_squeeze %dma_wait3A_1936 : memref<1x32x128xf32, #tpu.memory_space<vmem>> -> memref<32x128xf32, #tpu.memory_space<vmem>>
        %dma_wait3A_1938 = arith.constant 0 : i32
        %dma_wait3A_1939 = tpu.memref_slice %arg7[%run_scoped3A_1252, %run_scoped3A_1253, %dma_wait3A_1938] : memref<2x16x32xi32, #tpu.memory_space<vmem>> -> memref<1x1x32xi32, #tpu.memory_space<vmem>>
        %dma_wait3A_1940 = tpu.memref_squeeze %dma_wait3A_1939 : memref<1x1x32xi32, #tpu.memory_space<vmem>> -> memref<32xi32, #tpu.memory_space<vmem>>
        %dma_wait3A_1941 = arith.constant 0 : i32
        %dma_wait3A_1942 = arith.constant 0 : i32
        %dma_wait3A_1943 = tpu.memref_slice %arg9[%dma_wait3A_1941, %dma_wait3A_1942] : memref<10240x128xf32, #tpu.memory_space<vmem_shared>> -> memref<10240x128xf32, #tpu.memory_space<vmem_shared>>
        tpu.wait_indirect_dma semaphore(%run_scoped3A_1923 : memref<!tpu.dma_semaphore, #tpu.memory_space<semaphore_mem>>) src(%dma_wait3A_1937 : memref<32x128xf32, #tpu.memory_space<vmem>>) dst(%dma_wait3A_1943 : memref<10240x128xf32, #tpu.memory_space<vmem_shared>>)
        tpu.yield
      }) : () -> ()
      %dma_wait3A_1254 = arith.constant 0 : i32
      %dma_wait3A_1255 = arith.constant 14 : i32
      %dma_wait3A_1256 = arith.constant 4 : i32
      %dma_wait3A_1257 = arith.constant 0 : i32
      %dma_wait3A_1258 = arith.constant 0 : i32
      %dma_wait3A_1259 = tpu.memref_slice %arg8[%dma_wait3A_1256, %dma_wait3A_1257, %dma_wait3A_1258] : memref<5x32x128xf32, #tpu.memory_space<vmem>> -> memref<1x32x128xf32, #tpu.memory_space<vmem>>
      %dma_wait3A_1260 = tpu.memref_squeeze %dma_wait3A_1259 : memref<1x32x128xf32, #tpu.memory_space<vmem>> -> memref<32x128xf32, #tpu.memory_space<vmem>>
      %dma_wait3A_1261 = arith.constant 0 : i32
      %dma_wait3A_1262 = tpu.memref_slice %arg6[%dma_wait3A_1254, %dma_wait3A_1255, %dma_wait3A_1261] : memref<2x16x32xi32, #tpu.memory_space<vmem>> -> memref<1x1x32xi32, #tpu.memory_space<vmem>>
      %dma_wait3A_1263 = tpu.memref_squeeze %dma_wait3A_1262 : memref<1x1x32xi32, #tpu.memory_space<vmem>> -> memref<32xi32, #tpu.memory_space<vmem>>
      %dma_wait3A_1264 = arith.constant 0 : i32
      %dma_wait3A_1265 = arith.constant 0 : i32
      %dma_wait3A_1266 = tpu.memref_slice %arg2[%arg0, %dma_wait3A_1264, %dma_wait3A_1265] : memref<2x10240x128xf32, #tpu.memory_space<hbm>> -> memref<1x10240x128xf32, #tpu.memory_space<hbm>>
      %dma_wait3A_1267 = tpu.memref_squeeze %dma_wait3A_1266 : memref<1x10240x128xf32, #tpu.memory_space<hbm>> -> memref<10240x128xf32, #tpu.memory_space<hbm>>
      %dma_wait3A_1268 = arith.constant 0 : i32
      %dma_wait3A_1269 = arith.constant 0 : i32
      %dma_wait3A_1270 = tpu.memref_slice %dma_wait3A_1267[%dma_wait3A_1268, %dma_wait3A_1269] : memref<10240x128xf32, #tpu.memory_space<hbm>> -> memref<10240x128xf32, #tpu.memory_space<hbm>>
      tpu.wait_indirect_dma semaphore(%arg14 : memref<!tpu.dma_semaphore, #tpu.memory_space<semaphore_mem>>) src(%dma_wait3A_1270 : memref<10240x128xf32, #tpu.memory_space<hbm>>) dst(%dma_wait3A_1260 : memref<32x128xf32, #tpu.memory_space<vmem>>)
      %run_scoped3A_1271 = arith.constant 4 : i32
      %run_scoped3A_1272 = arith.constant 0 : i32
      %run_scoped3A_1273 = arith.constant 14 : i32
      "tpu.region"() ({
        %run_scoped3A_1923 = tpu.sem_alloc : memref<!tpu.dma_semaphore, #tpu.memory_space<semaphore_mem>>
        %dma_start3A_1924 = arith.constant 0 : i32
        %dma_start3A_1925 = arith.constant 0 : i32
        %dma_start3A_1926 = tpu.memref_slice %arg8[%run_scoped3A_1271, %dma_start3A_1924, %dma_start3A_1925] : memref<5x32x128xf32, #tpu.memory_space<vmem>> -> memref<1x32x128xf32, #tpu.memory_space<vmem>>
        %dma_start3A_1927 = tpu.memref_squeeze %dma_start3A_1926 : memref<1x32x128xf32, #tpu.memory_space<vmem>> -> memref<32x128xf32, #tpu.memory_space<vmem>>
        %dma_start3A_1928 = arith.constant 0 : i32
        %dma_start3A_1929 = tpu.memref_slice %arg7[%run_scoped3A_1272, %run_scoped3A_1273, %dma_start3A_1928] : memref<2x16x32xi32, #tpu.memory_space<vmem>> -> memref<1x1x32xi32, #tpu.memory_space<vmem>>
        %dma_start3A_1930 = tpu.memref_squeeze %dma_start3A_1929 : memref<1x1x32xi32, #tpu.memory_space<vmem>> -> memref<32xi32, #tpu.memory_space<vmem>>
        %dma_start3A_1931 = arith.constant 0 : i32
        %dma_start3A_1932 = arith.constant 0 : i32
        %dma_start3A_1933 = tpu.memref_slice %arg9[%dma_start3A_1931, %dma_start3A_1932] : memref<10240x128xf32, #tpu.memory_space<vmem_shared>> -> memref<10240x128xf32, #tpu.memory_space<vmem_shared>>
        tpu.enqueue_indirect_dma source(%dma_start3A_1927 : memref<32x128xf32, #tpu.memory_space<vmem>>) target(%dma_start3A_1933 : memref<10240x128xf32, #tpu.memory_space<vmem_shared>>) offsets(%dma_start3A_1930 : memref<32xi32, #tpu.memory_space<vmem>>) semaphore(%run_scoped3A_1923 : memref<!tpu.dma_semaphore, #tpu.memory_space<semaphore_mem>>) {add = true}
        %dma_wait3A_1934 = arith.constant 0 : i32
        %dma_wait3A_1935 = arith.constant 0 : i32
        %dma_wait3A_1936 = tpu.memref_slice %arg8[%run_scoped3A_1271, %dma_wait3A_1934, %dma_wait3A_1935] : memref<5x32x128xf32, #tpu.memory_space<vmem>> -> memref<1x32x128xf32, #tpu.memory_space<vmem>>
        %dma_wait3A_1937 = tpu.memref_squeeze %dma_wait3A_1936 : memref<1x32x128xf32, #tpu.memory_space<vmem>> -> memref<32x128xf32, #tpu.memory_space<vmem>>
        %dma_wait3A_1938 = arith.constant 0 : i32
        %dma_wait3A_1939 = tpu.memref_slice %arg7[%run_scoped3A_1272, %run_scoped3A_1273, %dma_wait3A_1938] : memref<2x16x32xi32, #tpu.memory_space<vmem>> -> memref<1x1x32xi32, #tpu.memory_space<vmem>>
        %dma_wait3A_1940 = tpu.memref_squeeze %dma_wait3A_1939 : memref<1x1x32xi32, #tpu.memory_space<vmem>> -> memref<32xi32, #tpu.memory_space<vmem>>
        %dma_wait3A_1941 = arith.constant 0 : i32
        %dma_wait3A_1942 = arith.constant 0 : i32
        %dma_wait3A_1943 = tpu.memref_slice %arg9[%dma_wait3A_1941, %dma_wait3A_1942] : memref<10240x128xf32, #tpu.memory_space<vmem_shared>> -> memref<10240x128xf32, #tpu.memory_space<vmem_shared>>
        tpu.wait_indirect_dma semaphore(%run_scoped3A_1923 : memref<!tpu.dma_semaphore, #tpu.memory_space<semaphore_mem>>) src(%dma_wait3A_1937 : memref<32x128xf32, #tpu.memory_space<vmem>>) dst(%dma_wait3A_1943 : memref<10240x128xf32, #tpu.memory_space<vmem_shared>>)
        tpu.yield
      }) : () -> ()
      %dma_wait3A_1274 = arith.constant 0 : i32
      %dma_wait3A_1275 = arith.constant 15 : i32
      %dma_wait3A_1276 = arith.constant 0 : i32
      %dma_wait3A_1277 = arith.constant 0 : i32
      %dma_wait3A_1278 = arith.constant 0 : i32
      %dma_wait3A_1279 = tpu.memref_slice %arg8[%dma_wait3A_1276, %dma_wait3A_1277, %dma_wait3A_1278] : memref<5x32x128xf32, #tpu.memory_space<vmem>> -> memref<1x32x128xf32, #tpu.memory_space<vmem>>
      %dma_wait3A_1280 = tpu.memref_squeeze %dma_wait3A_1279 : memref<1x32x128xf32, #tpu.memory_space<vmem>> -> memref<32x128xf32, #tpu.memory_space<vmem>>
      %dma_wait3A_1281 = arith.constant 0 : i32
      %dma_wait3A_1282 = tpu.memref_slice %arg6[%dma_wait3A_1274, %dma_wait3A_1275, %dma_wait3A_1281] : memref<2x16x32xi32, #tpu.memory_space<vmem>> -> memref<1x1x32xi32, #tpu.memory_space<vmem>>
      %dma_wait3A_1283 = tpu.memref_squeeze %dma_wait3A_1282 : memref<1x1x32xi32, #tpu.memory_space<vmem>> -> memref<32xi32, #tpu.memory_space<vmem>>
      %dma_wait3A_1284 = arith.constant 0 : i32
      %dma_wait3A_1285 = arith.constant 0 : i32
      %dma_wait3A_1286 = tpu.memref_slice %arg2[%arg0, %dma_wait3A_1284, %dma_wait3A_1285] : memref<2x10240x128xf32, #tpu.memory_space<hbm>> -> memref<1x10240x128xf32, #tpu.memory_space<hbm>>
      %dma_wait3A_1287 = tpu.memref_squeeze %dma_wait3A_1286 : memref<1x10240x128xf32, #tpu.memory_space<hbm>> -> memref<10240x128xf32, #tpu.memory_space<hbm>>
      %dma_wait3A_1288 = arith.constant 0 : i32
      %dma_wait3A_1289 = arith.constant 0 : i32
      %dma_wait3A_1290 = tpu.memref_slice %dma_wait3A_1287[%dma_wait3A_1288, %dma_wait3A_1289] : memref<10240x128xf32, #tpu.memory_space<hbm>> -> memref<10240x128xf32, #tpu.memory_space<hbm>>
      tpu.wait_indirect_dma semaphore(%arg10 : memref<!tpu.dma_semaphore, #tpu.memory_space<semaphore_mem>>) src(%dma_wait3A_1290 : memref<10240x128xf32, #tpu.memory_space<hbm>>) dst(%dma_wait3A_1280 : memref<32x128xf32, #tpu.memory_space<vmem>>)
      %run_scoped3A_1291 = arith.constant 0 : i32
      %run_scoped3A_1292 = arith.constant 0 : i32
      %run_scoped3A_1293 = arith.constant 15 : i32
      "tpu.region"() ({
        %run_scoped3A_1923 = tpu.sem_alloc : memref<!tpu.dma_semaphore, #tpu.memory_space<semaphore_mem>>
        %dma_start3A_1924 = arith.constant 0 : i32
        %dma_start3A_1925 = arith.constant 0 : i32
        %dma_start3A_1926 = tpu.memref_slice %arg8[%run_scoped3A_1291, %dma_start3A_1924, %dma_start3A_1925] : memref<5x32x128xf32, #tpu.memory_space<vmem>> -> memref<1x32x128xf32, #tpu.memory_space<vmem>>
        %dma_start3A_1927 = tpu.memref_squeeze %dma_start3A_1926 : memref<1x32x128xf32, #tpu.memory_space<vmem>> -> memref<32x128xf32, #tpu.memory_space<vmem>>
        %dma_start3A_1928 = arith.constant 0 : i32
        %dma_start3A_1929 = tpu.memref_slice %arg7[%run_scoped3A_1292, %run_scoped3A_1293, %dma_start3A_1928] : memref<2x16x32xi32, #tpu.memory_space<vmem>> -> memref<1x1x32xi32, #tpu.memory_space<vmem>>
        %dma_start3A_1930 = tpu.memref_squeeze %dma_start3A_1929 : memref<1x1x32xi32, #tpu.memory_space<vmem>> -> memref<32xi32, #tpu.memory_space<vmem>>
        %dma_start3A_1931 = arith.constant 0 : i32
        %dma_start3A_1932 = arith.constant 0 : i32
        %dma_start3A_1933 = tpu.memref_slice %arg9[%dma_start3A_1931, %dma_start3A_1932] : memref<10240x128xf32, #tpu.memory_space<vmem_shared>> -> memref<10240x128xf32, #tpu.memory_space<vmem_shared>>
        tpu.enqueue_indirect_dma source(%dma_start3A_1927 : memref<32x128xf32, #tpu.memory_space<vmem>>) target(%dma_start3A_1933 : memref<10240x128xf32, #tpu.memory_space<vmem_shared>>) offsets(%dma_start3A_1930 : memref<32xi32, #tpu.memory_space<vmem>>) semaphore(%run_scoped3A_1923 : memref<!tpu.dma_semaphore, #tpu.memory_space<semaphore_mem>>) {add = true}
        %dma_wait3A_1934 = arith.constant 0 : i32
        %dma_wait3A_1935 = arith.constant 0 : i32
        %dma_wait3A_1936 = tpu.memref_slice %arg8[%run_scoped3A_1291, %dma_wait3A_1934, %dma_wait3A_1935] : memref<5x32x128xf32, #tpu.memory_space<vmem>> -> memref<1x32x128xf32, #tpu.memory_space<vmem>>
        %dma_wait3A_1937 = tpu.memref_squeeze %dma_wait3A_1936 : memref<1x32x128xf32, #tpu.memory_space<vmem>> -> memref<32x128xf32, #tpu.memory_space<vmem>>
        %dma_wait3A_1938 = arith.constant 0 : i32
        %dma_wait3A_1939 = tpu.memref_slice %arg7[%run_scoped3A_1292, %run_scoped3A_1293, %dma_wait3A_1938] : memref<2x16x32xi32, #tpu.memory_space<vmem>> -> memref<1x1x32xi32, #tpu.memory_space<vmem>>
        %dma_wait3A_1940 = tpu.memref_squeeze %dma_wait3A_1939 : memref<1x1x32xi32, #tpu.memory_space<vmem>> -> memref<32xi32, #tpu.memory_space<vmem>>
        %dma_wait3A_1941 = arith.constant 0 : i32
        %dma_wait3A_1942 = arith.constant 0 : i32
        %dma_wait3A_1943 = tpu.memref_slice %arg9[%dma_wait3A_1941, %dma_wait3A_1942] : memref<10240x128xf32, #tpu.memory_space<vmem_shared>> -> memref<10240x128xf32, #tpu.memory_space<vmem_shared>>
        tpu.wait_indirect_dma semaphore(%run_scoped3A_1923 : memref<!tpu.dma_semaphore, #tpu.memory_space<semaphore_mem>>) src(%dma_wait3A_1937 : memref<32x128xf32, #tpu.memory_space<vmem>>) dst(%dma_wait3A_1943 : memref<10240x128xf32, #tpu.memory_space<vmem_shared>>)
        tpu.yield
      }) : () -> ()
      %add3A_1294 = arith.constant 1 : i32
      %add3A_1295 = arith.addi %mul3A_642, %add3A_1294 : i32
      %mul3A_1296 = arith.constant 16 : i32
      %mul3A_1297 = arith.muli %add3A_1295, %mul3A_1296 : i32
      %add3A_1298 = arith.addi %mul3A_604, %mul3A_1297 : i32
      %dma_wait3A_1299 = arith.constant 1 : i32
      %dma_wait3A_1300 = arith.constant 0 : i32
      %dma_wait3A_1301 = arith.constant 0 : i32
      %dma_wait3A_1302 = tpu.memref_slice %arg6[%dma_wait3A_1299, %dma_wait3A_1300, %dma_wait3A_1301] : memref<2x16x32xi32, #tpu.memory_space<vmem>> -> memref<1x16x32xi32, #tpu.memory_space<vmem>>
      %dma_wait3A_1303 = tpu.memref_squeeze %dma_wait3A_1302 : memref<1x16x32xi32, #tpu.memory_space<vmem>> -> memref<16x32xi32, #tpu.memory_space<vmem>>
      %dma_wait3A_1304 = arith.constant 0 : i32
      %dma_wait3A_1305 = tpu.memref_slice %arg3[%add3A_1298, %dma_wait3A_1304] : memref<10240x32xi32, #tpu.memory_space<hbm>> -> memref<16x32xi32, #tpu.memory_space<hbm>>
      %dma_wait3A_1306 = arith.constant 0 : i32
      %dma_wait3A_1307 = arith.constant 0 : i32
      %dma_wait3A_1308 = tpu.memref_slice %arg6[%dma_wait3A_1299, %dma_wait3A_1306, %dma_wait3A_1307] : memref<2x16x32xi32, #tpu.memory_space<vmem>> -> memref<1x16x32xi32, #tpu.memory_space<vmem>>
      %dma_wait3A_1309 = tpu.memref_squeeze %dma_wait3A_1308 : memref<1x16x32xi32, #tpu.memory_space<vmem>> -> memref<16x32xi32, #tpu.memory_space<vmem>>
      %dma_wait3A_1310 = arith.constant 0 : i32
      %dma_wait3A_1311 = tpu.memref_slice %arg3[%add3A_1298, %dma_wait3A_1310] : memref<10240x32xi32, #tpu.memory_space<hbm>> -> memref<16x32xi32, #tpu.memory_space<hbm>>
      tpu.wait_dma2 semaphore(%arg16 : memref<!tpu.dma_semaphore, #tpu.memory_space<semaphore_mem>>) src(%dma_wait3A_1311 : memref<16x32xi32, #tpu.memory_space<hbm>>) dst(%dma_wait3A_1309 : memref<16x32xi32, #tpu.memory_space<vmem>>)
      %dma_wait3A_1312 = arith.constant 1 : i32
      %dma_wait3A_1313 = arith.constant 0 : i32
      %dma_wait3A_1314 = arith.constant 0 : i32
      %dma_wait3A_1315 = tpu.memref_slice %arg7[%dma_wait3A_1312, %dma_wait3A_1313, %dma_wait3A_1314] : memref<2x16x32xi32, #tpu.memory_space<vmem>> -> memref<1x16x32xi32, #tpu.memory_space<vmem>>
      %dma_wait3A_1316 = tpu.memref_squeeze %dma_wait3A_1315 : memref<1x16x32xi32, #tpu.memory_space<vmem>> -> memref<16x32xi32, #tpu.memory_space<vmem>>
      %dma_wait3A_1317 = arith.constant 0 : i32
      %dma_wait3A_1318 = tpu.memref_slice %arg4[%add3A_1298, %dma_wait3A_1317] : memref<10240x32xi32, #tpu.memory_space<hbm>> -> memref<16x32xi32, #tpu.memory_space<hbm>>
      %dma_wait3A_1319 = arith.constant 0 : i32
      %dma_wait3A_1320 = arith.constant 0 : i32
      %dma_wait3A_1321 = tpu.memref_slice %arg7[%dma_wait3A_1312, %dma_wait3A_1319, %dma_wait3A_1320] : memref<2x16x32xi32, #tpu.memory_space<vmem>> -> memref<1x16x32xi32, #tpu.memory_space<vmem>>
      %dma_wait3A_1322 = tpu.memref_squeeze %dma_wait3A_1321 : memref<1x16x32xi32, #tpu.memory_space<vmem>> -> memref<16x32xi32, #tpu.memory_space<vmem>>
      %dma_wait3A_1323 = arith.constant 0 : i32
      %dma_wait3A_1324 = tpu.memref_slice %arg4[%add3A_1298, %dma_wait3A_1323] : memref<10240x32xi32, #tpu.memory_space<hbm>> -> memref<16x32xi32, #tpu.memory_space<hbm>>
      tpu.wait_dma2 semaphore(%arg16 : memref<!tpu.dma_semaphore, #tpu.memory_space<semaphore_mem>>) src(%dma_wait3A_1324 : memref<16x32xi32, #tpu.memory_space<hbm>>) dst(%dma_wait3A_1322 : memref<16x32xi32, #tpu.memory_space<vmem>>)
      %add3A_1325 = arith.constant 1 : i32
      %add3A_1326 = arith.addi %scan3A_640, %add3A_1325 : i32
      %lt3A = arith.constant 20 : i32
      %lt3A_1327 = arith.cmpi slt, %add3A_1326, %lt3A : i32
      %convert_element_type3A = arith.extui %lt3A_1327 : i1 to i32
      %cond3A = arith.constant 0 : i32
      %cond3A_1328 = arith.cmpi ne, %convert_element_type3A, %cond3A : i32
      scf.if %cond3A_1328 {
        %add3A_1923 = arith.constant 2 : i32
        %add3A_1924 = arith.addi %mul3A_642, %add3A_1923 : i32
        %mul3A_1925 = arith.constant 16 : i32
        %mul3A_1926 = arith.muli %add3A_1924, %mul3A_1925 : i32
        %add3A_1927 = arith.addi %mul3A_604, %mul3A_1926 : i32
        %dma_start3A_1928 = arith.constant 0 : i32
        %dma_start3A_1929 = arith.constant 0 : i32
        %dma_start3A_1930 = arith.constant 0 : i32
        %dma_start3A_1931 = tpu.memref_slice %arg6[%dma_start3A_1928, %dma_start3A_1929, %dma_start3A_1930] : memref<2x16x32xi32, #tpu.memory_space<vmem>> -> memref<1x16x32xi32, #tpu.memory_space<vmem>>
        %dma_start3A_1932 = tpu.memref_squeeze %dma_start3A_1931 : memref<1x16x32xi32, #tpu.memory_space<vmem>> -> memref<16x32xi32, #tpu.memory_space<vmem>>
        %dma_start3A_1933 = arith.constant 0 : i32
        %dma_start3A_1934 = tpu.memref_slice %arg3[%add3A_1927, %dma_start3A_1933] : memref<10240x32xi32, #tpu.memory_space<hbm>> -> memref<16x32xi32, #tpu.memory_space<hbm>>
        %dma_start3A_1935 = arith.constant 0 : i32
        %dma_start3A_1936 = arith.constant 0 : i32
        %dma_start3A_1937 = tpu.memref_slice %arg6[%dma_start3A_1928, %dma_start3A_1935, %dma_start3A_1936] : memref<2x16x32xi32, #tpu.memory_space<vmem>> -> memref<1x16x32xi32, #tpu.memory_space<vmem>>
        %dma_start3A_1938 = tpu.memref_squeeze %dma_start3A_1937 : memref<1x16x32xi32, #tpu.memory_space<vmem>> -> memref<16x32xi32, #tpu.memory_space<vmem>>
        %dma_start3A_1939 = arith.constant 0 : i32
        %dma_start3A_1940 = tpu.memref_slice %arg3[%add3A_1927, %dma_start3A_1939] : memref<10240x32xi32, #tpu.memory_space<hbm>> -> memref<16x32xi32, #tpu.memory_space<hbm>>
        tpu.enqueue_dma source(%dma_start3A_1940 : memref<16x32xi32, #tpu.memory_space<hbm>>) target(%dma_start3A_1938 : memref<16x32xi32, #tpu.memory_space<vmem>>) target_semaphore(%arg15 : memref<!tpu.dma_semaphore, #tpu.memory_space<semaphore_mem>>)
        %dma_start3A_1941 = arith.constant 0 : i32
        %dma_start3A_1942 = arith.constant 0 : i32
        %dma_start3A_1943 = arith.constant 0 : i32
        %dma_start3A_1944 = tpu.memref_slice %arg7[%dma_start3A_1941, %dma_start3A_1942, %dma_start3A_1943] : memref<2x16x32xi32, #tpu.memory_space<vmem>> -> memref<1x16x32xi32, #tpu.memory_space<vmem>>
        %dma_start3A_1945 = tpu.memref_squeeze %dma_start3A_1944 : memref<1x16x32xi32, #tpu.memory_space<vmem>> -> memref<16x32xi32, #tpu.memory_space<vmem>>
        %dma_start3A_1946 = arith.constant 0 : i32
        %dma_start3A_1947 = tpu.memref_slice %arg4[%add3A_1927, %dma_start3A_1946] : memref<10240x32xi32, #tpu.memory_space<hbm>> -> memref<16x32xi32, #tpu.memory_space<hbm>>
        %dma_start3A_1948 = arith.constant 0 : i32
        %dma_start3A_1949 = arith.constant 0 : i32
        %dma_start3A_1950 = tpu.memref_slice %arg7[%dma_start3A_1941, %dma_start3A_1948, %dma_start3A_1949] : memref<2x16x32xi32, #tpu.memory_space<vmem>> -> memref<1x16x32xi32, #tpu.memory_space<vmem>>
        %dma_start3A_1951 = tpu.memref_squeeze %dma_start3A_1950 : memref<1x16x32xi32, #tpu.memory_space<vmem>> -> memref<16x32xi32, #tpu.memory_space<vmem>>
        %dma_start3A_1952 = arith.constant 0 : i32
        %dma_start3A_1953 = tpu.memref_slice %arg4[%add3A_1927, %dma_start3A_1952] : memref<10240x32xi32, #tpu.memory_space<hbm>> -> memref<16x32xi32, #tpu.memory_space<hbm>>
        tpu.enqueue_dma source(%dma_start3A_1953 : memref<16x32xi32, #tpu.memory_space<hbm>>) target(%dma_start3A_1951 : memref<16x32xi32, #tpu.memory_space<vmem>>) target_semaphore(%arg15 : memref<!tpu.dma_semaphore, #tpu.memory_space<semaphore_mem>>)
      } else {
      }
      %add3A_1329 = arith.constant 1 : i32
      %add3A_1330 = arith.addi %mul3A_642, %add3A_1329 : i32
      %dma_start3A_1331 = arith.constant 1 : i32
      %dma_start3A_1332 = arith.constant 0 : i32
      %dma_start3A_1333 = arith.constant 0 : i32
      %dma_start3A_1334 = arith.constant 0 : i32
      %dma_start3A_1335 = arith.constant 0 : i32
      %dma_start3A_1336 = tpu.memref_slice %arg8[%dma_start3A_1333, %dma_start3A_1334, %dma_start3A_1335] : memref<5x32x128xf32, #tpu.memory_space<vmem>> -> memref<1x32x128xf32, #tpu.memory_space<vmem>>
      %dma_start3A_1337 = tpu.memref_squeeze %dma_start3A_1336 : memref<1x32x128xf32, #tpu.memory_space<vmem>> -> memref<32x128xf32, #tpu.memory_space<vmem>>
      %dma_start3A_1338 = arith.constant 0 : i32
      %dma_start3A_1339 = tpu.memref_slice %arg6[%dma_start3A_1331, %dma_start3A_1332, %dma_start3A_1338] : memref<2x16x32xi32, #tpu.memory_space<vmem>> -> memref<1x1x32xi32, #tpu.memory_space<vmem>>
      %dma_start3A_1340 = tpu.memref_squeeze %dma_start3A_1339 : memref<1x1x32xi32, #tpu.memory_space<vmem>> -> memref<32xi32, #tpu.memory_space<vmem>>
      %dma_start3A_1341 = arith.constant 0 : i32
      %dma_start3A_1342 = arith.constant 0 : i32
      %dma_start3A_1343 = tpu.memref_slice %arg2[%arg0, %dma_start3A_1341, %dma_start3A_1342] : memref<2x10240x128xf32, #tpu.memory_space<hbm>> -> memref<1x10240x128xf32, #tpu.memory_space<hbm>>
      %dma_start3A_1344 = tpu.memref_squeeze %dma_start3A_1343 : memref<1x10240x128xf32, #tpu.memory_space<hbm>> -> memref<10240x128xf32, #tpu.memory_space<hbm>>
      %dma_start3A_1345 = arith.constant 0 : i32
      %dma_start3A_1346 = arith.constant 0 : i32
      %dma_start3A_1347 = tpu.memref_slice %dma_start3A_1344[%dma_start3A_1345, %dma_start3A_1346] : memref<10240x128xf32, #tpu.memory_space<hbm>> -> memref<10240x128xf32, #tpu.memory_space<hbm>>
      tpu.enqueue_indirect_dma source(%dma_start3A_1347 : memref<10240x128xf32, #tpu.memory_space<hbm>>) target(%dma_start3A_1337 : memref<32x128xf32, #tpu.memory_space<vmem>>) offsets(%dma_start3A_1340 : memref<32xi32, #tpu.memory_space<vmem>>) semaphore(%arg10 : memref<!tpu.dma_semaphore, #tpu.memory_space<semaphore_mem>>)
      %dma_start3A_1348 = arith.constant 1 : i32
      %dma_start3A_1349 = arith.constant 1 : i32
      %dma_start3A_1350 = arith.constant 1 : i32
      %dma_start3A_1351 = arith.constant 0 : i32
      %dma_start3A_1352 = arith.constant 0 : i32
      %dma_start3A_1353 = tpu.memref_slice %arg8[%dma_start3A_1350, %dma_start3A_1351, %dma_start3A_1352] : memref<5x32x128xf32, #tpu.memory_space<vmem>> -> memref<1x32x128xf32, #tpu.memory_space<vmem>>
      %dma_start3A_1354 = tpu.memref_squeeze %dma_start3A_1353 : memref<1x32x128xf32, #tpu.memory_space<vmem>> -> memref<32x128xf32, #tpu.memory_space<vmem>>
      %dma_start3A_1355 = arith.constant 0 : i32
      %dma_start3A_1356 = tpu.memref_slice %arg6[%dma_start3A_1348, %dma_start3A_1349, %dma_start3A_1355] : memref<2x16x32xi32, #tpu.memory_space<vmem>> -> memref<1x1x32xi32, #tpu.memory_space<vmem>>
      %dma_start3A_1357 = tpu.memref_squeeze %dma_start3A_1356 : memref<1x1x32xi32, #tpu.memory_space<vmem>> -> memref<32xi32, #tpu.memory_space<vmem>>
      %dma_start3A_1358 = arith.constant 0 : i32
      %dma_start3A_1359 = arith.constant 0 : i32
      %dma_start3A_1360 = tpu.memref_slice %arg2[%arg0, %dma_start3A_1358, %dma_start3A_1359] : memref<2x10240x128xf32, #tpu.memory_space<hbm>> -> memref<1x10240x128xf32, #tpu.memory_space<hbm>>
      %dma_start3A_1361 = tpu.memref_squeeze %dma_start3A_1360 : memref<1x10240x128xf32, #tpu.memory_space<hbm>> -> memref<10240x128xf32, #tpu.memory_space<hbm>>
      %dma_start3A_1362 = arith.constant 0 : i32
      %dma_start3A_1363 = arith.constant 0 : i32
      %dma_start3A_1364 = tpu.memref_slice %dma_start3A_1361[%dma_start3A_1362, %dma_start3A_1363] : memref<10240x128xf32, #tpu.memory_space<hbm>> -> memref<10240x128xf32, #tpu.memory_space<hbm>>
      tpu.enqueue_indirect_dma source(%dma_start3A_1364 : memref<10240x128xf32, #tpu.memory_space<hbm>>) target(%dma_start3A_1354 : memref<32x128xf32, #tpu.memory_space<vmem>>) offsets(%dma_start3A_1357 : memref<32xi32, #tpu.memory_space<vmem>>) semaphore(%arg11 : memref<!tpu.dma_semaphore, #tpu.memory_space<semaphore_mem>>)
      %dma_start3A_1365 = arith.constant 1 : i32
      %dma_start3A_1366 = arith.constant 2 : i32
      %dma_start3A_1367 = arith.constant 2 : i32
      %dma_start3A_1368 = arith.constant 0 : i32
      %dma_start3A_1369 = arith.constant 0 : i32
      %dma_start3A_1370 = tpu.memref_slice %arg8[%dma_start3A_1367, %dma_start3A_1368, %dma_start3A_1369] : memref<5x32x128xf32, #tpu.memory_space<vmem>> -> memref<1x32x128xf32, #tpu.memory_space<vmem>>
      %dma_start3A_1371 = tpu.memref_squeeze %dma_start3A_1370 : memref<1x32x128xf32, #tpu.memory_space<vmem>> -> memref<32x128xf32, #tpu.memory_space<vmem>>
      %dma_start3A_1372 = arith.constant 0 : i32
      %dma_start3A_1373 = tpu.memref_slice %arg6[%dma_start3A_1365, %dma_start3A_1366, %dma_start3A_1372] : memref<2x16x32xi32, #tpu.memory_space<vmem>> -> memref<1x1x32xi32, #tpu.memory_space<vmem>>
      %dma_start3A_1374 = tpu.memref_squeeze %dma_start3A_1373 : memref<1x1x32xi32, #tpu.memory_space<vmem>> -> memref<32xi32, #tpu.memory_space<vmem>>
      %dma_start3A_1375 = arith.constant 0 : i32
      %dma_start3A_1376 = arith.constant 0 : i32
      %dma_start3A_1377 = tpu.memref_slice %arg2[%arg0, %dma_start3A_1375, %dma_start3A_1376] : memref<2x10240x128xf32, #tpu.memory_space<hbm>> -> memref<1x10240x128xf32, #tpu.memory_space<hbm>>
      %dma_start3A_1378 = tpu.memref_squeeze %dma_start3A_1377 : memref<1x10240x128xf32, #tpu.memory_space<hbm>> -> memref<10240x128xf32, #tpu.memory_space<hbm>>
      %dma_start3A_1379 = arith.constant 0 : i32
      %dma_start3A_1380 = arith.constant 0 : i32
      %dma_start3A_1381 = tpu.memref_slice %dma_start3A_1378[%dma_start3A_1379, %dma_start3A_1380] : memref<10240x128xf32, #tpu.memory_space<hbm>> -> memref<10240x128xf32, #tpu.memory_space<hbm>>
      tpu.enqueue_indirect_dma source(%dma_start3A_1381 : memref<10240x128xf32, #tpu.memory_space<hbm>>) target(%dma_start3A_1371 : memref<32x128xf32, #tpu.memory_space<vmem>>) offsets(%dma_start3A_1374 : memref<32xi32, #tpu.memory_space<vmem>>) semaphore(%arg12 : memref<!tpu.dma_semaphore, #tpu.memory_space<semaphore_mem>>)
      %dma_start3A_1382 = arith.constant 1 : i32
      %dma_start3A_1383 = arith.constant 3 : i32
      %dma_start3A_1384 = arith.constant 3 : i32
      %dma_start3A_1385 = arith.constant 0 : i32
      %dma_start3A_1386 = arith.constant 0 : i32
      %dma_start3A_1387 = tpu.memref_slice %arg8[%dma_start3A_1384, %dma_start3A_1385, %dma_start3A_1386] : memref<5x32x128xf32, #tpu.memory_space<vmem>> -> memref<1x32x128xf32, #tpu.memory_space<vmem>>
      %dma_start3A_1388 = tpu.memref_squeeze %dma_start3A_1387 : memref<1x32x128xf32, #tpu.memory_space<vmem>> -> memref<32x128xf32, #tpu.memory_space<vmem>>
      %dma_start3A_1389 = arith.constant 0 : i32
      %dma_start3A_1390 = tpu.memref_slice %arg6[%dma_start3A_1382, %dma_start3A_1383, %dma_start3A_1389] : memref<2x16x32xi32, #tpu.memory_space<vmem>> -> memref<1x1x32xi32, #tpu.memory_space<vmem>>
      %dma_start3A_1391 = tpu.memref_squeeze %dma_start3A_1390 : memref<1x1x32xi32, #tpu.memory_space<vmem>> -> memref<32xi32, #tpu.memory_space<vmem>>
      %dma_start3A_1392 = arith.constant 0 : i32
      %dma_start3A_1393 = arith.constant 0 : i32
      %dma_start3A_1394 = tpu.memref_slice %arg2[%arg0, %dma_start3A_1392, %dma_start3A_1393] : memref<2x10240x128xf32, #tpu.memory_space<hbm>> -> memref<1x10240x128xf32, #tpu.memory_space<hbm>>
      %dma_start3A_1395 = tpu.memref_squeeze %dma_start3A_1394 : memref<1x10240x128xf32, #tpu.memory_space<hbm>> -> memref<10240x128xf32, #tpu.memory_space<hbm>>
      %dma_start3A_1396 = arith.constant 0 : i32
      %dma_start3A_1397 = arith.constant 0 : i32
      %dma_start3A_1398 = tpu.memref_slice %dma_start3A_1395[%dma_start3A_1396, %dma_start3A_1397] : memref<10240x128xf32, #tpu.memory_space<hbm>> -> memref<10240x128xf32, #tpu.memory_space<hbm>>
      tpu.enqueue_indirect_dma source(%dma_start3A_1398 : memref<10240x128xf32, #tpu.memory_space<hbm>>) target(%dma_start3A_1388 : memref<32x128xf32, #tpu.memory_space<vmem>>) offsets(%dma_start3A_1391 : memref<32xi32, #tpu.memory_space<vmem>>) semaphore(%arg13 : memref<!tpu.dma_semaphore, #tpu.memory_space<semaphore_mem>>)
      %dma_start3A_1399 = arith.constant 1 : i32
      %dma_start3A_1400 = arith.constant 4 : i32
      %dma_start3A_1401 = arith.constant 4 : i32
      %dma_start3A_1402 = arith.constant 0 : i32
      %dma_start3A_1403 = arith.constant 0 : i32
      %dma_start3A_1404 = tpu.memref_slice %arg8[%dma_start3A_1401, %dma_start3A_1402, %dma_start3A_1403] : memref<5x32x128xf32, #tpu.memory_space<vmem>> -> memref<1x32x128xf32, #tpu.memory_space<vmem>>
      %dma_start3A_1405 = tpu.memref_squeeze %dma_start3A_1404 : memref<1x32x128xf32, #tpu.memory_space<vmem>> -> memref<32x128xf32, #tpu.memory_space<vmem>>
      %dma_start3A_1406 = arith.constant 0 : i32
      %dma_start3A_1407 = tpu.memref_slice %arg6[%dma_start3A_1399, %dma_start3A_1400, %dma_start3A_1406] : memref<2x16x32xi32, #tpu.memory_space<vmem>> -> memref<1x1x32xi32, #tpu.memory_space<vmem>>
      %dma_start3A_1408 = tpu.memref_squeeze %dma_start3A_1407 : memref<1x1x32xi32, #tpu.memory_space<vmem>> -> memref<32xi32, #tpu.memory_space<vmem>>
      %dma_start3A_1409 = arith.constant 0 : i32
      %dma_start3A_1410 = arith.constant 0 : i32
      %dma_start3A_1411 = tpu.memref_slice %arg2[%arg0, %dma_start3A_1409, %dma_start3A_1410] : memref<2x10240x128xf32, #tpu.memory_space<hbm>> -> memref<1x10240x128xf32, #tpu.memory_space<hbm>>
      %dma_start3A_1412 = tpu.memref_squeeze %dma_start3A_1411 : memref<1x10240x128xf32, #tpu.memory_space<hbm>> -> memref<10240x128xf32, #tpu.memory_space<hbm>>
      %dma_start3A_1413 = arith.constant 0 : i32
      %dma_start3A_1414 = arith.constant 0 : i32
      %dma_start3A_1415 = tpu.memref_slice %dma_start3A_1412[%dma_start3A_1413, %dma_start3A_1414] : memref<10240x128xf32, #tpu.memory_space<hbm>> -> memref<10240x128xf32, #tpu.memory_space<hbm>>
      tpu.enqueue_indirect_dma source(%dma_start3A_1415 : memref<10240x128xf32, #tpu.memory_space<hbm>>) target(%dma_start3A_1405 : memref<32x128xf32, #tpu.memory_space<vmem>>) offsets(%dma_start3A_1408 : memref<32xi32, #tpu.memory_space<vmem>>) semaphore(%arg14 : memref<!tpu.dma_semaphore, #tpu.memory_space<semaphore_mem>>)
      %dma_wait3A_1416 = arith.constant 1 : i32
      %dma_wait3A_1417 = arith.constant 0 : i32
      %dma_wait3A_1418 = arith.constant 0 : i32
      %dma_wait3A_1419 = arith.constant 0 : i32
      %dma_wait3A_1420 = arith.constant 0 : i32
      %dma_wait3A_1421 = tpu.memref_slice %arg8[%dma_wait3A_1418, %dma_wait3A_1419, %dma_wait3A_1420] : memref<5x32x128xf32, #tpu.memory_space<vmem>> -> memref<1x32x128xf32, #tpu.memory_space<vmem>>
      %dma_wait3A_1422 = tpu.memref_squeeze %dma_wait3A_1421 : memref<1x32x128xf32, #tpu.memory_space<vmem>> -> memref<32x128xf32, #tpu.memory_space<vmem>>
      %dma_wait3A_1423 = arith.constant 0 : i32
      %dma_wait3A_1424 = tpu.memref_slice %arg6[%dma_wait3A_1416, %dma_wait3A_1417, %dma_wait3A_1423] : memref<2x16x32xi32, #tpu.memory_space<vmem>> -> memref<1x1x32xi32, #tpu.memory_space<vmem>>
      %dma_wait3A_1425 = tpu.memref_squeeze %dma_wait3A_1424 : memref<1x1x32xi32, #tpu.memory_space<vmem>> -> memref<32xi32, #tpu.memory_space<vmem>>
      %dma_wait3A_1426 = arith.constant 0 : i32
      %dma_wait3A_1427 = arith.constant 0 : i32
      %dma_wait3A_1428 = tpu.memref_slice %arg2[%arg0, %dma_wait3A_1426, %dma_wait3A_1427] : memref<2x10240x128xf32, #tpu.memory_space<hbm>> -> memref<1x10240x128xf32, #tpu.memory_space<hbm>>
      %dma_wait3A_1429 = tpu.memref_squeeze %dma_wait3A_1428 : memref<1x10240x128xf32, #tpu.memory_space<hbm>> -> memref<10240x128xf32, #tpu.memory_space<hbm>>
      %dma_wait3A_1430 = arith.constant 0 : i32
      %dma_wait3A_1431 = arith.constant 0 : i32
      %dma_wait3A_1432 = tpu.memref_slice %dma_wait3A_1429[%dma_wait3A_1430, %dma_wait3A_1431] : memref<10240x128xf32, #tpu.memory_space<hbm>> -> memref<10240x128xf32, #tpu.memory_space<hbm>>
      tpu.wait_indirect_dma semaphore(%arg10 : memref<!tpu.dma_semaphore, #tpu.memory_space<semaphore_mem>>) src(%dma_wait3A_1432 : memref<10240x128xf32, #tpu.memory_space<hbm>>) dst(%dma_wait3A_1422 : memref<32x128xf32, #tpu.memory_space<vmem>>)
      %run_scoped3A_1433 = arith.constant 0 : i32
      %run_scoped3A_1434 = arith.constant 1 : i32
      %run_scoped3A_1435 = arith.constant 0 : i32
      "tpu.region"() ({
        %run_scoped3A_1923 = tpu.sem_alloc : memref<!tpu.dma_semaphore, #tpu.memory_space<semaphore_mem>>
        %dma_start3A_1924 = arith.constant 0 : i32
        %dma_start3A_1925 = arith.constant 0 : i32
        %dma_start3A_1926 = tpu.memref_slice %arg8[%run_scoped3A_1433, %dma_start3A_1924, %dma_start3A_1925] : memref<5x32x128xf32, #tpu.memory_space<vmem>> -> memref<1x32x128xf32, #tpu.memory_space<vmem>>
        %dma_start3A_1927 = tpu.memref_squeeze %dma_start3A_1926 : memref<1x32x128xf32, #tpu.memory_space<vmem>> -> memref<32x128xf32, #tpu.memory_space<vmem>>
        %dma_start3A_1928 = arith.constant 0 : i32
        %dma_start3A_1929 = tpu.memref_slice %arg7[%run_scoped3A_1434, %run_scoped3A_1435, %dma_start3A_1928] : memref<2x16x32xi32, #tpu.memory_space<vmem>> -> memref<1x1x32xi32, #tpu.memory_space<vmem>>
        %dma_start3A_1930 = tpu.memref_squeeze %dma_start3A_1929 : memref<1x1x32xi32, #tpu.memory_space<vmem>> -> memref<32xi32, #tpu.memory_space<vmem>>
        %dma_start3A_1931 = arith.constant 0 : i32
        %dma_start3A_1932 = arith.constant 0 : i32
        %dma_start3A_1933 = tpu.memref_slice %arg9[%dma_start3A_1931, %dma_start3A_1932] : memref<10240x128xf32, #tpu.memory_space<vmem_shared>> -> memref<10240x128xf32, #tpu.memory_space<vmem_shared>>
        tpu.enqueue_indirect_dma source(%dma_start3A_1927 : memref<32x128xf32, #tpu.memory_space<vmem>>) target(%dma_start3A_1933 : memref<10240x128xf32, #tpu.memory_space<vmem_shared>>) offsets(%dma_start3A_1930 : memref<32xi32, #tpu.memory_space<vmem>>) semaphore(%run_scoped3A_1923 : memref<!tpu.dma_semaphore, #tpu.memory_space<semaphore_mem>>) {add = true}
        %dma_wait3A_1934 = arith.constant 0 : i32
        %dma_wait3A_1935 = arith.constant 0 : i32
        %dma_wait3A_1936 = tpu.memref_slice %arg8[%run_scoped3A_1433, %dma_wait3A_1934, %dma_wait3A_1935] : memref<5x32x128xf32, #tpu.memory_space<vmem>> -> memref<1x32x128xf32, #tpu.memory_space<vmem>>
        %dma_wait3A_1937 = tpu.memref_squeeze %dma_wait3A_1936 : memref<1x32x128xf32, #tpu.memory_space<vmem>> -> memref<32x128xf32, #tpu.memory_space<vmem>>
        %dma_wait3A_1938 = arith.constant 0 : i32
        %dma_wait3A_1939 = tpu.memref_slice %arg7[%run_scoped3A_1434, %run_scoped3A_1435, %dma_wait3A_1938] : memref<2x16x32xi32, #tpu.memory_space<vmem>> -> memref<1x1x32xi32, #tpu.memory_space<vmem>>
        %dma_wait3A_1940 = tpu.memref_squeeze %dma_wait3A_1939 : memref<1x1x32xi32, #tpu.memory_space<vmem>> -> memref<32xi32, #tpu.memory_space<vmem>>
        %dma_wait3A_1941 = arith.constant 0 : i32
        %dma_wait3A_1942 = arith.constant 0 : i32
        %dma_wait3A_1943 = tpu.memref_slice %arg9[%dma_wait3A_1941, %dma_wait3A_1942] : memref<10240x128xf32, #tpu.memory_space<vmem_shared>> -> memref<10240x128xf32, #tpu.memory_space<vmem_shared>>
        tpu.wait_indirect_dma semaphore(%run_scoped3A_1923 : memref<!tpu.dma_semaphore, #tpu.memory_space<semaphore_mem>>) src(%dma_wait3A_1937 : memref<32x128xf32, #tpu.memory_space<vmem>>) dst(%dma_wait3A_1943 : memref<10240x128xf32, #tpu.memory_space<vmem_shared>>)
        tpu.yield
      }) : () -> ()
      %dma_start3A_1436 = arith.constant 1 : i32
      %dma_start3A_1437 = arith.constant 5 : i32
      %dma_start3A_1438 = arith.constant 0 : i32
      %dma_start3A_1439 = arith.constant 0 : i32
      %dma_start3A_1440 = arith.constant 0 : i32
      %dma_start3A_1441 = tpu.memref_slice %arg8[%dma_start3A_1438, %dma_start3A_1439, %dma_start3A_1440] : memref<5x32x128xf32, #tpu.memory_space<vmem>> -> memref<1x32x128xf32, #tpu.memory_space<vmem>>
      %dma_start3A_1442 = tpu.memref_squeeze %dma_start3A_1441 : memref<1x32x128xf32, #tpu.memory_space<vmem>> -> memref<32x128xf32, #tpu.memory_space<vmem>>
      %dma_start3A_1443 = arith.constant 0 : i32
      %dma_start3A_1444 = tpu.memref_slice %arg6[%dma_start3A_1436, %dma_start3A_1437, %dma_start3A_1443] : memref<2x16x32xi32, #tpu.memory_space<vmem>> -> memref<1x1x32xi32, #tpu.memory_space<vmem>>
      %dma_start3A_1445 = tpu.memref_squeeze %dma_start3A_1444 : memref<1x1x32xi32, #tpu.memory_space<vmem>> -> memref<32xi32, #tpu.memory_space<vmem>>
      %dma_start3A_1446 = arith.constant 0 : i32
      %dma_start3A_1447 = arith.constant 0 : i32
      %dma_start3A_1448 = tpu.memref_slice %arg2[%arg0, %dma_start3A_1446, %dma_start3A_1447] : memref<2x10240x128xf32, #tpu.memory_space<hbm>> -> memref<1x10240x128xf32, #tpu.memory_space<hbm>>
      %dma_start3A_1449 = tpu.memref_squeeze %dma_start3A_1448 : memref<1x10240x128xf32, #tpu.memory_space<hbm>> -> memref<10240x128xf32, #tpu.memory_space<hbm>>
      %dma_start3A_1450 = arith.constant 0 : i32
      %dma_start3A_1451 = arith.constant 0 : i32
      %dma_start3A_1452 = tpu.memref_slice %dma_start3A_1449[%dma_start3A_1450, %dma_start3A_1451] : memref<10240x128xf32, #tpu.memory_space<hbm>> -> memref<10240x128xf32, #tpu.memory_space<hbm>>
      tpu.enqueue_indirect_dma source(%dma_start3A_1452 : memref<10240x128xf32, #tpu.memory_space<hbm>>) target(%dma_start3A_1442 : memref<32x128xf32, #tpu.memory_space<vmem>>) offsets(%dma_start3A_1445 : memref<32xi32, #tpu.memory_space<vmem>>) semaphore(%arg10 : memref<!tpu.dma_semaphore, #tpu.memory_space<semaphore_mem>>)
      %dma_wait3A_1453 = arith.constant 1 : i32
      %dma_wait3A_1454 = arith.constant 1 : i32
      %dma_wait3A_1455 = arith.constant 1 : i32
      %dma_wait3A_1456 = arith.constant 0 : i32
      %dma_wait3A_1457 = arith.constant 0 : i32
      %dma_wait3A_1458 = tpu.memref_slice %arg8[%dma_wait3A_1455, %dma_wait3A_1456, %dma_wait3A_1457] : memref<5x32x128xf32, #tpu.memory_space<vmem>> -> memref<1x32x128xf32, #tpu.memory_space<vmem>>
      %dma_wait3A_1459 = tpu.memref_squeeze %dma_wait3A_1458 : memref<1x32x128xf32, #tpu.memory_space<vmem>> -> memref<32x128xf32, #tpu.memory_space<vmem>>
      %dma_wait3A_1460 = arith.constant 0 : i32
      %dma_wait3A_1461 = tpu.memref_slice %arg6[%dma_wait3A_1453, %dma_wait3A_1454, %dma_wait3A_1460] : memref<2x16x32xi32, #tpu.memory_space<vmem>> -> memref<1x1x32xi32, #tpu.memory_space<vmem>>
      %dma_wait3A_1462 = tpu.memref_squeeze %dma_wait3A_1461 : memref<1x1x32xi32, #tpu.memory_space<vmem>> -> memref<32xi32, #tpu.memory_space<vmem>>
      %dma_wait3A_1463 = arith.constant 0 : i32
      %dma_wait3A_1464 = arith.constant 0 : i32
      %dma_wait3A_1465 = tpu.memref_slice %arg2[%arg0, %dma_wait3A_1463, %dma_wait3A_1464] : memref<2x10240x128xf32, #tpu.memory_space<hbm>> -> memref<1x10240x128xf32, #tpu.memory_space<hbm>>
      %dma_wait3A_1466 = tpu.memref_squeeze %dma_wait3A_1465 : memref<1x10240x128xf32, #tpu.memory_space<hbm>> -> memref<10240x128xf32, #tpu.memory_space<hbm>>
      %dma_wait3A_1467 = arith.constant 0 : i32
      %dma_wait3A_1468 = arith.constant 0 : i32
      %dma_wait3A_1469 = tpu.memref_slice %dma_wait3A_1466[%dma_wait3A_1467, %dma_wait3A_1468] : memref<10240x128xf32, #tpu.memory_space<hbm>> -> memref<10240x128xf32, #tpu.memory_space<hbm>>
      tpu.wait_indirect_dma semaphore(%arg11 : memref<!tpu.dma_semaphore, #tpu.memory_space<semaphore_mem>>) src(%dma_wait3A_1469 : memref<10240x128xf32, #tpu.memory_space<hbm>>) dst(%dma_wait3A_1459 : memref<32x128xf32, #tpu.memory_space<vmem>>)
      %run_scoped3A_1470 = arith.constant 1 : i32
      %run_scoped3A_1471 = arith.constant 1 : i32
      %run_scoped3A_1472 = arith.constant 1 : i32
      "tpu.region"() ({
        %run_scoped3A_1923 = tpu.sem_alloc : memref<!tpu.dma_semaphore, #tpu.memory_space<semaphore_mem>>
        %dma_start3A_1924 = arith.constant 0 : i32
        %dma_start3A_1925 = arith.constant 0 : i32
        %dma_start3A_1926 = tpu.memref_slice %arg8[%run_scoped3A_1470, %dma_start3A_1924, %dma_start3A_1925] : memref<5x32x128xf32, #tpu.memory_space<vmem>> -> memref<1x32x128xf32, #tpu.memory_space<vmem>>
        %dma_start3A_1927 = tpu.memref_squeeze %dma_start3A_1926 : memref<1x32x128xf32, #tpu.memory_space<vmem>> -> memref<32x128xf32, #tpu.memory_space<vmem>>
        %dma_start3A_1928 = arith.constant 0 : i32
        %dma_start3A_1929 = tpu.memref_slice %arg7[%run_scoped3A_1471, %run_scoped3A_1472, %dma_start3A_1928] : memref<2x16x32xi32, #tpu.memory_space<vmem>> -> memref<1x1x32xi32, #tpu.memory_space<vmem>>
        %dma_start3A_1930 = tpu.memref_squeeze %dma_start3A_1929 : memref<1x1x32xi32, #tpu.memory_space<vmem>> -> memref<32xi32, #tpu.memory_space<vmem>>
        %dma_start3A_1931 = arith.constant 0 : i32
        %dma_start3A_1932 = arith.constant 0 : i32
        %dma_start3A_1933 = tpu.memref_slice %arg9[%dma_start3A_1931, %dma_start3A_1932] : memref<10240x128xf32, #tpu.memory_space<vmem_shared>> -> memref<10240x128xf32, #tpu.memory_space<vmem_shared>>
        tpu.enqueue_indirect_dma source(%dma_start3A_1927 : memref<32x128xf32, #tpu.memory_space<vmem>>) target(%dma_start3A_1933 : memref<10240x128xf32, #tpu.memory_space<vmem_shared>>) offsets(%dma_start3A_1930 : memref<32xi32, #tpu.memory_space<vmem>>) semaphore(%run_scoped3A_1923 : memref<!tpu.dma_semaphore, #tpu.memory_space<semaphore_mem>>) {add = true}
        %dma_wait3A_1934 = arith.constant 0 : i32
        %dma_wait3A_1935 = arith.constant 0 : i32
        %dma_wait3A_1936 = tpu.memref_slice %arg8[%run_scoped3A_1470, %dma_wait3A_1934, %dma_wait3A_1935] : memref<5x32x128xf32, #tpu.memory_space<vmem>> -> memref<1x32x128xf32, #tpu.memory_space<vmem>>
        %dma_wait3A_1937 = tpu.memref_squeeze %dma_wait3A_1936 : memref<1x32x128xf32, #tpu.memory_space<vmem>> -> memref<32x128xf32, #tpu.memory_space<vmem>>
        %dma_wait3A_1938 = arith.constant 0 : i32
        %dma_wait3A_1939 = tpu.memref_slice %arg7[%run_scoped3A_1471, %run_scoped3A_1472, %dma_wait3A_1938] : memref<2x16x32xi32, #tpu.memory_space<vmem>> -> memref<1x1x32xi32, #tpu.memory_space<vmem>>
        %dma_wait3A_1940 = tpu.memref_squeeze %dma_wait3A_1939 : memref<1x1x32xi32, #tpu.memory_space<vmem>> -> memref<32xi32, #tpu.memory_space<vmem>>
        %dma_wait3A_1941 = arith.constant 0 : i32
        %dma_wait3A_1942 = arith.constant 0 : i32
        %dma_wait3A_1943 = tpu.memref_slice %arg9[%dma_wait3A_1941, %dma_wait3A_1942] : memref<10240x128xf32, #tpu.memory_space<vmem_shared>> -> memref<10240x128xf32, #tpu.memory_space<vmem_shared>>
        tpu.wait_indirect_dma semaphore(%run_scoped3A_1923 : memref<!tpu.dma_semaphore, #tpu.memory_space<semaphore_mem>>) src(%dma_wait3A_1937 : memref<32x128xf32, #tpu.memory_space<vmem>>) dst(%dma_wait3A_1943 : memref<10240x128xf32, #tpu.memory_space<vmem_shared>>)
        tpu.yield
      }) : () -> ()
      %dma_start3A_1473 = arith.constant 1 : i32
      %dma_start3A_1474 = arith.constant 6 : i32
      %dma_start3A_1475 = arith.constant 1 : i32
      %dma_start3A_1476 = arith.constant 0 : i32
      %dma_start3A_1477 = arith.constant 0 : i32
      %dma_start3A_1478 = tpu.memref_slice %arg8[%dma_start3A_1475, %dma_start3A_1476, %dma_start3A_1477] : memref<5x32x128xf32, #tpu.memory_space<vmem>> -> memref<1x32x128xf32, #tpu.memory_space<vmem>>
      %dma_start3A_1479 = tpu.memref_squeeze %dma_start3A_1478 : memref<1x32x128xf32, #tpu.memory_space<vmem>> -> memref<32x128xf32, #tpu.memory_space<vmem>>
      %dma_start3A_1480 = arith.constant 0 : i32
      %dma_start3A_1481 = tpu.memref_slice %arg6[%dma_start3A_1473, %dma_start3A_1474, %dma_start3A_1480] : memref<2x16x32xi32, #tpu.memory_space<vmem>> -> memref<1x1x32xi32, #tpu.memory_space<vmem>>
      %dma_start3A_1482 = tpu.memref_squeeze %dma_start3A_1481 : memref<1x1x32xi32, #tpu.memory_space<vmem>> -> memref<32xi32, #tpu.memory_space<vmem>>
      %dma_start3A_1483 = arith.constant 0 : i32
      %dma_start3A_1484 = arith.constant 0 : i32
      %dma_start3A_1485 = tpu.memref_slice %arg2[%arg0, %dma_start3A_1483, %dma_start3A_1484] : memref<2x10240x128xf32, #tpu.memory_space<hbm>> -> memref<1x10240x128xf32, #tpu.memory_space<hbm>>
      %dma_start3A_1486 = tpu.memref_squeeze %dma_start3A_1485 : memref<1x10240x128xf32, #tpu.memory_space<hbm>> -> memref<10240x128xf32, #tpu.memory_space<hbm>>
      %dma_start3A_1487 = arith.constant 0 : i32
      %dma_start3A_1488 = arith.constant 0 : i32
      %dma_start3A_1489 = tpu.memref_slice %dma_start3A_1486[%dma_start3A_1487, %dma_start3A_1488] : memref<10240x128xf32, #tpu.memory_space<hbm>> -> memref<10240x128xf32, #tpu.memory_space<hbm>>
      tpu.enqueue_indirect_dma source(%dma_start3A_1489 : memref<10240x128xf32, #tpu.memory_space<hbm>>) target(%dma_start3A_1479 : memref<32x128xf32, #tpu.memory_space<vmem>>) offsets(%dma_start3A_1482 : memref<32xi32, #tpu.memory_space<vmem>>) semaphore(%arg11 : memref<!tpu.dma_semaphore, #tpu.memory_space<semaphore_mem>>)
      %dma_wait3A_1490 = arith.constant 1 : i32
      %dma_wait3A_1491 = arith.constant 2 : i32
      %dma_wait3A_1492 = arith.constant 2 : i32
      %dma_wait3A_1493 = arith.constant 0 : i32
      %dma_wait3A_1494 = arith.constant 0 : i32
      %dma_wait3A_1495 = tpu.memref_slice %arg8[%dma_wait3A_1492, %dma_wait3A_1493, %dma_wait3A_1494] : memref<5x32x128xf32, #tpu.memory_space<vmem>> -> memref<1x32x128xf32, #tpu.memory_space<vmem>>
      %dma_wait3A_1496 = tpu.memref_squeeze %dma_wait3A_1495 : memref<1x32x128xf32, #tpu.memory_space<vmem>> -> memref<32x128xf32, #tpu.memory_space<vmem>>
      %dma_wait3A_1497 = arith.constant 0 : i32
      %dma_wait3A_1498 = tpu.memref_slice %arg6[%dma_wait3A_1490, %dma_wait3A_1491, %dma_wait3A_1497] : memref<2x16x32xi32, #tpu.memory_space<vmem>> -> memref<1x1x32xi32, #tpu.memory_space<vmem>>
      %dma_wait3A_1499 = tpu.memref_squeeze %dma_wait3A_1498 : memref<1x1x32xi32, #tpu.memory_space<vmem>> -> memref<32xi32, #tpu.memory_space<vmem>>
      %dma_wait3A_1500 = arith.constant 0 : i32
      %dma_wait3A_1501 = arith.constant 0 : i32
      %dma_wait3A_1502 = tpu.memref_slice %arg2[%arg0, %dma_wait3A_1500, %dma_wait3A_1501] : memref<2x10240x128xf32, #tpu.memory_space<hbm>> -> memref<1x10240x128xf32, #tpu.memory_space<hbm>>
      %dma_wait3A_1503 = tpu.memref_squeeze %dma_wait3A_1502 : memref<1x10240x128xf32, #tpu.memory_space<hbm>> -> memref<10240x128xf32, #tpu.memory_space<hbm>>
      %dma_wait3A_1504 = arith.constant 0 : i32
      %dma_wait3A_1505 = arith.constant 0 : i32
      %dma_wait3A_1506 = tpu.memref_slice %dma_wait3A_1503[%dma_wait3A_1504, %dma_wait3A_1505] : memref<10240x128xf32, #tpu.memory_space<hbm>> -> memref<10240x128xf32, #tpu.memory_space<hbm>>
      tpu.wait_indirect_dma semaphore(%arg12 : memref<!tpu.dma_semaphore, #tpu.memory_space<semaphore_mem>>) src(%dma_wait3A_1506 : memref<10240x128xf32, #tpu.memory_space<hbm>>) dst(%dma_wait3A_1496 : memref<32x128xf32, #tpu.memory_space<vmem>>)
      %run_scoped3A_1507 = arith.constant 2 : i32
      %run_scoped3A_1508 = arith.constant 1 : i32
      %run_scoped3A_1509 = arith.constant 2 : i32
      "tpu.region"() ({
        %run_scoped3A_1923 = tpu.sem_alloc : memref<!tpu.dma_semaphore, #tpu.memory_space<semaphore_mem>>
        %dma_start3A_1924 = arith.constant 0 : i32
        %dma_start3A_1925 = arith.constant 0 : i32
        %dma_start3A_1926 = tpu.memref_slice %arg8[%run_scoped3A_1507, %dma_start3A_1924, %dma_start3A_1925] : memref<5x32x128xf32, #tpu.memory_space<vmem>> -> memref<1x32x128xf32, #tpu.memory_space<vmem>>
        %dma_start3A_1927 = tpu.memref_squeeze %dma_start3A_1926 : memref<1x32x128xf32, #tpu.memory_space<vmem>> -> memref<32x128xf32, #tpu.memory_space<vmem>>
        %dma_start3A_1928 = arith.constant 0 : i32
        %dma_start3A_1929 = tpu.memref_slice %arg7[%run_scoped3A_1508, %run_scoped3A_1509, %dma_start3A_1928] : memref<2x16x32xi32, #tpu.memory_space<vmem>> -> memref<1x1x32xi32, #tpu.memory_space<vmem>>
        %dma_start3A_1930 = tpu.memref_squeeze %dma_start3A_1929 : memref<1x1x32xi32, #tpu.memory_space<vmem>> -> memref<32xi32, #tpu.memory_space<vmem>>
        %dma_start3A_1931 = arith.constant 0 : i32
        %dma_start3A_1932 = arith.constant 0 : i32
        %dma_start3A_1933 = tpu.memref_slice %arg9[%dma_start3A_1931, %dma_start3A_1932] : memref<10240x128xf32, #tpu.memory_space<vmem_shared>> -> memref<10240x128xf32, #tpu.memory_space<vmem_shared>>
        tpu.enqueue_indirect_dma source(%dma_start3A_1927 : memref<32x128xf32, #tpu.memory_space<vmem>>) target(%dma_start3A_1933 : memref<10240x128xf32, #tpu.memory_space<vmem_shared>>) offsets(%dma_start3A_1930 : memref<32xi32, #tpu.memory_space<vmem>>) semaphore(%run_scoped3A_1923 : memref<!tpu.dma_semaphore, #tpu.memory_space<semaphore_mem>>) {add = true}
        %dma_wait3A_1934 = arith.constant 0 : i32
        %dma_wait3A_1935 = arith.constant 0 : i32
        %dma_wait3A_1936 = tpu.memref_slice %arg8[%run_scoped3A_1507, %dma_wait3A_1934, %dma_wait3A_1935] : memref<5x32x128xf32, #tpu.memory_space<vmem>> -> memref<1x32x128xf32, #tpu.memory_space<vmem>>
        %dma_wait3A_1937 = tpu.memref_squeeze %dma_wait3A_1936 : memref<1x32x128xf32, #tpu.memory_space<vmem>> -> memref<32x128xf32, #tpu.memory_space<vmem>>
        %dma_wait3A_1938 = arith.constant 0 : i32
        %dma_wait3A_1939 = tpu.memref_slice %arg7[%run_scoped3A_1508, %run_scoped3A_1509, %dma_wait3A_1938] : memref<2x16x32xi32, #tpu.memory_space<vmem>> -> memref<1x1x32xi32, #tpu.memory_space<vmem>>
        %dma_wait3A_1940 = tpu.memref_squeeze %dma_wait3A_1939 : memref<1x1x32xi32, #tpu.memory_space<vmem>> -> memref<32xi32, #tpu.memory_space<vmem>>
        %dma_wait3A_1941 = arith.constant 0 : i32
        %dma_wait3A_1942 = arith.constant 0 : i32
        %dma_wait3A_1943 = tpu.memref_slice %arg9[%dma_wait3A_1941, %dma_wait3A_1942] : memref<10240x128xf32, #tpu.memory_space<vmem_shared>> -> memref<10240x128xf32, #tpu.memory_space<vmem_shared>>
        tpu.wait_indirect_dma semaphore(%run_scoped3A_1923 : memref<!tpu.dma_semaphore, #tpu.memory_space<semaphore_mem>>) src(%dma_wait3A_1937 : memref<32x128xf32, #tpu.memory_space<vmem>>) dst(%dma_wait3A_1943 : memref<10240x128xf32, #tpu.memory_space<vmem_shared>>)
        tpu.yield
      }) : () -> ()
      %dma_start3A_1510 = arith.constant 1 : i32
      %dma_start3A_1511 = arith.constant 7 : i32
      %dma_start3A_1512 = arith.constant 2 : i32
      %dma_start3A_1513 = arith.constant 0 : i32
      %dma_start3A_1514 = arith.constant 0 : i32
      %dma_start3A_1515 = tpu.memref_slice %arg8[%dma_start3A_1512, %dma_start3A_1513, %dma_start3A_1514] : memref<5x32x128xf32, #tpu.memory_space<vmem>> -> memref<1x32x128xf32, #tpu.memory_space<vmem>>
      %dma_start3A_1516 = tpu.memref_squeeze %dma_start3A_1515 : memref<1x32x128xf32, #tpu.memory_space<vmem>> -> memref<32x128xf32, #tpu.memory_space<vmem>>
      %dma_start3A_1517 = arith.constant 0 : i32
      %dma_start3A_1518 = tpu.memref_slice %arg6[%dma_start3A_1510, %dma_start3A_1511, %dma_start3A_1517] : memref<2x16x32xi32, #tpu.memory_space<vmem>> -> memref<1x1x32xi32, #tpu.memory_space<vmem>>
      %dma_start3A_1519 = tpu.memref_squeeze %dma_start3A_1518 : memref<1x1x32xi32, #tpu.memory_space<vmem>> -> memref<32xi32, #tpu.memory_space<vmem>>
      %dma_start3A_1520 = arith.constant 0 : i32
      %dma_start3A_1521 = arith.constant 0 : i32
      %dma_start3A_1522 = tpu.memref_slice %arg2[%arg0, %dma_start3A_1520, %dma_start3A_1521] : memref<2x10240x128xf32, #tpu.memory_space<hbm>> -> memref<1x10240x128xf32, #tpu.memory_space<hbm>>
      %dma_start3A_1523 = tpu.memref_squeeze %dma_start3A_1522 : memref<1x10240x128xf32, #tpu.memory_space<hbm>> -> memref<10240x128xf32, #tpu.memory_space<hbm>>
      %dma_start3A_1524 = arith.constant 0 : i32
      %dma_start3A_1525 = arith.constant 0 : i32
      %dma_start3A_1526 = tpu.memref_slice %dma_start3A_1523[%dma_start3A_1524, %dma_start3A_1525] : memref<10240x128xf32, #tpu.memory_space<hbm>> -> memref<10240x128xf32, #tpu.memory_space<hbm>>
      tpu.enqueue_indirect_dma source(%dma_start3A_1526 : memref<10240x128xf32, #tpu.memory_space<hbm>>) target(%dma_start3A_1516 : memref<32x128xf32, #tpu.memory_space<vmem>>) offsets(%dma_start3A_1519 : memref<32xi32, #tpu.memory_space<vmem>>) semaphore(%arg12 : memref<!tpu.dma_semaphore, #tpu.memory_space<semaphore_mem>>)
      %dma_wait3A_1527 = arith.constant 1 : i32
      %dma_wait3A_1528 = arith.constant 3 : i32
      %dma_wait3A_1529 = arith.constant 3 : i32
      %dma_wait3A_1530 = arith.constant 0 : i32
      %dma_wait3A_1531 = arith.constant 0 : i32
      %dma_wait3A_1532 = tpu.memref_slice %arg8[%dma_wait3A_1529, %dma_wait3A_1530, %dma_wait3A_1531] : memref<5x32x128xf32, #tpu.memory_space<vmem>> -> memref<1x32x128xf32, #tpu.memory_space<vmem>>
      %dma_wait3A_1533 = tpu.memref_squeeze %dma_wait3A_1532 : memref<1x32x128xf32, #tpu.memory_space<vmem>> -> memref<32x128xf32, #tpu.memory_space<vmem>>
      %dma_wait3A_1534 = arith.constant 0 : i32
      %dma_wait3A_1535 = tpu.memref_slice %arg6[%dma_wait3A_1527, %dma_wait3A_1528, %dma_wait3A_1534] : memref<2x16x32xi32, #tpu.memory_space<vmem>> -> memref<1x1x32xi32, #tpu.memory_space<vmem>>
      %dma_wait3A_1536 = tpu.memref_squeeze %dma_wait3A_1535 : memref<1x1x32xi32, #tpu.memory_space<vmem>> -> memref<32xi32, #tpu.memory_space<vmem>>
      %dma_wait3A_1537 = arith.constant 0 : i32
      %dma_wait3A_1538 = arith.constant 0 : i32
      %dma_wait3A_1539 = tpu.memref_slice %arg2[%arg0, %dma_wait3A_1537, %dma_wait3A_1538] : memref<2x10240x128xf32, #tpu.memory_space<hbm>> -> memref<1x10240x128xf32, #tpu.memory_space<hbm>>
      %dma_wait3A_1540 = tpu.memref_squeeze %dma_wait3A_1539 : memref<1x10240x128xf32, #tpu.memory_space<hbm>> -> memref<10240x128xf32, #tpu.memory_space<hbm>>
      %dma_wait3A_1541 = arith.constant 0 : i32
      %dma_wait3A_1542 = arith.constant 0 : i32
      %dma_wait3A_1543 = tpu.memref_slice %dma_wait3A_1540[%dma_wait3A_1541, %dma_wait3A_1542] : memref<10240x128xf32, #tpu.memory_space<hbm>> -> memref<10240x128xf32, #tpu.memory_space<hbm>>
      tpu.wait_indirect_dma semaphore(%arg13 : memref<!tpu.dma_semaphore, #tpu.memory_space<semaphore_mem>>) src(%dma_wait3A_1543 : memref<10240x128xf32, #tpu.memory_space<hbm>>) dst(%dma_wait3A_1533 : memref<32x128xf32, #tpu.memory_space<vmem>>)
      %run_scoped3A_1544 = arith.constant 3 : i32
      %run_scoped3A_1545 = arith.constant 1 : i32
      %run_scoped3A_1546 = arith.constant 3 : i32
      "tpu.region"() ({
        %run_scoped3A_1923 = tpu.sem_alloc : memref<!tpu.dma_semaphore, #tpu.memory_space<semaphore_mem>>
        %dma_start3A_1924 = arith.constant 0 : i32
        %dma_start3A_1925 = arith.constant 0 : i32
        %dma_start3A_1926 = tpu.memref_slice %arg8[%run_scoped3A_1544, %dma_start3A_1924, %dma_start3A_1925] : memref<5x32x128xf32, #tpu.memory_space<vmem>> -> memref<1x32x128xf32, #tpu.memory_space<vmem>>
        %dma_start3A_1927 = tpu.memref_squeeze %dma_start3A_1926 : memref<1x32x128xf32, #tpu.memory_space<vmem>> -> memref<32x128xf32, #tpu.memory_space<vmem>>
        %dma_start3A_1928 = arith.constant 0 : i32
        %dma_start3A_1929 = tpu.memref_slice %arg7[%run_scoped3A_1545, %run_scoped3A_1546, %dma_start3A_1928] : memref<2x16x32xi32, #tpu.memory_space<vmem>> -> memref<1x1x32xi32, #tpu.memory_space<vmem>>
        %dma_start3A_1930 = tpu.memref_squeeze %dma_start3A_1929 : memref<1x1x32xi32, #tpu.memory_space<vmem>> -> memref<32xi32, #tpu.memory_space<vmem>>
        %dma_start3A_1931 = arith.constant 0 : i32
        %dma_start3A_1932 = arith.constant 0 : i32
        %dma_start3A_1933 = tpu.memref_slice %arg9[%dma_start3A_1931, %dma_start3A_1932] : memref<10240x128xf32, #tpu.memory_space<vmem_shared>> -> memref<10240x128xf32, #tpu.memory_space<vmem_shared>>
        tpu.enqueue_indirect_dma source(%dma_start3A_1927 : memref<32x128xf32, #tpu.memory_space<vmem>>) target(%dma_start3A_1933 : memref<10240x128xf32, #tpu.memory_space<vmem_shared>>) offsets(%dma_start3A_1930 : memref<32xi32, #tpu.memory_space<vmem>>) semaphore(%run_scoped3A_1923 : memref<!tpu.dma_semaphore, #tpu.memory_space<semaphore_mem>>) {add = true}
        %dma_wait3A_1934 = arith.constant 0 : i32
        %dma_wait3A_1935 = arith.constant 0 : i32
        %dma_wait3A_1936 = tpu.memref_slice %arg8[%run_scoped3A_1544, %dma_wait3A_1934, %dma_wait3A_1935] : memref<5x32x128xf32, #tpu.memory_space<vmem>> -> memref<1x32x128xf32, #tpu.memory_space<vmem>>
        %dma_wait3A_1937 = tpu.memref_squeeze %dma_wait3A_1936 : memref<1x32x128xf32, #tpu.memory_space<vmem>> -> memref<32x128xf32, #tpu.memory_space<vmem>>
        %dma_wait3A_1938 = arith.constant 0 : i32
        %dma_wait3A_1939 = tpu.memref_slice %arg7[%run_scoped3A_1545, %run_scoped3A_1546, %dma_wait3A_1938] : memref<2x16x32xi32, #tpu.memory_space<vmem>> -> memref<1x1x32xi32, #tpu.memory_space<vmem>>
        %dma_wait3A_1940 = tpu.memref_squeeze %dma_wait3A_1939 : memref<1x1x32xi32, #tpu.memory_space<vmem>> -> memref<32xi32, #tpu.memory_space<vmem>>
        %dma_wait3A_1941 = arith.constant 0 : i32
        %dma_wait3A_1942 = arith.constant 0 : i32
        %dma_wait3A_1943 = tpu.memref_slice %arg9[%dma_wait3A_1941, %dma_wait3A_1942] : memref<10240x128xf32, #tpu.memory_space<vmem_shared>> -> memref<10240x128xf32, #tpu.memory_space<vmem_shared>>
        tpu.wait_indirect_dma semaphore(%run_scoped3A_1923 : memref<!tpu.dma_semaphore, #tpu.memory_space<semaphore_mem>>) src(%dma_wait3A_1937 : memref<32x128xf32, #tpu.memory_space<vmem>>) dst(%dma_wait3A_1943 : memref<10240x128xf32, #tpu.memory_space<vmem_shared>>)
        tpu.yield
      }) : () -> ()
      %dma_start3A_1547 = arith.constant 1 : i32
      %dma_start3A_1548 = arith.constant 8 : i32
      %dma_start3A_1549 = arith.constant 3 : i32
      %dma_start3A_1550 = arith.constant 0 : i32
      %dma_start3A_1551 = arith.constant 0 : i32
      %dma_start3A_1552 = tpu.memref_slice %arg8[%dma_start3A_1549, %dma_start3A_1550, %dma_start3A_1551] : memref<5x32x128xf32, #tpu.memory_space<vmem>> -> memref<1x32x128xf32, #tpu.memory_space<vmem>>
      %dma_start3A_1553 = tpu.memref_squeeze %dma_start3A_1552 : memref<1x32x128xf32, #tpu.memory_space<vmem>> -> memref<32x128xf32, #tpu.memory_space<vmem>>
      %dma_start3A_1554 = arith.constant 0 : i32
      %dma_start3A_1555 = tpu.memref_slice %arg6[%dma_start3A_1547, %dma_start3A_1548, %dma_start3A_1554] : memref<2x16x32xi32, #tpu.memory_space<vmem>> -> memref<1x1x32xi32, #tpu.memory_space<vmem>>
      %dma_start3A_1556 = tpu.memref_squeeze %dma_start3A_1555 : memref<1x1x32xi32, #tpu.memory_space<vmem>> -> memref<32xi32, #tpu.memory_space<vmem>>
      %dma_start3A_1557 = arith.constant 0 : i32
      %dma_start3A_1558 = arith.constant 0 : i32
      %dma_start3A_1559 = tpu.memref_slice %arg2[%arg0, %dma_start3A_1557, %dma_start3A_1558] : memref<2x10240x128xf32, #tpu.memory_space<hbm>> -> memref<1x10240x128xf32, #tpu.memory_space<hbm>>
      %dma_start3A_1560 = tpu.memref_squeeze %dma_start3A_1559 : memref<1x10240x128xf32, #tpu.memory_space<hbm>> -> memref<10240x128xf32, #tpu.memory_space<hbm>>
      %dma_start3A_1561 = arith.constant 0 : i32
      %dma_start3A_1562 = arith.constant 0 : i32
      %dma_start3A_1563 = tpu.memref_slice %dma_start3A_1560[%dma_start3A_1561, %dma_start3A_1562] : memref<10240x128xf32, #tpu.memory_space<hbm>> -> memref<10240x128xf32, #tpu.memory_space<hbm>>
      tpu.enqueue_indirect_dma source(%dma_start3A_1563 : memref<10240x128xf32, #tpu.memory_space<hbm>>) target(%dma_start3A_1553 : memref<32x128xf32, #tpu.memory_space<vmem>>) offsets(%dma_start3A_1556 : memref<32xi32, #tpu.memory_space<vmem>>) semaphore(%arg13 : memref<!tpu.dma_semaphore, #tpu.memory_space<semaphore_mem>>)
      %dma_wait3A_1564 = arith.constant 1 : i32
      %dma_wait3A_1565 = arith.constant 4 : i32
      %dma_wait3A_1566 = arith.constant 4 : i32
      %dma_wait3A_1567 = arith.constant 0 : i32
      %dma_wait3A_1568 = arith.constant 0 : i32
      %dma_wait3A_1569 = tpu.memref_slice %arg8[%dma_wait3A_1566, %dma_wait3A_1567, %dma_wait3A_1568] : memref<5x32x128xf32, #tpu.memory_space<vmem>> -> memref<1x32x128xf32, #tpu.memory_space<vmem>>
      %dma_wait3A_1570 = tpu.memref_squeeze %dma_wait3A_1569 : memref<1x32x128xf32, #tpu.memory_space<vmem>> -> memref<32x128xf32, #tpu.memory_space<vmem>>
      %dma_wait3A_1571 = arith.constant 0 : i32
      %dma_wait3A_1572 = tpu.memref_slice %arg6[%dma_wait3A_1564, %dma_wait3A_1565, %dma_wait3A_1571] : memref<2x16x32xi32, #tpu.memory_space<vmem>> -> memref<1x1x32xi32, #tpu.memory_space<vmem>>
      %dma_wait3A_1573 = tpu.memref_squeeze %dma_wait3A_1572 : memref<1x1x32xi32, #tpu.memory_space<vmem>> -> memref<32xi32, #tpu.memory_space<vmem>>
      %dma_wait3A_1574 = arith.constant 0 : i32
      %dma_wait3A_1575 = arith.constant 0 : i32
      %dma_wait3A_1576 = tpu.memref_slice %arg2[%arg0, %dma_wait3A_1574, %dma_wait3A_1575] : memref<2x10240x128xf32, #tpu.memory_space<hbm>> -> memref<1x10240x128xf32, #tpu.memory_space<hbm>>
      %dma_wait3A_1577 = tpu.memref_squeeze %dma_wait3A_1576 : memref<1x10240x128xf32, #tpu.memory_space<hbm>> -> memref<10240x128xf32, #tpu.memory_space<hbm>>
      %dma_wait3A_1578 = arith.constant 0 : i32
      %dma_wait3A_1579 = arith.constant 0 : i32
      %dma_wait3A_1580 = tpu.memref_slice %dma_wait3A_1577[%dma_wait3A_1578, %dma_wait3A_1579] : memref<10240x128xf32, #tpu.memory_space<hbm>> -> memref<10240x128xf32, #tpu.memory_space<hbm>>
      tpu.wait_indirect_dma semaphore(%arg14 : memref<!tpu.dma_semaphore, #tpu.memory_space<semaphore_mem>>) src(%dma_wait3A_1580 : memref<10240x128xf32, #tpu.memory_space<hbm>>) dst(%dma_wait3A_1570 : memref<32x128xf32, #tpu.memory_space<vmem>>)
      %run_scoped3A_1581 = arith.constant 4 : i32
      %run_scoped3A_1582 = arith.constant 1 : i32
      %run_scoped3A_1583 = arith.constant 4 : i32
      "tpu.region"() ({
        %run_scoped3A_1923 = tpu.sem_alloc : memref<!tpu.dma_semaphore, #tpu.memory_space<semaphore_mem>>
        %dma_start3A_1924 = arith.constant 0 : i32
        %dma_start3A_1925 = arith.constant 0 : i32
        %dma_start3A_1926 = tpu.memref_slice %arg8[%run_scoped3A_1581, %dma_start3A_1924, %dma_start3A_1925] : memref<5x32x128xf32, #tpu.memory_space<vmem>> -> memref<1x32x128xf32, #tpu.memory_space<vmem>>
        %dma_start3A_1927 = tpu.memref_squeeze %dma_start3A_1926 : memref<1x32x128xf32, #tpu.memory_space<vmem>> -> memref<32x128xf32, #tpu.memory_space<vmem>>
        %dma_start3A_1928 = arith.constant 0 : i32
        %dma_start3A_1929 = tpu.memref_slice %arg7[%run_scoped3A_1582, %run_scoped3A_1583, %dma_start3A_1928] : memref<2x16x32xi32, #tpu.memory_space<vmem>> -> memref<1x1x32xi32, #tpu.memory_space<vmem>>
        %dma_start3A_1930 = tpu.memref_squeeze %dma_start3A_1929 : memref<1x1x32xi32, #tpu.memory_space<vmem>> -> memref<32xi32, #tpu.memory_space<vmem>>
        %dma_start3A_1931 = arith.constant 0 : i32
        %dma_start3A_1932 = arith.constant 0 : i32
        %dma_start3A_1933 = tpu.memref_slice %arg9[%dma_start3A_1931, %dma_start3A_1932] : memref<10240x128xf32, #tpu.memory_space<vmem_shared>> -> memref<10240x128xf32, #tpu.memory_space<vmem_shared>>
        tpu.enqueue_indirect_dma source(%dma_start3A_1927 : memref<32x128xf32, #tpu.memory_space<vmem>>) target(%dma_start3A_1933 : memref<10240x128xf32, #tpu.memory_space<vmem_shared>>) offsets(%dma_start3A_1930 : memref<32xi32, #tpu.memory_space<vmem>>) semaphore(%run_scoped3A_1923 : memref<!tpu.dma_semaphore, #tpu.memory_space<semaphore_mem>>) {add = true}
        %dma_wait3A_1934 = arith.constant 0 : i32
        %dma_wait3A_1935 = arith.constant 0 : i32
        %dma_wait3A_1936 = tpu.memref_slice %arg8[%run_scoped3A_1581, %dma_wait3A_1934, %dma_wait3A_1935] : memref<5x32x128xf32, #tpu.memory_space<vmem>> -> memref<1x32x128xf32, #tpu.memory_space<vmem>>
        %dma_wait3A_1937 = tpu.memref_squeeze %dma_wait3A_1936 : memref<1x32x128xf32, #tpu.memory_space<vmem>> -> memref<32x128xf32, #tpu.memory_space<vmem>>
        %dma_wait3A_1938 = arith.constant 0 : i32
        %dma_wait3A_1939 = tpu.memref_slice %arg7[%run_scoped3A_1582, %run_scoped3A_1583, %dma_wait3A_1938] : memref<2x16x32xi32, #tpu.memory_space<vmem>> -> memref<1x1x32xi32, #tpu.memory_space<vmem>>
        %dma_wait3A_1940 = tpu.memref_squeeze %dma_wait3A_1939 : memref<1x1x32xi32, #tpu.memory_space<vmem>> -> memref<32xi32, #tpu.memory_space<vmem>>
        %dma_wait3A_1941 = arith.constant 0 : i32
        %dma_wait3A_1942 = arith.constant 0 : i32
        %dma_wait3A_1943 = tpu.memref_slice %arg9[%dma_wait3A_1941, %dma_wait3A_1942] : memref<10240x128xf32, #tpu.memory_space<vmem_shared>> -> memref<10240x128xf32, #tpu.memory_space<vmem_shared>>
        tpu.wait_indirect_dma semaphore(%run_scoped3A_1923 : memref<!tpu.dma_semaphore, #tpu.memory_space<semaphore_mem>>) src(%dma_wait3A_1937 : memref<32x128xf32, #tpu.memory_space<vmem>>) dst(%dma_wait3A_1943 : memref<10240x128xf32, #tpu.memory_space<vmem_shared>>)
        tpu.yield
      }) : () -> ()
      %dma_start3A_1584 = arith.constant 1 : i32
      %dma_start3A_1585 = arith.constant 9 : i32
      %dma_start3A_1586 = arith.constant 4 : i32
      %dma_start3A_1587 = arith.constant 0 : i32
      %dma_start3A_1588 = arith.constant 0 : i32
      %dma_start3A_1589 = tpu.memref_slice %arg8[%dma_start3A_1586, %dma_start3A_1587, %dma_start3A_1588] : memref<5x32x128xf32, #tpu.memory_space<vmem>> -> memref<1x32x128xf32, #tpu.memory_space<vmem>>
      %dma_start3A_1590 = tpu.memref_squeeze %dma_start3A_1589 : memref<1x32x128xf32, #tpu.memory_space<vmem>> -> memref<32x128xf32, #tpu.memory_space<vmem>>
      %dma_start3A_1591 = arith.constant 0 : i32
      %dma_start3A_1592 = tpu.memref_slice %arg6[%dma_start3A_1584, %dma_start3A_1585, %dma_start3A_1591] : memref<2x16x32xi32, #tpu.memory_space<vmem>> -> memref<1x1x32xi32, #tpu.memory_space<vmem>>
      %dma_start3A_1593 = tpu.memref_squeeze %dma_start3A_1592 : memref<1x1x32xi32, #tpu.memory_space<vmem>> -> memref<32xi32, #tpu.memory_space<vmem>>
      %dma_start3A_1594 = arith.constant 0 : i32
      %dma_start3A_1595 = arith.constant 0 : i32
      %dma_start3A_1596 = tpu.memref_slice %arg2[%arg0, %dma_start3A_1594, %dma_start3A_1595] : memref<2x10240x128xf32, #tpu.memory_space<hbm>> -> memref<1x10240x128xf32, #tpu.memory_space<hbm>>
      %dma_start3A_1597 = tpu.memref_squeeze %dma_start3A_1596 : memref<1x10240x128xf32, #tpu.memory_space<hbm>> -> memref<10240x128xf32, #tpu.memory_space<hbm>>
      %dma_start3A_1598 = arith.constant 0 : i32
      %dma_start3A_1599 = arith.constant 0 : i32
      %dma_start3A_1600 = tpu.memref_slice %dma_start3A_1597[%dma_start3A_1598, %dma_start3A_1599] : memref<10240x128xf32, #tpu.memory_space<hbm>> -> memref<10240x128xf32, #tpu.memory_space<hbm>>
      tpu.enqueue_indirect_dma source(%dma_start3A_1600 : memref<10240x128xf32, #tpu.memory_space<hbm>>) target(%dma_start3A_1590 : memref<32x128xf32, #tpu.memory_space<vmem>>) offsets(%dma_start3A_1593 : memref<32xi32, #tpu.memory_space<vmem>>) semaphore(%arg14 : memref<!tpu.dma_semaphore, #tpu.memory_space<semaphore_mem>>)
      %dma_wait3A_1601 = arith.constant 1 : i32
      %dma_wait3A_1602 = arith.constant 5 : i32
      %dma_wait3A_1603 = arith.constant 0 : i32
      %dma_wait3A_1604 = arith.constant 0 : i32
      %dma_wait3A_1605 = arith.constant 0 : i32
      %dma_wait3A_1606 = tpu.memref_slice %arg8[%dma_wait3A_1603, %dma_wait3A_1604, %dma_wait3A_1605] : memref<5x32x128xf32, #tpu.memory_space<vmem>> -> memref<1x32x128xf32, #tpu.memory_space<vmem>>
      %dma_wait3A_1607 = tpu.memref_squeeze %dma_wait3A_1606 : memref<1x32x128xf32, #tpu.memory_space<vmem>> -> memref<32x128xf32, #tpu.memory_space<vmem>>
      %dma_wait3A_1608 = arith.constant 0 : i32
      %dma_wait3A_1609 = tpu.memref_slice %arg6[%dma_wait3A_1601, %dma_wait3A_1602, %dma_wait3A_1608] : memref<2x16x32xi32, #tpu.memory_space<vmem>> -> memref<1x1x32xi32, #tpu.memory_space<vmem>>
      %dma_wait3A_1610 = tpu.memref_squeeze %dma_wait3A_1609 : memref<1x1x32xi32, #tpu.memory_space<vmem>> -> memref<32xi32, #tpu.memory_space<vmem>>
      %dma_wait3A_1611 = arith.constant 0 : i32
      %dma_wait3A_1612 = arith.constant 0 : i32
      %dma_wait3A_1613 = tpu.memref_slice %arg2[%arg0, %dma_wait3A_1611, %dma_wait3A_1612] : memref<2x10240x128xf32, #tpu.memory_space<hbm>> -> memref<1x10240x128xf32, #tpu.memory_space<hbm>>
      %dma_wait3A_1614 = tpu.memref_squeeze %dma_wait3A_1613 : memref<1x10240x128xf32, #tpu.memory_space<hbm>> -> memref<10240x128xf32, #tpu.memory_space<hbm>>
      %dma_wait3A_1615 = arith.constant 0 : i32
      %dma_wait3A_1616 = arith.constant 0 : i32
      %dma_wait3A_1617 = tpu.memref_slice %dma_wait3A_1614[%dma_wait3A_1615, %dma_wait3A_1616] : memref<10240x128xf32, #tpu.memory_space<hbm>> -> memref<10240x128xf32, #tpu.memory_space<hbm>>
      tpu.wait_indirect_dma semaphore(%arg10 : memref<!tpu.dma_semaphore, #tpu.memory_space<semaphore_mem>>) src(%dma_wait3A_1617 : memref<10240x128xf32, #tpu.memory_space<hbm>>) dst(%dma_wait3A_1607 : memref<32x128xf32, #tpu.memory_space<vmem>>)
      %run_scoped3A_1618 = arith.constant 0 : i32
      %run_scoped3A_1619 = arith.constant 1 : i32
      %run_scoped3A_1620 = arith.constant 5 : i32
      "tpu.region"() ({
        %run_scoped3A_1923 = tpu.sem_alloc : memref<!tpu.dma_semaphore, #tpu.memory_space<semaphore_mem>>
        %dma_start3A_1924 = arith.constant 0 : i32
        %dma_start3A_1925 = arith.constant 0 : i32
        %dma_start3A_1926 = tpu.memref_slice %arg8[%run_scoped3A_1618, %dma_start3A_1924, %dma_start3A_1925] : memref<5x32x128xf32, #tpu.memory_space<vmem>> -> memref<1x32x128xf32, #tpu.memory_space<vmem>>
        %dma_start3A_1927 = tpu.memref_squeeze %dma_start3A_1926 : memref<1x32x128xf32, #tpu.memory_space<vmem>> -> memref<32x128xf32, #tpu.memory_space<vmem>>
        %dma_start3A_1928 = arith.constant 0 : i32
        %dma_start3A_1929 = tpu.memref_slice %arg7[%run_scoped3A_1619, %run_scoped3A_1620, %dma_start3A_1928] : memref<2x16x32xi32, #tpu.memory_space<vmem>> -> memref<1x1x32xi32, #tpu.memory_space<vmem>>
        %dma_start3A_1930 = tpu.memref_squeeze %dma_start3A_1929 : memref<1x1x32xi32, #tpu.memory_space<vmem>> -> memref<32xi32, #tpu.memory_space<vmem>>
        %dma_start3A_1931 = arith.constant 0 : i32
        %dma_start3A_1932 = arith.constant 0 : i32
        %dma_start3A_1933 = tpu.memref_slice %arg9[%dma_start3A_1931, %dma_start3A_1932] : memref<10240x128xf32, #tpu.memory_space<vmem_shared>> -> memref<10240x128xf32, #tpu.memory_space<vmem_shared>>
        tpu.enqueue_indirect_dma source(%dma_start3A_1927 : memref<32x128xf32, #tpu.memory_space<vmem>>) target(%dma_start3A_1933 : memref<10240x128xf32, #tpu.memory_space<vmem_shared>>) offsets(%dma_start3A_1930 : memref<32xi32, #tpu.memory_space<vmem>>) semaphore(%run_scoped3A_1923 : memref<!tpu.dma_semaphore, #tpu.memory_space<semaphore_mem>>) {add = true}
        %dma_wait3A_1934 = arith.constant 0 : i32
        %dma_wait3A_1935 = arith.constant 0 : i32
        %dma_wait3A_1936 = tpu.memref_slice %arg8[%run_scoped3A_1618, %dma_wait3A_1934, %dma_wait3A_1935] : memref<5x32x128xf32, #tpu.memory_space<vmem>> -> memref<1x32x128xf32, #tpu.memory_space<vmem>>
        %dma_wait3A_1937 = tpu.memref_squeeze %dma_wait3A_1936 : memref<1x32x128xf32, #tpu.memory_space<vmem>> -> memref<32x128xf32, #tpu.memory_space<vmem>>
        %dma_wait3A_1938 = arith.constant 0 : i32
        %dma_wait3A_1939 = tpu.memref_slice %arg7[%run_scoped3A_1619, %run_scoped3A_1620, %dma_wait3A_1938] : memref<2x16x32xi32, #tpu.memory_space<vmem>> -> memref<1x1x32xi32, #tpu.memory_space<vmem>>
        %dma_wait3A_1940 = tpu.memref_squeeze %dma_wait3A_1939 : memref<1x1x32xi32, #tpu.memory_space<vmem>> -> memref<32xi32, #tpu.memory_space<vmem>>
        %dma_wait3A_1941 = arith.constant 0 : i32
        %dma_wait3A_1942 = arith.constant 0 : i32
        %dma_wait3A_1943 = tpu.memref_slice %arg9[%dma_wait3A_1941, %dma_wait3A_1942] : memref<10240x128xf32, #tpu.memory_space<vmem_shared>> -> memref<10240x128xf32, #tpu.memory_space<vmem_shared>>
        tpu.wait_indirect_dma semaphore(%run_scoped3A_1923 : memref<!tpu.dma_semaphore, #tpu.memory_space<semaphore_mem>>) src(%dma_wait3A_1937 : memref<32x128xf32, #tpu.memory_space<vmem>>) dst(%dma_wait3A_1943 : memref<10240x128xf32, #tpu.memory_space<vmem_shared>>)
        tpu.yield
      }) : () -> ()
      %dma_start3A_1621 = arith.constant 1 : i32
      %dma_start3A_1622 = arith.constant 10 : i32
      %dma_start3A_1623 = arith.constant 0 : i32
      %dma_start3A_1624 = arith.constant 0 : i32
      %dma_start3A_1625 = arith.constant 0 : i32
      %dma_start3A_1626 = tpu.memref_slice %arg8[%dma_start3A_1623, %dma_start3A_1624, %dma_start3A_1625] : memref<5x32x128xf32, #tpu.memory_space<vmem>> -> memref<1x32x128xf32, #tpu.memory_space<vmem>>
      %dma_start3A_1627 = tpu.memref_squeeze %dma_start3A_1626 : memref<1x32x128xf32, #tpu.memory_space<vmem>> -> memref<32x128xf32, #tpu.memory_space<vmem>>
      %dma_start3A_1628 = arith.constant 0 : i32
      %dma_start3A_1629 = tpu.memref_slice %arg6[%dma_start3A_1621, %dma_start3A_1622, %dma_start3A_1628] : memref<2x16x32xi32, #tpu.memory_space<vmem>> -> memref<1x1x32xi32, #tpu.memory_space<vmem>>
      %dma_start3A_1630 = tpu.memref_squeeze %dma_start3A_1629 : memref<1x1x32xi32, #tpu.memory_space<vmem>> -> memref<32xi32, #tpu.memory_space<vmem>>
      %dma_start3A_1631 = arith.constant 0 : i32
      %dma_start3A_1632 = arith.constant 0 : i32
      %dma_start3A_1633 = tpu.memref_slice %arg2[%arg0, %dma_start3A_1631, %dma_start3A_1632] : memref<2x10240x128xf32, #tpu.memory_space<hbm>> -> memref<1x10240x128xf32, #tpu.memory_space<hbm>>
      %dma_start3A_1634 = tpu.memref_squeeze %dma_start3A_1633 : memref<1x10240x128xf32, #tpu.memory_space<hbm>> -> memref<10240x128xf32, #tpu.memory_space<hbm>>
      %dma_start3A_1635 = arith.constant 0 : i32
      %dma_start3A_1636 = arith.constant 0 : i32
      %dma_start3A_1637 = tpu.memref_slice %dma_start3A_1634[%dma_start3A_1635, %dma_start3A_1636] : memref<10240x128xf32, #tpu.memory_space<hbm>> -> memref<10240x128xf32, #tpu.memory_space<hbm>>
      tpu.enqueue_indirect_dma source(%dma_start3A_1637 : memref<10240x128xf32, #tpu.memory_space<hbm>>) target(%dma_start3A_1627 : memref<32x128xf32, #tpu.memory_space<vmem>>) offsets(%dma_start3A_1630 : memref<32xi32, #tpu.memory_space<vmem>>) semaphore(%arg10 : memref<!tpu.dma_semaphore, #tpu.memory_space<semaphore_mem>>)
      %dma_wait3A_1638 = arith.constant 1 : i32
      %dma_wait3A_1639 = arith.constant 6 : i32
      %dma_wait3A_1640 = arith.constant 1 : i32
      %dma_wait3A_1641 = arith.constant 0 : i32
      %dma_wait3A_1642 = arith.constant 0 : i32
      %dma_wait3A_1643 = tpu.memref_slice %arg8[%dma_wait3A_1640, %dma_wait3A_1641, %dma_wait3A_1642] : memref<5x32x128xf32, #tpu.memory_space<vmem>> -> memref<1x32x128xf32, #tpu.memory_space<vmem>>
      %dma_wait3A_1644 = tpu.memref_squeeze %dma_wait3A_1643 : memref<1x32x128xf32, #tpu.memory_space<vmem>> -> memref<32x128xf32, #tpu.memory_space<vmem>>
      %dma_wait3A_1645 = arith.constant 0 : i32
      %dma_wait3A_1646 = tpu.memref_slice %arg6[%dma_wait3A_1638, %dma_wait3A_1639, %dma_wait3A_1645] : memref<2x16x32xi32, #tpu.memory_space<vmem>> -> memref<1x1x32xi32, #tpu.memory_space<vmem>>
      %dma_wait3A_1647 = tpu.memref_squeeze %dma_wait3A_1646 : memref<1x1x32xi32, #tpu.memory_space<vmem>> -> memref<32xi32, #tpu.memory_space<vmem>>
      %dma_wait3A_1648 = arith.constant 0 : i32
      %dma_wait3A_1649 = arith.constant 0 : i32
      %dma_wait3A_1650 = tpu.memref_slice %arg2[%arg0, %dma_wait3A_1648, %dma_wait3A_1649] : memref<2x10240x128xf32, #tpu.memory_space<hbm>> -> memref<1x10240x128xf32, #tpu.memory_space<hbm>>
      %dma_wait3A_1651 = tpu.memref_squeeze %dma_wait3A_1650 : memref<1x10240x128xf32, #tpu.memory_space<hbm>> -> memref<10240x128xf32, #tpu.memory_space<hbm>>
      %dma_wait3A_1652 = arith.constant 0 : i32
      %dma_wait3A_1653 = arith.constant 0 : i32
      %dma_wait3A_1654 = tpu.memref_slice %dma_wait3A_1651[%dma_wait3A_1652, %dma_wait3A_1653] : memref<10240x128xf32, #tpu.memory_space<hbm>> -> memref<10240x128xf32, #tpu.memory_space<hbm>>
      tpu.wait_indirect_dma semaphore(%arg11 : memref<!tpu.dma_semaphore, #tpu.memory_space<semaphore_mem>>) src(%dma_wait3A_1654 : memref<10240x128xf32, #tpu.memory_space<hbm>>) dst(%dma_wait3A_1644 : memref<32x128xf32, #tpu.memory_space<vmem>>)
      %run_scoped3A_1655 = arith.constant 1 : i32
      %run_scoped3A_1656 = arith.constant 1 : i32
      %run_scoped3A_1657 = arith.constant 6 : i32
      "tpu.region"() ({
        %run_scoped3A_1923 = tpu.sem_alloc : memref<!tpu.dma_semaphore, #tpu.memory_space<semaphore_mem>>
        %dma_start3A_1924 = arith.constant 0 : i32
        %dma_start3A_1925 = arith.constant 0 : i32
        %dma_start3A_1926 = tpu.memref_slice %arg8[%run_scoped3A_1655, %dma_start3A_1924, %dma_start3A_1925] : memref<5x32x128xf32, #tpu.memory_space<vmem>> -> memref<1x32x128xf32, #tpu.memory_space<vmem>>
        %dma_start3A_1927 = tpu.memref_squeeze %dma_start3A_1926 : memref<1x32x128xf32, #tpu.memory_space<vmem>> -> memref<32x128xf32, #tpu.memory_space<vmem>>
        %dma_start3A_1928 = arith.constant 0 : i32
        %dma_start3A_1929 = tpu.memref_slice %arg7[%run_scoped3A_1656, %run_scoped3A_1657, %dma_start3A_1928] : memref<2x16x32xi32, #tpu.memory_space<vmem>> -> memref<1x1x32xi32, #tpu.memory_space<vmem>>
        %dma_start3A_1930 = tpu.memref_squeeze %dma_start3A_1929 : memref<1x1x32xi32, #tpu.memory_space<vmem>> -> memref<32xi32, #tpu.memory_space<vmem>>
        %dma_start3A_1931 = arith.constant 0 : i32
        %dma_start3A_1932 = arith.constant 0 : i32
        %dma_start3A_1933 = tpu.memref_slice %arg9[%dma_start3A_1931, %dma_start3A_1932] : memref<10240x128xf32, #tpu.memory_space<vmem_shared>> -> memref<10240x128xf32, #tpu.memory_space<vmem_shared>>
        tpu.enqueue_indirect_dma source(%dma_start3A_1927 : memref<32x128xf32, #tpu.memory_space<vmem>>) target(%dma_start3A_1933 : memref<10240x128xf32, #tpu.memory_space<vmem_shared>>) offsets(%dma_start3A_1930 : memref<32xi32, #tpu.memory_space<vmem>>) semaphore(%run_scoped3A_1923 : memref<!tpu.dma_semaphore, #tpu.memory_space<semaphore_mem>>) {add = true}
        %dma_wait3A_1934 = arith.constant 0 : i32
        %dma_wait3A_1935 = arith.constant 0 : i32
        %dma_wait3A_1936 = tpu.memref_slice %arg8[%run_scoped3A_1655, %dma_wait3A_1934, %dma_wait3A_1935] : memref<5x32x128xf32, #tpu.memory_space<vmem>> -> memref<1x32x128xf32, #tpu.memory_space<vmem>>
        %dma_wait3A_1937 = tpu.memref_squeeze %dma_wait3A_1936 : memref<1x32x128xf32, #tpu.memory_space<vmem>> -> memref<32x128xf32, #tpu.memory_space<vmem>>
        %dma_wait3A_1938 = arith.constant 0 : i32
        %dma_wait3A_1939 = tpu.memref_slice %arg7[%run_scoped3A_1656, %run_scoped3A_1657, %dma_wait3A_1938] : memref<2x16x32xi32, #tpu.memory_space<vmem>> -> memref<1x1x32xi32, #tpu.memory_space<vmem>>
        %dma_wait3A_1940 = tpu.memref_squeeze %dma_wait3A_1939 : memref<1x1x32xi32, #tpu.memory_space<vmem>> -> memref<32xi32, #tpu.memory_space<vmem>>
        %dma_wait3A_1941 = arith.constant 0 : i32
        %dma_wait3A_1942 = arith.constant 0 : i32
        %dma_wait3A_1943 = tpu.memref_slice %arg9[%dma_wait3A_1941, %dma_wait3A_1942] : memref<10240x128xf32, #tpu.memory_space<vmem_shared>> -> memref<10240x128xf32, #tpu.memory_space<vmem_shared>>
        tpu.wait_indirect_dma semaphore(%run_scoped3A_1923 : memref<!tpu.dma_semaphore, #tpu.memory_space<semaphore_mem>>) src(%dma_wait3A_1937 : memref<32x128xf32, #tpu.memory_space<vmem>>) dst(%dma_wait3A_1943 : memref<10240x128xf32, #tpu.memory_space<vmem_shared>>)
        tpu.yield
      }) : () -> ()
      %dma_start3A_1658 = arith.constant 1 : i32
      %dma_start3A_1659 = arith.constant 11 : i32
      %dma_start3A_1660 = arith.constant 1 : i32
      %dma_start3A_1661 = arith.constant 0 : i32
      %dma_start3A_1662 = arith.constant 0 : i32
      %dma_start3A_1663 = tpu.memref_slice %arg8[%dma_start3A_1660, %dma_start3A_1661, %dma_start3A_1662] : memref<5x32x128xf32, #tpu.memory_space<vmem>> -> memref<1x32x128xf32, #tpu.memory_space<vmem>>
      %dma_start3A_1664 = tpu.memref_squeeze %dma_start3A_1663 : memref<1x32x128xf32, #tpu.memory_space<vmem>> -> memref<32x128xf32, #tpu.memory_space<vmem>>
      %dma_start3A_1665 = arith.constant 0 : i32
      %dma_start3A_1666 = tpu.memref_slice %arg6[%dma_start3A_1658, %dma_start3A_1659, %dma_start3A_1665] : memref<2x16x32xi32, #tpu.memory_space<vmem>> -> memref<1x1x32xi32, #tpu.memory_space<vmem>>
      %dma_start3A_1667 = tpu.memref_squeeze %dma_start3A_1666 : memref<1x1x32xi32, #tpu.memory_space<vmem>> -> memref<32xi32, #tpu.memory_space<vmem>>
      %dma_start3A_1668 = arith.constant 0 : i32
      %dma_start3A_1669 = arith.constant 0 : i32
      %dma_start3A_1670 = tpu.memref_slice %arg2[%arg0, %dma_start3A_1668, %dma_start3A_1669] : memref<2x10240x128xf32, #tpu.memory_space<hbm>> -> memref<1x10240x128xf32, #tpu.memory_space<hbm>>
      %dma_start3A_1671 = tpu.memref_squeeze %dma_start3A_1670 : memref<1x10240x128xf32, #tpu.memory_space<hbm>> -> memref<10240x128xf32, #tpu.memory_space<hbm>>
      %dma_start3A_1672 = arith.constant 0 : i32
      %dma_start3A_1673 = arith.constant 0 : i32
      %dma_start3A_1674 = tpu.memref_slice %dma_start3A_1671[%dma_start3A_1672, %dma_start3A_1673] : memref<10240x128xf32, #tpu.memory_space<hbm>> -> memref<10240x128xf32, #tpu.memory_space<hbm>>
      tpu.enqueue_indirect_dma source(%dma_start3A_1674 : memref<10240x128xf32, #tpu.memory_space<hbm>>) target(%dma_start3A_1664 : memref<32x128xf32, #tpu.memory_space<vmem>>) offsets(%dma_start3A_1667 : memref<32xi32, #tpu.memory_space<vmem>>) semaphore(%arg11 : memref<!tpu.dma_semaphore, #tpu.memory_space<semaphore_mem>>)
      %dma_wait3A_1675 = arith.constant 1 : i32
      %dma_wait3A_1676 = arith.constant 7 : i32
      %dma_wait3A_1677 = arith.constant 2 : i32
      %dma_wait3A_1678 = arith.constant 0 : i32
      %dma_wait3A_1679 = arith.constant 0 : i32
      %dma_wait3A_1680 = tpu.memref_slice %arg8[%dma_wait3A_1677, %dma_wait3A_1678, %dma_wait3A_1679] : memref<5x32x128xf32, #tpu.memory_space<vmem>> -> memref<1x32x128xf32, #tpu.memory_space<vmem>>
      %dma_wait3A_1681 = tpu.memref_squeeze %dma_wait3A_1680 : memref<1x32x128xf32, #tpu.memory_space<vmem>> -> memref<32x128xf32, #tpu.memory_space<vmem>>
      %dma_wait3A_1682 = arith.constant 0 : i32
      %dma_wait3A_1683 = tpu.memref_slice %arg6[%dma_wait3A_1675, %dma_wait3A_1676, %dma_wait3A_1682] : memref<2x16x32xi32, #tpu.memory_space<vmem>> -> memref<1x1x32xi32, #tpu.memory_space<vmem>>
      %dma_wait3A_1684 = tpu.memref_squeeze %dma_wait3A_1683 : memref<1x1x32xi32, #tpu.memory_space<vmem>> -> memref<32xi32, #tpu.memory_space<vmem>>
      %dma_wait3A_1685 = arith.constant 0 : i32
      %dma_wait3A_1686 = arith.constant 0 : i32
      %dma_wait3A_1687 = tpu.memref_slice %arg2[%arg0, %dma_wait3A_1685, %dma_wait3A_1686] : memref<2x10240x128xf32, #tpu.memory_space<hbm>> -> memref<1x10240x128xf32, #tpu.memory_space<hbm>>
      %dma_wait3A_1688 = tpu.memref_squeeze %dma_wait3A_1687 : memref<1x10240x128xf32, #tpu.memory_space<hbm>> -> memref<10240x128xf32, #tpu.memory_space<hbm>>
      %dma_wait3A_1689 = arith.constant 0 : i32
      %dma_wait3A_1690 = arith.constant 0 : i32
      %dma_wait3A_1691 = tpu.memref_slice %dma_wait3A_1688[%dma_wait3A_1689, %dma_wait3A_1690] : memref<10240x128xf32, #tpu.memory_space<hbm>> -> memref<10240x128xf32, #tpu.memory_space<hbm>>
      tpu.wait_indirect_dma semaphore(%arg12 : memref<!tpu.dma_semaphore, #tpu.memory_space<semaphore_mem>>) src(%dma_wait3A_1691 : memref<10240x128xf32, #tpu.memory_space<hbm>>) dst(%dma_wait3A_1681 : memref<32x128xf32, #tpu.memory_space<vmem>>)
      %run_scoped3A_1692 = arith.constant 2 : i32
      %run_scoped3A_1693 = arith.constant 1 : i32
      %run_scoped3A_1694 = arith.constant 7 : i32
      "tpu.region"() ({
        %run_scoped3A_1923 = tpu.sem_alloc : memref<!tpu.dma_semaphore, #tpu.memory_space<semaphore_mem>>
        %dma_start3A_1924 = arith.constant 0 : i32
        %dma_start3A_1925 = arith.constant 0 : i32
        %dma_start3A_1926 = tpu.memref_slice %arg8[%run_scoped3A_1692, %dma_start3A_1924, %dma_start3A_1925] : memref<5x32x128xf32, #tpu.memory_space<vmem>> -> memref<1x32x128xf32, #tpu.memory_space<vmem>>
        %dma_start3A_1927 = tpu.memref_squeeze %dma_start3A_1926 : memref<1x32x128xf32, #tpu.memory_space<vmem>> -> memref<32x128xf32, #tpu.memory_space<vmem>>
        %dma_start3A_1928 = arith.constant 0 : i32
        %dma_start3A_1929 = tpu.memref_slice %arg7[%run_scoped3A_1693, %run_scoped3A_1694, %dma_start3A_1928] : memref<2x16x32xi32, #tpu.memory_space<vmem>> -> memref<1x1x32xi32, #tpu.memory_space<vmem>>
        %dma_start3A_1930 = tpu.memref_squeeze %dma_start3A_1929 : memref<1x1x32xi32, #tpu.memory_space<vmem>> -> memref<32xi32, #tpu.memory_space<vmem>>
        %dma_start3A_1931 = arith.constant 0 : i32
        %dma_start3A_1932 = arith.constant 0 : i32
        %dma_start3A_1933 = tpu.memref_slice %arg9[%dma_start3A_1931, %dma_start3A_1932] : memref<10240x128xf32, #tpu.memory_space<vmem_shared>> -> memref<10240x128xf32, #tpu.memory_space<vmem_shared>>
        tpu.enqueue_indirect_dma source(%dma_start3A_1927 : memref<32x128xf32, #tpu.memory_space<vmem>>) target(%dma_start3A_1933 : memref<10240x128xf32, #tpu.memory_space<vmem_shared>>) offsets(%dma_start3A_1930 : memref<32xi32, #tpu.memory_space<vmem>>) semaphore(%run_scoped3A_1923 : memref<!tpu.dma_semaphore, #tpu.memory_space<semaphore_mem>>) {add = true}
        %dma_wait3A_1934 = arith.constant 0 : i32
        %dma_wait3A_1935 = arith.constant 0 : i32
        %dma_wait3A_1936 = tpu.memref_slice %arg8[%run_scoped3A_1692, %dma_wait3A_1934, %dma_wait3A_1935] : memref<5x32x128xf32, #tpu.memory_space<vmem>> -> memref<1x32x128xf32, #tpu.memory_space<vmem>>
        %dma_wait3A_1937 = tpu.memref_squeeze %dma_wait3A_1936 : memref<1x32x128xf32, #tpu.memory_space<vmem>> -> memref<32x128xf32, #tpu.memory_space<vmem>>
        %dma_wait3A_1938 = arith.constant 0 : i32
        %dma_wait3A_1939 = tpu.memref_slice %arg7[%run_scoped3A_1693, %run_scoped3A_1694, %dma_wait3A_1938] : memref<2x16x32xi32, #tpu.memory_space<vmem>> -> memref<1x1x32xi32, #tpu.memory_space<vmem>>
        %dma_wait3A_1940 = tpu.memref_squeeze %dma_wait3A_1939 : memref<1x1x32xi32, #tpu.memory_space<vmem>> -> memref<32xi32, #tpu.memory_space<vmem>>
        %dma_wait3A_1941 = arith.constant 0 : i32
        %dma_wait3A_1942 = arith.constant 0 : i32
        %dma_wait3A_1943 = tpu.memref_slice %arg9[%dma_wait3A_1941, %dma_wait3A_1942] : memref<10240x128xf32, #tpu.memory_space<vmem_shared>> -> memref<10240x128xf32, #tpu.memory_space<vmem_shared>>
        tpu.wait_indirect_dma semaphore(%run_scoped3A_1923 : memref<!tpu.dma_semaphore, #tpu.memory_space<semaphore_mem>>) src(%dma_wait3A_1937 : memref<32x128xf32, #tpu.memory_space<vmem>>) dst(%dma_wait3A_1943 : memref<10240x128xf32, #tpu.memory_space<vmem_shared>>)
        tpu.yield
      }) : () -> ()
      %dma_start3A_1695 = arith.constant 1 : i32
      %dma_start3A_1696 = arith.constant 12 : i32
      %dma_start3A_1697 = arith.constant 2 : i32
      %dma_start3A_1698 = arith.constant 0 : i32
      %dma_start3A_1699 = arith.constant 0 : i32
      %dma_start3A_1700 = tpu.memref_slice %arg8[%dma_start3A_1697, %dma_start3A_1698, %dma_start3A_1699] : memref<5x32x128xf32, #tpu.memory_space<vmem>> -> memref<1x32x128xf32, #tpu.memory_space<vmem>>
      %dma_start3A_1701 = tpu.memref_squeeze %dma_start3A_1700 : memref<1x32x128xf32, #tpu.memory_space<vmem>> -> memref<32x128xf32, #tpu.memory_space<vmem>>
      %dma_start3A_1702 = arith.constant 0 : i32
      %dma_start3A_1703 = tpu.memref_slice %arg6[%dma_start3A_1695, %dma_start3A_1696, %dma_start3A_1702] : memref<2x16x32xi32, #tpu.memory_space<vmem>> -> memref<1x1x32xi32, #tpu.memory_space<vmem>>
      %dma_start3A_1704 = tpu.memref_squeeze %dma_start3A_1703 : memref<1x1x32xi32, #tpu.memory_space<vmem>> -> memref<32xi32, #tpu.memory_space<vmem>>
      %dma_start3A_1705 = arith.constant 0 : i32
      %dma_start3A_1706 = arith.constant 0 : i32
      %dma_start3A_1707 = tpu.memref_slice %arg2[%arg0, %dma_start3A_1705, %dma_start3A_1706] : memref<2x10240x128xf32, #tpu.memory_space<hbm>> -> memref<1x10240x128xf32, #tpu.memory_space<hbm>>
      %dma_start3A_1708 = tpu.memref_squeeze %dma_start3A_1707 : memref<1x10240x128xf32, #tpu.memory_space<hbm>> -> memref<10240x128xf32, #tpu.memory_space<hbm>>
      %dma_start3A_1709 = arith.constant 0 : i32
      %dma_start3A_1710 = arith.constant 0 : i32
      %dma_start3A_1711 = tpu.memref_slice %dma_start3A_1708[%dma_start3A_1709, %dma_start3A_1710] : memref<10240x128xf32, #tpu.memory_space<hbm>> -> memref<10240x128xf32, #tpu.memory_space<hbm>>
      tpu.enqueue_indirect_dma source(%dma_start3A_1711 : memref<10240x128xf32, #tpu.memory_space<hbm>>) target(%dma_start3A_1701 : memref<32x128xf32, #tpu.memory_space<vmem>>) offsets(%dma_start3A_1704 : memref<32xi32, #tpu.memory_space<vmem>>) semaphore(%arg12 : memref<!tpu.dma_semaphore, #tpu.memory_space<semaphore_mem>>)
      %dma_wait3A_1712 = arith.constant 1 : i32
      %dma_wait3A_1713 = arith.constant 8 : i32
      %dma_wait3A_1714 = arith.constant 3 : i32
      %dma_wait3A_1715 = arith.constant 0 : i32
      %dma_wait3A_1716 = arith.constant 0 : i32
      %dma_wait3A_1717 = tpu.memref_slice %arg8[%dma_wait3A_1714, %dma_wait3A_1715, %dma_wait3A_1716] : memref<5x32x128xf32, #tpu.memory_space<vmem>> -> memref<1x32x128xf32, #tpu.memory_space<vmem>>
      %dma_wait3A_1718 = tpu.memref_squeeze %dma_wait3A_1717 : memref<1x32x128xf32, #tpu.memory_space<vmem>> -> memref<32x128xf32, #tpu.memory_space<vmem>>
      %dma_wait3A_1719 = arith.constant 0 : i32
      %dma_wait3A_1720 = tpu.memref_slice %arg6[%dma_wait3A_1712, %dma_wait3A_1713, %dma_wait3A_1719] : memref<2x16x32xi32, #tpu.memory_space<vmem>> -> memref<1x1x32xi32, #tpu.memory_space<vmem>>
      %dma_wait3A_1721 = tpu.memref_squeeze %dma_wait3A_1720 : memref<1x1x32xi32, #tpu.memory_space<vmem>> -> memref<32xi32, #tpu.memory_space<vmem>>
      %dma_wait3A_1722 = arith.constant 0 : i32
      %dma_wait3A_1723 = arith.constant 0 : i32
      %dma_wait3A_1724 = tpu.memref_slice %arg2[%arg0, %dma_wait3A_1722, %dma_wait3A_1723] : memref<2x10240x128xf32, #tpu.memory_space<hbm>> -> memref<1x10240x128xf32, #tpu.memory_space<hbm>>
      %dma_wait3A_1725 = tpu.memref_squeeze %dma_wait3A_1724 : memref<1x10240x128xf32, #tpu.memory_space<hbm>> -> memref<10240x128xf32, #tpu.memory_space<hbm>>
      %dma_wait3A_1726 = arith.constant 0 : i32
      %dma_wait3A_1727 = arith.constant 0 : i32
      %dma_wait3A_1728 = tpu.memref_slice %dma_wait3A_1725[%dma_wait3A_1726, %dma_wait3A_1727] : memref<10240x128xf32, #tpu.memory_space<hbm>> -> memref<10240x128xf32, #tpu.memory_space<hbm>>
      tpu.wait_indirect_dma semaphore(%arg13 : memref<!tpu.dma_semaphore, #tpu.memory_space<semaphore_mem>>) src(%dma_wait3A_1728 : memref<10240x128xf32, #tpu.memory_space<hbm>>) dst(%dma_wait3A_1718 : memref<32x128xf32, #tpu.memory_space<vmem>>)
      %run_scoped3A_1729 = arith.constant 3 : i32
      %run_scoped3A_1730 = arith.constant 1 : i32
      %run_scoped3A_1731 = arith.constant 8 : i32
      "tpu.region"() ({
        %run_scoped3A_1923 = tpu.sem_alloc : memref<!tpu.dma_semaphore, #tpu.memory_space<semaphore_mem>>
        %dma_start3A_1924 = arith.constant 0 : i32
        %dma_start3A_1925 = arith.constant 0 : i32
        %dma_start3A_1926 = tpu.memref_slice %arg8[%run_scoped3A_1729, %dma_start3A_1924, %dma_start3A_1925] : memref<5x32x128xf32, #tpu.memory_space<vmem>> -> memref<1x32x128xf32, #tpu.memory_space<vmem>>
        %dma_start3A_1927 = tpu.memref_squeeze %dma_start3A_1926 : memref<1x32x128xf32, #tpu.memory_space<vmem>> -> memref<32x128xf32, #tpu.memory_space<vmem>>
        %dma_start3A_1928 = arith.constant 0 : i32
        %dma_start3A_1929 = tpu.memref_slice %arg7[%run_scoped3A_1730, %run_scoped3A_1731, %dma_start3A_1928] : memref<2x16x32xi32, #tpu.memory_space<vmem>> -> memref<1x1x32xi32, #tpu.memory_space<vmem>>
        %dma_start3A_1930 = tpu.memref_squeeze %dma_start3A_1929 : memref<1x1x32xi32, #tpu.memory_space<vmem>> -> memref<32xi32, #tpu.memory_space<vmem>>
        %dma_start3A_1931 = arith.constant 0 : i32
        %dma_start3A_1932 = arith.constant 0 : i32
        %dma_start3A_1933 = tpu.memref_slice %arg9[%dma_start3A_1931, %dma_start3A_1932] : memref<10240x128xf32, #tpu.memory_space<vmem_shared>> -> memref<10240x128xf32, #tpu.memory_space<vmem_shared>>
        tpu.enqueue_indirect_dma source(%dma_start3A_1927 : memref<32x128xf32, #tpu.memory_space<vmem>>) target(%dma_start3A_1933 : memref<10240x128xf32, #tpu.memory_space<vmem_shared>>) offsets(%dma_start3A_1930 : memref<32xi32, #tpu.memory_space<vmem>>) semaphore(%run_scoped3A_1923 : memref<!tpu.dma_semaphore, #tpu.memory_space<semaphore_mem>>) {add = true}
        %dma_wait3A_1934 = arith.constant 0 : i32
        %dma_wait3A_1935 = arith.constant 0 : i32
        %dma_wait3A_1936 = tpu.memref_slice %arg8[%run_scoped3A_1729, %dma_wait3A_1934, %dma_wait3A_1935] : memref<5x32x128xf32, #tpu.memory_space<vmem>> -> memref<1x32x128xf32, #tpu.memory_space<vmem>>
        %dma_wait3A_1937 = tpu.memref_squeeze %dma_wait3A_1936 : memref<1x32x128xf32, #tpu.memory_space<vmem>> -> memref<32x128xf32, #tpu.memory_space<vmem>>
        %dma_wait3A_1938 = arith.constant 0 : i32
        %dma_wait3A_1939 = tpu.memref_slice %arg7[%run_scoped3A_1730, %run_scoped3A_1731, %dma_wait3A_1938] : memref<2x16x32xi32, #tpu.memory_space<vmem>> -> memref<1x1x32xi32, #tpu.memory_space<vmem>>
        %dma_wait3A_1940 = tpu.memref_squeeze %dma_wait3A_1939 : memref<1x1x32xi32, #tpu.memory_space<vmem>> -> memref<32xi32, #tpu.memory_space<vmem>>
        %dma_wait3A_1941 = arith.constant 0 : i32
        %dma_wait3A_1942 = arith.constant 0 : i32
        %dma_wait3A_1943 = tpu.memref_slice %arg9[%dma_wait3A_1941, %dma_wait3A_1942] : memref<10240x128xf32, #tpu.memory_space<vmem_shared>> -> memref<10240x128xf32, #tpu.memory_space<vmem_shared>>
        tpu.wait_indirect_dma semaphore(%run_scoped3A_1923 : memref<!tpu.dma_semaphore, #tpu.memory_space<semaphore_mem>>) src(%dma_wait3A_1937 : memref<32x128xf32, #tpu.memory_space<vmem>>) dst(%dma_wait3A_1943 : memref<10240x128xf32, #tpu.memory_space<vmem_shared>>)
        tpu.yield
      }) : () -> ()
      %dma_start3A_1732 = arith.constant 1 : i32
      %dma_start3A_1733 = arith.constant 13 : i32
      %dma_start3A_1734 = arith.constant 3 : i32
      %dma_start3A_1735 = arith.constant 0 : i32
      %dma_start3A_1736 = arith.constant 0 : i32
      %dma_start3A_1737 = tpu.memref_slice %arg8[%dma_start3A_1734, %dma_start3A_1735, %dma_start3A_1736] : memref<5x32x128xf32, #tpu.memory_space<vmem>> -> memref<1x32x128xf32, #tpu.memory_space<vmem>>
      %dma_start3A_1738 = tpu.memref_squeeze %dma_start3A_1737 : memref<1x32x128xf32, #tpu.memory_space<vmem>> -> memref<32x128xf32, #tpu.memory_space<vmem>>
      %dma_start3A_1739 = arith.constant 0 : i32
      %dma_start3A_1740 = tpu.memref_slice %arg6[%dma_start3A_1732, %dma_start3A_1733, %dma_start3A_1739] : memref<2x16x32xi32, #tpu.memory_space<vmem>> -> memref<1x1x32xi32, #tpu.memory_space<vmem>>
      %dma_start3A_1741 = tpu.memref_squeeze %dma_start3A_1740 : memref<1x1x32xi32, #tpu.memory_space<vmem>> -> memref<32xi32, #tpu.memory_space<vmem>>
      %dma_start3A_1742 = arith.constant 0 : i32
      %dma_start3A_1743 = arith.constant 0 : i32
      %dma_start3A_1744 = tpu.memref_slice %arg2[%arg0, %dma_start3A_1742, %dma_start3A_1743] : memref<2x10240x128xf32, #tpu.memory_space<hbm>> -> memref<1x10240x128xf32, #tpu.memory_space<hbm>>
      %dma_start3A_1745 = tpu.memref_squeeze %dma_start3A_1744 : memref<1x10240x128xf32, #tpu.memory_space<hbm>> -> memref<10240x128xf32, #tpu.memory_space<hbm>>
      %dma_start3A_1746 = arith.constant 0 : i32
      %dma_start3A_1747 = arith.constant 0 : i32
      %dma_start3A_1748 = tpu.memref_slice %dma_start3A_1745[%dma_start3A_1746, %dma_start3A_1747] : memref<10240x128xf32, #tpu.memory_space<hbm>> -> memref<10240x128xf32, #tpu.memory_space<hbm>>
      tpu.enqueue_indirect_dma source(%dma_start3A_1748 : memref<10240x128xf32, #tpu.memory_space<hbm>>) target(%dma_start3A_1738 : memref<32x128xf32, #tpu.memory_space<vmem>>) offsets(%dma_start3A_1741 : memref<32xi32, #tpu.memory_space<vmem>>) semaphore(%arg13 : memref<!tpu.dma_semaphore, #tpu.memory_space<semaphore_mem>>)
      %dma_wait3A_1749 = arith.constant 1 : i32
      %dma_wait3A_1750 = arith.constant 9 : i32
      %dma_wait3A_1751 = arith.constant 4 : i32
      %dma_wait3A_1752 = arith.constant 0 : i32
      %dma_wait3A_1753 = arith.constant 0 : i32
      %dma_wait3A_1754 = tpu.memref_slice %arg8[%dma_wait3A_1751, %dma_wait3A_1752, %dma_wait3A_1753] : memref<5x32x128xf32, #tpu.memory_space<vmem>> -> memref<1x32x128xf32, #tpu.memory_space<vmem>>
      %dma_wait3A_1755 = tpu.memref_squeeze %dma_wait3A_1754 : memref<1x32x128xf32, #tpu.memory_space<vmem>> -> memref<32x128xf32, #tpu.memory_space<vmem>>
      %dma_wait3A_1756 = arith.constant 0 : i32
      %dma_wait3A_1757 = tpu.memref_slice %arg6[%dma_wait3A_1749, %dma_wait3A_1750, %dma_wait3A_1756] : memref<2x16x32xi32, #tpu.memory_space<vmem>> -> memref<1x1x32xi32, #tpu.memory_space<vmem>>
      %dma_wait3A_1758 = tpu.memref_squeeze %dma_wait3A_1757 : memref<1x1x32xi32, #tpu.memory_space<vmem>> -> memref<32xi32, #tpu.memory_space<vmem>>
      %dma_wait3A_1759 = arith.constant 0 : i32
      %dma_wait3A_1760 = arith.constant 0 : i32
      %dma_wait3A_1761 = tpu.memref_slice %arg2[%arg0, %dma_wait3A_1759, %dma_wait3A_1760] : memref<2x10240x128xf32, #tpu.memory_space<hbm>> -> memref<1x10240x128xf32, #tpu.memory_space<hbm>>
      %dma_wait3A_1762 = tpu.memref_squeeze %dma_wait3A_1761 : memref<1x10240x128xf32, #tpu.memory_space<hbm>> -> memref<10240x128xf32, #tpu.memory_space<hbm>>
      %dma_wait3A_1763 = arith.constant 0 : i32
      %dma_wait3A_1764 = arith.constant 0 : i32
      %dma_wait3A_1765 = tpu.memref_slice %dma_wait3A_1762[%dma_wait3A_1763, %dma_wait3A_1764] : memref<10240x128xf32, #tpu.memory_space<hbm>> -> memref<10240x128xf32, #tpu.memory_space<hbm>>
      tpu.wait_indirect_dma semaphore(%arg14 : memref<!tpu.dma_semaphore, #tpu.memory_space<semaphore_mem>>) src(%dma_wait3A_1765 : memref<10240x128xf32, #tpu.memory_space<hbm>>) dst(%dma_wait3A_1755 : memref<32x128xf32, #tpu.memory_space<vmem>>)
      %run_scoped3A_1766 = arith.constant 4 : i32
      %run_scoped3A_1767 = arith.constant 1 : i32
      %run_scoped3A_1768 = arith.constant 9 : i32
      "tpu.region"() ({
        %run_scoped3A_1923 = tpu.sem_alloc : memref<!tpu.dma_semaphore, #tpu.memory_space<semaphore_mem>>
        %dma_start3A_1924 = arith.constant 0 : i32
        %dma_start3A_1925 = arith.constant 0 : i32
        %dma_start3A_1926 = tpu.memref_slice %arg8[%run_scoped3A_1766, %dma_start3A_1924, %dma_start3A_1925] : memref<5x32x128xf32, #tpu.memory_space<vmem>> -> memref<1x32x128xf32, #tpu.memory_space<vmem>>
        %dma_start3A_1927 = tpu.memref_squeeze %dma_start3A_1926 : memref<1x32x128xf32, #tpu.memory_space<vmem>> -> memref<32x128xf32, #tpu.memory_space<vmem>>
        %dma_start3A_1928 = arith.constant 0 : i32
        %dma_start3A_1929 = tpu.memref_slice %arg7[%run_scoped3A_1767, %run_scoped3A_1768, %dma_start3A_1928] : memref<2x16x32xi32, #tpu.memory_space<vmem>> -> memref<1x1x32xi32, #tpu.memory_space<vmem>>
        %dma_start3A_1930 = tpu.memref_squeeze %dma_start3A_1929 : memref<1x1x32xi32, #tpu.memory_space<vmem>> -> memref<32xi32, #tpu.memory_space<vmem>>
        %dma_start3A_1931 = arith.constant 0 : i32
        %dma_start3A_1932 = arith.constant 0 : i32
        %dma_start3A_1933 = tpu.memref_slice %arg9[%dma_start3A_1931, %dma_start3A_1932] : memref<10240x128xf32, #tpu.memory_space<vmem_shared>> -> memref<10240x128xf32, #tpu.memory_space<vmem_shared>>
        tpu.enqueue_indirect_dma source(%dma_start3A_1927 : memref<32x128xf32, #tpu.memory_space<vmem>>) target(%dma_start3A_1933 : memref<10240x128xf32, #tpu.memory_space<vmem_shared>>) offsets(%dma_start3A_1930 : memref<32xi32, #tpu.memory_space<vmem>>) semaphore(%run_scoped3A_1923 : memref<!tpu.dma_semaphore, #tpu.memory_space<semaphore_mem>>) {add = true}
        %dma_wait3A_1934 = arith.constant 0 : i32
        %dma_wait3A_1935 = arith.constant 0 : i32
        %dma_wait3A_1936 = tpu.memref_slice %arg8[%run_scoped3A_1766, %dma_wait3A_1934, %dma_wait3A_1935] : memref<5x32x128xf32, #tpu.memory_space<vmem>> -> memref<1x32x128xf32, #tpu.memory_space<vmem>>
        %dma_wait3A_1937 = tpu.memref_squeeze %dma_wait3A_1936 : memref<1x32x128xf32, #tpu.memory_space<vmem>> -> memref<32x128xf32, #tpu.memory_space<vmem>>
        %dma_wait3A_1938 = arith.constant 0 : i32
        %dma_wait3A_1939 = tpu.memref_slice %arg7[%run_scoped3A_1767, %run_scoped3A_1768, %dma_wait3A_1938] : memref<2x16x32xi32, #tpu.memory_space<vmem>> -> memref<1x1x32xi32, #tpu.memory_space<vmem>>
        %dma_wait3A_1940 = tpu.memref_squeeze %dma_wait3A_1939 : memref<1x1x32xi32, #tpu.memory_space<vmem>> -> memref<32xi32, #tpu.memory_space<vmem>>
        %dma_wait3A_1941 = arith.constant 0 : i32
        %dma_wait3A_1942 = arith.constant 0 : i32
        %dma_wait3A_1943 = tpu.memref_slice %arg9[%dma_wait3A_1941, %dma_wait3A_1942] : memref<10240x128xf32, #tpu.memory_space<vmem_shared>> -> memref<10240x128xf32, #tpu.memory_space<vmem_shared>>
        tpu.wait_indirect_dma semaphore(%run_scoped3A_1923 : memref<!tpu.dma_semaphore, #tpu.memory_space<semaphore_mem>>) src(%dma_wait3A_1937 : memref<32x128xf32, #tpu.memory_space<vmem>>) dst(%dma_wait3A_1943 : memref<10240x128xf32, #tpu.memory_space<vmem_shared>>)
        tpu.yield
      }) : () -> ()
      %dma_start3A_1769 = arith.constant 1 : i32
      %dma_start3A_1770 = arith.constant 14 : i32
      %dma_start3A_1771 = arith.constant 4 : i32
      %dma_start3A_1772 = arith.constant 0 : i32
      %dma_start3A_1773 = arith.constant 0 : i32
      %dma_start3A_1774 = tpu.memref_slice %arg8[%dma_start3A_1771, %dma_start3A_1772, %dma_start3A_1773] : memref<5x32x128xf32, #tpu.memory_space<vmem>> -> memref<1x32x128xf32, #tpu.memory_space<vmem>>
      %dma_start3A_1775 = tpu.memref_squeeze %dma_start3A_1774 : memref<1x32x128xf32, #tpu.memory_space<vmem>> -> memref<32x128xf32, #tpu.memory_space<vmem>>
      %dma_start3A_1776 = arith.constant 0 : i32
      %dma_start3A_1777 = tpu.memref_slice %arg6[%dma_start3A_1769, %dma_start3A_1770, %dma_start3A_1776] : memref<2x16x32xi32, #tpu.memory_space<vmem>> -> memref<1x1x32xi32, #tpu.memory_space<vmem>>
      %dma_start3A_1778 = tpu.memref_squeeze %dma_start3A_1777 : memref<1x1x32xi32, #tpu.memory_space<vmem>> -> memref<32xi32, #tpu.memory_space<vmem>>
      %dma_start3A_1779 = arith.constant 0 : i32
      %dma_start3A_1780 = arith.constant 0 : i32
      %dma_start3A_1781 = tpu.memref_slice %arg2[%arg0, %dma_start3A_1779, %dma_start3A_1780] : memref<2x10240x128xf32, #tpu.memory_space<hbm>> -> memref<1x10240x128xf32, #tpu.memory_space<hbm>>
      %dma_start3A_1782 = tpu.memref_squeeze %dma_start3A_1781 : memref<1x10240x128xf32, #tpu.memory_space<hbm>> -> memref<10240x128xf32, #tpu.memory_space<hbm>>
      %dma_start3A_1783 = arith.constant 0 : i32
      %dma_start3A_1784 = arith.constant 0 : i32
      %dma_start3A_1785 = tpu.memref_slice %dma_start3A_1782[%dma_start3A_1783, %dma_start3A_1784] : memref<10240x128xf32, #tpu.memory_space<hbm>> -> memref<10240x128xf32, #tpu.memory_space<hbm>>
      tpu.enqueue_indirect_dma source(%dma_start3A_1785 : memref<10240x128xf32, #tpu.memory_space<hbm>>) target(%dma_start3A_1775 : memref<32x128xf32, #tpu.memory_space<vmem>>) offsets(%dma_start3A_1778 : memref<32xi32, #tpu.memory_space<vmem>>) semaphore(%arg14 : memref<!tpu.dma_semaphore, #tpu.memory_space<semaphore_mem>>)
      %dma_wait3A_1786 = arith.constant 1 : i32
      %dma_wait3A_1787 = arith.constant 10 : i32
      %dma_wait3A_1788 = arith.constant 0 : i32
      %dma_wait3A_1789 = arith.constant 0 : i32
      %dma_wait3A_1790 = arith.constant 0 : i32
      %dma_wait3A_1791 = tpu.memref_slice %arg8[%dma_wait3A_1788, %dma_wait3A_1789, %dma_wait3A_1790] : memref<5x32x128xf32, #tpu.memory_space<vmem>> -> memref<1x32x128xf32, #tpu.memory_space<vmem>>
      %dma_wait3A_1792 = tpu.memref_squeeze %dma_wait3A_1791 : memref<1x32x128xf32, #tpu.memory_space<vmem>> -> memref<32x128xf32, #tpu.memory_space<vmem>>
      %dma_wait3A_1793 = arith.constant 0 : i32
      %dma_wait3A_1794 = tpu.memref_slice %arg6[%dma_wait3A_1786, %dma_wait3A_1787, %dma_wait3A_1793] : memref<2x16x32xi32, #tpu.memory_space<vmem>> -> memref<1x1x32xi32, #tpu.memory_space<vmem>>
      %dma_wait3A_1795 = tpu.memref_squeeze %dma_wait3A_1794 : memref<1x1x32xi32, #tpu.memory_space<vmem>> -> memref<32xi32, #tpu.memory_space<vmem>>
      %dma_wait3A_1796 = arith.constant 0 : i32
      %dma_wait3A_1797 = arith.constant 0 : i32
      %dma_wait3A_1798 = tpu.memref_slice %arg2[%arg0, %dma_wait3A_1796, %dma_wait3A_1797] : memref<2x10240x128xf32, #tpu.memory_space<hbm>> -> memref<1x10240x128xf32, #tpu.memory_space<hbm>>
      %dma_wait3A_1799 = tpu.memref_squeeze %dma_wait3A_1798 : memref<1x10240x128xf32, #tpu.memory_space<hbm>> -> memref<10240x128xf32, #tpu.memory_space<hbm>>
      %dma_wait3A_1800 = arith.constant 0 : i32
      %dma_wait3A_1801 = arith.constant 0 : i32
      %dma_wait3A_1802 = tpu.memref_slice %dma_wait3A_1799[%dma_wait3A_1800, %dma_wait3A_1801] : memref<10240x128xf32, #tpu.memory_space<hbm>> -> memref<10240x128xf32, #tpu.memory_space<hbm>>
      tpu.wait_indirect_dma semaphore(%arg10 : memref<!tpu.dma_semaphore, #tpu.memory_space<semaphore_mem>>) src(%dma_wait3A_1802 : memref<10240x128xf32, #tpu.memory_space<hbm>>) dst(%dma_wait3A_1792 : memref<32x128xf32, #tpu.memory_space<vmem>>)
      %run_scoped3A_1803 = arith.constant 0 : i32
      %run_scoped3A_1804 = arith.constant 1 : i32
      %run_scoped3A_1805 = arith.constant 10 : i32
      "tpu.region"() ({
        %run_scoped3A_1923 = tpu.sem_alloc : memref<!tpu.dma_semaphore, #tpu.memory_space<semaphore_mem>>
        %dma_start3A_1924 = arith.constant 0 : i32
        %dma_start3A_1925 = arith.constant 0 : i32
        %dma_start3A_1926 = tpu.memref_slice %arg8[%run_scoped3A_1803, %dma_start3A_1924, %dma_start3A_1925] : memref<5x32x128xf32, #tpu.memory_space<vmem>> -> memref<1x32x128xf32, #tpu.memory_space<vmem>>
        %dma_start3A_1927 = tpu.memref_squeeze %dma_start3A_1926 : memref<1x32x128xf32, #tpu.memory_space<vmem>> -> memref<32x128xf32, #tpu.memory_space<vmem>>
        %dma_start3A_1928 = arith.constant 0 : i32
        %dma_start3A_1929 = tpu.memref_slice %arg7[%run_scoped3A_1804, %run_scoped3A_1805, %dma_start3A_1928] : memref<2x16x32xi32, #tpu.memory_space<vmem>> -> memref<1x1x32xi32, #tpu.memory_space<vmem>>
        %dma_start3A_1930 = tpu.memref_squeeze %dma_start3A_1929 : memref<1x1x32xi32, #tpu.memory_space<vmem>> -> memref<32xi32, #tpu.memory_space<vmem>>
        %dma_start3A_1931 = arith.constant 0 : i32
        %dma_start3A_1932 = arith.constant 0 : i32
        %dma_start3A_1933 = tpu.memref_slice %arg9[%dma_start3A_1931, %dma_start3A_1932] : memref<10240x128xf32, #tpu.memory_space<vmem_shared>> -> memref<10240x128xf32, #tpu.memory_space<vmem_shared>>
        tpu.enqueue_indirect_dma source(%dma_start3A_1927 : memref<32x128xf32, #tpu.memory_space<vmem>>) target(%dma_start3A_1933 : memref<10240x128xf32, #tpu.memory_space<vmem_shared>>) offsets(%dma_start3A_1930 : memref<32xi32, #tpu.memory_space<vmem>>) semaphore(%run_scoped3A_1923 : memref<!tpu.dma_semaphore, #tpu.memory_space<semaphore_mem>>) {add = true}
        %dma_wait3A_1934 = arith.constant 0 : i32
        %dma_wait3A_1935 = arith.constant 0 : i32
        %dma_wait3A_1936 = tpu.memref_slice %arg8[%run_scoped3A_1803, %dma_wait3A_1934, %dma_wait3A_1935] : memref<5x32x128xf32, #tpu.memory_space<vmem>> -> memref<1x32x128xf32, #tpu.memory_space<vmem>>
        %dma_wait3A_1937 = tpu.memref_squeeze %dma_wait3A_1936 : memref<1x32x128xf32, #tpu.memory_space<vmem>> -> memref<32x128xf32, #tpu.memory_space<vmem>>
        %dma_wait3A_1938 = arith.constant 0 : i32
        %dma_wait3A_1939 = tpu.memref_slice %arg7[%run_scoped3A_1804, %run_scoped3A_1805, %dma_wait3A_1938] : memref<2x16x32xi32, #tpu.memory_space<vmem>> -> memref<1x1x32xi32, #tpu.memory_space<vmem>>
        %dma_wait3A_1940 = tpu.memref_squeeze %dma_wait3A_1939 : memref<1x1x32xi32, #tpu.memory_space<vmem>> -> memref<32xi32, #tpu.memory_space<vmem>>
        %dma_wait3A_1941 = arith.constant 0 : i32
        %dma_wait3A_1942 = arith.constant 0 : i32
        %dma_wait3A_1943 = tpu.memref_slice %arg9[%dma_wait3A_1941, %dma_wait3A_1942] : memref<10240x128xf32, #tpu.memory_space<vmem_shared>> -> memref<10240x128xf32, #tpu.memory_space<vmem_shared>>
        tpu.wait_indirect_dma semaphore(%run_scoped3A_1923 : memref<!tpu.dma_semaphore, #tpu.memory_space<semaphore_mem>>) src(%dma_wait3A_1937 : memref<32x128xf32, #tpu.memory_space<vmem>>) dst(%dma_wait3A_1943 : memref<10240x128xf32, #tpu.memory_space<vmem_shared>>)
        tpu.yield
      }) : () -> ()
      %dma_start3A_1806 = arith.constant 1 : i32
      %dma_start3A_1807 = arith.constant 15 : i32
      %dma_start3A_1808 = arith.constant 0 : i32
      %dma_start3A_1809 = arith.constant 0 : i32
      %dma_start3A_1810 = arith.constant 0 : i32
      %dma_start3A_1811 = tpu.memref_slice %arg8[%dma_start3A_1808, %dma_start3A_1809, %dma_start3A_1810] : memref<5x32x128xf32, #tpu.memory_space<vmem>> -> memref<1x32x128xf32, #tpu.memory_space<vmem>>
      %dma_start3A_1812 = tpu.memref_squeeze %dma_start3A_1811 : memref<1x32x128xf32, #tpu.memory_space<vmem>> -> memref<32x128xf32, #tpu.memory_space<vmem>>
      %dma_start3A_1813 = arith.constant 0 : i32
      %dma_start3A_1814 = tpu.memref_slice %arg6[%dma_start3A_1806, %dma_start3A_1807, %dma_start3A_1813] : memref<2x16x32xi32, #tpu.memory_space<vmem>> -> memref<1x1x32xi32, #tpu.memory_space<vmem>>
      %dma_start3A_1815 = tpu.memref_squeeze %dma_start3A_1814 : memref<1x1x32xi32, #tpu.memory_space<vmem>> -> memref<32xi32, #tpu.memory_space<vmem>>
      %dma_start3A_1816 = arith.constant 0 : i32
      %dma_start3A_1817 = arith.constant 0 : i32
      %dma_start3A_1818 = tpu.memref_slice %arg2[%arg0, %dma_start3A_1816, %dma_start3A_1817] : memref<2x10240x128xf32, #tpu.memory_space<hbm>> -> memref<1x10240x128xf32, #tpu.memory_space<hbm>>
      %dma_start3A_1819 = tpu.memref_squeeze %dma_start3A_1818 : memref<1x10240x128xf32, #tpu.memory_space<hbm>> -> memref<10240x128xf32, #tpu.memory_space<hbm>>
      %dma_start3A_1820 = arith.constant 0 : i32
      %dma_start3A_1821 = arith.constant 0 : i32
      %dma_start3A_1822 = tpu.memref_slice %dma_start3A_1819[%dma_start3A_1820, %dma_start3A_1821] : memref<10240x128xf32, #tpu.memory_space<hbm>> -> memref<10240x128xf32, #tpu.memory_space<hbm>>
      tpu.enqueue_indirect_dma source(%dma_start3A_1822 : memref<10240x128xf32, #tpu.memory_space<hbm>>) target(%dma_start3A_1812 : memref<32x128xf32, #tpu.memory_space<vmem>>) offsets(%dma_start3A_1815 : memref<32xi32, #tpu.memory_space<vmem>>) semaphore(%arg10 : memref<!tpu.dma_semaphore, #tpu.memory_space<semaphore_mem>>)
      %dma_wait3A_1823 = arith.constant 1 : i32
      %dma_wait3A_1824 = arith.constant 11 : i32
      %dma_wait3A_1825 = arith.constant 1 : i32
      %dma_wait3A_1826 = arith.constant 0 : i32
      %dma_wait3A_1827 = arith.constant 0 : i32
      %dma_wait3A_1828 = tpu.memref_slice %arg8[%dma_wait3A_1825, %dma_wait3A_1826, %dma_wait3A_1827] : memref<5x32x128xf32, #tpu.memory_space<vmem>> -> memref<1x32x128xf32, #tpu.memory_space<vmem>>
      %dma_wait3A_1829 = tpu.memref_squeeze %dma_wait3A_1828 : memref<1x32x128xf32, #tpu.memory_space<vmem>> -> memref<32x128xf32, #tpu.memory_space<vmem>>
      %dma_wait3A_1830 = arith.constant 0 : i32
      %dma_wait3A_1831 = tpu.memref_slice %arg6[%dma_wait3A_1823, %dma_wait3A_1824, %dma_wait3A_1830] : memref<2x16x32xi32, #tpu.memory_space<vmem>> -> memref<1x1x32xi32, #tpu.memory_space<vmem>>
      %dma_wait3A_1832 = tpu.memref_squeeze %dma_wait3A_1831 : memref<1x1x32xi32, #tpu.memory_space<vmem>> -> memref<32xi32, #tpu.memory_space<vmem>>
      %dma_wait3A_1833 = arith.constant 0 : i32
      %dma_wait3A_1834 = arith.constant 0 : i32
      %dma_wait3A_1835 = tpu.memref_slice %arg2[%arg0, %dma_wait3A_1833, %dma_wait3A_1834] : memref<2x10240x128xf32, #tpu.memory_space<hbm>> -> memref<1x10240x128xf32, #tpu.memory_space<hbm>>
      %dma_wait3A_1836 = tpu.memref_squeeze %dma_wait3A_1835 : memref<1x10240x128xf32, #tpu.memory_space<hbm>> -> memref<10240x128xf32, #tpu.memory_space<hbm>>
      %dma_wait3A_1837 = arith.constant 0 : i32
      %dma_wait3A_1838 = arith.constant 0 : i32
      %dma_wait3A_1839 = tpu.memref_slice %dma_wait3A_1836[%dma_wait3A_1837, %dma_wait3A_1838] : memref<10240x128xf32, #tpu.memory_space<hbm>> -> memref<10240x128xf32, #tpu.memory_space<hbm>>
      tpu.wait_indirect_dma semaphore(%arg11 : memref<!tpu.dma_semaphore, #tpu.memory_space<semaphore_mem>>) src(%dma_wait3A_1839 : memref<10240x128xf32, #tpu.memory_space<hbm>>) dst(%dma_wait3A_1829 : memref<32x128xf32, #tpu.memory_space<vmem>>)
      %run_scoped3A_1840 = arith.constant 1 : i32
      %run_scoped3A_1841 = arith.constant 1 : i32
      %run_scoped3A_1842 = arith.constant 11 : i32
      "tpu.region"() ({
        %run_scoped3A_1923 = tpu.sem_alloc : memref<!tpu.dma_semaphore, #tpu.memory_space<semaphore_mem>>
        %dma_start3A_1924 = arith.constant 0 : i32
        %dma_start3A_1925 = arith.constant 0 : i32
        %dma_start3A_1926 = tpu.memref_slice %arg8[%run_scoped3A_1840, %dma_start3A_1924, %dma_start3A_1925] : memref<5x32x128xf32, #tpu.memory_space<vmem>> -> memref<1x32x128xf32, #tpu.memory_space<vmem>>
        %dma_start3A_1927 = tpu.memref_squeeze %dma_start3A_1926 : memref<1x32x128xf32, #tpu.memory_space<vmem>> -> memref<32x128xf32, #tpu.memory_space<vmem>>
        %dma_start3A_1928 = arith.constant 0 : i32
        %dma_start3A_1929 = tpu.memref_slice %arg7[%run_scoped3A_1841, %run_scoped3A_1842, %dma_start3A_1928] : memref<2x16x32xi32, #tpu.memory_space<vmem>> -> memref<1x1x32xi32, #tpu.memory_space<vmem>>
        %dma_start3A_1930 = tpu.memref_squeeze %dma_start3A_1929 : memref<1x1x32xi32, #tpu.memory_space<vmem>> -> memref<32xi32, #tpu.memory_space<vmem>>
        %dma_start3A_1931 = arith.constant 0 : i32
        %dma_start3A_1932 = arith.constant 0 : i32
        %dma_start3A_1933 = tpu.memref_slice %arg9[%dma_start3A_1931, %dma_start3A_1932] : memref<10240x128xf32, #tpu.memory_space<vmem_shared>> -> memref<10240x128xf32, #tpu.memory_space<vmem_shared>>
        tpu.enqueue_indirect_dma source(%dma_start3A_1927 : memref<32x128xf32, #tpu.memory_space<vmem>>) target(%dma_start3A_1933 : memref<10240x128xf32, #tpu.memory_space<vmem_shared>>) offsets(%dma_start3A_1930 : memref<32xi32, #tpu.memory_space<vmem>>) semaphore(%run_scoped3A_1923 : memref<!tpu.dma_semaphore, #tpu.memory_space<semaphore_mem>>) {add = true}
        %dma_wait3A_1934 = arith.constant 0 : i32
        %dma_wait3A_1935 = arith.constant 0 : i32
        %dma_wait3A_1936 = tpu.memref_slice %arg8[%run_scoped3A_1840, %dma_wait3A_1934, %dma_wait3A_1935] : memref<5x32x128xf32, #tpu.memory_space<vmem>> -> memref<1x32x128xf32, #tpu.memory_space<vmem>>
        %dma_wait3A_1937 = tpu.memref_squeeze %dma_wait3A_1936 : memref<1x32x128xf32, #tpu.memory_space<vmem>> -> memref<32x128xf32, #tpu.memory_space<vmem>>
        %dma_wait3A_1938 = arith.constant 0 : i32
        %dma_wait3A_1939 = tpu.memref_slice %arg7[%run_scoped3A_1841, %run_scoped3A_1842, %dma_wait3A_1938] : memref<2x16x32xi32, #tpu.memory_space<vmem>> -> memref<1x1x32xi32, #tpu.memory_space<vmem>>
        %dma_wait3A_1940 = tpu.memref_squeeze %dma_wait3A_1939 : memref<1x1x32xi32, #tpu.memory_space<vmem>> -> memref<32xi32, #tpu.memory_space<vmem>>
        %dma_wait3A_1941 = arith.constant 0 : i32
        %dma_wait3A_1942 = arith.constant 0 : i32
        %dma_wait3A_1943 = tpu.memref_slice %arg9[%dma_wait3A_1941, %dma_wait3A_1942] : memref<10240x128xf32, #tpu.memory_space<vmem_shared>> -> memref<10240x128xf32, #tpu.memory_space<vmem_shared>>
        tpu.wait_indirect_dma semaphore(%run_scoped3A_1923 : memref<!tpu.dma_semaphore, #tpu.memory_space<semaphore_mem>>) src(%dma_wait3A_1937 : memref<32x128xf32, #tpu.memory_space<vmem>>) dst(%dma_wait3A_1943 : memref<10240x128xf32, #tpu.memory_space<vmem_shared>>)
        tpu.yield
      }) : () -> ()
      %dma_wait3A_1843 = arith.constant 1 : i32
      %dma_wait3A_1844 = arith.constant 12 : i32
      %dma_wait3A_1845 = arith.constant 2 : i32
      %dma_wait3A_1846 = arith.constant 0 : i32
      %dma_wait3A_1847 = arith.constant 0 : i32
      %dma_wait3A_1848 = tpu.memref_slice %arg8[%dma_wait3A_1845, %dma_wait3A_1846, %dma_wait3A_1847] : memref<5x32x128xf32, #tpu.memory_space<vmem>> -> memref<1x32x128xf32, #tpu.memory_space<vmem>>
      %dma_wait3A_1849 = tpu.memref_squeeze %dma_wait3A_1848 : memref<1x32x128xf32, #tpu.memory_space<vmem>> -> memref<32x128xf32, #tpu.memory_space<vmem>>
      %dma_wait3A_1850 = arith.constant 0 : i32
      %dma_wait3A_1851 = tpu.memref_slice %arg6[%dma_wait3A_1843, %dma_wait3A_1844, %dma_wait3A_1850] : memref<2x16x32xi32, #tpu.memory_space<vmem>> -> memref<1x1x32xi32, #tpu.memory_space<vmem>>
      %dma_wait3A_1852 = tpu.memref_squeeze %dma_wait3A_1851 : memref<1x1x32xi32, #tpu.memory_space<vmem>> -> memref<32xi32, #tpu.memory_space<vmem>>
      %dma_wait3A_1853 = arith.constant 0 : i32
      %dma_wait3A_1854 = arith.constant 0 : i32
      %dma_wait3A_1855 = tpu.memref_slice %arg2[%arg0, %dma_wait3A_1853, %dma_wait3A_1854] : memref<2x10240x128xf32, #tpu.memory_space<hbm>> -> memref<1x10240x128xf32, #tpu.memory_space<hbm>>
      %dma_wait3A_1856 = tpu.memref_squeeze %dma_wait3A_1855 : memref<1x10240x128xf32, #tpu.memory_space<hbm>> -> memref<10240x128xf32, #tpu.memory_space<hbm>>
      %dma_wait3A_1857 = arith.constant 0 : i32
      %dma_wait3A_1858 = arith.constant 0 : i32
      %dma_wait3A_1859 = tpu.memref_slice %dma_wait3A_1856[%dma_wait3A_1857, %dma_wait3A_1858] : memref<10240x128xf32, #tpu.memory_space<hbm>> -> memref<10240x128xf32, #tpu.memory_space<hbm>>
      tpu.wait_indirect_dma semaphore(%arg12 : memref<!tpu.dma_semaphore, #tpu.memory_space<semaphore_mem>>) src(%dma_wait3A_1859 : memref<10240x128xf32, #tpu.memory_space<hbm>>) dst(%dma_wait3A_1849 : memref<32x128xf32, #tpu.memory_space<vmem>>)
      %run_scoped3A_1860 = arith.constant 2 : i32
      %run_scoped3A_1861 = arith.constant 1 : i32
      %run_scoped3A_1862 = arith.constant 12 : i32
      "tpu.region"() ({
        %run_scoped3A_1923 = tpu.sem_alloc : memref<!tpu.dma_semaphore, #tpu.memory_space<semaphore_mem>>
        %dma_start3A_1924 = arith.constant 0 : i32
        %dma_start3A_1925 = arith.constant 0 : i32
        %dma_start3A_1926 = tpu.memref_slice %arg8[%run_scoped3A_1860, %dma_start3A_1924, %dma_start3A_1925] : memref<5x32x128xf32, #tpu.memory_space<vmem>> -> memref<1x32x128xf32, #tpu.memory_space<vmem>>
        %dma_start3A_1927 = tpu.memref_squeeze %dma_start3A_1926 : memref<1x32x128xf32, #tpu.memory_space<vmem>> -> memref<32x128xf32, #tpu.memory_space<vmem>>
        %dma_start3A_1928 = arith.constant 0 : i32
        %dma_start3A_1929 = tpu.memref_slice %arg7[%run_scoped3A_1861, %run_scoped3A_1862, %dma_start3A_1928] : memref<2x16x32xi32, #tpu.memory_space<vmem>> -> memref<1x1x32xi32, #tpu.memory_space<vmem>>
        %dma_start3A_1930 = tpu.memref_squeeze %dma_start3A_1929 : memref<1x1x32xi32, #tpu.memory_space<vmem>> -> memref<32xi32, #tpu.memory_space<vmem>>
        %dma_start3A_1931 = arith.constant 0 : i32
        %dma_start3A_1932 = arith.constant 0 : i32
        %dma_start3A_1933 = tpu.memref_slice %arg9[%dma_start3A_1931, %dma_start3A_1932] : memref<10240x128xf32, #tpu.memory_space<vmem_shared>> -> memref<10240x128xf32, #tpu.memory_space<vmem_shared>>
        tpu.enqueue_indirect_dma source(%dma_start3A_1927 : memref<32x128xf32, #tpu.memory_space<vmem>>) target(%dma_start3A_1933 : memref<10240x128xf32, #tpu.memory_space<vmem_shared>>) offsets(%dma_start3A_1930 : memref<32xi32, #tpu.memory_space<vmem>>) semaphore(%run_scoped3A_1923 : memref<!tpu.dma_semaphore, #tpu.memory_space<semaphore_mem>>) {add = true}
        %dma_wait3A_1934 = arith.constant 0 : i32
        %dma_wait3A_1935 = arith.constant 0 : i32
        %dma_wait3A_1936 = tpu.memref_slice %arg8[%run_scoped3A_1860, %dma_wait3A_1934, %dma_wait3A_1935] : memref<5x32x128xf32, #tpu.memory_space<vmem>> -> memref<1x32x128xf32, #tpu.memory_space<vmem>>
        %dma_wait3A_1937 = tpu.memref_squeeze %dma_wait3A_1936 : memref<1x32x128xf32, #tpu.memory_space<vmem>> -> memref<32x128xf32, #tpu.memory_space<vmem>>
        %dma_wait3A_1938 = arith.constant 0 : i32
        %dma_wait3A_1939 = tpu.memref_slice %arg7[%run_scoped3A_1861, %run_scoped3A_1862, %dma_wait3A_1938] : memref<2x16x32xi32, #tpu.memory_space<vmem>> -> memref<1x1x32xi32, #tpu.memory_space<vmem>>
        %dma_wait3A_1940 = tpu.memref_squeeze %dma_wait3A_1939 : memref<1x1x32xi32, #tpu.memory_space<vmem>> -> memref<32xi32, #tpu.memory_space<vmem>>
        %dma_wait3A_1941 = arith.constant 0 : i32
        %dma_wait3A_1942 = arith.constant 0 : i32
        %dma_wait3A_1943 = tpu.memref_slice %arg9[%dma_wait3A_1941, %dma_wait3A_1942] : memref<10240x128xf32, #tpu.memory_space<vmem_shared>> -> memref<10240x128xf32, #tpu.memory_space<vmem_shared>>
        tpu.wait_indirect_dma semaphore(%run_scoped3A_1923 : memref<!tpu.dma_semaphore, #tpu.memory_space<semaphore_mem>>) src(%dma_wait3A_1937 : memref<32x128xf32, #tpu.memory_space<vmem>>) dst(%dma_wait3A_1943 : memref<10240x128xf32, #tpu.memory_space<vmem_shared>>)
        tpu.yield
      }) : () -> ()
      %dma_wait3A_1863 = arith.constant 1 : i32
      %dma_wait3A_1864 = arith.constant 13 : i32
      %dma_wait3A_1865 = arith.constant 3 : i32
      %dma_wait3A_1866 = arith.constant 0 : i32
      %dma_wait3A_1867 = arith.constant 0 : i32
      %dma_wait3A_1868 = tpu.memref_slice %arg8[%dma_wait3A_1865, %dma_wait3A_1866, %dma_wait3A_1867] : memref<5x32x128xf32, #tpu.memory_space<vmem>> -> memref<1x32x128xf32, #tpu.memory_space<vmem>>
      %dma_wait3A_1869 = tpu.memref_squeeze %dma_wait3A_1868 : memref<1x32x128xf32, #tpu.memory_space<vmem>> -> memref<32x128xf32, #tpu.memory_space<vmem>>
      %dma_wait3A_1870 = arith.constant 0 : i32
      %dma_wait3A_1871 = tpu.memref_slice %arg6[%dma_wait3A_1863, %dma_wait3A_1864, %dma_wait3A_1870] : memref<2x16x32xi32, #tpu.memory_space<vmem>> -> memref<1x1x32xi32, #tpu.memory_space<vmem>>
      %dma_wait3A_1872 = tpu.memref_squeeze %dma_wait3A_1871 : memref<1x1x32xi32, #tpu.memory_space<vmem>> -> memref<32xi32, #tpu.memory_space<vmem>>
      %dma_wait3A_1873 = arith.constant 0 : i32
      %dma_wait3A_1874 = arith.constant 0 : i32
      %dma_wait3A_1875 = tpu.memref_slice %arg2[%arg0, %dma_wait3A_1873, %dma_wait3A_1874] : memref<2x10240x128xf32, #tpu.memory_space<hbm>> -> memref<1x10240x128xf32, #tpu.memory_space<hbm>>
      %dma_wait3A_1876 = tpu.memref_squeeze %dma_wait3A_1875 : memref<1x10240x128xf32, #tpu.memory_space<hbm>> -> memref<10240x128xf32, #tpu.memory_space<hbm>>
      %dma_wait3A_1877 = arith.constant 0 : i32
      %dma_wait3A_1878 = arith.constant 0 : i32
      %dma_wait3A_1879 = tpu.memref_slice %dma_wait3A_1876[%dma_wait3A_1877, %dma_wait3A_1878] : memref<10240x128xf32, #tpu.memory_space<hbm>> -> memref<10240x128xf32, #tpu.memory_space<hbm>>
      tpu.wait_indirect_dma semaphore(%arg13 : memref<!tpu.dma_semaphore, #tpu.memory_space<semaphore_mem>>) src(%dma_wait3A_1879 : memref<10240x128xf32, #tpu.memory_space<hbm>>) dst(%dma_wait3A_1869 : memref<32x128xf32, #tpu.memory_space<vmem>>)
      %run_scoped3A_1880 = arith.constant 3 : i32
      %run_scoped3A_1881 = arith.constant 1 : i32
      %run_scoped3A_1882 = arith.constant 13 : i32
      "tpu.region"() ({
        %run_scoped3A_1923 = tpu.sem_alloc : memref<!tpu.dma_semaphore, #tpu.memory_space<semaphore_mem>>
        %dma_start3A_1924 = arith.constant 0 : i32
        %dma_start3A_1925 = arith.constant 0 : i32
        %dma_start3A_1926 = tpu.memref_slice %arg8[%run_scoped3A_1880, %dma_start3A_1924, %dma_start3A_1925] : memref<5x32x128xf32, #tpu.memory_space<vmem>> -> memref<1x32x128xf32, #tpu.memory_space<vmem>>
        %dma_start3A_1927 = tpu.memref_squeeze %dma_start3A_1926 : memref<1x32x128xf32, #tpu.memory_space<vmem>> -> memref<32x128xf32, #tpu.memory_space<vmem>>
        %dma_start3A_1928 = arith.constant 0 : i32
        %dma_start3A_1929 = tpu.memref_slice %arg7[%run_scoped3A_1881, %run_scoped3A_1882, %dma_start3A_1928] : memref<2x16x32xi32, #tpu.memory_space<vmem>> -> memref<1x1x32xi32, #tpu.memory_space<vmem>>
        %dma_start3A_1930 = tpu.memref_squeeze %dma_start3A_1929 : memref<1x1x32xi32, #tpu.memory_space<vmem>> -> memref<32xi32, #tpu.memory_space<vmem>>
        %dma_start3A_1931 = arith.constant 0 : i32
        %dma_start3A_1932 = arith.constant 0 : i32
        %dma_start3A_1933 = tpu.memref_slice %arg9[%dma_start3A_1931, %dma_start3A_1932] : memref<10240x128xf32, #tpu.memory_space<vmem_shared>> -> memref<10240x128xf32, #tpu.memory_space<vmem_shared>>
        tpu.enqueue_indirect_dma source(%dma_start3A_1927 : memref<32x128xf32, #tpu.memory_space<vmem>>) target(%dma_start3A_1933 : memref<10240x128xf32, #tpu.memory_space<vmem_shared>>) offsets(%dma_start3A_1930 : memref<32xi32, #tpu.memory_space<vmem>>) semaphore(%run_scoped3A_1923 : memref<!tpu.dma_semaphore, #tpu.memory_space<semaphore_mem>>) {add = true}
        %dma_wait3A_1934 = arith.constant 0 : i32
        %dma_wait3A_1935 = arith.constant 0 : i32
        %dma_wait3A_1936 = tpu.memref_slice %arg8[%run_scoped3A_1880, %dma_wait3A_1934, %dma_wait3A_1935] : memref<5x32x128xf32, #tpu.memory_space<vmem>> -> memref<1x32x128xf32, #tpu.memory_space<vmem>>
        %dma_wait3A_1937 = tpu.memref_squeeze %dma_wait3A_1936 : memref<1x32x128xf32, #tpu.memory_space<vmem>> -> memref<32x128xf32, #tpu.memory_space<vmem>>
        %dma_wait3A_1938 = arith.constant 0 : i32
        %dma_wait3A_1939 = tpu.memref_slice %arg7[%run_scoped3A_1881, %run_scoped3A_1882, %dma_wait3A_1938] : memref<2x16x32xi32, #tpu.memory_space<vmem>> -> memref<1x1x32xi32, #tpu.memory_space<vmem>>
        %dma_wait3A_1940 = tpu.memref_squeeze %dma_wait3A_1939 : memref<1x1x32xi32, #tpu.memory_space<vmem>> -> memref<32xi32, #tpu.memory_space<vmem>>
        %dma_wait3A_1941 = arith.constant 0 : i32
        %dma_wait3A_1942 = arith.constant 0 : i32
        %dma_wait3A_1943 = tpu.memref_slice %arg9[%dma_wait3A_1941, %dma_wait3A_1942] : memref<10240x128xf32, #tpu.memory_space<vmem_shared>> -> memref<10240x128xf32, #tpu.memory_space<vmem_shared>>
        tpu.wait_indirect_dma semaphore(%run_scoped3A_1923 : memref<!tpu.dma_semaphore, #tpu.memory_space<semaphore_mem>>) src(%dma_wait3A_1937 : memref<32x128xf32, #tpu.memory_space<vmem>>) dst(%dma_wait3A_1943 : memref<10240x128xf32, #tpu.memory_space<vmem_shared>>)
        tpu.yield
      }) : () -> ()
      %dma_wait3A_1883 = arith.constant 1 : i32
      %dma_wait3A_1884 = arith.constant 14 : i32
      %dma_wait3A_1885 = arith.constant 4 : i32
      %dma_wait3A_1886 = arith.constant 0 : i32
      %dma_wait3A_1887 = arith.constant 0 : i32
      %dma_wait3A_1888 = tpu.memref_slice %arg8[%dma_wait3A_1885, %dma_wait3A_1886, %dma_wait3A_1887] : memref<5x32x128xf32, #tpu.memory_space<vmem>> -> memref<1x32x128xf32, #tpu.memory_space<vmem>>
      %dma_wait3A_1889 = tpu.memref_squeeze %dma_wait3A_1888 : memref<1x32x128xf32, #tpu.memory_space<vmem>> -> memref<32x128xf32, #tpu.memory_space<vmem>>
      %dma_wait3A_1890 = arith.constant 0 : i32
      %dma_wait3A_1891 = tpu.memref_slice %arg6[%dma_wait3A_1883, %dma_wait3A_1884, %dma_wait3A_1890] : memref<2x16x32xi32, #tpu.memory_space<vmem>> -> memref<1x1x32xi32, #tpu.memory_space<vmem>>
      %dma_wait3A_1892 = tpu.memref_squeeze %dma_wait3A_1891 : memref<1x1x32xi32, #tpu.memory_space<vmem>> -> memref<32xi32, #tpu.memory_space<vmem>>
      %dma_wait3A_1893 = arith.constant 0 : i32
      %dma_wait3A_1894 = arith.constant 0 : i32
      %dma_wait3A_1895 = tpu.memref_slice %arg2[%arg0, %dma_wait3A_1893, %dma_wait3A_1894] : memref<2x10240x128xf32, #tpu.memory_space<hbm>> -> memref<1x10240x128xf32, #tpu.memory_space<hbm>>
      %dma_wait3A_1896 = tpu.memref_squeeze %dma_wait3A_1895 : memref<1x10240x128xf32, #tpu.memory_space<hbm>> -> memref<10240x128xf32, #tpu.memory_space<hbm>>
      %dma_wait3A_1897 = arith.constant 0 : i32
      %dma_wait3A_1898 = arith.constant 0 : i32
      %dma_wait3A_1899 = tpu.memref_slice %dma_wait3A_1896[%dma_wait3A_1897, %dma_wait3A_1898] : memref<10240x128xf32, #tpu.memory_space<hbm>> -> memref<10240x128xf32, #tpu.memory_space<hbm>>
      tpu.wait_indirect_dma semaphore(%arg14 : memref<!tpu.dma_semaphore, #tpu.memory_space<semaphore_mem>>) src(%dma_wait3A_1899 : memref<10240x128xf32, #tpu.memory_space<hbm>>) dst(%dma_wait3A_1889 : memref<32x128xf32, #tpu.memory_space<vmem>>)
      %run_scoped3A_1900 = arith.constant 4 : i32
      %run_scoped3A_1901 = arith.constant 1 : i32
      %run_scoped3A_1902 = arith.constant 14 : i32
      "tpu.region"() ({
        %run_scoped3A_1923 = tpu.sem_alloc : memref<!tpu.dma_semaphore, #tpu.memory_space<semaphore_mem>>
        %dma_start3A_1924 = arith.constant 0 : i32
        %dma_start3A_1925 = arith.constant 0 : i32
        %dma_start3A_1926 = tpu.memref_slice %arg8[%run_scoped3A_1900, %dma_start3A_1924, %dma_start3A_1925] : memref<5x32x128xf32, #tpu.memory_space<vmem>> -> memref<1x32x128xf32, #tpu.memory_space<vmem>>
        %dma_start3A_1927 = tpu.memref_squeeze %dma_start3A_1926 : memref<1x32x128xf32, #tpu.memory_space<vmem>> -> memref<32x128xf32, #tpu.memory_space<vmem>>
        %dma_start3A_1928 = arith.constant 0 : i32
        %dma_start3A_1929 = tpu.memref_slice %arg7[%run_scoped3A_1901, %run_scoped3A_1902, %dma_start3A_1928] : memref<2x16x32xi32, #tpu.memory_space<vmem>> -> memref<1x1x32xi32, #tpu.memory_space<vmem>>
        %dma_start3A_1930 = tpu.memref_squeeze %dma_start3A_1929 : memref<1x1x32xi32, #tpu.memory_space<vmem>> -> memref<32xi32, #tpu.memory_space<vmem>>
        %dma_start3A_1931 = arith.constant 0 : i32
        %dma_start3A_1932 = arith.constant 0 : i32
        %dma_start3A_1933 = tpu.memref_slice %arg9[%dma_start3A_1931, %dma_start3A_1932] : memref<10240x128xf32, #tpu.memory_space<vmem_shared>> -> memref<10240x128xf32, #tpu.memory_space<vmem_shared>>
        tpu.enqueue_indirect_dma source(%dma_start3A_1927 : memref<32x128xf32, #tpu.memory_space<vmem>>) target(%dma_start3A_1933 : memref<10240x128xf32, #tpu.memory_space<vmem_shared>>) offsets(%dma_start3A_1930 : memref<32xi32, #tpu.memory_space<vmem>>) semaphore(%run_scoped3A_1923 : memref<!tpu.dma_semaphore, #tpu.memory_space<semaphore_mem>>) {add = true}
        %dma_wait3A_1934 = arith.constant 0 : i32
        %dma_wait3A_1935 = arith.constant 0 : i32
        %dma_wait3A_1936 = tpu.memref_slice %arg8[%run_scoped3A_1900, %dma_wait3A_1934, %dma_wait3A_1935] : memref<5x32x128xf32, #tpu.memory_space<vmem>> -> memref<1x32x128xf32, #tpu.memory_space<vmem>>
        %dma_wait3A_1937 = tpu.memref_squeeze %dma_wait3A_1936 : memref<1x32x128xf32, #tpu.memory_space<vmem>> -> memref<32x128xf32, #tpu.memory_space<vmem>>
        %dma_wait3A_1938 = arith.constant 0 : i32
        %dma_wait3A_1939 = tpu.memref_slice %arg7[%run_scoped3A_1901, %run_scoped3A_1902, %dma_wait3A_1938] : memref<2x16x32xi32, #tpu.memory_space<vmem>> -> memref<1x1x32xi32, #tpu.memory_space<vmem>>
        %dma_wait3A_1940 = tpu.memref_squeeze %dma_wait3A_1939 : memref<1x1x32xi32, #tpu.memory_space<vmem>> -> memref<32xi32, #tpu.memory_space<vmem>>
        %dma_wait3A_1941 = arith.constant 0 : i32
        %dma_wait3A_1942 = arith.constant 0 : i32
        %dma_wait3A_1943 = tpu.memref_slice %arg9[%dma_wait3A_1941, %dma_wait3A_1942] : memref<10240x128xf32, #tpu.memory_space<vmem_shared>> -> memref<10240x128xf32, #tpu.memory_space<vmem_shared>>
        tpu.wait_indirect_dma semaphore(%run_scoped3A_1923 : memref<!tpu.dma_semaphore, #tpu.memory_space<semaphore_mem>>) src(%dma_wait3A_1937 : memref<32x128xf32, #tpu.memory_space<vmem>>) dst(%dma_wait3A_1943 : memref<10240x128xf32, #tpu.memory_space<vmem_shared>>)
        tpu.yield
      }) : () -> ()
      %dma_wait3A_1903 = arith.constant 1 : i32
      %dma_wait3A_1904 = arith.constant 15 : i32
      %dma_wait3A_1905 = arith.constant 0 : i32
      %dma_wait3A_1906 = arith.constant 0 : i32
      %dma_wait3A_1907 = arith.constant 0 : i32
      %dma_wait3A_1908 = tpu.memref_slice %arg8[%dma_wait3A_1905, %dma_wait3A_1906, %dma_wait3A_1907] : memref<5x32x128xf32, #tpu.memory_space<vmem>> -> memref<1x32x128xf32, #tpu.memory_space<vmem>>
      %dma_wait3A_1909 = tpu.memref_squeeze %dma_wait3A_1908 : memref<1x32x128xf32, #tpu.memory_space<vmem>> -> memref<32x128xf32, #tpu.memory_space<vmem>>
      %dma_wait3A_1910 = arith.constant 0 : i32
      %dma_wait3A_1911 = tpu.memref_slice %arg6[%dma_wait3A_1903, %dma_wait3A_1904, %dma_wait3A_1910] : memref<2x16x32xi32, #tpu.memory_space<vmem>> -> memref<1x1x32xi32, #tpu.memory_space<vmem>>
      %dma_wait3A_1912 = tpu.memref_squeeze %dma_wait3A_1911 : memref<1x1x32xi32, #tpu.memory_space<vmem>> -> memref<32xi32, #tpu.memory_space<vmem>>
      %dma_wait3A_1913 = arith.constant 0 : i32
      %dma_wait3A_1914 = arith.constant 0 : i32
      %dma_wait3A_1915 = tpu.memref_slice %arg2[%arg0, %dma_wait3A_1913, %dma_wait3A_1914] : memref<2x10240x128xf32, #tpu.memory_space<hbm>> -> memref<1x10240x128xf32, #tpu.memory_space<hbm>>
      %dma_wait3A_1916 = tpu.memref_squeeze %dma_wait3A_1915 : memref<1x10240x128xf32, #tpu.memory_space<hbm>> -> memref<10240x128xf32, #tpu.memory_space<hbm>>
      %dma_wait3A_1917 = arith.constant 0 : i32
      %dma_wait3A_1918 = arith.constant 0 : i32
      %dma_wait3A_1919 = tpu.memref_slice %dma_wait3A_1916[%dma_wait3A_1917, %dma_wait3A_1918] : memref<10240x128xf32, #tpu.memory_space<hbm>> -> memref<10240x128xf32, #tpu.memory_space<hbm>>
      tpu.wait_indirect_dma semaphore(%arg10 : memref<!tpu.dma_semaphore, #tpu.memory_space<semaphore_mem>>) src(%dma_wait3A_1919 : memref<10240x128xf32, #tpu.memory_space<hbm>>) dst(%dma_wait3A_1909 : memref<32x128xf32, #tpu.memory_space<vmem>>)
      %run_scoped3A_1920 = arith.constant 0 : i32
      %run_scoped3A_1921 = arith.constant 1 : i32
      %run_scoped3A_1922 = arith.constant 15 : i32
      "tpu.region"() ({
        %run_scoped3A_1923 = tpu.sem_alloc : memref<!tpu.dma_semaphore, #tpu.memory_space<semaphore_mem>>
        %dma_start3A_1924 = arith.constant 0 : i32
        %dma_start3A_1925 = arith.constant 0 : i32
        %dma_start3A_1926 = tpu.memref_slice %arg8[%run_scoped3A_1920, %dma_start3A_1924, %dma_start3A_1925] : memref<5x32x128xf32, #tpu.memory_space<vmem>> -> memref<1x32x128xf32, #tpu.memory_space<vmem>>
        %dma_start3A_1927 = tpu.memref_squeeze %dma_start3A_1926 : memref<1x32x128xf32, #tpu.memory_space<vmem>> -> memref<32x128xf32, #tpu.memory_space<vmem>>
        %dma_start3A_1928 = arith.constant 0 : i32
        %dma_start3A_1929 = tpu.memref_slice %arg7[%run_scoped3A_1921, %run_scoped3A_1922, %dma_start3A_1928] : memref<2x16x32xi32, #tpu.memory_space<vmem>> -> memref<1x1x32xi32, #tpu.memory_space<vmem>>
        %dma_start3A_1930 = tpu.memref_squeeze %dma_start3A_1929 : memref<1x1x32xi32, #tpu.memory_space<vmem>> -> memref<32xi32, #tpu.memory_space<vmem>>
        %dma_start3A_1931 = arith.constant 0 : i32
        %dma_start3A_1932 = arith.constant 0 : i32
        %dma_start3A_1933 = tpu.memref_slice %arg9[%dma_start3A_1931, %dma_start3A_1932] : memref<10240x128xf32, #tpu.memory_space<vmem_shared>> -> memref<10240x128xf32, #tpu.memory_space<vmem_shared>>
        tpu.enqueue_indirect_dma source(%dma_start3A_1927 : memref<32x128xf32, #tpu.memory_space<vmem>>) target(%dma_start3A_1933 : memref<10240x128xf32, #tpu.memory_space<vmem_shared>>) offsets(%dma_start3A_1930 : memref<32xi32, #tpu.memory_space<vmem>>) semaphore(%run_scoped3A_1923 : memref<!tpu.dma_semaphore, #tpu.memory_space<semaphore_mem>>) {add = true}
        %dma_wait3A_1934 = arith.constant 0 : i32
        %dma_wait3A_1935 = arith.constant 0 : i32
        %dma_wait3A_1936 = tpu.memref_slice %arg8[%run_scoped3A_1920, %dma_wait3A_1934, %dma_wait3A_1935] : memref<5x32x128xf32, #tpu.memory_space<vmem>> -> memref<1x32x128xf32, #tpu.memory_space<vmem>>
        %dma_wait3A_1937 = tpu.memref_squeeze %dma_wait3A_1936 : memref<1x32x128xf32, #tpu.memory_space<vmem>> -> memref<32x128xf32, #tpu.memory_space<vmem>>
        %dma_wait3A_1938 = arith.constant 0 : i32
        %dma_wait3A_1939 = tpu.memref_slice %arg7[%run_scoped3A_1921, %run_scoped3A_1922, %dma_wait3A_1938] : memref<2x16x32xi32, #tpu.memory_space<vmem>> -> memref<1x1x32xi32, #tpu.memory_space<vmem>>
        %dma_wait3A_1940 = tpu.memref_squeeze %dma_wait3A_1939 : memref<1x1x32xi32, #tpu.memory_space<vmem>> -> memref<32xi32, #tpu.memory_space<vmem>>
        %dma_wait3A_1941 = arith.constant 0 : i32
        %dma_wait3A_1942 = arith.constant 0 : i32
        %dma_wait3A_1943 = tpu.memref_slice %arg9[%dma_wait3A_1941, %dma_wait3A_1942] : memref<10240x128xf32, #tpu.memory_space<vmem_shared>> -> memref<10240x128xf32, #tpu.memory_space<vmem_shared>>
        tpu.wait_indirect_dma semaphore(%run_scoped3A_1923 : memref<!tpu.dma_semaphore, #tpu.memory_space<semaphore_mem>>) src(%dma_wait3A_1937 : memref<32x128xf32, #tpu.memory_space<vmem>>) dst(%dma_wait3A_1943 : memref<10240x128xf32, #tpu.memory_space<vmem_shared>>)
        tpu.yield
      }) : () -> ()
    }
    %scan3A_638 = arith.constant 20 : i32
    %barrier3A_639 = arith.constant 0 : index
    tpu.barrier barrier_id(%barrier3A_639)
    "tpu.region"() ({
      %run_scoped3A = tpu.sem_alloc : memref<!tpu.dma_semaphore, #tpu.memory_space<semaphore_mem>>
      %dma_start3A_640 = arith.constant 0 : i32
      %dma_start3A_641 = arith.constant 0 : i32
      %dma_start3A_642 = tpu.memref_slice %arg5[%arg0, %dma_start3A_640, %dma_start3A_641] : memref<2x10240x128xf32, #tpu.memory_space<hbm>> -> memref<1x10240x128xf32, #tpu.memory_space<hbm>>
      %dma_start3A_643 = tpu.memref_squeeze %dma_start3A_642 : memref<1x10240x128xf32, #tpu.memory_space<hbm>> -> memref<10240x128xf32, #tpu.memory_space<hbm>>
      %dma_start3A_644 = arith.constant 0 : i32
      %dma_start3A_645 = tpu.memref_slice %dma_start3A_643[%mul3A_0, %dma_start3A_644] : memref<10240x128xf32, #tpu.memory_space<hbm>> -> memref<640x128xf32, #tpu.memory_space<hbm>>
      %dma_start3A_646 = arith.constant 0 : i32
      %dma_start3A_647 = tpu.memref_slice %arg9[%mul3A_0, %dma_start3A_646] : memref<10240x128xf32, #tpu.memory_space<vmem_shared>> -> memref<640x128xf32, #tpu.memory_space<vmem_shared>>
      tpu.enqueue_dma source(%dma_start3A_647 : memref<640x128xf32, #tpu.memory_space<vmem_shared>>) target(%dma_start3A_645 : memref<640x128xf32, #tpu.memory_space<hbm>>) target_semaphore(%run_scoped3A : memref<!tpu.dma_semaphore, #tpu.memory_space<semaphore_mem>>)
      %dma_wait3A_648 = arith.constant 0 : i32
      %dma_wait3A_649 = arith.constant 0 : i32
      %dma_wait3A_650 = tpu.memref_slice %arg5[%arg0, %dma_wait3A_648, %dma_wait3A_649] : memref<2x10240x128xf32, #tpu.memory_space<hbm>> -> memref<1x10240x128xf32, #tpu.memory_space<hbm>>
      %dma_wait3A_651 = tpu.memref_squeeze %dma_wait3A_650 : memref<1x10240x128xf32, #tpu.memory_space<hbm>> -> memref<10240x128xf32, #tpu.memory_space<hbm>>
      %dma_wait3A_652 = arith.constant 0 : i32
      %dma_wait3A_653 = tpu.memref_slice %dma_wait3A_651[%mul3A_0, %dma_wait3A_652] : memref<10240x128xf32, #tpu.memory_space<hbm>> -> memref<640x128xf32, #tpu.memory_space<hbm>>
      %dma_wait3A_654 = arith.constant 0 : i32
      %dma_wait3A_655 = tpu.memref_slice %arg9[%mul3A_0, %dma_wait3A_654] : memref<10240x128xf32, #tpu.memory_space<vmem_shared>> -> memref<640x128xf32, #tpu.memory_space<vmem_shared>>
      tpu.wait_dma2 semaphore(%run_scoped3A : memref<!tpu.dma_semaphore, #tpu.memory_space<semaphore_mem>>) src(%dma_wait3A_655 : memref<640x128xf32, #tpu.memory_space<vmem_shared>>) dst(%dma_wait3A_653 : memref<640x128xf32, #tpu.memory_space<hbm>>)
      tpu.yield
    }) : () -> ()
    return
  }
}

module attributes {stable_mosaic.version = 14 : i64} {
  func.func @_stage1_body(%arg0: i32, %arg1: memref<1000x128xf32, #tpu.memory_space<vmem>>, %arg2: memref<1000x64xf32, #tpu.memory_space<vmem>>, %arg3: memref<128x256xf32, #tpu.memory_space<vmem>>, %arg4: memref<128x256xf32, #tpu.memory_space<vmem>>, %arg5: memref<1x256xf32, #tpu.memory_space<vmem>>, %arg6: memref<1x256xf32, #tpu.memory_space<vmem>>, %arg7: memref<576x256xf32, #tpu.memory_space<vmem>>, %arg8: memref<1x256xf32, #tpu.memory_space<vmem>>, %arg9: memref<2x1000x128xf32, #tpu.memory_space<vmem>>) attributes {dimension_semantics = [#tpu.dimension_semantics<arbitrary>], iteration_bounds = array<i64: 10>, scalar_prefetch = 0 : i64, scratch_operands = 0 : i64, tpu.core_type = #tpu.core_type<tc>, window_params = [{transform_indices = @transform_0, window_bounds = array<i64: 1000, 128>}, {transform_indices = @transform_1, window_bounds = array<i64: 1000, 64>}, {pipeline_mode = #tpu.pipeline_mode<synchronous>, transform_indices = @transform_2, window_bounds = array<i64: 128, 256>}, {pipeline_mode = #tpu.pipeline_mode<synchronous>, transform_indices = @transform_3, window_bounds = array<i64: 128, 256>}, {pipeline_mode = #tpu.pipeline_mode<synchronous>, transform_indices = @transform_4, window_bounds = array<i64: 1, 256>}, {pipeline_mode = #tpu.pipeline_mode<synchronous>, transform_indices = @transform_5, window_bounds = array<i64: 1, 256>}, {pipeline_mode = #tpu.pipeline_mode<synchronous>, transform_indices = @transform_6, window_bounds = array<i64: 576, 256>}, {pipeline_mode = #tpu.pipeline_mode<synchronous>, transform_indices = @transform_7, window_bounds = array<i64: 1, 256>}, {transform_indices = @transform_8, window_bounds = array<i64: 2, 1000, 128>}]} {
    %get3A = arith.constant 0 : index
    %get3A_0 = arith.constant 0 : index
    %get3A_1 = vector.load %arg7[%get3A, %get3A_0] : memref<576x256xf32, #tpu.memory_space<vmem>>, vector<256x256xf32>
    %get3A_2 = arith.constant 256 : index
    %get3A_3 = arith.constant 0 : index
    %get3A_4 = vector.load %arg7[%get3A_2, %get3A_3] : memref<576x256xf32, #tpu.memory_space<vmem>>, vector<256x256xf32>
    %get3A_5 = arith.constant 512 : index
    %get3A_6 = arith.constant 0 : index
    %get3A_7 = vector.load %arg7[%get3A_5, %get3A_6] : memref<576x256xf32, #tpu.memory_space<vmem>>, vector<64x256xf32>
    %get3A_8 = arith.constant 0 : index
    %get3A_9 = arith.constant 0 : index
    %get3A_10 = vector.load %arg3[%get3A_8, %get3A_9] : memref<128x256xf32, #tpu.memory_space<vmem>>, vector<128x256xf32>
    %dot_general3A = arith.constant dense<0.000000e+00> : vector<128x256xf32>
    %dot_general3A_11 = tpu.matmul %get3A_10, %get3A_1, %dot_general3A {dimension_numbers = #tpu.dot_dimension_numbers<[1], [0], [0], [1], [0, 0, 1, 1], [], []>, transpose_lhs_hint = false} : vector<128x256xf32>, vector<256x256xf32>, vector<128x256xf32> -> vector<128x256xf32>
    %get3A_12 = arith.constant 0 : index
    %get3A_13 = arith.constant 0 : index
    %get3A_14 = vector.load %arg4[%get3A_12, %get3A_13] : memref<128x256xf32, #tpu.memory_space<vmem>>, vector<128x256xf32>
    %dot_general3A_15 = arith.constant dense<0.000000e+00> : vector<128x256xf32>
    %dot_general3A_16 = tpu.matmul %get3A_14, %get3A_4, %dot_general3A_15 {dimension_numbers = #tpu.dot_dimension_numbers<[1], [0], [0], [1], [0, 0, 1, 1], [], []>, transpose_lhs_hint = false} : vector<128x256xf32>, vector<256x256xf32>, vector<128x256xf32> -> vector<128x256xf32>
    %add3A = arith.addf %dot_general3A_11, %dot_general3A_16 : vector<128x256xf32>
    %get3A_17 = arith.constant 0 : index
    %get3A_18 = arith.constant 0 : index
    %get3A_19 = vector.load %arg5[%get3A_17, %get3A_18] : memref<1x256xf32, #tpu.memory_space<vmem>>, vector<1x256xf32>
    %dot_general3A_20 = arith.constant dense<0.000000e+00> : vector<1x256xf32>
    %dot_general3A_21 = tpu.matmul %get3A_19, %get3A_1, %dot_general3A_20 {dimension_numbers = #tpu.dot_dimension_numbers<[1], [0], [0], [1], [0, 0, 1, 1], [], []>, transpose_lhs_hint = false} : vector<1x256xf32>, vector<256x256xf32>, vector<1x256xf32> -> vector<1x256xf32>
    %get3A_22 = arith.constant 0 : index
    %get3A_23 = arith.constant 0 : index
    %get3A_24 = vector.load %arg6[%get3A_22, %get3A_23] : memref<1x256xf32, #tpu.memory_space<vmem>>, vector<1x256xf32>
    %dot_general3A_25 = arith.constant dense<0.000000e+00> : vector<1x256xf32>
    %dot_general3A_26 = tpu.matmul %get3A_24, %get3A_4, %dot_general3A_25 {dimension_numbers = #tpu.dot_dimension_numbers<[1], [0], [0], [1], [0, 0, 1, 1], [], []>, transpose_lhs_hint = false} : vector<1x256xf32>, vector<256x256xf32>, vector<1x256xf32> -> vector<1x256xf32>
    %add3A_27 = arith.addf %dot_general3A_21, %dot_general3A_26 : vector<1x256xf32>
    %get3A_28 = arith.constant 0 : index
    %get3A_29 = arith.constant 0 : index
    %get3A_30 = vector.load %arg8[%get3A_28, %get3A_29] : memref<1x256xf32, #tpu.memory_space<vmem>>, vector<1x256xf32>
    %add3A_31 = arith.addf %add3A_27, %get3A_30 : vector<1x256xf32>
    %get3A_32 = arith.constant 0 : index
    %get3A_33 = arith.constant 0 : index
    %get3A_34 = vector.load %arg1[%get3A_32, %get3A_33] : memref<1000x128xf32, #tpu.memory_space<vmem>>, vector<1000x128xf32>
    %dot_general3A_35 = arith.constant dense<0.000000e+00> : vector<1000x256xf32>
    %dot_general3A_36 = tpu.matmul %get3A_34, %add3A, %dot_general3A_35 {dimension_numbers = #tpu.dot_dimension_numbers<[1], [0], [0], [1], [0, 0, 1, 1], [], []>, transpose_lhs_hint = false} : vector<1000x128xf32>, vector<128x256xf32>, vector<1000x256xf32> -> vector<1000x256xf32>
    %get3A_37 = arith.constant 0 : index
    %get3A_38 = arith.constant 0 : index
    %get3A_39 = vector.load %arg2[%get3A_37, %get3A_38] : memref<1000x64xf32, #tpu.memory_space<vmem>>, vector<1000x64xf32>
    %dot_general3A_40 = arith.constant dense<0.000000e+00> : vector<1000x256xf32>
    %dot_general3A_41 = tpu.matmul %get3A_39, %get3A_7, %dot_general3A_40 {dimension_numbers = #tpu.dot_dimension_numbers<[1], [0], [0], [1], [0, 0, 1, 1], [], []>, transpose_lhs_hint = false} : vector<1000x64xf32>, vector<64x256xf32>, vector<1000x256xf32> -> vector<1000x256xf32>
    %add3A_42 = arith.addf %dot_general3A_36, %dot_general3A_41 : vector<1000x256xf32>
    %add3A_43 = vector.broadcast %add3A_31 : vector<1x256xf32> to vector<1000x256xf32>
    %add3A_44 = arith.addf %add3A_42, %add3A_43 : vector<1000x256xf32>
    %slice3A = vector.extract_strided_slice %add3A_44 {offsets = [0, 0], sizes = [1000, 128], strides = [1, 1]} : vector<1000x256xf32> to vector<1000x128xf32>
    %swap3A = arith.constant 0 : index
    %swap3A_45 = arith.constant 0 : index
    %swap3A_46 = arith.constant 0 : index
    %swap3A_47 = vector.load %arg9[%swap3A, %swap3A_45, %swap3A_46] : memref<2x1000x128xf32, #tpu.memory_space<vmem>>, vector<1x1000x128xf32>
    %swap3A_48 = vector.shape_cast %swap3A_47 : vector<1x1000x128xf32> to vector<1000x128xf32>
    %swap3A_49 = vector.shape_cast %slice3A : vector<1000x128xf32> to vector<1x1000x128xf32>
    tpu.vector_store %arg9[%swap3A, %swap3A_45, %swap3A_46], %swap3A_49 {strides = array<i32>} : memref<2x1000x128xf32, #tpu.memory_space<vmem>>, vector<1x1000x128xf32>,
    %slice3A_50 = vector.extract_strided_slice %add3A_44 {offsets = [0, 128], sizes = [1000, 128], strides = [1, 1]} : vector<1000x256xf32> to vector<1000x128xf32>
    %swap3A_51 = arith.constant 1 : index
    %swap3A_52 = arith.constant 0 : index
    %swap3A_53 = arith.constant 0 : index
    %swap3A_54 = vector.load %arg9[%swap3A_51, %swap3A_52, %swap3A_53] : memref<2x1000x128xf32, #tpu.memory_space<vmem>>, vector<1x1000x128xf32>
    %swap3A_55 = vector.shape_cast %swap3A_54 : vector<1x1000x128xf32> to vector<1000x128xf32>
    %swap3A_56 = vector.shape_cast %slice3A_50 : vector<1000x128xf32> to vector<1x1000x128xf32>
    tpu.vector_store %arg9[%swap3A_51, %swap3A_52, %swap3A_53], %swap3A_56 {strides = array<i32>} : memref<2x1000x128xf32, #tpu.memory_space<vmem>>, vector<1x1000x128xf32>,
    return
  }
  func.func @transform_0(%arg0: i32) -> (i32, i32) {
    %c0_i32 = arith.constant 0 : i32
    %c0_i32_0 = arith.constant 0 : i32
    return %arg0, %c0_i32 : i32, i32
  }
  func.func @transform_1(%arg0: i32) -> (i32, i32) {
    %c0_i32 = arith.constant 0 : i32
    %c0_i32_0 = arith.constant 0 : i32
    return %arg0, %c0_i32 : i32, i32
  }
  func.func @transform_2(%arg0: i32) -> (i32, i32) {
    %c0_i32 = arith.constant 0 : i32
    %c0_i32_0 = arith.constant 0 : i32
    %c0_i32_1 = arith.constant 0 : i32
    return %c0_i32, %c0_i32_0 : i32, i32
  }
  func.func @transform_3(%arg0: i32) -> (i32, i32) {
    %c0_i32 = arith.constant 0 : i32
    %c0_i32_0 = arith.constant 0 : i32
    %c0_i32_1 = arith.constant 0 : i32
    return %c0_i32, %c0_i32_0 : i32, i32
  }
  func.func @transform_4(%arg0: i32) -> (i32, i32) {
    %c0_i32 = arith.constant 0 : i32
    %c0_i32_0 = arith.constant 0 : i32
    %c0_i32_1 = arith.constant 0 : i32
    return %c0_i32, %c0_i32_0 : i32, i32
  }
  func.func @transform_5(%arg0: i32) -> (i32, i32) {
    %c0_i32 = arith.constant 0 : i32
    %c0_i32_0 = arith.constant 0 : i32
    %c0_i32_1 = arith.constant 0 : i32
    return %c0_i32, %c0_i32_0 : i32, i32
  }
  func.func @transform_6(%arg0: i32) -> (i32, i32) {
    %c0_i32 = arith.constant 0 : i32
    %c0_i32_0 = arith.constant 0 : i32
    %c0_i32_1 = arith.constant 0 : i32
    return %c0_i32, %c0_i32_0 : i32, i32
  }
  func.func @transform_7(%arg0: i32) -> (i32, i32) {
    %c0_i32 = arith.constant 0 : i32
    %c0_i32_0 = arith.constant 0 : i32
    %c0_i32_1 = arith.constant 0 : i32
    return %c0_i32, %c0_i32_0 : i32, i32
  }
  func.func @transform_8(%arg0: i32) -> (i32, i32, i32) {
    %c0_i32 = arith.constant 0 : i32
    %c0_i32_0 = arith.constant 0 : i32
    %c0_i32_1 = arith.constant 0 : i32
    return %c0_i32, %arg0, %c0_i32_0 : i32, i32, i32
  }
}

module attributes {stable_mosaic.version = 14 : i64} {
  func.func @_stage2_body(%arg0: i32, %arg1: memref<2x1024x128xf32, #tpu.memory_space<vmem>>, %arg2: memref<2x1024x128xf32, #tpu.memory_space<vmem>>, %arg3: memref<32x1024xf32, #tpu.memory_space<vmem>>, %arg4: memref<256x256xf32, #tpu.memory_space<vmem>>, %arg5: memref<1x256xf32, #tpu.memory_space<vmem>>, %arg6: memref<1024x256xf32, #tpu.memory_space<vmem>>) attributes {dimension_semantics = [#tpu.dimension_semantics<parallel>], iteration_bounds = array<i64: 10>, scalar_prefetch = 0 : i64, scratch_operands = 0 : i64, tpu.core_type = #tpu.core_type<tc>, window_params = [{transform_indices = @transform_0, window_bounds = array<i64: 2, 1024, 128>}, {transform_indices = @transform_1, window_bounds = array<i64: 2, 1024, 128>}, {transform_indices = @transform_2, window_bounds = array<i64: 32, 1024>}, {pipeline_mode = #tpu.pipeline_mode<synchronous>, transform_indices = @transform_3, window_bounds = array<i64: 256, 256>}, {pipeline_mode = #tpu.pipeline_mode<synchronous>, transform_indices = @transform_4, window_bounds = array<i64: 1, 256>}, {transform_indices = @transform_5, window_bounds = array<i64: 1024, 256>}]} {
    %get3A = arith.constant 0 : index
    %get3A_0 = arith.constant 0 : index
    %get3A_1 = arith.constant 0 : index
    %get3A_2 = vector.load %arg1[%get3A, %get3A_0, %get3A_1] : memref<2x1024x128xf32, #tpu.memory_space<vmem>>, vector<1x1024x128xf32>
    %get3A_3 = vector.shape_cast %get3A_2 : vector<1x1024x128xf32> to vector<1024x128xf32>
    %get3A_4 = arith.constant 1 : index
    %get3A_5 = arith.constant 0 : index
    %get3A_6 = arith.constant 0 : index
    %get3A_7 = vector.load %arg1[%get3A_4, %get3A_5, %get3A_6] : memref<2x1024x128xf32, #tpu.memory_space<vmem>>, vector<1x1024x128xf32>
    %get3A_8 = vector.shape_cast %get3A_7 : vector<1x1024x128xf32> to vector<1024x128xf32>
    %concatenate3A = tpu.concatenate %get3A_3, %get3A_8 in 1 : vector<1024x128xf32>, vector<1024x128xf32> -> vector<1024x256xf32>
    %get3A_9 = arith.constant 0 : index
    %get3A_10 = arith.constant 0 : index
    %get3A_11 = arith.constant 0 : index
    %get3A_12 = vector.load %arg2[%get3A_9, %get3A_10, %get3A_11] : memref<2x1024x128xf32, #tpu.memory_space<vmem>>, vector<1x1024x128xf32>
    %get3A_13 = vector.shape_cast %get3A_12 : vector<1x1024x128xf32> to vector<1024x128xf32>
    %get3A_14 = arith.constant 1 : index
    %get3A_15 = arith.constant 0 : index
    %get3A_16 = arith.constant 0 : index
    %get3A_17 = vector.load %arg2[%get3A_14, %get3A_15, %get3A_16] : memref<2x1024x128xf32, #tpu.memory_space<vmem>>, vector<1x1024x128xf32>
    %get3A_18 = vector.shape_cast %get3A_17 : vector<1x1024x128xf32> to vector<1024x128xf32>
    %concatenate3A_19 = tpu.concatenate %get3A_13, %get3A_18 in 1 : vector<1024x128xf32>, vector<1024x128xf32> -> vector<1024x256xf32>
    %get3A_20 = arith.constant 0 : index
    %get3A_21 = arith.constant 0 : index
    %get3A_22 = vector.load %arg3[%get3A_20, %get3A_21] : memref<32x1024xf32, #tpu.memory_space<vmem>>, vector<32x1024xf32>
    %reduce_sum3A = arith.constant dense<0.000000e+00> : vector<1024xf32>
    %reduce_sum3A_23 = vector.multi_reduction <add>, %get3A_22, %reduce_sum3A [0] : vector<32x1024xf32> to vector<1024xf32>
    %broadcast_in_dim3A = vector.shape_cast %reduce_sum3A_23 : vector<1024xf32> to vector<1024x1xf32>
    %get3A_24 = arith.constant 0 : index
    %get3A_25 = arith.constant 0 : index
    %get3A_26 = vector.load %arg4[%get3A_24, %get3A_25] : memref<256x256xf32, #tpu.memory_space<vmem>>, vector<256x256xf32>
    %dot_general3A = arith.constant dense<0.000000e+00> : vector<1024x256xf32>
    %dot_general3A_27 = tpu.matmul %concatenate3A, %get3A_26, %dot_general3A {dimension_numbers = #tpu.dot_dimension_numbers<[1], [0], [0], [1], [0, 0, 1, 1], [], []>, transpose_lhs_hint = false} : vector<1024x256xf32>, vector<256x256xf32>, vector<1024x256xf32> -> vector<1024x256xf32>
    %get3A_28 = arith.constant 0 : index
    %get3A_29 = arith.constant 0 : index
    %get3A_30 = vector.load %arg5[%get3A_28, %get3A_29] : memref<1x256xf32, #tpu.memory_space<vmem>>, vector<1x256xf32>
    %mul3A = vector.broadcast %broadcast_in_dim3A : vector<1024x1xf32> to vector<1024x256xf32>
    %mul3A_31 = vector.broadcast %get3A_30 : vector<1x256xf32> to vector<1024x256xf32>
    %mul3A_32 = arith.mulf %mul3A, %mul3A_31 : vector<1024x256xf32>
    %add3A = arith.addf %dot_general3A_27, %mul3A_32 : vector<1024x256xf32>
    %add3A_33 = arith.addf %add3A, %concatenate3A_19 : vector<1024x256xf32>
    %max3A = arith.constant 0.000000e+00 : f32
    %max3A_34 = vector.broadcast %max3A : f32 to vector<1024x256xf32>
    %max3A_35 = arith.maximumf %add3A_33, %max3A_34 : vector<1024x256xf32>
    %swap3A = arith.constant 0 : index
    %swap3A_36 = arith.constant 0 : index
    %swap3A_37 = vector.load %arg6[%swap3A, %swap3A_36] : memref<1024x256xf32, #tpu.memory_space<vmem>>, vector<1024x256xf32>
    tpu.vector_store %arg6[%swap3A, %swap3A_36], %max3A_35 {strides = array<i32>} : memref<1024x256xf32, #tpu.memory_space<vmem>>, vector<1024x256xf32>,
    return
  }
  func.func @transform_0(%arg0: i32) -> (i32, i32, i32) {
    %c0_i32 = arith.constant 0 : i32
    %c0_i32_0 = arith.constant 0 : i32
    %c0_i32_1 = arith.constant 0 : i32
    return %c0_i32, %arg0, %c0_i32_0 : i32, i32, i32
  }
  func.func @transform_1(%arg0: i32) -> (i32, i32, i32) {
    %c0_i32 = arith.constant 0 : i32
    %c0_i32_0 = arith.constant 0 : i32
    %c0_i32_1 = arith.constant 0 : i32
    return %c0_i32, %arg0, %c0_i32_0 : i32, i32, i32
  }
  func.func @transform_2(%arg0: i32) -> (i32, i32) {
    %c0_i32 = arith.constant 0 : i32
    %c0_i32_0 = arith.constant 0 : i32
    return %c0_i32, %arg0 : i32, i32
  }
  func.func @transform_3(%arg0: i32) -> (i32, i32) {
    %c0_i32 = arith.constant 0 : i32
    %c0_i32_0 = arith.constant 0 : i32
    %c0_i32_1 = arith.constant 0 : i32
    return %c0_i32, %c0_i32_0 : i32, i32
  }
  func.func @transform_4(%arg0: i32) -> (i32, i32) {
    %c0_i32 = arith.constant 0 : i32
    %c0_i32_0 = arith.constant 0 : i32
    %c0_i32_1 = arith.constant 0 : i32
    return %c0_i32, %c0_i32_0 : i32, i32
  }
  func.func @transform_5(%arg0: i32) -> (i32, i32) {
    %c0_i32 = arith.constant 0 : i32
    %c0_i32_0 = arith.constant 0 : i32
    return %arg0, %c0_i32 : i32, i32
  }
}

</mosaic_0001>

<sc_bundles>
// kernel: kernel.6.cloned.1.call-start
scs
__scs_entry_jumppad:
0x0: {  	(pc) =	sbr.rel $0x88, $3  }
0x1: {  	(tag) =	ssettag $0x0;
	lr =	simm.s32 $0x1  }
0x2: {  	[smem:$0x3F96] =	sst lr;
	_ =	strace $0xD0000000  }
0x3: {  	_ = 	snop  }
0x4: {  	_ = 	snop  }
0x5: {  	_ = 	snop  }
0x6: {  	_ = 	snop  }
0x7: {  	_ = 	snop  }
__scs_overlays_trampoline_lowered:
0x8: {  	[smem:$0x3FA5] =	sst s0  }
0x9: {  	[smem:$0x3FA6] =	sst s1  }
0xa: {  	[smem:$0x3FA7] =	sst s2  }
0xb: {  	[smem:$0x3FA8] =	sst s3  }
0xc: {  	[smem:$0x3FA9] =	sst s4  }
0xd: {  	[smem:$0x3FAA] =	sst s5  }
0xe: {  	[smem:$0x3FAB] =	sst s6  }
0xf: {  	[smem:$0x3FAC] =	sst s7  }
0x10: {  	[smem:$0x3FAD] =	sst s8  }
0x11: {  	[smem:$0x3FAE] =	sst s9;
	s0 =	simm.s32 @!p0 $0x0  }
0x12: {  	s1 =	sld [smem:$0x3F94];
	s0 =	simm.s32 @p0 $0x1  }
0x13: {  	[smem:$0x3FAF] =	sst s0;
	s0 =	simm.s32 @!p1 $0x0  }
0x14: {  	s2 =	sld [smem:$0x3F93];
	s0 =	simm.s32 @p1 $0x1  }
0x15: {  	[smem:$0x3FB0] =	sst s0;
	s0 =	simm.s32 @!p2 $0x0  }
0x16: {  	s3 =	sld [smem:$0x3FDB];
	s0 =	simm.s32 @p2 $0x1  }
0x17: {  	s4 =	simm.s32 $0x1BF5;
	[smem:$0x3FB2] =	sst s0  }
0x18: {  	s0 =	sld [smem:$0x3F95];
	_ =	swait.ge [sflag:s4], $0x0  }
0x19: {  	s7 =	sld [smem:$0x3F96]  }
0x1a: {  	s8 =	sadd.s32 $0xFFFFE003, lr  }
0x1b: {  	s9 =	sadd.s32 $0xFFFFFEF7, lr;
	s5 =	simm.s32 $0xFFFFFFFF;
	p2 =	slt.u32 s8, $0xFFFFF086  }
0x1c: {  	p1 =	slt.u32 s9, $0xF7A;
	s5 =	simm.s32 @!p2 $0x0  }
0x1d: {  	s5 =	simm.s32 @p1 $0x1;
	p0 =	seq.s32 s7, s2  }
0x1e: {  	s7 =	smul.u32 @!p0 $0xF7A, s2;
	p2 =	seq.s32 @!p0 s5, $0x0  }
0x1f: {  	s9 =	smul.u32 $0xF7A, s1;
	s8 =	simm.s32 @!p0 $0x1BF5;
	p2 =	por !p2, p0  }
0x20: {  	[sflag:s8] =	ssyncset.s32 @!p0 $0xFFFFF086;
	s6 =	sadd.s32 @!p0 s3, s7;
	s7 =	simm.s32 @!p0 $0x108  }
0x21: {  	s3 =	sadd.s32 s3, s9;
	s6 =	sadd.s32 @!p0 $0x88, s6;
	s7 =	simm.s32 @p2 $0x1082  }
0x22: {  	[simem:s7], [sflag:s8] =	dma.local @!p0 [hbm:s6], $0xF7A  }
0x23: {  	s9 =	sor.u32 $0xD0000000, s2;
	s6 =	simm.s32 $0x108;
	_ =	swait.ge @!p0 [sflag:s8], $0x0  }
0x24: {  	s3 =	sadd.s32 $0x88, s3;
	s6 =	simm.s32 @!p1 $0x1082;
	[sflag:s4] =	ssyncset.s32 $0xFFFFF086  }
0x25: {  	[simem:s6], [sflag:s4] =	dma.local [hbm:s3], $0xF7A  }
0x26: {  	[smem:$0x3F96] =	sst s1;
	(tag) =	ssettag s2;
	_ =	strace s9  }
0x27: {  	s1 =	sld [smem:$0x3FA6]  }
0x28: {  	s2 =	sld [smem:$0x3FA7]  }
0x29: {  	s4 =	sld [smem:$0x3FA9]  }
0x2a: {  	p0 =	seq.s32 s5, $0x0;
	s5 =	sld [smem:$0x3FAA]  }
0x2b: {  	s6 =	sld [smem:$0x3FAB]  }
0x2c: {  	s7 =	sld [smem:$0x3FAC]  }
0x2d: {  	s3 =	simm.s32 $0x108;
	s8 =	sld [smem:$0x3FAD]  }
0x2e: {  	s3 =	simm.s32 @!p0 $0x1082;
	s9 =	sld [smem:$0x3FAE]  }
0x2f: {  	lr =	sadd.s32 s0, s3;
	s0 =	sld [smem:$0x3FA5]  }
0x30: {  	s3 =	sld [smem:$0x3FA8]  }
0x31: {  	[smem:$0x3FB1] =	sst s10  }
0x32: {  	s10 =	sld [smem:$0x3FAF];
	_ =	sdelay $0x3  }
0x33: {  	p0 =	seq.s32 s10, $0x1;
	s10 =	sld [smem:$0x3FB1];
	_ =	sdelay $0x3  }
0x34: {  	[smem:$0x3FB1] =	sst s10  }
0x35: {  	s10 =	sld [smem:$0x3FB0];
	_ =	sdelay $0x3  }
0x36: {  	p1 =	seq.s32 s10, $0x1;
	s10 =	sld [smem:$0x3FB1];
	_ =	sdelay $0x3  }
0x37: {  	[smem:$0x3FB1] =	sst s10  }
0x38: {  	s10 =	sld [smem:$0x3FB2]  }
0x39: {  	_ = 	snop;
	(pc) =	sbr.ind lr, $3  }
0x3a: {  	_ = 	snop  }
0x3b: {  	_ = 	snop  }
0x3c: {  	p2 =	seq.s32 s10, $0x1;
	s10 =	sld [smem:$0x3FB1]  }
0x3d: {  	_ =	shalt  }
0x3e: {  	_ =	shalt  }
0x3f: {  	_ =	shalt  }
0x40: {  	_ =	shalt  }
0x41: {  	_ =	shalt  }
0x42: {  	_ =	shalt  }
0x43: {  	_ =	shalt  }
0x44: {  	_ =	shalt  }
0x45: {  	_ =	shalt  }
0x46: {  	_ =	shalt  }
0x47: {  	_ =	shalt  }
0x48: {  	_ =	shalt  }
0x49: {  	_ =	shalt  }
0x4a: {  	_ =	shalt  }
0x4b: {  	_ =	shalt  }
0x4c: {  	_ =	shalt  }
0x4d: {  	_ =	shalt  }
0x4e: {  	_ =	shalt  }
0x4f: {  	_ =	shalt  }
0x50: {  	_ =	shalt  }
0x51: {  	_ =	shalt  }
0x52: {  	_ =	shalt  }
0x53: {  	_ =	shalt  }
0x54: {  	_ =	shalt  }
0x55: {  	_ =	shalt  }
0x56: {  	_ =	shalt  }
0x57: {  	_ =	shalt  }
0x58: {  	_ =	shalt  }
0x59: {  	_ =	shalt  }
0x5a: {  	_ =	shalt  }
0x5b: {  	_ =	shalt  }
0x5c: {  	_ =	shalt  }
0x5d: {  	_ =	shalt  }
0x5e: {  	_ =	shalt  }
0x5f: {  	_ =	shalt  }
0x60: {  	_ =	shalt  }
0x61: {  	_ =	shalt  }
0x62: {  	_ =	shalt  }
0x63: {  	_ =	shalt  }
0x64: {  	_ =	shalt  }
0x65: {  	_ =	shalt  }
0x66: {  	_ =	shalt  }
0x67: {  	_ =	shalt  }
0x68: {  	_ =	shalt  }
0x69: {  	_ =	shalt  }
0x6a: {  	_ =	shalt  }
0x6b: {  	_ =	shalt  }
0x6c: {  	_ =	shalt  }
0x6d: {  	_ =	shalt  }
0x6e: {  	_ =	shalt  }
0x6f: {  	_ =	shalt  }
0x70: {  	_ =	shalt  }
0x71: {  	_ =	shalt  }
0x72: {  	_ =	shalt  }
0x73: {  	_ =	shalt  }
0x74: {  	_ =	shalt  }
0x75: {  	_ =	shalt  }
0x76: {  	_ =	shalt  }
0x77: {  	_ =	shalt  }
0x78: {  	_ =	shalt  }
0x79: {  	_ =	shalt  }
0x7a: {  	_ =	shalt  }
0x7b: {  	_ =	shalt  }
0x7c: {  	_ =	shalt  }
0x7d: {  	_ =	shalt  }
0x7e: {  	_ =	shalt  }
0x7f: {  	_ =	shalt  }
0x80: {  	_ =	shalt  }
0x81: {  	_ =	shalt  }
0x82: {  	_ =	shalt  }
0x83: {  	_ =	shalt  }
0x84: {  	_ =	shalt  }
0x85: {  	_ =	shalt  }
0x86: {  	_ =	shalt  }
0x87: {  	_ =	shalt  }
.Lfunc_end0:
.L_simem_size_0:
called_computation_lowered:
.L_overlay_start_0:
0x88: {  	s2 =	sld [smem:$0x3FD9]  }
0x89: {  	s3 =	sld [smem:$0x3FFE];
	_ =	sdelay $0x1  }
0x8a: {  	s1 =	srdreg.scid  }
0x8b: {  	s0 =	sand.u32 $0x1, s1  }
0x8c: {  	s17 =	sshll.u32 s0, $0xA;
	s2 =	sadd.s32 s3, s2  }
0x8d: {  	s2 =	sadd.s32 s2, s17  }
0x8e: {  	[smem:$0x3FBD] =	sst s2  }
0x8f: {  	_ = 	snop  }
0x90: {  	(tm) =	ssettm $0x1  }
0x91: {  	s18 =	sld [smem:$0x3FFB];
	_ =	sdelay $0x3  }
0x92: {  	_ =	strace s18  }
0x93: {  	s2 =	sld [smem:$0x3FFC];
	_ =	sdelay $0x3  }
0x94: {  	_ =	strace s2  }
0x95: {  	s2 =	sld [smem:$0x3FFD];
	_ =	sdelay $0x3  }
0x96: {  	_ =	strace s2  }
0x97: {  	_ =	strace $0x8FFFFFFF  }
0x98: {  	s19 =	sld [smem:$0x3FDB];
	_ =	sdelay $0x1  }
0x99: {  	s20 =	simm.s32 $_scs_section_size  }
0x9a: {  	s4 =	simm.s32 $_size__tile_overlayer_lowered;
	s5 =	simm.s32 $_tile_overlayer_lowered  }
0x9b: {  	s6 =	simm.s32 $0x1BFF;
	s21 =	sshll.u32 s5, $0x1;
	s3 =	sadd.s32 s20, s19  }
0x9c: {  	s22 =	simm.s32 $0x0;
	s4 =	sshll.u32 s4, $0x1;
	s5 =	sadd.s32 s21, s3  }
0x9d: {  	[timem:s22], [sflag:s6] =	dma.local [hbm:s5], s4  }
0x9e: {  	_ =	swait.ge [sflag:s6], s4  }
0x9f: {  	s4 =	ssub.s32 $0x0, s4;
	[sflag:s6] =	ssyncset.done $0x0  }
0xa0: {  	[sflag:s6] =	ssyncadd.s32 s4;
	_ =	sdelay $0x1  }
0xa1: {  	s23 =	simm.s32 $0x1B8B  }
0xa2: {  	_ =	swait.ge [sflag:s23], $0x1  }
0xa3: {  	[sflag:s23] =	ssyncset.done $0x0  }
0xa4: {  	[sflag:s23] =	ssyncadd.s32 $0xFFFFFFFF  }
0xa5: {  	s4 =	sld [smem:$0x0]  }
0xa6: {  	s5 =	sand.u32 $0xFFFFFFFE, s1  }
0xa7: {  	p0 =	sne.s32 s1, s5  }
0xa8: {  	s5 =	sshll.u32 @p0 s5, $0xE  }
0xa9: {  	s5 =	sadd.s32 @p0 $0x11B8D, s5;
	s6 =	sshll.u32 @p0 s4, $0x11  }
0xaa: {  	s5 =	sor.u32 @p0 s6, s5  }
0xab: {  	[sflag:s5] =	ssyncadd.remote.s32 @p0 $0x1;
	_ =	sdelay $0x1  }
0xac: {  	s5 =	simm.s32 @p0 $0x1B8D  }
0xad: {  	_ =	swait.eq @p0 [sflag:s5], $0x1  }
0xae: {  	[sflag:s5] =	ssyncadd.s32 @p0 $0xFFFFFFFF  }
0xaf: {  	s6 =	sshll.u32 @!p0 s1, $0xE  }
0xb0: {  	s6 =	sor.u32 @!p0 $0x4000, s6;
	s5 =	simm.s32 @!p0 $0x1B8D  }
0xb1: {  	s4 =	sshll.u32 @!p0 s4, $0x11;
	s6 =	sadd.s32 @!p0 $0x11B8D, s6;
	_ =	swait.eq @!p0 [sflag:s5], $0x1  }
0xb2: {  	s4 =	sor.u32 @!p0 s4, s6;
	[sflag:s5] =	ssyncadd.s32 @!p0 $0xFFFFFFFF  }
0xb3: {  	s25 =	simm.s32 $0x1B8E;
	s24 =	sld [smem:$0x3FFE];
	[sflag:s4] =	ssyncadd.remote.s32 @!p0 $0x1  }
0xb4: {  	s26 =	simm.s32 $execute0_lowered;
	[smem:$0x3FD2] =	sst s25  }
0xb5: {  	s5 =	sshll.u32 s26, $0x1;
	_ =	strace $0x80000049;
	[dreg:$0x1] =	wrdreg $0xFFFFFFFF  }
0xb6: {  	s28 =	simm.s32 $_size_execute0_lowered;
	s3 =	sadd.s32 s3, s5;
	[dreg:$0x0] =	wrdreg $0x0  }
0xb7: {  	s5 =	sshll.u32 s28, $0x1;
	[dreg:$0x2] =	wrdreg s3  }
0xb8: {  	[dreg:$0x3] =	wrdreg s5  }
0xb9: {  	[dreg:$0x4] =	wrdreg $0xC0  }
0xba: {  	_ =	task [dreg:s22], $0x5FFFF  }
0xbb: {  	[dreg:$0x1] =	wrdreg $0xFFFFFFFF  }
0xbc: {  	[dreg:$0x0] =	wrdreg $0x60  }
0xbd: {  	[dreg:$0x2] =	wrdreg s24  }
0xbe: {  	[dreg:$0x3] =	wrdreg $0x9  }
0xbf: {  	_ =	task.clear_ibuf [dreg:s22], $0x4FFFF;
	_ =	strace $0x90000049  }
0xc0: {  	s29 =	simm.s32 $0x9;
	_ =	strace $0x8000004B  }
0xc1: {  	_ =	swait.ge [sflag:s29], $0x1  }
0xc2: {  	[sflag:s29] =	ssyncadd.s32 $0xFFFFFFFF  }
0xc3: {  	_ =	strace $0x9000004B  }
0xc4: {  	_ =	sfence  }
0xc5: {  	s30 =	sld [smem:$0x0];
	_ =	sdelay $0x2  }
0xc6: {  	s31 =	sshll.u32 s1, $0xD;
	s1 =	sshrl.u32 s1, $0x2  }
0xc7: {  	s4 =	sand.u32 $0x4000, s31;
	s1 =	sadd.s32 s1, s30  }
0xc8: {  	s0 =	sor.u32 s4, s0;
	s1 =	sshll.u32 s1, $0x11  }
0xc9: {  	s0 =	sor.u32 s1, s0  }
0xca: {  	s0 =	sadd.s32 $0x8F2B, s0  }
0xcb: {  	[sflag:s0] =	ssyncadd.remote.s32 $0x1  }
0xcc: {  	_ =	sfence.sel $0xFFFF  }
0xcd: {  	[dreg:$0x0] =	wrdreg $0xFFFFFFFF;
	(pc) =	sbr.abs _section_cstart, $3  }
0xce: {  	[dreg:$0x1] =	wrdreg $0xFFFFFFFF  }
0xcf: {  	_ =	task.clear_ibuf [dreg:s22], $0x2FFFF;
	_ =	strace $0x9FFFFFFF  }
0xd0: {  	(tm) =	ssettm $0x7FFFFFFF  }
0xd1: {  	_ =	shalt  }
tec
execute0_lowered:
.L_overlay_start_1:
0x0: {  	(tag) =	ssettag $0x1  }
0x1: {  	s0 =	srdreg.scid  }
0x2: {  	s3 =	sand.u32 $0x1, s0  }
0x3: {  	s4 =	rddreg [dreg:$0x0];
	s0 =	stileid.u32;
	s1 =	sshll.u32 s3, $0x4  }
0x4: {  	s2 =	simm.s32 $0x0;
	s8 =	simm.s32 $0x80;
	s5 =	sor.u32 s0, s1  }
0x5: {  	s9 =	simm.s32 $0x400;
	[smem:$0x7FF] =	sst s2;
	s6 =	sshrl.u32 s5, $0x3  }
0x6: {  	s7 =	sshll.u32 s0, $0x7;
	s3 =	ssub.s32 $0x2, s3;
	s6 =	smul.u32 $0x14000, s6  }
0x7: {  	s1 =	rddreg [dreg:$0x1];
	s7 =	sand.u32 $0x380, s7;
	s5 =	smul.u32 $0x1400, s5  }
0x8: {  	_ =	strace $0x8000004A;
	s30 =	sshrl.u32 s3, $0x1;
	s6 =	sor.u32 s7, s6  }
0x9: {  	s31 =	ssub.s32 s3, s30;
	s5 =	sadd.s32 s5, s4;
	s6 =	sshrl.u32 s6, $0x3  }
0xa: {  	s3 =	sadd.s32 $0x2000, s5;
	s5 =	smax.u32 s31, $0x1;
	s4 =	sadd.s32 s6, s4  }
0xb: {  	v0 =	vimm.f32 $0.0e+00;
	v1 =	vimm.f32 $1.000000000e+00;
	s7 =	simm.s32 $0xA000;
	s6 =	simm.s32 $0x1;
	s4 =	sadd.s32 $0xCA000, s4  }
.LBB2_1:
0xc: {  	s10 =	simm.s32 $0x40;
	s11 =	simm.s32 $0x0  }
.LBB2_2:
0xd: {  	p0 =	sne.s32 s10, $0x9FC0;
	[tilespmem:s11+$0xA000] =	vst v0;
	s11 =	smov.u32 s10;
	s10 =	sadd.s32 $0x40, s10  }
.Ltmp0:
0xe: {  	(pc) =	sbr.rel @p0 .LBB2_2-.Ltmp0, $2  }
0xf: {  	_ =	sdelay $0x2  }
0x10: {  	s11 =	sshra.s32 s11, $0x2  }
0x11: {  	[tilespmem:s11+$0xA000] =	vst v0;
	s10 =	simm.s32 $0x0  }
0x12: {  	[tilespmem:s10], [sflag:$0x1] =	stream.linear.gather [hbm4b:s3+s10], $0xA000, $0x38;
	[tilespmem:$0xC800] =	vst v63  }
0x13: {  	_ =	swait.ge [sflag:s6], $0xA000  }
0x14: {  	[sflag:s6] =	ssyncset.done $0x0  }
0x15: {  	s11 =	simm.s32 $0x0;
	s10 =	simm.s32 $0x200;
	[sflag:s6] =	ssyncadd.s32 $0xFFFF6000  }
.LBB2_4:
0x16: {  	p0 =	sne.s32 s10, $0x27E00;
	v2 =	vld [tilespmem:s11+$0x0];
	_ =	sdelay $0x7  }
0x17: {  	[tilespmem:v2+s7+$0x0] =	vst.idx.add.f32.msk $0xffff, v1  }
0x18: {  	v2 =	vld [tilespmem:s11+$0x10];
	_ =	sdelay $0x3  }
.Ltmp1:
0x19: {  	(pc) =	sbr.rel @p0 .LBB2_4-.Ltmp1, $2  }
0x1a: {  	_ =	sdelay $0x2  }
0x1b: {  	s11 =	sshra.s32 s10, $0x2;
	s10 =	sadd.s32 $0x200, s10;
	[tilespmem:v2+s7+$0x0] =	vst.idx.add.f32.msk $0xffff, v1  }
0x1c: {  	v2 =	vld [tilespmem:s11+$0x0];
	_ =	sdelay $0x7  }
0x1d: {  	[tilespmem:v2+s7+$0x0] =	vst.idx.add.f32.msk $0xffff, v1  }
0x1e: {  	v2 =	vld [tilespmem:s11+$0x10];
	_ =	sdelay $0x5  }
0x1f: {  	s2 =	sadd.s32 $0x1, s2  }
0x20: {  	p0 =	sne.s32 s2, s5  }
.Ltmp2:
0x21: {  	[tilespmem:v2+s7+$0x0] =	vst.idx.add.f32.msk $0xffff, v1;
	(pc) =	sbr.rel @p0 .LBB2_1-.Ltmp2, $4  }
0x22: {  	[hbm4b:s4+s8] =	stream.strided.scatter [tilespmem:s7], [sflag:$0x1], $0x2800, s9, s8, $0x38;
	[tilespmem:$0xC800] =	vst v63  }
0x23: {  	_ =	swait.ge [sflag:s6], $0x2800  }
0x24: {  	[sflag:s6] =	ssyncset.done $0x0  }
0x25: {  	[sflag:s6] =	ssyncadd.s32 $0xFFFFD800  }
0x26: {  	_ =	sfence.sel $0x180000  }
0x27: {  	[bflag:$0x0] =	sbarrier.arrive $0xFFFF  }
0x28: {  	p0 =	sne.s32 s0, $0x0;
	_ =	strace $0x9000004A  }
0x29: {  	s0 =	sadd.s32 @!p0 $0x100000, s1;
	[bflag:$0x2] =	sbarrier.arrive $0xFFFF  }
0x2a: {  	[sflag:s0] =	ssyncadd.tile.s32 @!p0 $0x1;
	_ =	shalt  }
.Lfunc_end2:
_tile_overlayer_lowered:
.L_overlay_start_2:
0x2b: {  	(tag) =	ssettag $0x2  }
0x2c: {  	s0 =	rddreg [dreg:$0x0];
	s2 =	stileid.u32  }
0x2d: {  	s1 =	rddreg [dreg:$0x1];
	p0 =	sne.s32 s2, $0x0  }
0x2e: {  	s3 =	rddreg [dreg:$0x2];
	[bflag:$0x3] =	sbarrier.arrive $0xFFFF;
	s2 =	simm.s32 @!p0 $0x1C01  }
0x2f: {  	[timem:s3], [sflag:s2] =	dma.local @!p0 [hbm:s0], s1  }
0x30: {  	s0 =	simm.s32 @!p0 $0x1  }
0x31: {  	_ =	swait.ge @!p0 [sflag:s0], s1  }
0x32: {  	s1 =	ssub.s32 @!p0 $0x0, s1;
	[sflag:s0] =	ssyncset.done @!p0 $0x0  }
0x33: {  	[sflag:s0] =	ssyncadd.s32 @!p0 s1  }
0x34: {  	[bflag:$0x3] =	sbarrier.arrive $0xFFFF  }
0x35: {  	_ =	shalt  }

// kernel: kernel.9.cloned.1.call-start
scs
__scs_entry_jumppad:
0x0: {  	(pc) =	sbr.rel $0x88, $3  }
0x1: {  	(tag) =	ssettag $0x0;
	lr =	simm.s32 $0x1  }
0x2: {  	[smem:$0x3F96] =	sst lr;
	_ =	strace $0xD0000000  }
0x3: {  	_ = 	snop  }
0x4: {  	_ = 	snop  }
0x5: {  	_ = 	snop  }
0x6: {  	_ = 	snop  }
0x7: {  	_ = 	snop  }
__scs_overlays_trampoline_lowered:
0x8: {  	[smem:$0x3FA5] =	sst s0  }
0x9: {  	[smem:$0x3FA6] =	sst s1  }
0xa: {  	[smem:$0x3FA7] =	sst s2  }
0xb: {  	[smem:$0x3FA8] =	sst s3  }
0xc: {  	[smem:$0x3FA9] =	sst s4  }
0xd: {  	[smem:$0x3FAA] =	sst s5  }
0xe: {  	[smem:$0x3FAB] =	sst s6  }
0xf: {  	[smem:$0x3FAC] =	sst s7  }
0x10: {  	[smem:$0x3FAD] =	sst s8  }
0x11: {  	[smem:$0x3FAE] =	sst s9;
	s0 =	simm.s32 @!p0 $0x0  }
0x12: {  	s1 =	sld [smem:$0x3F94];
	s0 =	simm.s32 @p0 $0x1  }
0x13: {  	[smem:$0x3FAF] =	sst s0;
	s0 =	simm.s32 @!p1 $0x0  }
0x14: {  	s2 =	sld [smem:$0x3F93];
	s0 =	simm.s32 @p1 $0x1  }
0x15: {  	[smem:$0x3FB0] =	sst s0;
	s0 =	simm.s32 @!p2 $0x0  }
0x16: {  	s3 =	sld [smem:$0x3FDB];
	s0 =	simm.s32 @p2 $0x1  }
0x17: {  	s4 =	simm.s32 $0x1BF5;
	[smem:$0x3FB2] =	sst s0  }
0x18: {  	s0 =	sld [smem:$0x3F95];
	_ =	swait.ge [sflag:s4], $0x0  }
0x19: {  	s7 =	sld [smem:$0x3F96]  }
0x1a: {  	s8 =	sadd.s32 $0xFFFFE003, lr  }
0x1b: {  	s9 =	sadd.s32 $0xFFFFFEF7, lr;
	s5 =	simm.s32 $0xFFFFFFFF;
	p2 =	slt.u32 s8, $0xFFFFF086  }
0x1c: {  	p1 =	slt.u32 s9, $0xF7A;
	s5 =	simm.s32 @!p2 $0x0  }
0x1d: {  	s5 =	simm.s32 @p1 $0x1;
	p0 =	seq.s32 s7, s2  }
0x1e: {  	s7 =	smul.u32 @!p0 $0xF7A, s2;
	p2 =	seq.s32 @!p0 s5, $0x0  }
0x1f: {  	s9 =	smul.u32 $0xF7A, s1;
	s8 =	simm.s32 @!p0 $0x1BF5;
	p2 =	por !p2, p0  }
0x20: {  	[sflag:s8] =	ssyncset.s32 @!p0 $0xFFFFF086;
	s6 =	sadd.s32 @!p0 s3, s7;
	s7 =	simm.s32 @!p0 $0x108  }
0x21: {  	s3 =	sadd.s32 s3, s9;
	s6 =	sadd.s32 @!p0 $0x88, s6;
	s7 =	simm.s32 @p2 $0x1082  }
0x22: {  	[simem:s7], [sflag:s8] =	dma.local @!p0 [hbm:s6], $0xF7A  }
0x23: {  	s9 =	sor.u32 $0xD0000000, s2;
	s6 =	simm.s32 $0x108;
	_ =	swait.ge @!p0 [sflag:s8], $0x0  }
0x24: {  	s3 =	sadd.s32 $0x88, s3;
	s6 =	simm.s32 @!p1 $0x1082;
	[sflag:s4] =	ssyncset.s32 $0xFFFFF086  }
0x25: {  	[simem:s6], [sflag:s4] =	dma.local [hbm:s3], $0xF7A  }
0x26: {  	[smem:$0x3F96] =	sst s1;
	(tag) =	ssettag s2;
	_ =	strace s9  }
0x27: {  	s1 =	sld [smem:$0x3FA6]  }
0x28: {  	s2 =	sld [smem:$0x3FA7]  }
0x29: {  	s4 =	sld [smem:$0x3FA9]  }
0x2a: {  	p0 =	seq.s32 s5, $0x0;
	s5 =	sld [smem:$0x3FAA]  }
0x2b: {  	s6 =	sld [smem:$0x3FAB]  }
0x2c: {  	s7 =	sld [smem:$0x3FAC]  }
0x2d: {  	s3 =	simm.s32 $0x108;
	s8 =	sld [smem:$0x3FAD]  }
0x2e: {  	s3 =	simm.s32 @!p0 $0x1082;
	s9 =	sld [smem:$0x3FAE]  }
0x2f: {  	lr =	sadd.s32 s0, s3;
	s0 =	sld [smem:$0x3FA5]  }
0x30: {  	s3 =	sld [smem:$0x3FA8]  }
0x31: {  	[smem:$0x3FB1] =	sst s10  }
0x32: {  	s10 =	sld [smem:$0x3FAF];
	_ =	sdelay $0x3  }
0x33: {  	p0 =	seq.s32 s10, $0x1;
	s10 =	sld [smem:$0x3FB1];
	_ =	sdelay $0x3  }
0x34: {  	[smem:$0x3FB1] =	sst s10  }
0x35: {  	s10 =	sld [smem:$0x3FB0];
	_ =	sdelay $0x3  }
0x36: {  	p1 =	seq.s32 s10, $0x1;
	s10 =	sld [smem:$0x3FB1];
	_ =	sdelay $0x3  }
0x37: {  	[smem:$0x3FB1] =	sst s10  }
0x38: {  	s10 =	sld [smem:$0x3FB2]  }
0x39: {  	_ = 	snop;
	(pc) =	sbr.ind lr, $3  }
0x3a: {  	_ = 	snop  }
0x3b: {  	_ = 	snop  }
0x3c: {  	p2 =	seq.s32 s10, $0x1;
	s10 =	sld [smem:$0x3FB1]  }
0x3d: {  	_ =	shalt  }
0x3e: {  	_ =	shalt  }
0x3f: {  	_ =	shalt  }
0x40: {  	_ =	shalt  }
0x41: {  	_ =	shalt  }
0x42: {  	_ =	shalt  }
0x43: {  	_ =	shalt  }
0x44: {  	_ =	shalt  }
0x45: {  	_ =	shalt  }
0x46: {  	_ =	shalt  }
0x47: {  	_ =	shalt  }
0x48: {  	_ =	shalt  }
0x49: {  	_ =	shalt  }
0x4a: {  	_ =	shalt  }
0x4b: {  	_ =	shalt  }
0x4c: {  	_ =	shalt  }
0x4d: {  	_ =	shalt  }
0x4e: {  	_ =	shalt  }
0x4f: {  	_ =	shalt  }
0x50: {  	_ =	shalt  }
0x51: {  	_ =	shalt  }
0x52: {  	_ =	shalt  }
0x53: {  	_ =	shalt  }
0x54: {  	_ =	shalt  }
0x55: {  	_ =	shalt  }
0x56: {  	_ =	shalt  }
0x57: {  	_ =	shalt  }
0x58: {  	_ =	shalt  }
0x59: {  	_ =	shalt  }
0x5a: {  	_ =	shalt  }
0x5b: {  	_ =	shalt  }
0x5c: {  	_ =	shalt  }
0x5d: {  	_ =	shalt  }
0x5e: {  	_ =	shalt  }
0x5f: {  	_ =	shalt  }
0x60: {  	_ =	shalt  }
0x61: {  	_ =	shalt  }
0x62: {  	_ =	shalt  }
0x63: {  	_ =	shalt  }
0x64: {  	_ =	shalt  }
0x65: {  	_ =	shalt  }
0x66: {  	_ =	shalt  }
0x67: {  	_ =	shalt  }
0x68: {  	_ =	shalt  }
0x69: {  	_ =	shalt  }
0x6a: {  	_ =	shalt  }
0x6b: {  	_ =	shalt  }
0x6c: {  	_ =	shalt  }
0x6d: {  	_ =	shalt  }
0x6e: {  	_ =	shalt  }
0x6f: {  	_ =	shalt  }
0x70: {  	_ =	shalt  }
0x71: {  	_ =	shalt  }
0x72: {  	_ =	shalt  }
0x73: {  	_ =	shalt  }
0x74: {  	_ =	shalt  }
0x75: {  	_ =	shalt  }
0x76: {  	_ =	shalt  }
0x77: {  	_ =	shalt  }
0x78: {  	_ =	shalt  }
0x79: {  	_ =	shalt  }
0x7a: {  	_ =	shalt  }
0x7b: {  	_ =	shalt  }
0x7c: {  	_ =	shalt  }
0x7d: {  	_ =	shalt  }
0x7e: {  	_ =	shalt  }
0x7f: {  	_ =	shalt  }
0x80: {  	_ =	shalt  }
0x81: {  	_ =	shalt  }
0x82: {  	_ =	shalt  }
0x83: {  	_ =	shalt  }
0x84: {  	_ =	shalt  }
0x85: {  	_ =	shalt  }
0x86: {  	_ =	shalt  }
0x87: {  	_ =	shalt  }
.Lfunc_end0:
.L_simem_size_0:
called_computation.1_lowered:
.L_overlay_start_0:
0x88: {  	s2 =	sld [smem:$0x3FD9]  }
0x89: {  	s3 =	sld [smem:$0x3FFE];
	_ =	sdelay $0x1  }
0x8a: {  	s1 =	srdreg.scid  }
0x8b: {  	s0 =	sand.u32 $0x1, s1  }
0x8c: {  	s17 =	sshll.u32 s0, $0xA;
	s2 =	sadd.s32 s3, s2  }
0x8d: {  	s2 =	sadd.s32 s2, s17  }
0x8e: {  	[smem:$0x3FBD] =	sst s2  }
0x8f: {  	_ = 	snop  }
0x90: {  	s2 =	sld [smem:$0x3FD0];
	(tm) =	ssettm $0x1  }
0x91: {  	s18 =	sld [smem:$0x3FFB];
	_ =	sdelay $0x3  }
0x92: {  	_ =	strace s18  }
0x93: {  	s3 =	sld [smem:$0x3FFC];
	_ =	sdelay $0x3  }
0x94: {  	_ =	strace s3  }
0x95: {  	s3 =	sld [smem:$0x3FFD];
	_ =	sdelay $0x3  }
0x96: {  	_ =	strace s3  }
0x97: {  	_ =	strace $0x8FFFFFFF  }
0x98: {  	s19 =	sld [smem:$0x3FDB];
	_ =	sdelay $0x1  }
0x99: {  	s4 =	simm.s32 $_scs_section_size  }
0x9a: {  	s5 =	simm.s32 $_size__tile_overlayer_lowered;
	s6 =	simm.s32 $_tile_overlayer_lowered  }
0x9b: {  	s22 =	simm.s32 $0x1BFF;
	s21 =	sshll.u32 s6, $0x1;
	s3 =	sadd.s32 s4, s19  }
0x9c: {  	s7 =	simm.s32 $0x0;
	s20 =	sshll.u32 s5, $0x1;
	s5 =	sadd.s32 s21, s3  }
0x9d: {  	[timem:s7], [sflag:s22] =	dma.local [hbm:s5], s20  }
0x9e: {  	_ =	swait.ge [sflag:s22], s20  }
0x9f: {  	s4 =	ssub.s32 $0x0, s20;
	[sflag:s22] =	ssyncset.done $0x0  }
0xa0: {  	[sflag:s22] =	ssyncadd.s32 s4;
	_ =	sdelay $0x1  }
0xa1: {  	s23 =	simm.s32 $0x1B8B  }
0xa2: {  	_ =	swait.ge [sflag:s23], $0x1  }
0xa3: {  	[sflag:s23] =	ssyncset.done $0x0  }
0xa4: {  	s25 =	simm.s32 $0x1B8E;
	s24 =	sld [smem:$0x3FFE];
	[sflag:s23] =	ssyncadd.s32 $0xFFFFFFFF  }
0xa5: {  	s26 =	simm.s32 $execute0_lowered;
	[smem:$0x3FD2] =	sst s25  }
0xa6: {  	s5 =	sshll.u32 s26, $0x1;
	_ =	strace $0x80000046;
	[dreg:$0x1] =	wrdreg $0xFFFFFFFF  }
0xa7: {  	s28 =	simm.s32 $_size_execute0_lowered;
	s3 =	sadd.s32 s3, s5;
	[dreg:$0x0] =	wrdreg $0x0  }
0xa8: {  	s5 =	sshll.u32 s28, $0x1;
	[dreg:$0x2] =	wrdreg s3  }
0xa9: {  	[dreg:$0x3] =	wrdreg s5  }
0xaa: {  	[dreg:$0x4] =	wrdreg $0xC0  }
0xab: {  	_ =	task [dreg:s7], $0x5FFFF  }
0xac: {  	[dreg:$0x1] =	wrdreg $0xFFFFFFFF  }
0xad: {  	[dreg:$0x0] =	wrdreg $0x60  }
0xae: {  	[dreg:$0x2] =	wrdreg s24  }
0xaf: {  	[dreg:$0x3] =	wrdreg s2  }
0xb0: {  	[dreg:$0x4] =	wrdreg $0x70000  }
0xb1: {  	[dreg:$0x5] =	wrdreg $0xA  }
0xb2: {  	_ =	task.clear_ibuf [dreg:s7], $0x6FFFF;
	_ =	strace $0x90000046  }
0xb3: {  	s29 =	simm.s32 $0xA;
	_ =	strace $0x80000048  }
0xb4: {  	_ =	swait.ge [sflag:s29], $0x1  }
0xb5: {  	[sflag:s29] =	ssyncadd.s32 $0xFFFFFFFF  }
0xb6: {  	_ =	strace $0x90000048  }
0xb7: {  	_ =	sfence  }
0xb8: {  	s30 =	sld [smem:$0x0];
	_ =	sdelay $0x2  }
0xb9: {  	s31 =	sshll.u32 s1, $0xD;
	s1 =	sshrl.u32 s1, $0x2  }
0xba: {  	s3 =	sand.u32 $0x4000, s31;
	s1 =	sadd.s32 s1, s30  }
0xbb: {  	s0 =	sor.u32 s3, s0;
	s1 =	sshll.u32 s1, $0x11  }
0xbc: {  	s0 =	sor.u32 s1, s0  }
0xbd: {  	s0 =	sadd.s32 $0x8F2B, s0  }
0xbe: {  	[sflag:s0] =	ssyncadd.remote.s32 $0x1  }
0xbf: {  	_ =	sfence.sel $0xFFFF  }
0xc0: {  	[dreg:$0x0] =	wrdreg $0xFFFFFFFF;
	(pc) =	sbr.abs _section_cstart, $3  }
0xc1: {  	[dreg:$0x1] =	wrdreg $0xFFFFFFFF  }
0xc2: {  	_ =	task.clear_ibuf [dreg:s7], $0x2FFFF;
	_ =	strace $0x9FFFFFFF  }
0xc3: {  	(tm) =	ssettm $0x7FFFFFFF  }
tec
execute0_lowered:
.L_overlay_start_1:
0x0: {  	(tag) =	ssettag $0x1  }
0x1: {  	s3 =	rddreg [dreg:$0x0]  }
0x2: {  	s0 =	rddreg [dreg:$0x1]  }
0x3: {  	s1 =	rddreg [dreg:$0x2];
	s2 =	simm.s32 $0x0  }
0x4: {  	s4 =	simm.s32 $0x80;
	[smem:$0x7FF] =	sst s2  }
0x5: {  	s26 =	simm.s32 $0x180;
	_ =	strace $0x80000047;
	[dreg:$0x4] =	wrdreg s4  }
0x6: {  	s5 =	simm.s32 $0x200;
	[dreg:$0x5] =	wrdreg s26  }
0x7: {  	s6 =	simm.s32 $0x280;
	[dreg:$0x6] =	wrdreg s5  }
0x8: {  	s7 =	simm.s32 $0x1080;
	[dreg:$0x7] =	wrdreg s6  }
0x9: {  	s8 =	simm.s32 $0x300;
	[dreg:$0x8] =	wrdreg s7  }
0xa: {  	s9 =	simm.s32 $0x1100;
	[dreg:$0x9] =	wrdreg s8  }
0xb: {  	s10 =	simm.s32 $0x380;
	[dreg:$0xa] =	wrdreg s9  }
0xc: {  	s11 =	simm.s32 $0x1180;
	[dreg:$0xb] =	wrdreg s10  }
0xd: {  	s12 =	simm.s32 $0x400;
	[dreg:$0xc] =	wrdreg s11  }
0xe: {  	s13 =	simm.s32 $0x1200;
	[dreg:$0xd] =	wrdreg s12  }
0xf: {  	s14 =	simm.s32 $0x480;
	[dreg:$0xe] =	wrdreg s13  }
0x10: {  	s15 =	simm.s32 $0x1280;
	[dreg:$0xf] =	wrdreg s14  }
0x11: {  	s16 =	simm.s32 $0x500;
	[dreg:$0x10] =	wrdreg s15  }
0x12: {  	s17 =	simm.s32 $0x1300;
	[dreg:$0x11] =	wrdreg s16  }
0x13: {  	s18 =	simm.s32 $0x580;
	[dreg:$0x12] =	wrdreg s17  }
0x14: {  	s19 =	simm.s32 $0x1380;
	[dreg:$0x13] =	wrdreg s18  }
0x15: {  	s20 =	simm.s32 $0x600;
	[dreg:$0x14] =	wrdreg s19  }
0x16: {  	s21 =	simm.s32 $0x1400;
	[dreg:$0x15] =	wrdreg s20  }
0x17: {  	s22 =	simm.s32 $0x680;
	[dreg:$0x16] =	wrdreg s21  }
0x18: {  	s23 =	simm.s32 $0x1480;
	[dreg:$0x17] =	wrdreg s22  }
0x19: {  	s24 =	simm.s32 $0x700;
	[dreg:$0x18] =	wrdreg s23  }
0x1a: {  	s25 =	simm.s32 $0x1500;
	[dreg:$0x19] =	wrdreg s24  }
0x1b: {  	[dreg:$0x1a] =	wrdreg s25;
	s26 =	simm.s32 $0x780  }
0x1c: {  	s5 =	simm.s32 $0x1580;
	[dreg:$0x1b] =	wrdreg s26  }
0x1d: {  	s6 =	simm.s32 $0x1600;
	[dreg:$0x1c] =	wrdreg s5  }
0x1e: {  	s7 =	simm.s32 $0x1680;
	[dreg:$0x1d] =	wrdreg s6  }
0x1f: {  	s8 =	simm.s32 $0x1700;
	[dreg:$0x1e] =	wrdreg s7  }
0x20: {  	s9 =	simm.s32 $0x1780;
	[dreg:$0x1f] =	wrdreg s8  }
0x21: {  	s10 =	simm.s32 $0x880;
	[smem:$0x7CC] =	sst s9  }
0x22: {  	s11 =	simm.s32 $0x900;
	[smem:$0x7CD] =	sst s10  }
0x23: {  	s12 =	simm.s32 $0x980;
	[smem:$0x7CE] =	sst s11  }
0x24: {  	s13 =	simm.s32 $0xA00;
	[smem:$0x7CF] =	sst s12  }
0x25: {  	s14 =	simm.s32 $0xA80;
	[smem:$0x7D0] =	sst s13  }
0x26: {  	s15 =	simm.s32 $0x1880;
	[smem:$0x7D1] =	sst s14  }
0x27: {  	s16 =	simm.s32 $0xB00;
	[smem:$0x7D2] =	sst s15  }
0x28: {  	s17 =	simm.s32 $0x1900;
	[smem:$0x7D3] =	sst s16  }
0x29: {  	s18 =	simm.s32 $0xB80;
	[smem:$0x7D4] =	sst s17  }
0x2a: {  	s19 =	simm.s32 $0x1980;
	[smem:$0x7D5] =	sst s18  }
0x2b: {  	s21 =	simm.s32 $0xC00;
	[smem:$0x7D6] =	sst s19  }
0x2c: {  	s22 =	simm.s32 $0x1A00;
	[smem:$0x7D7] =	sst s21  }
0x2d: {  	s23 =	simm.s32 $0xC80;
	[smem:$0x7D8] =	sst s22  }
0x2e: {  	s25 =	simm.s32 $0x1A80;
	[smem:$0x7D9] =	sst s23  }
0x2f: {  	[smem:$0x7DA] =	sst s25;
	s26 =	simm.s32 $0xD00  }
0x30: {  	s11 =	simm.s32 $0x1B00;
	[smem:$0x7DC] =	sst s26  }
0x31: {  	s13 =	simm.s32 $0xD80;
	[smem:$0x7DE] =	sst s11  }
0x32: {  	s9 =	stileid.u32;
	s15 =	simm.s32 $0x1B80;
	[smem:$0x7E0] =	sst s13  }
0x33: {  	s17 =	simm.s32 $0xE00;
	s5 =	smul.u32 $0x2800, s9;
	[smem:$0x7E2] =	sst s15  }
0x34: {  	s19 =	simm.s32 $0x1C00;
	s9 =	smul.u32 $0x50000, s9;
	[smem:$0x7E4] =	sst s17  }
0x35: {  	s21 =	simm.s32 $0xE80;
	[smem:$0x7E6] =	sst s19  }
0x36: {  	s23 =	simm.s32 $0x1C80;
	[smem:$0x7E8] =	sst s21;
	s24 =	sshrl.u32 s9, $0x2  }
0x37: {  	s25 =	simm.s32 $0xF00;
	[smem:$0x7EA] =	sst s23;
	s4 =	sadd.s32 s24, s1  }
0x38: {  	s6 =	srdreg.scid;
	[smem:$0x7EC] =	sst s25;
	s10 =	sadd.s32 $0x1000, s4  }
0x39: {  	s7 =	sand.u32 $0x1, s6;
	s12 =	sadd.s32 $0x2000, s4;
	[smem:$0x7DB] =	sst s10  }
0x3a: {  	s8 =	smul.u32 $0x28000, s7;
	s14 =	sadd.s32 $0x3000, s4;
	[smem:$0x7DD] =	sst s12  }
0x3b: {  	s7 =	ssub.s32 $0x2, s7;
	s16 =	sadd.s32 $0x4000, s4;
	[smem:$0x7DF] =	sst s14  }
0x3c: {  	s20 =	sshrl.u32 s7, $0x1;
	s18 =	sadd.s32 $0x5000, s4;
	[smem:$0x7E1] =	sst s16  }
0x3d: {  	s7 =	ssub.s32 s7, s20;
	s20 =	sadd.s32 $0x6000, s4;
	[smem:$0x7E3] =	sst s18  }
0x3e: {  	s22 =	sadd.s32 $0x7000, s4;
	[smem:$0x7E5] =	sst s20  }
0x3f: {  	s30 =	simm.s32 $0x2000;
	s24 =	sadd.s32 $0x8000, s4;
	[smem:$0x7E7] =	sst s22  }
0x40: {  	s31 =	simm.s32 $0x3000;
	s26 =	sadd.s32 $0x9000, s4;
	[smem:$0x7E9] =	sst s24  }
0x41: {  	s6 =	sadd.s32 s5, s3;
	s11 =	sadd.s32 $0xA000, s4;
	[smem:$0x7EB] =	sst s26  }
0x42: {  	s9 =	simm.s32 $0x100;
	s13 =	sadd.s32 $0xB000, s4;
	[smem:$0x7ED] =	sst s11  }
0x43: {  	s3 =	sadd.s32 s8, s3;
	s15 =	sadd.s32 $0xC000, s4;
	[smem:$0x7EF] =	sst s13  }
0x44: {  	s8 =	simm.s32 $0x20;
	s17 =	sadd.s32 $0xD000, s4;
	[smem:$0x7F1] =	sst s15  }
0x45: {  	s19 =	sadd.s32 $0xE000, s4;
	s21 =	sadd.s32 $0xF000, s4;
	[smem:$0x7F3] =	sst s17  }
0x46: {  	s23 =	sadd.s32 $0x7A000, s3;
	s25 =	smax.u32 s7, $0x1;
	[smem:$0x7F5] =	sst s19  }
0x47: {  	s28 =	sadd.s32 $0x12000, s4;
	s29 =	sadd.s32 $0x13000, s4;
	[smem:$0x7F7] =	sst s21  }
0x48: {  	s7 =	simm.s32 $0x1800;
	s10 =	simm.s32 $0x1D00;
	[smem:$0x7FC] =	sst s25  }
0x49: {  	s12 =	simm.s32 $0xF80;
	s14 =	simm.s32 $0x1D80;
	[smem:$0x7EE] =	sst s10  }
0x4a: {  	s16 =	simm.s32 $0x1E00;
	s18 =	simm.s32 $0x1E80;
	[smem:$0x7F0] =	sst s12  }
0x4b: {  	s20 =	simm.s32 $0x1F00;
	s22 =	simm.s32 $0x1F80;
	[smem:$0x7F2] =	sst s14  }
0x4c: {  	s24 =	sadd.s32 $0x10000, s4;
	s26 =	sadd.s32 $0x11000, s4;
	[smem:$0x7F4] =	sst s16  }
0x4d: {  	s11 =	simm.s32 $0x5000;
	s13 =	simm.s32 $0x1;
	[smem:$0x7F6] =	sst s18  }
0x4e: {  	s15 =	simm.s32 $0x2;
	s17 =	simm.s32 $0x4;
	[smem:$0x7F8] =	sst s20  }
0x4f: {  	s19 =	simm.s32 $0x0;
	s20 =	sadd.s32 s0, s5;
	[smem:$0x7F9] =	sst s22  }
0x50: {  	s0 =	sadd.s32 s5, s23;
	[smem:$0x7FB] =	sst s24;
	s23 =	sadd.s32 $0x2000, s6  }
0x51: {  	s24 =	sadd.s32 $0x2A000, s3;
	[smem:$0x7FD] =	sst s26;
	s3 =	simm.s32 $0x7  }
0x52: {  	s5 =	simm.s32 $0x1000;
	s6 =	simm.s32 $0x800;
	s10 =	simm.s32 $0x4000  }
0x53: {  	s12 =	simm.s32 $0x6000;
	s14 =	simm.s32 $0x8;
	s16 =	simm.s32 $0x3  }
0x54: {  	v0 =	vimm.f32 $0.0e+00;
	s18 =	simm.s32 $0x5;
	[smem:$0x7FA] =	sst s0;
	s0 =	simm.s32 $0x6  }
.LBB2_1:
0x55: {  	s21 =	simm.s32 $0x40;
	s22 =	simm.s32 $0x300  }
.LBB2_2:
0x56: {  	p0 =	sne.s32 s22, $0x3F00;
	[tilespmem:s21+$0x3030] =	vst v0  }
0x57: {  	[tilespmem:s21+$0x1FC0] =	vst v0  }
0x58: {  	[tilespmem:s21+$0x2FC0] =	vst v0  }
0x59: {  	[tilespmem:s21+$0x1FD0] =	vst v0  }
0x5a: {  	[tilespmem:s21+$0x2FD0] =	vst v0  }
0x5b: {  	[tilespmem:s21+$0x1FE0] =	vst v0  }
0x5c: {  	[tilespmem:s21+$0x2FE0] =	vst v0  }
0x5d: {  	[tilespmem:s21+$0x1FF0] =	vst v0  }
0x5e: {  	[tilespmem:s21+$0x2FF0] =	vst v0  }
0x5f: {  	[tilespmem:s21+$0x2000] =	vst v0  }
0x60: {  	[tilespmem:s21+$0x3000] =	vst v0  }
.Ltmp0:
0x61: {  	[tilespmem:s21+$0x2010] =	vst v0;
	(pc) =	sbr.rel @p0 .LBB2_2-.Ltmp0, $4  }
0x62: {  	[tilespmem:s21+$0x3010] =	vst v0  }
0x63: {  	[tilespmem:s21+$0x2020] =	vst v0  }
0x64: {  	[tilespmem:s21+$0x3020] =	vst v0  }
0x65: {  	[tilespmem:s21+$0x2030] =	vst v0;
	s21 =	sshra.s32 s22, $0x2;
	s22 =	sadd.s32 $0x200, s22  }
0x66: {  	[tilespmem:s21+$0x3030] =	vst v0  }
0x67: {  	[tilespmem:s21+$0x1FC0] =	vst v0  }
0x68: {  	[tilespmem:s21+$0x2FC0] =	vst v0  }
0x69: {  	[tilespmem:s21+$0x1FD0] =	vst v0  }
0x6a: {  	[tilespmem:s21+$0x2FD0] =	vst v0  }
0x6b: {  	[tilespmem:s21+$0x1FE0] =	vst v0  }
0x6c: {  	[tilespmem:s21+$0x2FE0] =	vst v0  }
0x6d: {  	[tilespmem:s21+$0x1FF0] =	vst v0  }
0x6e: {  	[tilespmem:s21+$0x2FF0] =	vst v0  }
0x6f: {  	[tilespmem:s21+$0x2000] =	vst v0  }
0x70: {  	[tilespmem:s21+$0x3000] =	vst v0  }
0x71: {  	[tilespmem:s21+$0x2010] =	vst v0  }
0x72: {  	[tilespmem:s21+$0x3010] =	vst v0  }
0x73: {  	[tilespmem:s21+$0x2020] =	vst v0  }
0x74: {  	[tilespmem:s21+$0x3020] =	vst v0  }
0x75: {  	[tilespmem:s21+$0x2030] =	vst v0;
	s22 =	sld [smem:$0x7DB]  }
0x76: {  	[spmem:s4] =	stream.linear.scatter [tilespmem:s30], [sflag:$0x6], $0x1000, $0x38;
	[tilespmem:$0x1B000] =	vst v63  }
0x77: {  	s25 =	sld [smem:$0x7DD]  }
0x78: {  	[spmem:s22] =	stream.linear.scatter [tilespmem:s31], [sflag:$0x7], $0x1000, $0x38;
	[tilespmem:$0x1B000] =	vst v63  }
0x79: {  	s26 =	sld [smem:$0x7DF]  }
0x7a: {  	[spmem:s25] =	stream.linear.scatter [tilespmem:s30], [sflag:$0x6], $0x1000, $0x38;
	[tilespmem:$0x1B000] =	vst v63  }
0x7b: {  	s22 =	sld [smem:$0x7E1]  }
0x7c: {  	[spmem:s26] =	stream.linear.scatter [tilespmem:s31], [sflag:$0x7], $0x1000, $0x38;
	[tilespmem:$0x1B000] =	vst v63  }
0x7d: {  	s25 =	sld [smem:$0x7E3]  }
0x7e: {  	[spmem:s22] =	stream.linear.scatter [tilespmem:s30], [sflag:$0x6], $0x1000, $0x38;
	[tilespmem:$0x1B000] =	vst v63  }
0x7f: {  	s26 =	sld [smem:$0x7E5]  }
0x80: {  	[spmem:s25] =	stream.linear.scatter [tilespmem:s31], [sflag:$0x7], $0x1000, $0x38;
	[tilespmem:$0x1B000] =	vst v63  }
0x81: {  	s22 =	sld [smem:$0x7E7]  }
0x82: {  	[spmem:s26] =	stream.linear.scatter [tilespmem:s30], [sflag:$0x6], $0x1000, $0x38;
	[tilespmem:$0x1B000] =	vst v63  }
0x83: {  	s25 =	sld [smem:$0x7E9]  }
0x84: {  	[spmem:s22] =	stream.linear.scatter [tilespmem:s31], [sflag:$0x7], $0x1000, $0x38;
	[tilespmem:$0x1B000] =	vst v63  }
0x85: {  	s26 =	sld [smem:$0x7EB]  }
0x86: {  	[spmem:s25] =	stream.linear.scatter [tilespmem:s30], [sflag:$0x6], $0x1000, $0x38;
	[tilespmem:$0x1B000] =	vst v63  }
0x87: {  	s22 =	sld [smem:$0x7ED]  }
0x88: {  	[spmem:s26] =	stream.linear.scatter [tilespmem:s31], [sflag:$0x7], $0x1000, $0x38;
	[tilespmem:$0x1B000] =	vst v63  }
0x89: {  	s25 =	sld [smem:$0x7EF]  }
0x8a: {  	[spmem:s22] =	stream.linear.scatter [tilespmem:s30], [sflag:$0x6], $0x1000, $0x38;
	[tilespmem:$0x1B000] =	vst v63  }
0x8b: {  	s26 =	sld [smem:$0x7F1]  }
0x8c: {  	[spmem:s25] =	stream.linear.scatter [tilespmem:s31], [sflag:$0x7], $0x1000, $0x38;
	[tilespmem:$0x1B000] =	vst v63  }
0x8d: {  	s22 =	sld [smem:$0x7F3]  }
0x8e: {  	[spmem:s26] =	stream.linear.scatter [tilespmem:s30], [sflag:$0x6], $0x1000, $0x38;
	[tilespmem:$0x1B000] =	vst v63  }
0x8f: {  	s25 =	sld [smem:$0x7F5]  }
0x90: {  	[spmem:s22] =	stream.linear.scatter [tilespmem:s31], [sflag:$0x7], $0x1000, $0x38;
	[tilespmem:$0x1B000] =	vst v63  }
0x91: {  	s26 =	sld [smem:$0x7F7]  }
0x92: {  	[spmem:s25] =	stream.linear.scatter [tilespmem:s30], [sflag:$0x6], $0x1000, $0x38;
	[tilespmem:$0x1B000] =	vst v63  }
0x93: {  	s22 =	sld [smem:$0x7FB]  }
0x94: {  	[spmem:s26] =	stream.linear.scatter [tilespmem:s31], [sflag:$0x7], $0x1000, $0x38;
	[tilespmem:$0x1B000] =	vst v63  }
0x95: {  	s25 =	sld [smem:$0x7FD]  }
0x96: {  	[spmem:s22] =	stream.linear.scatter [tilespmem:s30], [sflag:$0x6], $0x1000, $0x38;
	[tilespmem:$0x1B000] =	vst v63  }
0x97: {  	_ = 	snop  }
0x98: {  	[spmem:s25] =	stream.linear.scatter [tilespmem:s31], [sflag:$0x7], $0x1000, $0x38;
	[tilespmem:$0x1B000] =	vst v63  }
0x99: {  	_ = 	snop  }
0x9a: {  	[spmem:s28] =	stream.linear.scatter [tilespmem:s30], [sflag:$0x6], $0x1000, $0x38;
	[tilespmem:$0x1B000] =	vst v63  }
0x9b: {  	_ = 	snop  }
0x9c: {  	[spmem:s29] =	stream.linear.scatter [tilespmem:s31], [sflag:$0x7], $0x1000, $0x38;
	[tilespmem:$0x1B000] =	vst v63  }
0x9d: {  	_ =	swait.ge [sflag:s0], $0x1000  }
0x9e: {  	[sflag:s0] =	ssyncset.done $0x0  }
0x9f: {  	[sflag:s0] =	ssyncadd.s32 $0xFFFFF000  }
0xa0: {  	_ =	swait.ge [sflag:s3], $0x1000  }
0xa1: {  	[sflag:s3] =	ssyncset.done $0x0  }
0xa2: {  	[sflag:s3] =	ssyncadd.s32 $0xFFFFF000  }
0xa3: {  	_ =	swait.ge [sflag:s0], $0x1000  }
0xa4: {  	[sflag:s0] =	ssyncset.done $0x0  }
0xa5: {  	[sflag:s0] =	ssyncadd.s32 $0xFFFFF000  }
0xa6: {  	_ =	swait.ge [sflag:s3], $0x1000  }
0xa7: {  	[sflag:s3] =	ssyncset.done $0x0  }
0xa8: {  	[sflag:s3] =	ssyncadd.s32 $0xFFFFF000  }
0xa9: {  	_ =	swait.ge [sflag:s0], $0x1000  }
0xaa: {  	[sflag:s0] =	ssyncset.done $0x0  }
0xab: {  	[sflag:s0] =	ssyncadd.s32 $0xFFFFF000  }
0xac: {  	_ =	swait.ge [sflag:s3], $0x1000  }
0xad: {  	[sflag:s3] =	ssyncset.done $0x0  }
0xae: {  	[sflag:s3] =	ssyncadd.s32 $0xFFFFF000  }
0xaf: {  	_ =	swait.ge [sflag:s0], $0x1000  }
0xb0: {  	[sflag:s0] =	ssyncset.done $0x0  }
0xb1: {  	[sflag:s0] =	ssyncadd.s32 $0xFFFFF000  }
0xb2: {  	_ =	swait.ge [sflag:s3], $0x1000  }
0xb3: {  	[sflag:s3] =	ssyncset.done $0x0  }
0xb4: {  	[sflag:s3] =	ssyncadd.s32 $0xFFFFF000  }
0xb5: {  	_ =	swait.ge [sflag:s0], $0x1000  }
0xb6: {  	[sflag:s0] =	ssyncset.done $0x0  }
0xb7: {  	[sflag:s0] =	ssyncadd.s32 $0xFFFFF000  }
0xb8: {  	_ =	swait.ge [sflag:s3], $0x1000  }
0xb9: {  	[sflag:s3] =	ssyncset.done $0x0  }
0xba: {  	[sflag:s3] =	ssyncadd.s32 $0xFFFFF000  }
0xbb: {  	_ =	swait.ge [sflag:s0], $0x1000  }
0xbc: {  	[sflag:s0] =	ssyncset.done $0x0  }
0xbd: {  	[sflag:s0] =	ssyncadd.s32 $0xFFFFF000  }
0xbe: {  	_ =	swait.ge [sflag:s3], $0x1000  }
0xbf: {  	[sflag:s3] =	ssyncset.done $0x0  }
0xc0: {  	[sflag:s3] =	ssyncadd.s32 $0xFFFFF000  }
0xc1: {  	_ =	swait.ge [sflag:s0], $0x1000  }
0xc2: {  	[sflag:s0] =	ssyncset.done $0x0  }
0xc3: {  	[sflag:s0] =	ssyncadd.s32 $0xFFFFF000  }
0xc4: {  	_ =	swait.ge [sflag:s3], $0x1000  }
0xc5: {  	[sflag:s3] =	ssyncset.done $0x0  }
0xc6: {  	[sflag:s3] =	ssyncadd.s32 $0xFFFFF000  }
0xc7: {  	_ =	swait.ge [sflag:s0], $0x1000  }
0xc8: {  	[sflag:s0] =	ssyncset.done $0x0  }
0xc9: {  	[sflag:s0] =	ssyncadd.s32 $0xFFFFF000  }
0xca: {  	_ =	swait.ge [sflag:s3], $0x1000  }
0xcb: {  	[sflag:s3] =	ssyncset.done $0x0  }
0xcc: {  	[sflag:s3] =	ssyncadd.s32 $0xFFFFF000  }
0xcd: {  	_ =	swait.ge [sflag:s0], $0x1000  }
0xce: {  	[sflag:s0] =	ssyncset.done $0x0  }
0xcf: {  	[sflag:s0] =	ssyncadd.s32 $0xFFFFF000  }
0xd0: {  	_ =	swait.ge [sflag:s3], $0x1000  }
0xd1: {  	[sflag:s3] =	ssyncset.done $0x0  }
0xd2: {  	[sflag:s3] =	ssyncadd.s32 $0xFFFFF000  }
0xd3: {  	_ =	swait.ge [sflag:s0], $0x1000  }
0xd4: {  	[sflag:s0] =	ssyncset.done $0x0  }
0xd5: {  	[sflag:s0] =	ssyncadd.s32 $0xFFFFF000  }
0xd6: {  	_ =	swait.ge [sflag:s3], $0x1000  }
0xd7: {  	[sflag:s3] =	ssyncset.done $0x0  }
0xd8: {  	[sflag:s3] =	ssyncadd.s32 $0xFFFFF000  }
0xd9: {  	s26 =	simm.s32 $0x0;
	[bflag:$0x0] =	sbarrier.arrive $0xFFFF  }
0xda: {  	[tilespmem:s26], [sflag:$0x6] =	stream.linear.gather [hbm4b:s20+s26], $0x800, $0x38;
	[tilespmem:$0x1B000] =	vst v63  }
0xdb: {  	_ = 	snop  }
0xdc: {  	[tilespmem:s5], [sflag:$0x6] =	stream.linear.gather [hbm4b:s23+s26], $0x800, $0x38;
	[tilespmem:$0x1B000] =	vst v63  }
0xdd: {  	_ =	swait.ge [sflag:s0], $0x800  }
0xde: {  	[sflag:s0] =	ssyncset.done $0x0  }
0xdf: {  	[sflag:s0] =	ssyncadd.s32 $0xFFFFF800  }
0xe0: {  	_ =	swait.ge [sflag:s0], $0x800  }
0xe1: {  	s22 =	sadd.s32 $0x0, s20;
	[sflag:s0] =	ssyncset.done $0x0  }
0xe2: {  	s21 =	sadd.s32 $0x100, s22;
	s22 =	sadd.s32 $0x0, s23;
	[sflag:s0] =	ssyncadd.s32 $0xFFFFF800  }
0xe3: {  	[tilespmem:s6], [sflag:$0x7] =	stream.linear.gather [hbm4b:s21+s2], $0x800, $0x38;
	[tilespmem:$0x1B000] =	vst v63  }
0xe4: {  	s25 =	sadd.s32 $0x100, s22  }
0xe5: {  	[tilespmem:s7], [sflag:$0x7] =	stream.linear.gather [hbm4b:s25+s2], $0x800, $0x38;
	[tilespmem:$0x1B000] =	vst v63  }
0xe6: {  	_ = 	snop  }
0xe7: {  	[tilespmem:s30], [sflag:$0x1] =	stream.indirect.gather [hbm4b:s24+s8], $0x80, s2, s8, $0xb8;
	[tilespmem:$0x1B000] =	vst v63  }
0xe8: {  	s26 =	rddreg [dreg:$0x4]  }
0xe9: {  	[tilespmem:s31], [sflag:$0x2] =	stream.indirect.gather [hbm4b:s24+s8], $0x80, s26, s8, $0xb8;
	[tilespmem:$0x1B000] =	vst v63  }
0xea: {  	_ = 	snop  }
0xeb: {  	[tilespmem:s10], [sflag:$0x3] =	stream.indirect.gather [hbm4b:s24+s8], $0x80, s9, s8, $0xb8;
	[tilespmem:$0x1B000] =	vst v63  }
0xec: {  	s22 =	rddreg [dreg:$0x5]  }
0xed: {  	[tilespmem:s11], [sflag:$0x4] =	stream.indirect.gather [hbm4b:s24+s8], $0x80, s22, s8, $0xb8;
	[tilespmem:$0x1B000] =	vst v63  }
0xee: {  	s25 =	rddreg [dreg:$0x6]  }
0xef: {  	[tilespmem:s12], [sflag:$0x5] =	stream.indirect.gather [hbm4b:s24+s8], $0x80, s25, s8, $0xb8;
	[tilespmem:$0x1B000] =	vst v63  }
0xf0: {  	_ =	swait.ge [sflag:s13], $0x1000  }
0xf1: {  	[sflag:s13] =	ssyncset.done $0x0  }
0xf2: {  	[sflag:s13] =	ssyncadd.s32 $0xFFFFF000  }
0xf3: {  	[spmem:s1] =	stream.indirect.scatter.add.f32 [tilespmem:s30], [sflag:$0x8], $0x80, s5, s8, $0xb8;
	[tilespmem:$0x1B000] =	vst v63  }
0xf4: {  	_ =	swait.ge [sflag:s14], $0x1000  }
0xf5: {  	[sflag:s14] =	ssyncset.done $0x0  }
0xf6: {  	s26 =	rddreg [dreg:$0x7];
	[sflag:s14] =	ssyncadd.s32 $0xFFFFF000  }
0xf7: {  	[tilespmem:s30], [sflag:$0x1] =	stream.indirect.gather [hbm4b:s24+s8], $0x80, s26, s8, $0xb8;
	[tilespmem:$0x1B000] =	vst v63  }
0xf8: {  	_ =	swait.ge [sflag:s15], $0x1000  }
0xf9: {  	[sflag:s15] =	ssyncset.done $0x0  }
0xfa: {  	s22 =	rddreg [dreg:$0x8];
	[sflag:s15] =	ssyncadd.s32 $0xFFFFF000  }
0xfb: {  	[spmem:s1] =	stream.indirect.scatter.add.f32 [tilespmem:s31], [sflag:$0x8], $0x80, s22, s8, $0xb8;
	[tilespmem:$0x1B000] =	vst v63  }
0xfc: {  	_ =	swait.ge [sflag:s14], $0x1000  }
0xfd: {  	[sflag:s14] =	ssyncset.done $0x0  }
0xfe: {  	s25 =	rddreg [dreg:$0x9];
	[sflag:s14] =	ssyncadd.s32 $0xFFFFF000  }
0xff: {  	[tilespmem:s31], [sflag:$0x2] =	stream.indirect.gather [hbm4b:s24+s8], $0x80, s25, s8, $0xb8;
	[tilespmem:$0x1B000] =	vst v63  }
0x100: {  	_ =	swait.ge [sflag:s16], $0x1000  }
0x101: {  	[sflag:s16] =	ssyncset.done $0x0  }
0x102: {  	s26 =	rddreg [dreg:$0xa];
	[sflag:s16] =	ssyncadd.s32 $0xFFFFF000  }
0x103: {  	[spmem:s1] =	stream.indirect.scatter.add.f32 [tilespmem:s10], [sflag:$0x8], $0x80, s26, s8, $0xb8;
	[tilespmem:$0x1B000] =	vst v63  }
0x104: {  	_ =	swait.ge [sflag:s14], $0x1000  }
0x105: {  	[sflag:s14] =	ssyncset.done $0x0  }
0x106: {  	s22 =	rddreg [dreg:$0xb];
	[sflag:s14] =	ssyncadd.s32 $0xFFFFF000  }
0x107: {  	[tilespmem:s10], [sflag:$0x3] =	stream.indirect.gather [hbm4b:s24+s8], $0x80, s22, s8, $0xb8;
	[tilespmem:$0x1B000] =	vst v63  }
0x108: {  	_ =	swait.ge [sflag:s17], $0x1000  }
0x109: {  	[sflag:s17] =	ssyncset.done $0x0  }
0x10a: {  	s25 =	rddreg [dreg:$0xc];
	[sflag:s17] =	ssyncadd.s32 $0xFFFFF000  }
0x10b: {  	[spmem:s1] =	stream.indirect.scatter.add.f32 [tilespmem:s11], [sflag:$0x8], $0x80, s25, s8, $0xb8;
	[tilespmem:$0x1B000] =	vst v63  }
0x10c: {  	_ =	swait.ge [sflag:s14], $0x1000  }
0x10d: {  	[sflag:s14] =	ssyncset.done $0x0  }
0x10e: {  	s26 =	rddreg [dreg:$0xd];
	[sflag:s14] =	ssyncadd.s32 $0xFFFFF000  }
0x10f: {  	[tilespmem:s11], [sflag:$0x4] =	stream.indirect.gather [hbm4b:s24+s8], $0x80, s26, s8, $0xb8;
	[tilespmem:$0x1B000] =	vst v63  }
0x110: {  	_ =	swait.ge [sflag:s18], $0x1000  }
0x111: {  	[sflag:s18] =	ssyncset.done $0x0  }
0x112: {  	s22 =	rddreg [dreg:$0xe];
	[sflag:s18] =	ssyncadd.s32 $0xFFFFF000  }
0x113: {  	[spmem:s1] =	stream.indirect.scatter.add.f32 [tilespmem:s12], [sflag:$0x8], $0x80, s22, s8, $0xb8;
	[tilespmem:$0x1B000] =	vst v63  }
0x114: {  	_ =	swait.ge [sflag:s14], $0x1000  }
0x115: {  	[sflag:s14] =	ssyncset.done $0x0  }
0x116: {  	s25 =	rddreg [dreg:$0xf];
	[sflag:s14] =	ssyncadd.s32 $0xFFFFF000  }
0x117: {  	[tilespmem:s12], [sflag:$0x5] =	stream.indirect.gather [hbm4b:s24+s8], $0x80, s25, s8, $0xb8;
	[tilespmem:$0x1B000] =	vst v63  }
0x118: {  	_ =	swait.ge [sflag:s13], $0x1000  }
0x119: {  	[sflag:s13] =	ssyncset.done $0x0  }
0x11a: {  	s26 =	rddreg [dreg:$0x10];
	[sflag:s13] =	ssyncadd.s32 $0xFFFFF000  }
0x11b: {  	[spmem:s1] =	stream.indirect.scatter.add.f32 [tilespmem:s30], [sflag:$0x8], $0x80, s26, s8, $0xb8;
	[tilespmem:$0x1B000] =	vst v63  }
0x11c: {  	_ =	swait.ge [sflag:s14], $0x1000  }
0x11d: {  	[sflag:s14] =	ssyncset.done $0x0  }
0x11e: {  	s22 =	rddreg [dreg:$0x11];
	[sflag:s14] =	ssyncadd.s32 $0xFFFFF000  }
0x11f: {  	[tilespmem:s30], [sflag:$0x1] =	stream.indirect.gather [hbm4b:s24+s8], $0x80, s22, s8, $0xb8;
	[tilespmem:$0x1B000] =	vst v63  }
0x120: {  	_ =	swait.ge [sflag:s15], $0x1000  }
0x121: {  	[sflag:s15] =	ssyncset.done $0x0  }
0x122: {  	s25 =	rddreg [dreg:$0x12];
	[sflag:s15] =	ssyncadd.s32 $0xFFFFF000  }
0x123: {  	[spmem:s1] =	stream.indirect.scatter.add.f32 [tilespmem:s31], [sflag:$0x8], $0x80, s25, s8, $0xb8;
	[tilespmem:$0x1B000] =	vst v63  }
0x124: {  	_ =	swait.ge [sflag:s14], $0x1000  }
0x125: {  	[sflag:s14] =	ssyncset.done $0x0  }
0x126: {  	s26 =	rddreg [dreg:$0x13];
	[sflag:s14] =	ssyncadd.s32 $0xFFFFF000  }
0x127: {  	[tilespmem:s31], [sflag:$0x2] =	stream.indirect.gather [hbm4b:s24+s8], $0x80, s26, s8, $0xb8;
	[tilespmem:$0x1B000] =	vst v63  }
0x128: {  	_ =	swait.ge [sflag:s16], $0x1000  }
0x129: {  	[sflag:s16] =	ssyncset.done $0x0  }
0x12a: {  	s22 =	rddreg [dreg:$0x14];
	[sflag:s16] =	ssyncadd.s32 $0xFFFFF000  }
0x12b: {  	[spmem:s1] =	stream.indirect.scatter.add.f32 [tilespmem:s10], [sflag:$0x8], $0x80, s22, s8, $0xb8;
	[tilespmem:$0x1B000] =	vst v63  }
0x12c: {  	_ =	swait.ge [sflag:s14], $0x1000  }
0x12d: {  	[sflag:s14] =	ssyncset.done $0x0  }
0x12e: {  	s25 =	rddreg [dreg:$0x15];
	[sflag:s14] =	ssyncadd.s32 $0xFFFFF000  }
0x12f: {  	[tilespmem:s10], [sflag:$0x3] =	stream.indirect.gather [hbm4b:s24+s8], $0x80, s25, s8, $0xb8;
	[tilespmem:$0x1B000] =	vst v63  }
0x130: {  	_ =	swait.ge [sflag:s17], $0x1000  }
0x131: {  	[sflag:s17] =	ssyncset.done $0x0  }
0x132: {  	s26 =	rddreg [dreg:$0x16];
	[sflag:s17] =	ssyncadd.s32 $0xFFFFF000  }
0x133: {  	[spmem:s1] =	stream.indirect.scatter.add.f32 [tilespmem:s11], [sflag:$0x8], $0x80, s26, s8, $0xb8;
	[tilespmem:$0x1B000] =	vst v63  }
0x134: {  	_ =	swait.ge [sflag:s14], $0x1000  }
0x135: {  	[sflag:s14] =	ssyncset.done $0x0  }
0x136: {  	s22 =	rddreg [dreg:$0x17];
	[sflag:s14] =	ssyncadd.s32 $0xFFFFF000  }
0x137: {  	[tilespmem:s11], [sflag:$0x4] =	stream.indirect.gather [hbm4b:s24+s8], $0x80, s22, s8, $0xb8;
	[tilespmem:$0x1B000] =	vst v63  }
0x138: {  	_ =	swait.ge [sflag:s18], $0x1000  }
0x139: {  	[sflag:s18] =	ssyncset.done $0x0  }
0x13a: {  	s25 =	rddreg [dreg:$0x18];
	[sflag:s18] =	ssyncadd.s32 $0xFFFFF000  }
0x13b: {  	[spmem:s1] =	stream.indirect.scatter.add.f32 [tilespmem:s12], [sflag:$0x8], $0x80, s25, s8, $0xb8;
	[tilespmem:$0x1B000] =	vst v63  }
0x13c: {  	_ =	swait.ge [sflag:s14], $0x1000  }
0x13d: {  	[sflag:s14] =	ssyncset.done $0x0  }
0x13e: {  	s26 =	rddreg [dreg:$0x19];
	[sflag:s14] =	ssyncadd.s32 $0xFFFFF000  }
0x13f: {  	[tilespmem:s12], [sflag:$0x5] =	stream.indirect.gather [hbm4b:s24+s8], $0x80, s26, s8, $0xb8;
	[tilespmem:$0x1B000] =	vst v63  }
0x140: {  	_ =	swait.ge [sflag:s13], $0x1000  }
0x141: {  	[sflag:s13] =	ssyncset.done $0x0  }
0x142: {  	s22 =	rddreg [dreg:$0x1a];
	[sflag:s13] =	ssyncadd.s32 $0xFFFFF000  }
0x143: {  	[spmem:s1] =	stream.indirect.scatter.add.f32 [tilespmem:s30], [sflag:$0x8], $0x80, s22, s8, $0xb8;
	[tilespmem:$0x1B000] =	vst v63  }
0x144: {  	_ =	swait.ge [sflag:s14], $0x1000  }
0x145: {  	[sflag:s14] =	ssyncset.done $0x0  }
0x146: {  	s25 =	rddreg [dreg:$0x1b];
	[sflag:s14] =	ssyncadd.s32 $0xFFFFF000  }
0x147: {  	[tilespmem:s30], [sflag:$0x1] =	stream.indirect.gather [hbm4b:s24+s8], $0x80, s25, s8, $0xb8;
	[tilespmem:$0x1B000] =	vst v63  }
0x148: {  	_ =	swait.ge [sflag:s15], $0x1000  }
0x149: {  	[sflag:s15] =	ssyncset.done $0x0  }
0x14a: {  	s26 =	rddreg [dreg:$0x1c];
	[sflag:s15] =	ssyncadd.s32 $0xFFFFF000  }
0x14b: {  	[spmem:s1] =	stream.indirect.scatter.add.f32 [tilespmem:s31], [sflag:$0x8], $0x80, s26, s8, $0xb8;
	[tilespmem:$0x1B000] =	vst v63  }
0x14c: {  	_ =	swait.ge [sflag:s14], $0x1000  }
0x14d: {  	[sflag:s14] =	ssyncset.done $0x0  }
0x14e: {  	[sflag:s14] =	ssyncadd.s32 $0xFFFFF000  }
0x14f: {  	_ =	swait.ge [sflag:s16], $0x1000  }
0x150: {  	[sflag:s16] =	ssyncset.done $0x0  }
0x151: {  	s22 =	rddreg [dreg:$0x1d];
	[sflag:s16] =	ssyncadd.s32 $0xFFFFF000  }
0x152: {  	[spmem:s1] =	stream.indirect.scatter.add.f32 [tilespmem:s10], [sflag:$0x8], $0x80, s22, s8, $0xb8;
	[tilespmem:$0x1B000] =	vst v63  }
0x153: {  	_ =	swait.ge [sflag:s14], $0x1000  }
0x154: {  	[sflag:s14] =	ssyncset.done $0x0  }
0x155: {  	[sflag:s14] =	ssyncadd.s32 $0xFFFFF000  }
0x156: {  	_ =	swait.ge [sflag:s17], $0x1000  }
0x157: {  	[sflag:s17] =	ssyncset.done $0x0  }
0x158: {  	s25 =	rddreg [dreg:$0x1e];
	[sflag:s17] =	ssyncadd.s32 $0xFFFFF000  }
0x159: {  	[spmem:s1] =	stream.indirect.scatter.add.f32 [tilespmem:s11], [sflag:$0x8], $0x80, s25, s8, $0xb8;
	[tilespmem:$0x1B000] =	vst v63  }
0x15a: {  	_ =	swait.ge [sflag:s14], $0x1000  }
0x15b: {  	[sflag:s14] =	ssyncset.done $0x0  }
0x15c: {  	[sflag:s14] =	ssyncadd.s32 $0xFFFFF000  }
0x15d: {  	_ =	swait.ge [sflag:s18], $0x1000  }
0x15e: {  	[sflag:s18] =	ssyncset.done $0x0  }
0x15f: {  	s26 =	rddreg [dreg:$0x1f];
	[sflag:s18] =	ssyncadd.s32 $0xFFFFF000  }
0x160: {  	[spmem:s1] =	stream.indirect.scatter.add.f32 [tilespmem:s12], [sflag:$0x8], $0x80, s26, s8, $0xb8;
	[tilespmem:$0x1B000] =	vst v63  }
0x161: {  	_ =	swait.ge [sflag:s14], $0x1000  }
0x162: {  	[sflag:s14] =	ssyncset.done $0x0  }
0x163: {  	[sflag:s14] =	ssyncadd.s32 $0xFFFFF000  }
0x164: {  	_ =	swait.ge [sflag:s13], $0x1000  }
0x165: {  	s22 =	sld [smem:$0x7CC]  }
0x166: {  	[sflag:s13] =	ssyncset.done $0x0  }
0x167: {  	[sflag:s13] =	ssyncadd.s32 $0xFFFFF000  }
0x168: {  	[spmem:s1] =	stream.indirect.scatter.add.f32 [tilespmem:s30], [sflag:$0x8], $0x80, s22, s8, $0xb8;
	[tilespmem:$0x1B000] =	vst v63  }
0x169: {  	_ =	swait.ge [sflag:s14], $0x1000  }
0x16a: {  	[sflag:s14] =	ssyncset.done $0x0  }
0x16b: {  	[sflag:s14] =	ssyncadd.s32 $0xFFFFF000  }
0x16c: {  	_ =	swait.ge [sflag:s3], $0x800  }
0x16d: {  	[sflag:s3] =	ssyncset.done $0x0  }
0x16e: {  	p0 =	por $0x0, $0x0;
	[sflag:s3] =	ssyncadd.s32 $0xFFFFF800  }
0x16f: {  	s21 =	sadd.s32 @!p0 $0x0, s20;
	_ =	swait.ge [sflag:s3], $0x800  }
0x170: {  	s21 =	sadd.s32 @!p0 $0x200, s21;
	[sflag:s3] =	ssyncset.done $0x0  }
0x171: {  	s25 =	simm.s32 @!p0 $0x0;
	s22 =	sadd.s32 @!p0 $0x0, s23;
	[sflag:s3] =	ssyncadd.s32 $0xFFFFF800  }
0x172: {  	[tilespmem:s25], [sflag:$0x6] =	stream.linear.gather @!p0 [hbm4b:s21+s25], $0x800, $0x38;
	[tilespmem:$0x1B000] =	vst v63  }
0x173: {  	s21 =	sadd.s32 @!p0 $0x200, s22;
	s22 =	simm.s32 @!p0 $0x1000  }
0x174: {  	[tilespmem:s22], [sflag:$0x6] =	stream.linear.gather @!p0 [hbm4b:s21+s25], $0x800, $0x38;
	[tilespmem:$0x1B000] =	vst v63  }
0x175: {  	s25 =	sld [smem:$0x7CD]  }
0x176: {  	[tilespmem:s30], [sflag:$0x1] =	stream.indirect.gather [hbm4b:s24+s8], $0x80, s6, s8, $0xb8;
	[tilespmem:$0x1B000] =	vst v63  }
0x177: {  	s26 =	sld [smem:$0x7CE]  }
0x178: {  	[tilespmem:s31], [sflag:$0x2] =	stream.indirect.gather [hbm4b:s24+s8], $0x80, s25, s8, $0xb8;
	[tilespmem:$0x1B000] =	vst v63  }
0x179: {  	s25 =	sld [smem:$0x7CF]  }
0x17a: {  	[tilespmem:s10], [sflag:$0x3] =	stream.indirect.gather [hbm4b:s24+s8], $0x80, s26, s8, $0xb8;
	[tilespmem:$0x1B000] =	vst v63  }
0x17b: {  	s26 =	sld [smem:$0x7D0]  }
0x17c: {  	[tilespmem:s11], [sflag:$0x4] =	stream.indirect.gather [hbm4b:s24+s8], $0x80, s25, s8, $0xb8;
	[tilespmem:$0x1B000] =	vst v63  }
0x17d: {  	_ = 	snop  }
0x17e: {  	[tilespmem:s12], [sflag:$0x5] =	stream.indirect.gather [hbm4b:s24+s8], $0x80, s26, s8, $0xb8;
	[tilespmem:$0x1B000] =	vst v63  }
0x17f: {  	_ =	swait.ge [sflag:s13], $0x1000  }
0x180: {  	[sflag:s13] =	ssyncset.done $0x0  }
0x181: {  	[sflag:s13] =	ssyncadd.s32 $0xFFFFF000  }
0x182: {  	[spmem:s1] =	stream.indirect.scatter.add.f32 [tilespmem:s30], [sflag:$0x8], $0x80, s7, s8, $0xb8;
	[tilespmem:$0x1B000] =	vst v63  }
0x183: {  	_ =	swait.ge [sflag:s14], $0x1000  }
0x184: {  	s25 =	sld [smem:$0x7D1]  }
0x185: {  	[sflag:s14] =	ssyncset.done $0x0  }
0x186: {  	[sflag:s14] =	ssyncadd.s32 $0xFFFFF000  }
0x187: {  	[tilespmem:s30], [sflag:$0x1] =	stream.indirect.gather [hbm4b:s24+s8], $0x80, s25, s8, $0xb8;
	[tilespmem:$0x1B000] =	vst v63  }
0x188: {  	_ =	swait.ge [sflag:s15], $0x1000  }
0x189: {  	s26 =	sld [smem:$0x7D2]  }
0x18a: {  	[sflag:s15] =	ssyncset.done $0x0  }
0x18b: {  	[sflag:s15] =	ssyncadd.s32 $0xFFFFF000  }
0x18c: {  	[spmem:s1] =	stream.indirect.scatter.add.f32 [tilespmem:s31], [sflag:$0x8], $0x80, s26, s8, $0xb8;
	[tilespmem:$0x1B000] =	vst v63  }
0x18d: {  	_ =	swait.ge [sflag:s14], $0x1000  }
0x18e: {  	s22 =	sld [smem:$0x7D3]  }
0x18f: {  	[sflag:s14] =	ssyncset.done $0x0  }
0x190: {  	[sflag:s14] =	ssyncadd.s32 $0xFFFFF000  }
0x191: {  	[tilespmem:s31], [sflag:$0x2] =	stream.indirect.gather [hbm4b:s24+s8], $0x80, s22, s8, $0xb8;
	[tilespmem:$0x1B000] =	vst v63  }
0x192: {  	_ =	swait.ge [sflag:s16], $0x1000  }
0x193: {  	s25 =	sld [smem:$0x7D4]  }
0x194: {  	[sflag:s16] =	ssyncset.done $0x0  }
0x195: {  	[sflag:s16] =	ssyncadd.s32 $0xFFFFF000  }
0x196: {  	[spmem:s1] =	stream.indirect.scatter.add.f32 [tilespmem:s10], [sflag:$0x8], $0x80, s25, s8, $0xb8;
	[tilespmem:$0x1B000] =	vst v63  }
0x197: {  	_ =	swait.ge [sflag:s14], $0x1000  }
0x198: {  	s26 =	sld [smem:$0x7D5]  }
0x199: {  	[sflag:s14] =	ssyncset.done $0x0  }
0x19a: {  	[sflag:s14] =	ssyncadd.s32 $0xFFFFF000  }
0x19b: {  	[tilespmem:s10], [sflag:$0x3] =	stream.indirect.gather [hbm4b:s24+s8], $0x80, s26, s8, $0xb8;
	[tilespmem:$0x1B000] =	vst v63  }
0x19c: {  	_ =	swait.ge [sflag:s17], $0x1000  }
0x19d: {  	s22 =	sld [smem:$0x7D6]  }
0x19e: {  	[sflag:s17] =	ssyncset.done $0x0  }
0x19f: {  	[sflag:s17] =	ssyncadd.s32 $0xFFFFF000  }
0x1a0: {  	[spmem:s1] =	stream.indirect.scatter.add.f32 [tilespmem:s11], [sflag:$0x8], $0x80, s22, s8, $0xb8;
	[tilespmem:$0x1B000] =	vst v63  }
0x1a1: {  	_ =	swait.ge [sflag:s14], $0x1000  }
0x1a2: {  	s25 =	sld [smem:$0x7D7]  }
0x1a3: {  	[sflag:s14] =	ssyncset.done $0x0  }
0x1a4: {  	[sflag:s14] =	ssyncadd.s32 $0xFFFFF000  }
0x1a5: {  	[tilespmem:s11], [sflag:$0x4] =	stream.indirect.gather [hbm4b:s24+s8], $0x80, s25, s8, $0xb8;
	[tilespmem:$0x1B000] =	vst v63  }
0x1a6: {  	_ =	swait.ge [sflag:s18], $0x1000  }
0x1a7: {  	s26 =	sld [smem:$0x7D8]  }
0x1a8: {  	[sflag:s18] =	ssyncset.done $0x0  }
0x1a9: {  	[sflag:s18] =	ssyncadd.s32 $0xFFFFF000  }
0x1aa: {  	[spmem:s1] =	stream.indirect.scatter.add.f32 [tilespmem:s12], [sflag:$0x8], $0x80, s26, s8, $0xb8;
	[tilespmem:$0x1B000] =	vst v63  }
0x1ab: {  	_ =	swait.ge [sflag:s14], $0x1000  }
0x1ac: {  	s22 =	sld [smem:$0x7D9]  }
0x1ad: {  	[sflag:s14] =	ssyncset.done $0x0  }
0x1ae: {  	[sflag:s14] =	ssyncadd.s32 $0xFFFFF000  }
0x1af: {  	[tilespmem:s12], [sflag:$0x5] =	stream.indirect.gather [hbm4b:s24+s8], $0x80, s22, s8, $0xb8;
	[tilespmem:$0x1B000] =	vst v63  }
0x1b0: {  	_ =	swait.ge [sflag:s13], $0x1000  }
0x1b1: {  	s25 =	sld [smem:$0x7DA]  }
0x1b2: {  	[sflag:s13] =	ssyncset.done $0x0  }
0x1b3: {  	[sflag:s13] =	ssyncadd.s32 $0xFFFFF000  }
0x1b4: {  	[spmem:s1] =	stream.indirect.scatter.add.f32 [tilespmem:s30], [sflag:$0x8], $0x80, s25, s8, $0xb8;
	[tilespmem:$0x1B000] =	vst v63  }
0x1b5: {  	_ =	swait.ge [sflag:s14], $0x1000  }
0x1b6: {  	s26 =	sld [smem:$0x7DC]  }
0x1b7: {  	[sflag:s14] =	ssyncset.done $0x0  }
0x1b8: {  	[sflag:s14] =	ssyncadd.s32 $0xFFFFF000  }
0x1b9: {  	[tilespmem:s30], [sflag:$0x1] =	stream.indirect.gather [hbm4b:s24+s8], $0x80, s26, s8, $0xb8;
	[tilespmem:$0x1B000] =	vst v63  }
0x1ba: {  	_ =	swait.ge [sflag:s15], $0x1000  }
0x1bb: {  	s22 =	sld [smem:$0x7DE]  }
0x1bc: {  	[sflag:s15] =	ssyncset.done $0x0  }
0x1bd: {  	[sflag:s15] =	ssyncadd.s32 $0xFFFFF000  }
0x1be: {  	[spmem:s1] =	stream.indirect.scatter.add.f32 [tilespmem:s31], [sflag:$0x8], $0x80, s22, s8, $0xb8;
	[tilespmem:$0x1B000] =	vst v63  }
0x1bf: {  	_ =	swait.ge [sflag:s14], $0x1000  }
0x1c0: {  	s25 =	sld [smem:$0x7E0]  }
0x1c1: {  	[sflag:s14] =	ssyncset.done $0x0  }
0x1c2: {  	[sflag:s14] =	ssyncadd.s32 $0xFFFFF000  }
0x1c3: {  	[tilespmem:s31], [sflag:$0x2] =	stream.indirect.gather [hbm4b:s24+s8], $0x80, s25, s8, $0xb8;
	[tilespmem:$0x1B000] =	vst v63  }
0x1c4: {  	_ =	swait.ge [sflag:s16], $0x1000  }
0x1c5: {  	s26 =	sld [smem:$0x7E2]  }
0x1c6: {  	[sflag:s16] =	ssyncset.done $0x0  }
0x1c7: {  	[sflag:s16] =	ssyncadd.s32 $0xFFFFF000  }
0x1c8: {  	[spmem:s1] =	stream.indirect.scatter.add.f32 [tilespmem:s10], [sflag:$0x8], $0x80, s26, s8, $0xb8;
	[tilespmem:$0x1B000] =	vst v63  }
0x1c9: {  	_ =	swait.ge [sflag:s14], $0x1000  }
0x1ca: {  	s22 =	sld [smem:$0x7E4]  }
0x1cb: {  	[sflag:s14] =	ssyncset.done $0x0  }
0x1cc: {  	[sflag:s14] =	ssyncadd.s32 $0xFFFFF000  }
0x1cd: {  	[tilespmem:s10], [sflag:$0x3] =	stream.indirect.gather [hbm4b:s24+s8], $0x80, s22, s8, $0xb8;
	[tilespmem:$0x1B000] =	vst v63  }
0x1ce: {  	_ =	swait.ge [sflag:s17], $0x1000  }
0x1cf: {  	s25 =	sld [smem:$0x7E6]  }
0x1d0: {  	[sflag:s17] =	ssyncset.done $0x0  }
0x1d1: {  	[sflag:s17] =	ssyncadd.s32 $0xFFFFF000  }
0x1d2: {  	[spmem:s1] =	stream.indirect.scatter.add.f32 [tilespmem:s11], [sflag:$0x8], $0x80, s25, s8, $0xb8;
	[tilespmem:$0x1B000] =	vst v63  }
0x1d3: {  	_ =	swait.ge [sflag:s14], $0x1000  }
0x1d4: {  	s26 =	sld [smem:$0x7E8]  }
0x1d5: {  	[sflag:s14] =	ssyncset.done $0x0  }
0x1d6: {  	[sflag:s14] =	ssyncadd.s32 $0xFFFFF000  }
0x1d7: {  	[tilespmem:s11], [sflag:$0x4] =	stream.indirect.gather [hbm4b:s24+s8], $0x80, s26, s8, $0xb8;
	[tilespmem:$0x1B000] =	vst v63  }
0x1d8: {  	_ =	swait.ge [sflag:s18], $0x1000  }
0x1d9: {  	s22 =	sld [smem:$0x7EA]  }
0x1da: {  	[sflag:s18] =	ssyncset.done $0x0  }
0x1db: {  	[sflag:s18] =	ssyncadd.s32 $0xFFFFF000  }
0x1dc: {  	[spmem:s1] =	stream.indirect.scatter.add.f32 [tilespmem:s12], [sflag:$0x8], $0x80, s22, s8, $0xb8;
	[tilespmem:$0x1B000] =	vst v63  }
0x1dd: {  	_ =	swait.ge [sflag:s14], $0x1000  }
0x1de: {  	s25 =	sld [smem:$0x7EC]  }
0x1df: {  	[sflag:s14] =	ssyncset.done $0x0  }
0x1e0: {  	[sflag:s14] =	ssyncadd.s32 $0xFFFFF000  }
0x1e1: {  	[tilespmem:s12], [sflag:$0x5] =	stream.indirect.gather [hbm4b:s24+s8], $0x80, s25, s8, $0xb8;
	[tilespmem:$0x1B000] =	vst v63  }
0x1e2: {  	_ =	swait.ge [sflag:s13], $0x1000  }
0x1e3: {  	s26 =	sld [smem:$0x7EE]  }
0x1e4: {  	[sflag:s13] =	ssyncset.done $0x0  }
0x1e5: {  	[sflag:s13] =	ssyncadd.s32 $0xFFFFF000  }
0x1e6: {  	[spmem:s1] =	stream.indirect.scatter.add.f32 [tilespmem:s30], [sflag:$0x8], $0x80, s26, s8, $0xb8;
	[tilespmem:$0x1B000] =	vst v63  }
0x1e7: {  	_ =	swait.ge [sflag:s14], $0x1000  }
0x1e8: {  	s22 =	sld [smem:$0x7F0]  }
0x1e9: {  	[sflag:s14] =	ssyncset.done $0x0  }
0x1ea: {  	[sflag:s14] =	ssyncadd.s32 $0xFFFFF000  }
0x1eb: {  	[tilespmem:s30], [sflag:$0x1] =	stream.indirect.gather [hbm4b:s24+s8], $0x80, s22, s8, $0xb8;
	[tilespmem:$0x1B000] =	vst v63  }
0x1ec: {  	_ =	swait.ge [sflag:s15], $0x1000  }
0x1ed: {  	s25 =	sld [smem:$0x7F2]  }
0x1ee: {  	[sflag:s15] =	ssyncset.done $0x0  }
0x1ef: {  	[sflag:s15] =	ssyncadd.s32 $0xFFFFF000  }
0x1f0: {  	[spmem:s1] =	stream.indirect.scatter.add.f32 [tilespmem:s31], [sflag:$0x8], $0x80, s25, s8, $0xb8;
	[tilespmem:$0x1B000] =	vst v63  }
0x1f1: {  	_ =	swait.ge [sflag:s14], $0x1000  }
0x1f2: {  	[sflag:s14] =	ssyncset.done $0x0  }
0x1f3: {  	[sflag:s14] =	ssyncadd.s32 $0xFFFFF000  }
0x1f4: {  	_ =	swait.ge [sflag:s16], $0x1000  }
0x1f5: {  	s26 =	sld [smem:$0x7F4]  }
0x1f6: {  	[sflag:s16] =	ssyncset.done $0x0  }
0x1f7: {  	[sflag:s16] =	ssyncadd.s32 $0xFFFFF000  }
0x1f8: {  	[spmem:s1] =	stream.indirect.scatter.add.f32 [tilespmem:s10], [sflag:$0x8], $0x80, s26, s8, $0xb8;
	[tilespmem:$0x1B000] =	vst v63  }
0x1f9: {  	_ =	swait.ge [sflag:s14], $0x1000  }
0x1fa: {  	[sflag:s14] =	ssyncset.done $0x0  }
0x1fb: {  	[sflag:s14] =	ssyncadd.s32 $0xFFFFF000  }
0x1fc: {  	_ =	swait.ge [sflag:s17], $0x1000  }
0x1fd: {  	s22 =	sld [smem:$0x7F6]  }
0x1fe: {  	[sflag:s17] =	ssyncset.done $0x0  }
0x1ff: {  	[sflag:s17] =	ssyncadd.s32 $0xFFFFF000  }
0x200: {  	[spmem:s1] =	stream.indirect.scatter.add.f32 [tilespmem:s11], [sflag:$0x8], $0x80, s22, s8, $0xb8;
	[tilespmem:$0x1B000] =	vst v63  }
0x201: {  	_ =	swait.ge [sflag:s14], $0x1000  }
0x202: {  	[sflag:s14] =	ssyncset.done $0x0  }
0x203: {  	[sflag:s14] =	ssyncadd.s32 $0xFFFFF000  }
0x204: {  	_ =	swait.ge [sflag:s18], $0x1000  }
0x205: {  	s25 =	sld [smem:$0x7F8]  }
0x206: {  	[sflag:s18] =	ssyncset.done $0x0  }
0x207: {  	[sflag:s18] =	ssyncadd.s32 $0xFFFFF000  }
0x208: {  	[spmem:s1] =	stream.indirect.scatter.add.f32 [tilespmem:s12], [sflag:$0x8], $0x80, s25, s8, $0xb8;
	[tilespmem:$0x1B000] =	vst v63  }
0x209: {  	_ =	swait.ge [sflag:s14], $0x1000  }
0x20a: {  	[sflag:s14] =	ssyncset.done $0x0  }
0x20b: {  	[sflag:s14] =	ssyncadd.s32 $0xFFFFF000  }
0x20c: {  	_ =	swait.ge [sflag:s13], $0x1000  }
0x20d: {  	s26 =	sld [smem:$0x7F9]  }
0x20e: {  	[sflag:s13] =	ssyncset.done $0x0  }
0x20f: {  	[sflag:s13] =	ssyncadd.s32 $0xFFFFF000  }
0x210: {  	[spmem:s1] =	stream.indirect.scatter.add.f32 [tilespmem:s30], [sflag:$0x8], $0x80, s26, s8, $0xb8;
	[tilespmem:$0x1B000] =	vst v63  }
0x211: {  	_ =	swait.ge [sflag:s14], $0x1000  }
0x212: {  	s21 =	simm.s32 $0x200;
	[sflag:s14] =	ssyncset.done $0x0  }
.LBB2_4:
0x213: {  	[sflag:s14] =	ssyncadd.s32 $0xFFFFF000  }
0x214: {  	_ =	swait.ge [sflag:s0], $0x800  }
0x215: {  	[sflag:s0] =	ssyncset.done $0x0  }
0x216: {  	[sflag:s0] =	ssyncadd.s32 $0xFFFFF800  }
0x217: {  	s22 =	smov.u32 s21;
	_ =	swait.ge [sflag:s0], $0x800  }
0x218: {  	s25 =	sadd.s32 s22, s20;
	[sflag:s0] =	ssyncset.done $0x0  }
0x219: {  	s26 =	sadd.s32 s22, s23;
	s25 =	sadd.s32 $0x100, s25;
	[sflag:s0] =	ssyncadd.s32 $0xFFFFF800  }
0x21a: {  	[tilespmem:s6], [sflag:$0x7] =	stream.linear.gather [hbm4b:s25+s2], $0x800, $0x38;
	[tilespmem:$0x1B000] =	vst v63  }
0x21b: {  	s26 =	sadd.s32 $0x100, s26  }
0x21c: {  	[tilespmem:s7], [sflag:$0x7] =	stream.linear.gather [hbm4b:s26+s2], $0x800, $0x38;
	[tilespmem:$0x1B000] =	vst v63  }
0x21d: {  	_ = 	snop  }
0x21e: {  	[tilespmem:s30], [sflag:$0x1] =	stream.indirect.gather [hbm4b:s24+s8], $0x80, s2, s8, $0xb8;
	[tilespmem:$0x1B000] =	vst v63  }
0x21f: {  	s26 =	rddreg [dreg:$0x4]  }
0x220: {  	[tilespmem:s31], [sflag:$0x2] =	stream.indirect.gather [hbm4b:s24+s8], $0x80, s26, s8, $0xb8;
	[tilespmem:$0x1B000] =	vst v63  }
0x221: {  	_ = 	snop  }
0x222: {  	[tilespmem:s10], [sflag:$0x3] =	stream.indirect.gather [hbm4b:s24+s8], $0x80, s9, s8, $0xb8;
	[tilespmem:$0x1B000] =	vst v63  }
0x223: {  	s25 =	rddreg [dreg:$0x5]  }
0x224: {  	[tilespmem:s11], [sflag:$0x4] =	stream.indirect.gather [hbm4b:s24+s8], $0x80, s25, s8, $0xb8;
	[tilespmem:$0x1B000] =	vst v63  }
0x225: {  	s26 =	rddreg [dreg:$0x6]  }
0x226: {  	[tilespmem:s12], [sflag:$0x5] =	stream.indirect.gather [hbm4b:s24+s8], $0x80, s26, s8, $0xb8;
	[tilespmem:$0x1B000] =	vst v63  }
0x227: {  	_ =	swait.ge [sflag:s13], $0x1000  }
0x228: {  	[sflag:s13] =	ssyncset.done $0x0  }
0x229: {  	[sflag:s13] =	ssyncadd.s32 $0xFFFFF000  }
0x22a: {  	[spmem:s1] =	stream.indirect.scatter.add.f32 [tilespmem:s30], [sflag:$0x8], $0x80, s5, s8, $0xb8;
	[tilespmem:$0x1B000] =	vst v63  }
0x22b: {  	_ =	swait.ge [sflag:s14], $0x1000  }
0x22c: {  	[sflag:s14] =	ssyncset.done $0x0  }
0x22d: {  	s26 =	rddreg [dreg:$0x7];
	[sflag:s14] =	ssyncadd.s32 $0xFFFFF000  }
0x22e: {  	[tilespmem:s30], [sflag:$0x1] =	stream.indirect.gather [hbm4b:s24+s8], $0x80, s26, s8, $0xb8;
	[tilespmem:$0x1B000] =	vst v63  }
0x22f: {  	_ =	swait.ge [sflag:s15], $0x1000  }
0x230: {  	[sflag:s15] =	ssyncset.done $0x0  }
0x231: {  	s26 =	rddreg [dreg:$0x8];
	[sflag:s15] =	ssyncadd.s32 $0xFFFFF000  }
0x232: {  	[spmem:s1] =	stream.indirect.scatter.add.f32 [tilespmem:s31], [sflag:$0x8], $0x80, s26, s8, $0xb8;
	[tilespmem:$0x1B000] =	vst v63  }
0x233: {  	_ =	swait.ge [sflag:s14], $0x1000  }
0x234: {  	[sflag:s14] =	ssyncset.done $0x0  }
0x235: {  	s26 =	rddreg [dreg:$0x9];
	[sflag:s14] =	ssyncadd.s32 $0xFFFFF000  }
0x236: {  	[tilespmem:s31], [sflag:$0x2] =	stream.indirect.gather [hbm4b:s24+s8], $0x80, s26, s8, $0xb8;
	[tilespmem:$0x1B000] =	vst v63  }
0x237: {  	_ =	swait.ge [sflag:s16], $0x1000  }
0x238: {  	[sflag:s16] =	ssyncset.done $0x0  }
0x239: {  	s26 =	rddreg [dreg:$0xa];
	[sflag:s16] =	ssyncadd.s32 $0xFFFFF000  }
0x23a: {  	[spmem:s1] =	stream.indirect.scatter.add.f32 [tilespmem:s10], [sflag:$0x8], $0x80, s26, s8, $0xb8;
	[tilespmem:$0x1B000] =	vst v63  }
0x23b: {  	_ =	swait.ge [sflag:s14], $0x1000  }
0x23c: {  	[sflag:s14] =	ssyncset.done $0x0  }
0x23d: {  	s26 =	rddreg [dreg:$0xb];
	[sflag:s14] =	ssyncadd.s32 $0xFFFFF000  }
0x23e: {  	[tilespmem:s10], [sflag:$0x3] =	stream.indirect.gather [hbm4b:s24+s8], $0x80, s26, s8, $0xb8;
	[tilespmem:$0x1B000] =	vst v63  }
0x23f: {  	_ =	swait.ge [sflag:s17], $0x1000  }
0x240: {  	[sflag:s17] =	ssyncset.done $0x0  }
0x241: {  	s26 =	rddreg [dreg:$0xc];
	[sflag:s17] =	ssyncadd.s32 $0xFFFFF000  }
0x242: {  	[spmem:s1] =	stream.indirect.scatter.add.f32 [tilespmem:s11], [sflag:$0x8], $0x80, s26, s8, $0xb8;
	[tilespmem:$0x1B000] =	vst v63  }
0x243: {  	_ =	swait.ge [sflag:s14], $0x1000  }
0x244: {  	[sflag:s14] =	ssyncset.done $0x0  }
0x245: {  	s26 =	rddreg [dreg:$0xd];
	[sflag:s14] =	ssyncadd.s32 $0xFFFFF000  }
0x246: {  	[tilespmem:s11], [sflag:$0x4] =	stream.indirect.gather [hbm4b:s24+s8], $0x80, s26, s8, $0xb8;
	[tilespmem:$0x1B000] =	vst v63  }
0x247: {  	_ =	swait.ge [sflag:s18], $0x1000  }
0x248: {  	[sflag:s18] =	ssyncset.done $0x0  }
0x249: {  	s26 =	rddreg [dreg:$0xe];
	[sflag:s18] =	ssyncadd.s32 $0xFFFFF000  }
0x24a: {  	[spmem:s1] =	stream.indirect.scatter.add.f32 [tilespmem:s12], [sflag:$0x8], $0x80, s26, s8, $0xb8;
	[tilespmem:$0x1B000] =	vst v63  }
0x24b: {  	_ =	swait.ge [sflag:s14], $0x1000  }
0x24c: {  	[sflag:s14] =	ssyncset.done $0x0  }
0x24d: {  	s26 =	rddreg [dreg:$0xf];
	[sflag:s14] =	ssyncadd.s32 $0xFFFFF000  }
0x24e: {  	[tilespmem:s12], [sflag:$0x5] =	stream.indirect.gather [hbm4b:s24+s8], $0x80, s26, s8, $0xb8;
	[tilespmem:$0x1B000] =	vst v63  }
0x24f: {  	_ =	swait.ge [sflag:s13], $0x1000  }
0x250: {  	[sflag:s13] =	ssyncset.done $0x0  }
0x251: {  	s26 =	rddreg [dreg:$0x10];
	[sflag:s13] =	ssyncadd.s32 $0xFFFFF000  }
0x252: {  	[spmem:s1] =	stream.indirect.scatter.add.f32 [tilespmem:s30], [sflag:$0x8], $0x80, s26, s8, $0xb8;
	[tilespmem:$0x1B000] =	vst v63  }
0x253: {  	_ =	swait.ge [sflag:s14], $0x1000  }
0x254: {  	[sflag:s14] =	ssyncset.done $0x0  }
0x255: {  	s26 =	rddreg [dreg:$0x11];
	[sflag:s14] =	ssyncadd.s32 $0xFFFFF000  }
0x256: {  	[tilespmem:s30], [sflag:$0x1] =	stream.indirect.gather [hbm4b:s24+s8], $0x80, s26, s8, $0xb8;
	[tilespmem:$0x1B000] =	vst v63  }
0x257: {  	_ =	swait.ge [sflag:s15], $0x1000  }
0x258: {  	[sflag:s15] =	ssyncset.done $0x0  }
0x259: {  	s26 =	rddreg [dreg:$0x12];
	[sflag:s15] =	ssyncadd.s32 $0xFFFFF000  }
0x25a: {  	[spmem:s1] =	stream.indirect.scatter.add.f32 [tilespmem:s31], [sflag:$0x8], $0x80, s26, s8, $0xb8;
	[tilespmem:$0x1B000] =	vst v63  }
0x25b: {  	_ =	swait.ge [sflag:s14], $0x1000  }
0x25c: {  	[sflag:s14] =	ssyncset.done $0x0  }
0x25d: {  	s26 =	rddreg [dreg:$0x13];
	[sflag:s14] =	ssyncadd.s32 $0xFFFFF000  }
0x25e: {  	[tilespmem:s31], [sflag:$0x2] =	stream.indirect.gather [hbm4b:s24+s8], $0x80, s26, s8, $0xb8;
	[tilespmem:$0x1B000] =	vst v63  }
0x25f: {  	_ =	swait.ge [sflag:s16], $0x1000  }
0x260: {  	[sflag:s16] =	ssyncset.done $0x0  }
0x261: {  	s26 =	rddreg [dreg:$0x14];
	[sflag:s16] =	ssyncadd.s32 $0xFFFFF000  }
0x262: {  	[spmem:s1] =	stream.indirect.scatter.add.f32 [tilespmem:s10], [sflag:$0x8], $0x80, s26, s8, $0xb8;
	[tilespmem:$0x1B000] =	vst v63  }
0x263: {  	_ =	swait.ge [sflag:s14], $0x1000  }
0x264: {  	[sflag:s14] =	ssyncset.done $0x0  }
0x265: {  	s26 =	rddreg [dreg:$0x15];
	[sflag:s14] =	ssyncadd.s32 $0xFFFFF000  }
0x266: {  	[tilespmem:s10], [sflag:$0x3] =	stream.indirect.gather [hbm4b:s24+s8], $0x80, s26, s8, $0xb8;
	[tilespmem:$0x1B000] =	vst v63  }
0x267: {  	_ =	swait.ge [sflag:s17], $0x1000  }
0x268: {  	[sflag:s17] =	ssyncset.done $0x0  }
0x269: {  	s26 =	rddreg [dreg:$0x16];
	[sflag:s17] =	ssyncadd.s32 $0xFFFFF000  }
0x26a: {  	[spmem:s1] =	stream.indirect.scatter.add.f32 [tilespmem:s11], [sflag:$0x8], $0x80, s26, s8, $0xb8;
	[tilespmem:$0x1B000] =	vst v63  }
0x26b: {  	_ =	swait.ge [sflag:s14], $0x1000  }
0x26c: {  	[sflag:s14] =	ssyncset.done $0x0  }
0x26d: {  	s26 =	rddreg [dreg:$0x17];
	[sflag:s14] =	ssyncadd.s32 $0xFFFFF000  }
0x26e: {  	[tilespmem:s11], [sflag:$0x4] =	stream.indirect.gather [hbm4b:s24+s8], $0x80, s26, s8, $0xb8;
	[tilespmem:$0x1B000] =	vst v63  }
0x26f: {  	_ =	swait.ge [sflag:s18], $0x1000  }
0x270: {  	[sflag:s18] =	ssyncset.done $0x0  }
0x271: {  	s26 =	rddreg [dreg:$0x18];
	[sflag:s18] =	ssyncadd.s32 $0xFFFFF000  }
0x272: {  	[spmem:s1] =	stream.indirect.scatter.add.f32 [tilespmem:s12], [sflag:$0x8], $0x80, s26, s8, $0xb8;
	[tilespmem:$0x1B000] =	vst v63  }
0x273: {  	_ =	swait.ge [sflag:s14], $0x1000  }
0x274: {  	[sflag:s14] =	ssyncset.done $0x0  }
0x275: {  	s26 =	rddreg [dreg:$0x19];
	[sflag:s14] =	ssyncadd.s32 $0xFFFFF000  }
0x276: {  	[tilespmem:s12], [sflag:$0x5] =	stream.indirect.gather [hbm4b:s24+s8], $0x80, s26, s8, $0xb8;
	[tilespmem:$0x1B000] =	vst v63  }
0x277: {  	_ =	swait.ge [sflag:s13], $0x1000  }
0x278: {  	[sflag:s13] =	ssyncset.done $0x0  }
0x279: {  	s26 =	rddreg [dreg:$0x1a];
	[sflag:s13] =	ssyncadd.s32 $0xFFFFF000  }
0x27a: {  	[spmem:s1] =	stream.indirect.scatter.add.f32 [tilespmem:s30], [sflag:$0x8], $0x80, s26, s8, $0xb8;
	[tilespmem:$0x1B000] =	vst v63  }
0x27b: {  	_ =	swait.ge [sflag:s14], $0x1000  }
0x27c: {  	[sflag:s14] =	ssyncset.done $0x0  }
0x27d: {  	s26 =	rddreg [dreg:$0x1b];
	[sflag:s14] =	ssyncadd.s32 $0xFFFFF000  }
0x27e: {  	[tilespmem:s30], [sflag:$0x1] =	stream.indirect.gather [hbm4b:s24+s8], $0x80, s26, s8, $0xb8;
	[tilespmem:$0x1B000] =	vst v63  }
0x27f: {  	_ =	swait.ge [sflag:s15], $0x1000  }
0x280: {  	[sflag:s15] =	ssyncset.done $0x0  }
0x281: {  	s26 =	rddreg [dreg:$0x1c];
	[sflag:s15] =	ssyncadd.s32 $0xFFFFF000  }
0x282: {  	[spmem:s1] =	stream.indirect.scatter.add.f32 [tilespmem:s31], [sflag:$0x8], $0x80, s26, s8, $0xb8;
	[tilespmem:$0x1B000] =	vst v63  }
0x283: {  	_ =	swait.ge [sflag:s14], $0x1000  }
0x284: {  	[sflag:s14] =	ssyncset.done $0x0  }
0x285: {  	[sflag:s14] =	ssyncadd.s32 $0xFFFFF000  }
0x286: {  	_ =	swait.ge [sflag:s16], $0x1000  }
0x287: {  	[sflag:s16] =	ssyncset.done $0x0  }
0x288: {  	s26 =	rddreg [dreg:$0x1d];
	[sflag:s16] =	ssyncadd.s32 $0xFFFFF000  }
0x289: {  	[spmem:s1] =	stream.indirect.scatter.add.f32 [tilespmem:s10], [sflag:$0x8], $0x80, s26, s8, $0xb8;
	[tilespmem:$0x1B000] =	vst v63  }
0x28a: {  	_ =	swait.ge [sflag:s14], $0x1000  }
0x28b: {  	[sflag:s14] =	ssyncset.done $0x0  }
0x28c: {  	[sflag:s14] =	ssyncadd.s32 $0xFFFFF000  }
0x28d: {  	_ =	swait.ge [sflag:s17], $0x1000  }
0x28e: {  	[sflag:s17] =	ssyncset.done $0x0  }
0x28f: {  	s26 =	rddreg [dreg:$0x1e];
	[sflag:s17] =	ssyncadd.s32 $0xFFFFF000  }
0x290: {  	[spmem:s1] =	stream.indirect.scatter.add.f32 [tilespmem:s11], [sflag:$0x8], $0x80, s26, s8, $0xb8;
	[tilespmem:$0x1B000] =	vst v63  }
0x291: {  	_ =	swait.ge [sflag:s14], $0x1000  }
0x292: {  	[sflag:s14] =	ssyncset.done $0x0  }
0x293: {  	[sflag:s14] =	ssyncadd.s32 $0xFFFFF000  }
0x294: {  	_ =	swait.ge [sflag:s18], $0x1000  }
0x295: {  	[sflag:s18] =	ssyncset.done $0x0  }
0x296: {  	s26 =	rddreg [dreg:$0x1f];
	[sflag:s18] =	ssyncadd.s32 $0xFFFFF000  }
0x297: {  	[spmem:s1] =	stream.indirect.scatter.add.f32 [tilespmem:s12], [sflag:$0x8], $0x80, s26, s8, $0xb8;
	[tilespmem:$0x1B000] =	vst v63  }
0x298: {  	_ =	swait.ge [sflag:s14], $0x1000  }
0x299: {  	[sflag:s14] =	ssyncset.done $0x0  }
0x29a: {  	[sflag:s14] =	ssyncadd.s32 $0xFFFFF000  }
0x29b: {  	_ =	swait.ge [sflag:s13], $0x1000  }
0x29c: {  	s26 =	sld [smem:$0x7CC]  }
0x29d: {  	[sflag:s13] =	ssyncset.done $0x0  }
0x29e: {  	[sflag:s13] =	ssyncadd.s32 $0xFFFFF000  }
0x29f: {  	[spmem:s1] =	stream.indirect.scatter.add.f32 [tilespmem:s30], [sflag:$0x8], $0x80, s26, s8, $0xb8;
	[tilespmem:$0x1B000] =	vst v63  }
0x2a0: {  	_ =	swait.ge [sflag:s14], $0x1000  }
0x2a1: {  	[sflag:s14] =	ssyncset.done $0x0  }
0x2a2: {  	[sflag:s14] =	ssyncadd.s32 $0xFFFFF000  }
0x2a3: {  	_ =	swait.ge [sflag:s3], $0x800  }
0x2a4: {  	[sflag:s3] =	ssyncset.done $0x0  }
0x2a5: {  	[sflag:s3] =	ssyncadd.s32 $0xFFFFF800  }
0x2a6: {  	p1 =	seq.s32 s22, $0x2600;
	_ =	swait.ge [sflag:s3], $0x800  }
0x2a7: {  	s25 =	sadd.s32 @!p1 s22, s20;
	s22 =	sadd.s32 @!p1 s22, s23;
	[sflag:s3] =	ssyncset.done $0x0  }
0x2a8: {  	s25 =	sadd.s32 @!p1 $0x200, s25;
	s26 =	simm.s32 @!p1 $0x0;
	[sflag:s3] =	ssyncadd.s32 $0xFFFFF800  }
0x2a9: {  	[tilespmem:s26], [sflag:$0x6] =	stream.linear.gather @!p1 [hbm4b:s25+s26], $0x800, $0x38;
	[tilespmem:$0x1B000] =	vst v63  }
0x2aa: {  	s22 =	sadd.s32 @!p1 $0x200, s22;
	s25 =	simm.s32 @!p1 $0x1000  }
0x2ab: {  	[tilespmem:s25], [sflag:$0x6] =	stream.linear.gather @!p1 [hbm4b:s22+s26], $0x800, $0x38;
	[tilespmem:$0x1B000] =	vst v63  }
0x2ac: {  	s25 =	sld [smem:$0x7CD]  }
0x2ad: {  	[tilespmem:s30], [sflag:$0x1] =	stream.indirect.gather [hbm4b:s24+s8], $0x80, s6, s8, $0xb8;
	[tilespmem:$0x1B000] =	vst v63  }
0x2ae: {  	s26 =	sld [smem:$0x7CE]  }
0x2af: {  	[tilespmem:s31], [sflag:$0x2] =	stream.indirect.gather [hbm4b:s24+s8], $0x80, s25, s8, $0xb8;
	[tilespmem:$0x1B000] =	vst v63  }
0x2b0: {  	s22 =	sld [smem:$0x7CF]  }
0x2b1: {  	[tilespmem:s10], [sflag:$0x3] =	stream.indirect.gather [hbm4b:s24+s8], $0x80, s26, s8, $0xb8;
	[tilespmem:$0x1B000] =	vst v63  }
0x2b2: {  	s26 =	sld [smem:$0x7D0]  }
0x2b3: {  	[tilespmem:s11], [sflag:$0x4] =	stream.indirect.gather [hbm4b:s24+s8], $0x80, s22, s8, $0xb8;
	[tilespmem:$0x1B000] =	vst v63  }
0x2b4: {  	_ = 	snop  }
0x2b5: {  	[tilespmem:s12], [sflag:$0x5] =	stream.indirect.gather [hbm4b:s24+s8], $0x80, s26, s8, $0xb8;
	[tilespmem:$0x1B000] =	vst v63  }
0x2b6: {  	_ =	swait.ge [sflag:s13], $0x1000  }
0x2b7: {  	[sflag:s13] =	ssyncset.done $0x0  }
0x2b8: {  	[sflag:s13] =	ssyncadd.s32 $0xFFFFF000  }
0x2b9: {  	[spmem:s1] =	stream.indirect.scatter.add.f32 [tilespmem:s30], [sflag:$0x8], $0x80, s7, s8, $0xb8;
	[tilespmem:$0x1B000] =	vst v63  }
0x2ba: {  	_ =	swait.ge [sflag:s14], $0x1000  }
0x2bb: {  	s25 =	sld [smem:$0x7D1]  }
0x2bc: {  	[sflag:s14] =	ssyncset.done $0x0  }
0x2bd: {  	[sflag:s14] =	ssyncadd.s32 $0xFFFFF000  }
0x2be: {  	[tilespmem:s30], [sflag:$0x1] =	stream.indirect.gather [hbm4b:s24+s8], $0x80, s25, s8, $0xb8;
	[tilespmem:$0x1B000] =	vst v63  }
0x2bf: {  	_ =	swait.ge [sflag:s15], $0x1000  }
0x2c0: {  	s26 =	sld [smem:$0x7D2]  }
0x2c1: {  	[sflag:s15] =	ssyncset.done $0x0  }
0x2c2: {  	[sflag:s15] =	ssyncadd.s32 $0xFFFFF000  }
0x2c3: {  	[spmem:s1] =	stream.indirect.scatter.add.f32 [tilespmem:s31], [sflag:$0x8], $0x80, s26, s8, $0xb8;
	[tilespmem:$0x1B000] =	vst v63  }
0x2c4: {  	_ =	swait.ge [sflag:s14], $0x1000  }
0x2c5: {  	s25 =	sld [smem:$0x7D3]  }
0x2c6: {  	[sflag:s14] =	ssyncset.done $0x0  }
0x2c7: {  	[sflag:s14] =	ssyncadd.s32 $0xFFFFF000  }
0x2c8: {  	[tilespmem:s31], [sflag:$0x2] =	stream.indirect.gather [hbm4b:s24+s8], $0x80, s25, s8, $0xb8;
	[tilespmem:$0x1B000] =	vst v63  }
0x2c9: {  	_ =	swait.ge [sflag:s16], $0x1000  }
0x2ca: {  	s26 =	sld [smem:$0x7D4]  }
0x2cb: {  	[sflag:s16] =	ssyncset.done $0x0  }
0x2cc: {  	[sflag:s16] =	ssyncadd.s32 $0xFFFFF000  }
0x2cd: {  	[spmem:s1] =	stream.indirect.scatter.add.f32 [tilespmem:s10], [sflag:$0x8], $0x80, s26, s8, $0xb8;
	[tilespmem:$0x1B000] =	vst v63  }
0x2ce: {  	_ =	swait.ge [sflag:s14], $0x1000  }
0x2cf: {  	s25 =	sld [smem:$0x7D5]  }
0x2d0: {  	[sflag:s14] =	ssyncset.done $0x0  }
0x2d1: {  	[sflag:s14] =	ssyncadd.s32 $0xFFFFF000  }
0x2d2: {  	[tilespmem:s10], [sflag:$0x3] =	stream.indirect.gather [hbm4b:s24+s8], $0x80, s25, s8, $0xb8;
	[tilespmem:$0x1B000] =	vst v63  }
0x2d3: {  	_ =	swait.ge [sflag:s17], $0x1000  }
0x2d4: {  	s26 =	sld [smem:$0x7D6]  }
0x2d5: {  	[sflag:s17] =	ssyncset.done $0x0  }
0x2d6: {  	[sflag:s17] =	ssyncadd.s32 $0xFFFFF000  }
0x2d7: {  	[spmem:s1] =	stream.indirect.scatter.add.f32 [tilespmem:s11], [sflag:$0x8], $0x80, s26, s8, $0xb8;
	[tilespmem:$0x1B000] =	vst v63  }
0x2d8: {  	_ =	swait.ge [sflag:s14], $0x1000  }
0x2d9: {  	s25 =	sld [smem:$0x7D7]  }
0x2da: {  	[sflag:s14] =	ssyncset.done $0x0  }
0x2db: {  	[sflag:s14] =	ssyncadd.s32 $0xFFFFF000  }
0x2dc: {  	[tilespmem:s11], [sflag:$0x4] =	stream.indirect.gather [hbm4b:s24+s8], $0x80, s25, s8, $0xb8;
	[tilespmem:$0x1B000] =	vst v63  }
0x2dd: {  	_ =	swait.ge [sflag:s18], $0x1000  }
0x2de: {  	s26 =	sld [smem:$0x7D8]  }
0x2df: {  	[sflag:s18] =	ssyncset.done $0x0  }
0x2e0: {  	[sflag:s18] =	ssyncadd.s32 $0xFFFFF000  }
0x2e1: {  	[spmem:s1] =	stream.indirect.scatter.add.f32 [tilespmem:s12], [sflag:$0x8], $0x80, s26, s8, $0xb8;
	[tilespmem:$0x1B000] =	vst v63  }
0x2e2: {  	_ =	swait.ge [sflag:s14], $0x1000  }
0x2e3: {  	s25 =	sld [smem:$0x7D9]  }
0x2e4: {  	[sflag:s14] =	ssyncset.done $0x0  }
0x2e5: {  	[sflag:s14] =	ssyncadd.s32 $0xFFFFF000  }
0x2e6: {  	[tilespmem:s12], [sflag:$0x5] =	stream.indirect.gather [hbm4b:s24+s8], $0x80, s25, s8, $0xb8;
	[tilespmem:$0x1B000] =	vst v63  }
0x2e7: {  	_ =	swait.ge [sflag:s13], $0x1000  }
0x2e8: {  	s26 =	sld [smem:$0x7DA]  }
0x2e9: {  	[sflag:s13] =	ssyncset.done $0x0  }
0x2ea: {  	[sflag:s13] =	ssyncadd.s32 $0xFFFFF000  }
0x2eb: {  	[spmem:s1] =	stream.indirect.scatter.add.f32 [tilespmem:s30], [sflag:$0x8], $0x80, s26, s8, $0xb8;
	[tilespmem:$0x1B000] =	vst v63  }
0x2ec: {  	_ =	swait.ge [sflag:s14], $0x1000  }
0x2ed: {  	s25 =	sld [smem:$0x7DC]  }
0x2ee: {  	[sflag:s14] =	ssyncset.done $0x0  }
0x2ef: {  	[sflag:s14] =	ssyncadd.s32 $0xFFFFF000  }
0x2f0: {  	[tilespmem:s30], [sflag:$0x1] =	stream.indirect.gather [hbm4b:s24+s8], $0x80, s25, s8, $0xb8;
	[tilespmem:$0x1B000] =	vst v63  }
0x2f1: {  	_ =	swait.ge [sflag:s15], $0x1000  }
0x2f2: {  	s26 =	sld [smem:$0x7DE]  }
0x2f3: {  	[sflag:s15] =	ssyncset.done $0x0  }
0x2f4: {  	[sflag:s15] =	ssyncadd.s32 $0xFFFFF000  }
0x2f5: {  	[spmem:s1] =	stream.indirect.scatter.add.f32 [tilespmem:s31], [sflag:$0x8], $0x80, s26, s8, $0xb8;
	[tilespmem:$0x1B000] =	vst v63  }
0x2f6: {  	_ =	swait.ge [sflag:s14], $0x1000  }
0x2f7: {  	s25 =	sld [smem:$0x7E0]  }
0x2f8: {  	[sflag:s14] =	ssyncset.done $0x0  }
0x2f9: {  	[sflag:s14] =	ssyncadd.s32 $0xFFFFF000  }
0x2fa: {  	[tilespmem:s31], [sflag:$0x2] =	stream.indirect.gather [hbm4b:s24+s8], $0x80, s25, s8, $0xb8;
	[tilespmem:$0x1B000] =	vst v63  }
0x2fb: {  	_ =	swait.ge [sflag:s16], $0x1000  }
0x2fc: {  	s26 =	sld [smem:$0x7E2]  }
0x2fd: {  	[sflag:s16] =	ssyncset.done $0x0  }
0x2fe: {  	[sflag:s16] =	ssyncadd.s32 $0xFFFFF000  }
0x2ff: {  	[spmem:s1] =	stream.indirect.scatter.add.f32 [tilespmem:s10], [sflag:$0x8], $0x80, s26, s8, $0xb8;
	[tilespmem:$0x1B000] =	vst v63  }
0x300: {  	_ =	swait.ge [sflag:s14], $0x1000  }
0x301: {  	s25 =	sld [smem:$0x7E4]  }
0x302: {  	[sflag:s14] =	ssyncset.done $0x0  }
0x303: {  	[sflag:s14] =	ssyncadd.s32 $0xFFFFF000  }
0x304: {  	[tilespmem:s10], [sflag:$0x3] =	stream.indirect.gather [hbm4b:s24+s8], $0x80, s25, s8, $0xb8;
	[tilespmem:$0x1B000] =	vst v63  }
0x305: {  	_ =	swait.ge [sflag:s17], $0x1000  }
0x306: {  	s26 =	sld [smem:$0x7E6]  }
0x307: {  	[sflag:s17] =	ssyncset.done $0x0  }
0x308: {  	[sflag:s17] =	ssyncadd.s32 $0xFFFFF000  }
0x309: {  	[spmem:s1] =	stream.indirect.scatter.add.f32 [tilespmem:s11], [sflag:$0x8], $0x80, s26, s8, $0xb8;
	[tilespmem:$0x1B000] =	vst v63  }
0x30a: {  	_ =	swait.ge [sflag:s14], $0x1000  }
0x30b: {  	s25 =	sld [smem:$0x7E8]  }
0x30c: {  	[sflag:s14] =	ssyncset.done $0x0  }
0x30d: {  	[sflag:s14] =	ssyncadd.s32 $0xFFFFF000  }
0x30e: {  	[tilespmem:s11], [sflag:$0x4] =	stream.indirect.gather [hbm4b:s24+s8], $0x80, s25, s8, $0xb8;
	[tilespmem:$0x1B000] =	vst v63  }
0x30f: {  	_ =	swait.ge [sflag:s18], $0x1000  }
0x310: {  	s26 =	sld [smem:$0x7EA]  }
0x311: {  	[sflag:s18] =	ssyncset.done $0x0  }
0x312: {  	[sflag:s18] =	ssyncadd.s32 $0xFFFFF000  }
0x313: {  	[spmem:s1] =	stream.indirect.scatter.add.f32 [tilespmem:s12], [sflag:$0x8], $0x80, s26, s8, $0xb8;
	[tilespmem:$0x1B000] =	vst v63  }
0x314: {  	_ =	swait.ge [sflag:s14], $0x1000  }
0x315: {  	s25 =	sld [smem:$0x7EC]  }
0x316: {  	[sflag:s14] =	ssyncset.done $0x0  }
0x317: {  	[sflag:s14] =	ssyncadd.s32 $0xFFFFF000  }
0x318: {  	[tilespmem:s12], [sflag:$0x5] =	stream.indirect.gather [hbm4b:s24+s8], $0x80, s25, s8, $0xb8;
	[tilespmem:$0x1B000] =	vst v63  }
0x319: {  	_ =	swait.ge [sflag:s13], $0x1000  }
0x31a: {  	s26 =	sld [smem:$0x7EE]  }
0x31b: {  	[sflag:s13] =	ssyncset.done $0x0  }
0x31c: {  	[sflag:s13] =	ssyncadd.s32 $0xFFFFF000  }
0x31d: {  	[spmem:s1] =	stream.indirect.scatter.add.f32 [tilespmem:s30], [sflag:$0x8], $0x80, s26, s8, $0xb8;
	[tilespmem:$0x1B000] =	vst v63  }
0x31e: {  	_ =	swait.ge [sflag:s14], $0x1000  }
0x31f: {  	s25 =	sld [smem:$0x7F0]  }
0x320: {  	[sflag:s14] =	ssyncset.done $0x0  }
0x321: {  	[sflag:s14] =	ssyncadd.s32 $0xFFFFF000  }
0x322: {  	[tilespmem:s30], [sflag:$0x1] =	stream.indirect.gather [hbm4b:s24+s8], $0x80, s25, s8, $0xb8;
	[tilespmem:$0x1B000] =	vst v63  }
0x323: {  	_ =	swait.ge [sflag:s15], $0x1000  }
0x324: {  	s26 =	sld [smem:$0x7F2]  }
0x325: {  	[sflag:s15] =	ssyncset.done $0x0  }
0x326: {  	[sflag:s15] =	ssyncadd.s32 $0xFFFFF000  }
0x327: {  	[spmem:s1] =	stream.indirect.scatter.add.f32 [tilespmem:s31], [sflag:$0x8], $0x80, s26, s8, $0xb8;
	[tilespmem:$0x1B000] =	vst v63  }
0x328: {  	_ =	swait.ge [sflag:s14], $0x1000  }
0x329: {  	[sflag:s14] =	ssyncset.done $0x0  }
0x32a: {  	[sflag:s14] =	ssyncadd.s32 $0xFFFFF000  }
0x32b: {  	_ =	swait.ge [sflag:s16], $0x1000  }
0x32c: {  	s25 =	sld [smem:$0x7F4]  }
0x32d: {  	[sflag:s16] =	ssyncset.done $0x0  }
0x32e: {  	[sflag:s16] =	ssyncadd.s32 $0xFFFFF000  }
0x32f: {  	[spmem:s1] =	stream.indirect.scatter.add.f32 [tilespmem:s10], [sflag:$0x8], $0x80, s25, s8, $0xb8;
	[tilespmem:$0x1B000] =	vst v63  }
0x330: {  	_ =	swait.ge [sflag:s14], $0x1000  }
0x331: {  	[sflag:s14] =	ssyncset.done $0x0  }
0x332: {  	[sflag:s14] =	ssyncadd.s32 $0xFFFFF000  }
0x333: {  	_ =	swait.ge [sflag:s17], $0x1000  }
0x334: {  	s26 =	sld [smem:$0x7F6]  }
0x335: {  	[sflag:s17] =	ssyncset.done $0x0  }
0x336: {  	[sflag:s17] =	ssyncadd.s32 $0xFFFFF000  }
0x337: {  	[spmem:s1] =	stream.indirect.scatter.add.f32 [tilespmem:s11], [sflag:$0x8], $0x80, s26, s8, $0xb8;
	[tilespmem:$0x1B000] =	vst v63  }
0x338: {  	_ =	swait.ge [sflag:s14], $0x1000  }
0x339: {  	[sflag:s14] =	ssyncset.done $0x0  }
0x33a: {  	[sflag:s14] =	ssyncadd.s32 $0xFFFFF000  }
0x33b: {  	_ =	swait.ge [sflag:s18], $0x1000  }
0x33c: {  	s25 =	sld [smem:$0x7F8]  }
0x33d: {  	[sflag:s18] =	ssyncset.done $0x0  }
0x33e: {  	[sflag:s18] =	ssyncadd.s32 $0xFFFFF000  }
0x33f: {  	[spmem:s1] =	stream.indirect.scatter.add.f32 [tilespmem:s12], [sflag:$0x8], $0x80, s25, s8, $0xb8;
	[tilespmem:$0x1B000] =	vst v63  }
0x340: {  	_ =	swait.ge [sflag:s14], $0x1000  }
0x341: {  	[sflag:s14] =	ssyncset.done $0x0  }
0x342: {  	[sflag:s14] =	ssyncadd.s32 $0xFFFFF000  }
0x343: {  	s21 =	sadd.s32 $0x200, s21;
	_ =	swait.ge [sflag:s13], $0x1000  }
0x344: {  	p0 =	sne.s32 s21, $0x2800;
	s26 =	sld [smem:$0x7F9]  }
.Ltmp1:
0x345: {  	[sflag:s13] =	ssyncset.done $0x0;
	(pc) =	sbr.rel @p0 .LBB2_4-.Ltmp1, $4  }
0x346: {  	[sflag:s13] =	ssyncadd.s32 $0xFFFFF000  }
0x347: {  	[spmem:s1] =	stream.indirect.scatter.add.f32 [tilespmem:s30], [sflag:$0x8], $0x80, s26, s8, $0xb8;
	[tilespmem:$0x1B000] =	vst v63  }
0x348: {  	_ =	swait.ge [sflag:s14], $0x1000  }
0x349: {  	[sflag:s14] =	ssyncset.done $0x0  }
0x34a: {  	[sflag:s14] =	ssyncadd.s32 $0xFFFFF000  }
0x34b: {  	[bflag:$0x0] =	sbarrier.arrive $0xFFFF  }
0x34c: {  	s21 =	stileid.u32;
	s25 =	sld [smem:$0x7FA]  }
0x34d: {  	s21 =	sshll.u32 s21, $0x6  }
0x34e: {  	s22 =	sshrl.u32 s4, $0x3;
	s21 =	sor.u32 $0x1C08, s21  }
0x34f: {  	[hbm:s25], [sflag:s21] =	dma.local [spmem:s22], $0x2800  }
0x350: {  	_ =	swait.ge [sflag:s14], $0x2800  }
0x351: {  	s26 =	sld [smem:$0x7FC];
	_ =	sdelay $0x1  }
0x352: {  	s19 =	sadd.s32 $0x1, s19  }
0x353: {  	p0 =	sne.s32 s19, s26  }
.Ltmp2:
0x354: {  	_ = 	snop;
	(pc) =	sbr.rel @p0 .LBB2_1-.Ltmp2, $3  }
0x355: {  	_ =	sdelay $0x1  }
0x356: {  	[sflag:s14] =	ssyncset.done $0x0  }
0x357: {  	[sflag:s14] =	ssyncadd.s32 $0xFFFFD800  }
0x358: {  	_ =	sfence.sel $0x180000  }
0x359: {  	[bflag:$0x0] =	sbarrier.arrive $0xFFFF  }
0x35a: {  	_ =	strace $0x90000047  }
0x35b: {  	s0 =	stileid.u32;
	[bflag:$0x2] =	sbarrier.arrive $0xFFFF  }
0x35c: {  	p0 =	sne.s32 s0, $0x0;
	s0 =	rddreg [dreg:$0x3]  }
0x35d: {  	s0 =	sadd.s32 @!p0 $0x100000, s0  }
0x35e: {  	[sflag:s0] =	ssyncadd.tile.s32 @!p0 $0x1;
	_ =	shalt  }
.Lfunc_end2:
_tile_overlayer_lowered:
.L_overlay_start_2:
0x35f: {  	(tag) =	ssettag $0x2  }
0x360: {  	s0 =	rddreg [dreg:$0x0];
	s2 =	stileid.u32  }
0x361: {  	s1 =	rddreg [dreg:$0x1];
	p0 =	sne.s32 s2, $0x0  }
0x362: {  	s3 =	rddreg [dreg:$0x2];
	[bflag:$0x3] =	sbarrier.arrive $0xFFFF;
	s2 =	simm.s32 @!p0 $0x1C08  }
0x363: {  	[timem:s3], [sflag:s2] =	dma.local @!p0 [hbm:s0], s1  }
0x364: {  	s0 =	simm.s32 @!p0 $0x8  }
0x365: {  	_ =	swait.ge @!p0 [sflag:s0], s1  }
0x366: {  	s1 =	ssub.s32 @!p0 $0x0, s1;
	[sflag:s0] =	ssyncset.done @!p0 $0x0  }
0x367: {  	[sflag:s0] =	ssyncadd.s32 @!p0 s1  }
0x368: {  	[bflag:$0x3] =	sbarrier.arrive $0xFFFF  }
0x369: {  	_ =	shalt  }

</sc_bundles>
